<compile_context>
chip_gen: v7x
topology: tpu7x:2x2x1
jax: 0.10.2.dev20260603
libtpu: 0.0.44.dev20260713+nightly
codegen_flags: <defaults>
</compile_context>

<pallas_src>
import functools

import jax
import jax.numpy as jnp
from jax import lax
from jax.experimental import pallas as pl
from jax.experimental.pallas import tpu as pltpu
from jax.experimental.pallas import tpu_sc as plsc

N_IN = 128
EMB_DIM = 512
TOPO_W = EMB_DIM - N_IN
NBUF = 6
PF = 4


def kernel(inputs, grid_positions, embedding, topographical_embedding, x_learn, y_learn):
    B, GRID, _ = inputs.shape
    info = plsc.get_sparse_core_info()
    NC, NS = info.num_cores, info.num_subcores
    NW = NC * NS
    ROWS = GRID // NW

    mesh = plsc.VectorSubcoreMesh(core_axis_name="c", subcore_axis_name="s")

    @functools.partial(
        pl.kernel,
        mesh=mesh,
        out_type=jax.ShapeDtypeStruct((B * GRID, 1, EMB_DIM), jnp.float32),
        scratch_types=(
            [pltpu.VMEM((ROWS, 1, EMB_DIM), jnp.float32) for _ in range(NBUF)]
            + [pltpu.SemaphoreType.DMA for _ in range(2 * NBUF)]
        ),
    )
    def sc_embed(in_hbm, topo_hbm, out_hbm, *scratch):
        bufs = scratch[:NBUF]
        in_sems = scratch[NBUF : 2 * NBUF]
        out_sems = scratch[2 * NBUF :]
        wid = lax.axis_index("s") * NC + lax.axis_index("c")
        g0 = wid * ROWS

        def topo_copy(k):
            return pltpu.make_async_copy(
                topo_hbm.at[pl.ds(g0, ROWS), pl.ds(0, TOPO_W)],
                bufs[k].at[:, 0, pl.ds(N_IN, TOPO_W)],
                out_sems[k],
            )

        for k in range(NBUF):
            topo_copy(k).start()
        for k in range(NBUF):
            topo_copy(k).wait()

        def in_copy(b):
            return pltpu.make_async_copy(
                in_hbm.at[b, pl.ds(g0, ROWS), :],
                bufs[b % NBUF].at[:, 0, pl.ds(0, N_IN)],
                in_sems[b % NBUF],
            )

        def out_copy(b):
            return pltpu.make_async_copy(
                bufs[b % NBUF],
                out_hbm.at[pl.ds(b * GRID + g0, ROWS)],
                out_sems[b % NBUF],
            )

        out_waited = [False] * B
        for b in range(PF):
            in_copy(b).start()
        for b in range(B):
            nb = b + PF
            if nb < B:
                prev = nb - NBUF
                if prev >= 0:
                    out_copy(prev).wait()
                    out_waited[prev] = True
                in_copy(nb).start()
            in_copy(b).wait()
            out_copy(b).start()
        for b in range(B):
            if not out_waited[b]:
                out_copy(b).wait()

    return sc_embed(inputs, topographical_embedding)

# --- scband reference (transcript-rebuilt; emitter-appended) ---
"""Pipeline reference for scband-embed-88064009437727 (READ-ONLY COPY).

The authoritative reference and input builder live on the scoring server;
editing this copy changes nothing except your own understanding.
"""

import jax, jax.numpy as jnp
import numpy as np

# Config constants (cfg.only_mlp = True, use_iota_embed = False, stack_inputs = False)
N_IN = 128
N_OUT = 256
EMB_DIM = 512
GRID = 1024
FEATURES = 64
NUM_EMB = 100000
BATCH = 32


def setup_inputs(seed: int = 0) -> dict:
    key = jax.random.key(seed)
    k1, k2, k3, k4, k5, k6 = jax.random.split(key, 6)
    return {
        "inputs": jax.random.normal(k1, (BATCH, GRID, N_IN), dtype=jnp.float32),
        "grid_positions": jax.random.randint(k2, (BATCH, GRID), 0, GRID, dtype=jnp.int32),
        "embedding": jax.random.normal(k3, (NUM_EMB, FEATURES), dtype=jnp.float32),
        "topographical_embedding": jax.random.normal(k4, (GRID, EMB_DIM), dtype=jnp.float32),
        "x_learn": jax.random.normal(k5, (N_IN, FEATURES), dtype=jnp.float32),
        "y_learn": jax.random.normal(k6, (N_OUT, FEATURES), dtype=jnp.float32),
    }


def reference(inputs, grid_positions, embedding, topographical_embedding, x_learn, y_learn):
    # Faithful translation of Embed.__call__ with cfg.only_mlp=True (the only
    # executable branch of the original module; see notes).
    B = inputs.shape[0]
    NUM_TOKENS = 1  # cfg.only_mlp -> 1
    x = jnp.broadcast_to(jnp.expand_dims(inputs, axis=2), (B, GRID, NUM_TOKENS, N_IN))
    topo_emb = topographical_embedding.astype(jnp.float32)[:, :-N_IN]
    topo_emb = jnp.broadcast_to(
        jnp.expand_dims(topo_emb, axis=(0, 2)), (B, GRID, NUM_TOKENS, EMB_DIM - N_IN)
    )
    x = jnp.concatenate([x, topo_emb], axis=-1)
    x = x.reshape(B * GRID, NUM_TOKENS, EMB_DIM)
    output = x  # cfg.only_mlp branch
    return output

if __name__ == "__main__":
    import jax
    _d = setup_inputs()
    print(jax.jit(kernel)(*tuple(_d.values())))

</pallas_src>

<mosaic_0001>
#map = affine_map<(d0, d1) -> (0, 0, 0)>
#map1 = affine_map<(d0, d1) -> (0, 0)>
module attributes {stable_mosaic.version = 14 : i64} {
  func.func @sc_embed(%arg0: i32, %arg1: i32, %arg2: memref<32x1024x128xf32, #tpu.memory_space<hbm>>, %arg3: memref<1024x512xf32, #tpu.memory_space<hbm>>, %arg4: memref<32768x1x512xf32, #tpu.memory_space<hbm>>, %arg5: memref<32x1x512xf32, #tpu.memory_space<vmem>>, %arg6: memref<32x1x512xf32, #tpu.memory_space<vmem>>, %arg7: memref<32x1x512xf32, #tpu.memory_space<vmem>>, %arg8: memref<32x1x512xf32, #tpu.memory_space<vmem>>, %arg9: memref<32x1x512xf32, #tpu.memory_space<vmem>>, %arg10: memref<32x1x512xf32, #tpu.memory_space<vmem>>, %arg11: memref<!tpu.dma_semaphore, #tpu.memory_space<semaphore_mem>>, %arg12: memref<!tpu.dma_semaphore, #tpu.memory_space<semaphore_mem>>, %arg13: memref<!tpu.dma_semaphore, #tpu.memory_space<semaphore_mem>>, %arg14: memref<!tpu.dma_semaphore, #tpu.memory_space<semaphore_mem>>, %arg15: memref<!tpu.dma_semaphore, #tpu.memory_space<semaphore_mem>>, %arg16: memref<!tpu.dma_semaphore, #tpu.memory_space<semaphore_mem>>, %arg17: memref<!tpu.dma_semaphore, #tpu.memory_space<semaphore_mem>>, %arg18: memref<!tpu.dma_semaphore, #tpu.memory_space<semaphore_mem>>, %arg19: memref<!tpu.dma_semaphore, #tpu.memory_space<semaphore_mem>>, %arg20: memref<!tpu.dma_semaphore, #tpu.memory_space<semaphore_mem>>, %arg21: memref<!tpu.dma_semaphore, #tpu.memory_space<semaphore_mem>>, %arg22: memref<!tpu.dma_semaphore, #tpu.memory_space<semaphore_mem>>) attributes {dimension_semantics = [#tpu.dimension_semantics<core_parallel>, #tpu.dimension_semantics<subcore_parallel>], iteration_bounds = array<i64: 2, 16>, scalar_prefetch = 0 : i64, scratch_operands = 18 : i64, tpu.core_type = #tpu.core_type<sc_vector_subcore>, window_params = [{transform_indices = #map}, {transform_indices = #map1}, {transform_indices = #map}]} {
    %mul3A = arith.constant 2 : i32
    %mul3A_0 = arith.muli %arg1, %mul3A : i32
    %add3A = arith.addi %mul3A_0, %arg0 : i32
    %mul3A_1 = arith.constant 32 : i32
    %mul3A_2 = arith.muli %add3A, %mul3A_1 : i32
    %dma_start3A = arith.constant 0 : i32
    %dma_start3A_3 = arith.constant 0 : i32
    %dma_start3A_4 = arith.constant 128 : i32
    %dma_start3A_5 = tpu.memref_slice %arg5[%dma_start3A_3, %dma_start3A, %dma_start3A_4] : memref<32x1x512xf32, #tpu.memory_space<vmem>> -> memref<32x1x384xf32, #tpu.memory_space<vmem>>
    %dma_start3A_6 = tpu.memref_squeeze %dma_start3A_5 : memref<32x1x384xf32, #tpu.memory_space<vmem>> -> memref<32x384xf32, #tpu.memory_space<vmem>>
    %dma_start3A_7 = arith.constant 0 : i32
    %dma_start3A_8 = tpu.memref_slice %arg3[%mul3A_2, %dma_start3A_7] : memref<1024x512xf32, #tpu.memory_space<hbm>> -> memref<32x384xf32, #tpu.memory_space<hbm>>
    %dma_start3A_9 = arith.constant 0 : i32
    %dma_start3A_10 = arith.constant 128 : i32
    %dma_start3A_11 = tpu.memref_slice %arg5[%dma_start3A_9, %dma_start3A, %dma_start3A_10] : memref<32x1x512xf32, #tpu.memory_space<vmem>> -> memref<32x1x384xf32, #tpu.memory_space<vmem>>
    %dma_start3A_12 = tpu.memref_squeeze %dma_start3A_11 : memref<32x1x384xf32, #tpu.memory_space<vmem>> -> memref<32x384xf32, #tpu.memory_space<vmem>>
    %dma_start3A_13 = arith.constant 0 : i32
    %dma_start3A_14 = tpu.memref_slice %arg3[%mul3A_2, %dma_start3A_13] : memref<1024x512xf32, #tpu.memory_space<hbm>> -> memref<32x384xf32, #tpu.memory_space<hbm>>
    tpu.enqueue_dma source(%dma_start3A_14 : memref<32x384xf32, #tpu.memory_space<hbm>>) target(%dma_start3A_12 : memref<32x384xf32, #tpu.memory_space<vmem>>) target_semaphore(%arg17 : memref<!tpu.dma_semaphore, #tpu.memory_space<semaphore_mem>>)
    %dma_start3A_15 = arith.constant 0 : i32
    %dma_start3A_16 = arith.constant 0 : i32
    %dma_start3A_17 = arith.constant 128 : i32
    %dma_start3A_18 = tpu.memref_slice %arg6[%dma_start3A_16, %dma_start3A_15, %dma_start3A_17] : memref<32x1x512xf32, #tpu.memory_space<vmem>> -> memref<32x1x384xf32, #tpu.memory_space<vmem>>
    %dma_start3A_19 = tpu.memref_squeeze %dma_start3A_18 : memref<32x1x384xf32, #tpu.memory_space<vmem>> -> memref<32x384xf32, #tpu.memory_space<vmem>>
    %dma_start3A_20 = arith.constant 0 : i32
    %dma_start3A_21 = tpu.memref_slice %arg3[%mul3A_2, %dma_start3A_20] : memref<1024x512xf32, #tpu.memory_space<hbm>> -> memref<32x384xf32, #tpu.memory_space<hbm>>
    %dma_start3A_22 = arith.constant 0 : i32
    %dma_start3A_23 = arith.constant 128 : i32
    %dma_start3A_24 = tpu.memref_slice %arg6[%dma_start3A_22, %dma_start3A_15, %dma_start3A_23] : memref<32x1x512xf32, #tpu.memory_space<vmem>> -> memref<32x1x384xf32, #tpu.memory_space<vmem>>
    %dma_start3A_25 = tpu.memref_squeeze %dma_start3A_24 : memref<32x1x384xf32, #tpu.memory_space<vmem>> -> memref<32x384xf32, #tpu.memory_space<vmem>>
    %dma_start3A_26 = arith.constant 0 : i32
    %dma_start3A_27 = tpu.memref_slice %arg3[%mul3A_2, %dma_start3A_26] : memref<1024x512xf32, #tpu.memory_space<hbm>> -> memref<32x384xf32, #tpu.memory_space<hbm>>
    tpu.enqueue_dma source(%dma_start3A_27 : memref<32x384xf32, #tpu.memory_space<hbm>>) target(%dma_start3A_25 : memref<32x384xf32, #tpu.memory_space<vmem>>) target_semaphore(%arg18 : memref<!tpu.dma_semaphore, #tpu.memory_space<semaphore_mem>>)
    %dma_start3A_28 = arith.constant 0 : i32
    %dma_start3A_29 = arith.constant 0 : i32
    %dma_start3A_30 = arith.constant 128 : i32
    %dma_start3A_31 = tpu.memref_slice %arg7[%dma_start3A_29, %dma_start3A_28, %dma_start3A_30] : memref<32x1x512xf32, #tpu.memory_space<vmem>> -> memref<32x1x384xf32, #tpu.memory_space<vmem>>
    %dma_start3A_32 = tpu.memref_squeeze %dma_start3A_31 : memref<32x1x384xf32, #tpu.memory_space<vmem>> -> memref<32x384xf32, #tpu.memory_space<vmem>>
    %dma_start3A_33 = arith.constant 0 : i32
    %dma_start3A_34 = tpu.memref_slice %arg3[%mul3A_2, %dma_start3A_33] : memref<1024x512xf32, #tpu.memory_space<hbm>> -> memref<32x384xf32, #tpu.memory_space<hbm>>
    %dma_start3A_35 = arith.constant 0 : i32
    %dma_start3A_36 = arith.constant 128 : i32
    %dma_start3A_37 = tpu.memref_slice %arg7[%dma_start3A_35, %dma_start3A_28, %dma_start3A_36] : memref<32x1x512xf32, #tpu.memory_space<vmem>> -> memref<32x1x384xf32, #tpu.memory_space<vmem>>
    %dma_start3A_38 = tpu.memref_squeeze %dma_start3A_37 : memref<32x1x384xf32, #tpu.memory_space<vmem>> -> memref<32x384xf32, #tpu.memory_space<vmem>>
    %dma_start3A_39 = arith.constant 0 : i32
    %dma_start3A_40 = tpu.memref_slice %arg3[%mul3A_2, %dma_start3A_39] : memref<1024x512xf32, #tpu.memory_space<hbm>> -> memref<32x384xf32, #tpu.memory_space<hbm>>
    tpu.enqueue_dma source(%dma_start3A_40 : memref<32x384xf32, #tpu.memory_space<hbm>>) target(%dma_start3A_38 : memref<32x384xf32, #tpu.memory_space<vmem>>) target_semaphore(%arg19 : memref<!tpu.dma_semaphore, #tpu.memory_space<semaphore_mem>>)
    %dma_start3A_41 = arith.constant 0 : i32
    %dma_start3A_42 = arith.constant 0 : i32
    %dma_start3A_43 = arith.constant 128 : i32
    %dma_start3A_44 = tpu.memref_slice %arg8[%dma_start3A_42, %dma_start3A_41, %dma_start3A_43] : memref<32x1x512xf32, #tpu.memory_space<vmem>> -> memref<32x1x384xf32, #tpu.memory_space<vmem>>
    %dma_start3A_45 = tpu.memref_squeeze %dma_start3A_44 : memref<32x1x384xf32, #tpu.memory_space<vmem>> -> memref<32x384xf32, #tpu.memory_space<vmem>>
    %dma_start3A_46 = arith.constant 0 : i32
    %dma_start3A_47 = tpu.memref_slice %arg3[%mul3A_2, %dma_start3A_46] : memref<1024x512xf32, #tpu.memory_space<hbm>> -> memref<32x384xf32, #tpu.memory_space<hbm>>
    %dma_start3A_48 = arith.constant 0 : i32
    %dma_start3A_49 = arith.constant 128 : i32
    %dma_start3A_50 = tpu.memref_slice %arg8[%dma_start3A_48, %dma_start3A_41, %dma_start3A_49] : memref<32x1x512xf32, #tpu.memory_space<vmem>> -> memref<32x1x384xf32, #tpu.memory_space<vmem>>
    %dma_start3A_51 = tpu.memref_squeeze %dma_start3A_50 : memref<32x1x384xf32, #tpu.memory_space<vmem>> -> memref<32x384xf32, #tpu.memory_space<vmem>>
    %dma_start3A_52 = arith.constant 0 : i32
    %dma_start3A_53 = tpu.memref_slice %arg3[%mul3A_2, %dma_start3A_52] : memref<1024x512xf32, #tpu.memory_space<hbm>> -> memref<32x384xf32, #tpu.memory_space<hbm>>
    tpu.enqueue_dma source(%dma_start3A_53 : memref<32x384xf32, #tpu.memory_space<hbm>>) target(%dma_start3A_51 : memref<32x384xf32, #tpu.memory_space<vmem>>) target_semaphore(%arg20 : memref<!tpu.dma_semaphore, #tpu.memory_space<semaphore_mem>>)
    %dma_start3A_54 = arith.constant 0 : i32
    %dma_start3A_55 = arith.constant 0 : i32
    %dma_start3A_56 = arith.constant 128 : i32
    %dma_start3A_57 = tpu.memref_slice %arg9[%dma_start3A_55, %dma_start3A_54, %dma_start3A_56] : memref<32x1x512xf32, #tpu.memory_space<vmem>> -> memref<32x1x384xf32, #tpu.memory_space<vmem>>
    %dma_start3A_58 = tpu.memref_squeeze %dma_start3A_57 : memref<32x1x384xf32, #tpu.memory_space<vmem>> -> memref<32x384xf32, #tpu.memory_space<vmem>>
    %dma_start3A_59 = arith.constant 0 : i32
    %dma_start3A_60 = tpu.memref_slice %arg3[%mul3A_2, %dma_start3A_59] : memref<1024x512xf32, #tpu.memory_space<hbm>> -> memref<32x384xf32, #tpu.memory_space<hbm>>
    %dma_start3A_61 = arith.constant 0 : i32
    %dma_start3A_62 = arith.constant 128 : i32
    %dma_start3A_63 = tpu.memref_slice %arg9[%dma_start3A_61, %dma_start3A_54, %dma_start3A_62] : memref<32x1x512xf32, #tpu.memory_space<vmem>> -> memref<32x1x384xf32, #tpu.memory_space<vmem>>
    %dma_start3A_64 = tpu.memref_squeeze %dma_start3A_63 : memref<32x1x384xf32, #tpu.memory_space<vmem>> -> memref<32x384xf32, #tpu.memory_space<vmem>>
    %dma_start3A_65 = arith.constant 0 : i32
    %dma_start3A_66 = tpu.memref_slice %arg3[%mul3A_2, %dma_start3A_65] : memref<1024x512xf32, #tpu.memory_space<hbm>> -> memref<32x384xf32, #tpu.memory_space<hbm>>
    tpu.enqueue_dma source(%dma_start3A_66 : memref<32x384xf32, #tpu.memory_space<hbm>>) target(%dma_start3A_64 : memref<32x384xf32, #tpu.memory_space<vmem>>) target_semaphore(%arg21 : memref<!tpu.dma_semaphore, #tpu.memory_space<semaphore_mem>>)
    %dma_start3A_67 = arith.constant 0 : i32
    %dma_start3A_68 = arith.constant 0 : i32
    %dma_start3A_69 = arith.constant 128 : i32
    %dma_start3A_70 = tpu.memref_slice %arg10[%dma_start3A_68, %dma_start3A_67, %dma_start3A_69] : memref<32x1x512xf32, #tpu.memory_space<vmem>> -> memref<32x1x384xf32, #tpu.memory_space<vmem>>
    %dma_start3A_71 = tpu.memref_squeeze %dma_start3A_70 : memref<32x1x384xf32, #tpu.memory_space<vmem>> -> memref<32x384xf32, #tpu.memory_space<vmem>>
    %dma_start3A_72 = arith.constant 0 : i32
    %dma_start3A_73 = tpu.memref_slice %arg3[%mul3A_2, %dma_start3A_72] : memref<1024x512xf32, #tpu.memory_space<hbm>> -> memref<32x384xf32, #tpu.memory_space<hbm>>
    %dma_start3A_74 = arith.constant 0 : i32
    %dma_start3A_75 = arith.constant 128 : i32
    %dma_start3A_76 = tpu.memref_slice %arg10[%dma_start3A_74, %dma_start3A_67, %dma_start3A_75] : memref<32x1x512xf32, #tpu.memory_space<vmem>> -> memref<32x1x384xf32, #tpu.memory_space<vmem>>
    %dma_start3A_77 = tpu.memref_squeeze %dma_start3A_76 : memref<32x1x384xf32, #tpu.memory_space<vmem>> -> memref<32x384xf32, #tpu.memory_space<vmem>>
    %dma_start3A_78 = arith.constant 0 : i32
    %dma_start3A_79 = tpu.memref_slice %arg3[%mul3A_2, %dma_start3A_78] : memref<1024x512xf32, #tpu.memory_space<hbm>> -> memref<32x384xf32, #tpu.memory_space<hbm>>
    tpu.enqueue_dma source(%dma_start3A_79 : memref<32x384xf32, #tpu.memory_space<hbm>>) target(%dma_start3A_77 : memref<32x384xf32, #tpu.memory_space<vmem>>) target_semaphore(%arg22 : memref<!tpu.dma_semaphore, #tpu.memory_space<semaphore_mem>>)
    %dma_wait3A = arith.constant 0 : i32
    %dma_wait3A_80 = arith.constant 0 : i32
    %dma_wait3A_81 = arith.constant 128 : i32
    %dma_wait3A_82 = tpu.memref_slice %arg5[%dma_wait3A_80, %dma_wait3A, %dma_wait3A_81] : memref<32x1x512xf32, #tpu.memory_space<vmem>> -> memref<32x1x384xf32, #tpu.memory_space<vmem>>
    %dma_wait3A_83 = tpu.memref_squeeze %dma_wait3A_82 : memref<32x1x384xf32, #tpu.memory_space<vmem>> -> memref<32x384xf32, #tpu.memory_space<vmem>>
    %dma_wait3A_84 = arith.constant 0 : i32
    %dma_wait3A_85 = tpu.memref_slice %arg3[%mul3A_2, %dma_wait3A_84] : memref<1024x512xf32, #tpu.memory_space<hbm>> -> memref<32x384xf32, #tpu.memory_space<hbm>>
    %dma_wait3A_86 = arith.constant 0 : i32
    %dma_wait3A_87 = arith.constant 128 : i32
    %dma_wait3A_88 = tpu.memref_slice %arg5[%dma_wait3A_86, %dma_wait3A, %dma_wait3A_87] : memref<32x1x512xf32, #tpu.memory_space<vmem>> -> memref<32x1x384xf32, #tpu.memory_space<vmem>>
    %dma_wait3A_89 = tpu.memref_squeeze %dma_wait3A_88 : memref<32x1x384xf32, #tpu.memory_space<vmem>> -> memref<32x384xf32, #tpu.memory_space<vmem>>
    %dma_wait3A_90 = arith.constant 0 : i32
    %dma_wait3A_91 = tpu.memref_slice %arg3[%mul3A_2, %dma_wait3A_90] : memref<1024x512xf32, #tpu.memory_space<hbm>> -> memref<32x384xf32, #tpu.memory_space<hbm>>
    tpu.wait_dma2 semaphore(%arg17 : memref<!tpu.dma_semaphore, #tpu.memory_space<semaphore_mem>>) src(%dma_wait3A_91 : memref<32x384xf32, #tpu.memory_space<hbm>>) dst(%dma_wait3A_89 : memref<32x384xf32, #tpu.memory_space<vmem>>)
    %dma_wait3A_92 = arith.constant 0 : i32
    %dma_wait3A_93 = arith.constant 0 : i32
    %dma_wait3A_94 = arith.constant 128 : i32
    %dma_wait3A_95 = tpu.memref_slice %arg6[%dma_wait3A_93, %dma_wait3A_92, %dma_wait3A_94] : memref<32x1x512xf32, #tpu.memory_space<vmem>> -> memref<32x1x384xf32, #tpu.memory_space<vmem>>
    %dma_wait3A_96 = tpu.memref_squeeze %dma_wait3A_95 : memref<32x1x384xf32, #tpu.memory_space<vmem>> -> memref<32x384xf32, #tpu.memory_space<vmem>>
    %dma_wait3A_97 = arith.constant 0 : i32
    %dma_wait3A_98 = tpu.memref_slice %arg3[%mul3A_2, %dma_wait3A_97] : memref<1024x512xf32, #tpu.memory_space<hbm>> -> memref<32x384xf32, #tpu.memory_space<hbm>>
    %dma_wait3A_99 = arith.constant 0 : i32
    %dma_wait3A_100 = arith.constant 128 : i32
    %dma_wait3A_101 = tpu.memref_slice %arg6[%dma_wait3A_99, %dma_wait3A_92, %dma_wait3A_100] : memref<32x1x512xf32, #tpu.memory_space<vmem>> -> memref<32x1x384xf32, #tpu.memory_space<vmem>>
    %dma_wait3A_102 = tpu.memref_squeeze %dma_wait3A_101 : memref<32x1x384xf32, #tpu.memory_space<vmem>> -> memref<32x384xf32, #tpu.memory_space<vmem>>
    %dma_wait3A_103 = arith.constant 0 : i32
    %dma_wait3A_104 = tpu.memref_slice %arg3[%mul3A_2, %dma_wait3A_103] : memref<1024x512xf32, #tpu.memory_space<hbm>> -> memref<32x384xf32, #tpu.memory_space<hbm>>
    tpu.wait_dma2 semaphore(%arg18 : memref<!tpu.dma_semaphore, #tpu.memory_space<semaphore_mem>>) src(%dma_wait3A_104 : memref<32x384xf32, #tpu.memory_space<hbm>>) dst(%dma_wait3A_102 : memref<32x384xf32, #tpu.memory_space<vmem>>)
    %dma_wait3A_105 = arith.constant 0 : i32
    %dma_wait3A_106 = arith.constant 0 : i32
    %dma_wait3A_107 = arith.constant 128 : i32
    %dma_wait3A_108 = tpu.memref_slice %arg7[%dma_wait3A_106, %dma_wait3A_105, %dma_wait3A_107] : memref<32x1x512xf32, #tpu.memory_space<vmem>> -> memref<32x1x384xf32, #tpu.memory_space<vmem>>
    %dma_wait3A_109 = tpu.memref_squeeze %dma_wait3A_108 : memref<32x1x384xf32, #tpu.memory_space<vmem>> -> memref<32x384xf32, #tpu.memory_space<vmem>>
    %dma_wait3A_110 = arith.constant 0 : i32
    %dma_wait3A_111 = tpu.memref_slice %arg3[%mul3A_2, %dma_wait3A_110] : memref<1024x512xf32, #tpu.memory_space<hbm>> -> memref<32x384xf32, #tpu.memory_space<hbm>>
    %dma_wait3A_112 = arith.constant 0 : i32
    %dma_wait3A_113 = arith.constant 128 : i32
    %dma_wait3A_114 = tpu.memref_slice %arg7[%dma_wait3A_112, %dma_wait3A_105, %dma_wait3A_113] : memref<32x1x512xf32, #tpu.memory_space<vmem>> -> memref<32x1x384xf32, #tpu.memory_space<vmem>>
    %dma_wait3A_115 = tpu.memref_squeeze %dma_wait3A_114 : memref<32x1x384xf32, #tpu.memory_space<vmem>> -> memref<32x384xf32, #tpu.memory_space<vmem>>
    %dma_wait3A_116 = arith.constant 0 : i32
    %dma_wait3A_117 = tpu.memref_slice %arg3[%mul3A_2, %dma_wait3A_116] : memref<1024x512xf32, #tpu.memory_space<hbm>> -> memref<32x384xf32, #tpu.memory_space<hbm>>
    tpu.wait_dma2 semaphore(%arg19 : memref<!tpu.dma_semaphore, #tpu.memory_space<semaphore_mem>>) src(%dma_wait3A_117 : memref<32x384xf32, #tpu.memory_space<hbm>>) dst(%dma_wait3A_115 : memref<32x384xf32, #tpu.memory_space<vmem>>)
    %dma_wait3A_118 = arith.constant 0 : i32
    %dma_wait3A_119 = arith.constant 0 : i32
    %dma_wait3A_120 = arith.constant 128 : i32
    %dma_wait3A_121 = tpu.memref_slice %arg8[%dma_wait3A_119, %dma_wait3A_118, %dma_wait3A_120] : memref<32x1x512xf32, #tpu.memory_space<vmem>> -> memref<32x1x384xf32, #tpu.memory_space<vmem>>
    %dma_wait3A_122 = tpu.memref_squeeze %dma_wait3A_121 : memref<32x1x384xf32, #tpu.memory_space<vmem>> -> memref<32x384xf32, #tpu.memory_space<vmem>>
    %dma_wait3A_123 = arith.constant 0 : i32
    %dma_wait3A_124 = tpu.memref_slice %arg3[%mul3A_2, %dma_wait3A_123] : memref<1024x512xf32, #tpu.memory_space<hbm>> -> memref<32x384xf32, #tpu.memory_space<hbm>>
    %dma_wait3A_125 = arith.constant 0 : i32
    %dma_wait3A_126 = arith.constant 128 : i32
    %dma_wait3A_127 = tpu.memref_slice %arg8[%dma_wait3A_125, %dma_wait3A_118, %dma_wait3A_126] : memref<32x1x512xf32, #tpu.memory_space<vmem>> -> memref<32x1x384xf32, #tpu.memory_space<vmem>>
    %dma_wait3A_128 = tpu.memref_squeeze %dma_wait3A_127 : memref<32x1x384xf32, #tpu.memory_space<vmem>> -> memref<32x384xf32, #tpu.memory_space<vmem>>
    %dma_wait3A_129 = arith.constant 0 : i32
    %dma_wait3A_130 = tpu.memref_slice %arg3[%mul3A_2, %dma_wait3A_129] : memref<1024x512xf32, #tpu.memory_space<hbm>> -> memref<32x384xf32, #tpu.memory_space<hbm>>
    tpu.wait_dma2 semaphore(%arg20 : memref<!tpu.dma_semaphore, #tpu.memory_space<semaphore_mem>>) src(%dma_wait3A_130 : memref<32x384xf32, #tpu.memory_space<hbm>>) dst(%dma_wait3A_128 : memref<32x384xf32, #tpu.memory_space<vmem>>)
    %dma_wait3A_131 = arith.constant 0 : i32
    %dma_wait3A_132 = arith.constant 0 : i32
    %dma_wait3A_133 = arith.constant 128 : i32
    %dma_wait3A_134 = tpu.memref_slice %arg9[%dma_wait3A_132, %dma_wait3A_131, %dma_wait3A_133] : memref<32x1x512xf32, #tpu.memory_space<vmem>> -> memref<32x1x384xf32, #tpu.memory_space<vmem>>
    %dma_wait3A_135 = tpu.memref_squeeze %dma_wait3A_134 : memref<32x1x384xf32, #tpu.memory_space<vmem>> -> memref<32x384xf32, #tpu.memory_space<vmem>>
    %dma_wait3A_136 = arith.constant 0 : i32
    %dma_wait3A_137 = tpu.memref_slice %arg3[%mul3A_2, %dma_wait3A_136] : memref<1024x512xf32, #tpu.memory_space<hbm>> -> memref<32x384xf32, #tpu.memory_space<hbm>>
    %dma_wait3A_138 = arith.constant 0 : i32
    %dma_wait3A_139 = arith.constant 128 : i32
    %dma_wait3A_140 = tpu.memref_slice %arg9[%dma_wait3A_138, %dma_wait3A_131, %dma_wait3A_139] : memref<32x1x512xf32, #tpu.memory_space<vmem>> -> memref<32x1x384xf32, #tpu.memory_space<vmem>>
    %dma_wait3A_141 = tpu.memref_squeeze %dma_wait3A_140 : memref<32x1x384xf32, #tpu.memory_space<vmem>> -> memref<32x384xf32, #tpu.memory_space<vmem>>
    %dma_wait3A_142 = arith.constant 0 : i32
    %dma_wait3A_143 = tpu.memref_slice %arg3[%mul3A_2, %dma_wait3A_142] : memref<1024x512xf32, #tpu.memory_space<hbm>> -> memref<32x384xf32, #tpu.memory_space<hbm>>
    tpu.wait_dma2 semaphore(%arg21 : memref<!tpu.dma_semaphore, #tpu.memory_space<semaphore_mem>>) src(%dma_wait3A_143 : memref<32x384xf32, #tpu.memory_space<hbm>>) dst(%dma_wait3A_141 : memref<32x384xf32, #tpu.memory_space<vmem>>)
    %dma_wait3A_144 = arith.constant 0 : i32
    %dma_wait3A_145 = arith.constant 0 : i32
    %dma_wait3A_146 = arith.constant 128 : i32
    %dma_wait3A_147 = tpu.memref_slice %arg10[%dma_wait3A_145, %dma_wait3A_144, %dma_wait3A_146] : memref<32x1x512xf32, #tpu.memory_space<vmem>> -> memref<32x1x384xf32, #tpu.memory_space<vmem>>
    %dma_wait3A_148 = tpu.memref_squeeze %dma_wait3A_147 : memref<32x1x384xf32, #tpu.memory_space<vmem>> -> memref<32x384xf32, #tpu.memory_space<vmem>>
    %dma_wait3A_149 = arith.constant 0 : i32
    %dma_wait3A_150 = tpu.memref_slice %arg3[%mul3A_2, %dma_wait3A_149] : memref<1024x512xf32, #tpu.memory_space<hbm>> -> memref<32x384xf32, #tpu.memory_space<hbm>>
    %dma_wait3A_151 = arith.constant 0 : i32
    %dma_wait3A_152 = arith.constant 128 : i32
    %dma_wait3A_153 = tpu.memref_slice %arg10[%dma_wait3A_151, %dma_wait3A_144, %dma_wait3A_152] : memref<32x1x512xf32, #tpu.memory_space<vmem>> -> memref<32x1x384xf32, #tpu.memory_space<vmem>>
    %dma_wait3A_154 = tpu.memref_squeeze %dma_wait3A_153 : memref<32x1x384xf32, #tpu.memory_space<vmem>> -> memref<32x384xf32, #tpu.memory_space<vmem>>
    %dma_wait3A_155 = arith.constant 0 : i32
    %dma_wait3A_156 = tpu.memref_slice %arg3[%mul3A_2, %dma_wait3A_155] : memref<1024x512xf32, #tpu.memory_space<hbm>> -> memref<32x384xf32, #tpu.memory_space<hbm>>
    tpu.wait_dma2 semaphore(%arg22 : memref<!tpu.dma_semaphore, #tpu.memory_space<semaphore_mem>>) src(%dma_wait3A_156 : memref<32x384xf32, #tpu.memory_space<hbm>>) dst(%dma_wait3A_154 : memref<32x384xf32, #tpu.memory_space<vmem>>)
    %dma_start3A_157 = arith.constant 0 : i32
    %dma_start3A_158 = arith.constant 0 : i32
    %dma_start3A_159 = arith.constant 0 : i32
    %dma_start3A_160 = arith.constant 0 : i32
    %dma_start3A_161 = tpu.memref_slice %arg5[%dma_start3A_159, %dma_start3A_158, %dma_start3A_160] : memref<32x1x512xf32, #tpu.memory_space<vmem>> -> memref<32x1x128xf32, #tpu.memory_space<vmem>>
    %dma_start3A_162 = tpu.memref_squeeze %dma_start3A_161 : memref<32x1x128xf32, #tpu.memory_space<vmem>> -> memref<32x128xf32, #tpu.memory_space<vmem>>
    %dma_start3A_163 = arith.constant 0 : i32
    %dma_start3A_164 = tpu.memref_slice %arg2[%dma_start3A_157, %mul3A_2, %dma_start3A_163] : memref<32x1024x128xf32, #tpu.memory_space<hbm>> -> memref<1x32x128xf32, #tpu.memory_space<hbm>>
    %dma_start3A_165 = tpu.memref_squeeze %dma_start3A_164 : memref<1x32x128xf32, #tpu.memory_space<hbm>> -> memref<32x128xf32, #tpu.memory_space<hbm>>
    %dma_start3A_166 = arith.constant 0 : i32
    %dma_start3A_167 = arith.constant 0 : i32
    %dma_start3A_168 = tpu.memref_slice %arg5[%dma_start3A_166, %dma_start3A_158, %dma_start3A_167] : memref<32x1x512xf32, #tpu.memory_space<vmem>> -> memref<32x1x128xf32, #tpu.memory_space<vmem>>
    %dma_start3A_169 = tpu.memref_squeeze %dma_start3A_168 : memref<32x1x128xf32, #tpu.memory_space<vmem>> -> memref<32x128xf32, #tpu.memory_space<vmem>>
    %dma_start3A_170 = arith.constant 0 : i32
    %dma_start3A_171 = tpu.memref_slice %arg2[%dma_start3A_157, %mul3A_2, %dma_start3A_170] : memref<32x1024x128xf32, #tpu.memory_space<hbm>> -> memref<1x32x128xf32, #tpu.memory_space<hbm>>
    %dma_start3A_172 = tpu.memref_squeeze %dma_start3A_171 : memref<1x32x128xf32, #tpu.memory_space<hbm>> -> memref<32x128xf32, #tpu.memory_space<hbm>>
    tpu.enqueue_dma source(%dma_start3A_172 : memref<32x128xf32, #tpu.memory_space<hbm>>) target(%dma_start3A_169 : memref<32x128xf32, #tpu.memory_space<vmem>>) target_semaphore(%arg11 : memref<!tpu.dma_semaphore, #tpu.memory_space<semaphore_mem>>)
    %dma_start3A_173 = arith.constant 1 : i32
    %dma_start3A_174 = arith.constant 0 : i32
    %dma_start3A_175 = arith.constant 0 : i32
    %dma_start3A_176 = arith.constant 0 : i32
    %dma_start3A_177 = tpu.memref_slice %arg6[%dma_start3A_175, %dma_start3A_174, %dma_start3A_176] : memref<32x1x512xf32, #tpu.memory_space<vmem>> -> memref<32x1x128xf32, #tpu.memory_space<vmem>>
    %dma_start3A_178 = tpu.memref_squeeze %dma_start3A_177 : memref<32x1x128xf32, #tpu.memory_space<vmem>> -> memref<32x128xf32, #tpu.memory_space<vmem>>
    %dma_start3A_179 = arith.constant 0 : i32
    %dma_start3A_180 = tpu.memref_slice %arg2[%dma_start3A_173, %mul3A_2, %dma_start3A_179] : memref<32x1024x128xf32, #tpu.memory_space<hbm>> -> memref<1x32x128xf32, #tpu.memory_space<hbm>>
    %dma_start3A_181 = tpu.memref_squeeze %dma_start3A_180 : memref<1x32x128xf32, #tpu.memory_space<hbm>> -> memref<32x128xf32, #tpu.memory_space<hbm>>
    %dma_start3A_182 = arith.constant 0 : i32
    %dma_start3A_183 = arith.constant 0 : i32
    %dma_start3A_184 = tpu.memref_slice %arg6[%dma_start3A_182, %dma_start3A_174, %dma_start3A_183] : memref<32x1x512xf32, #tpu.memory_space<vmem>> -> memref<32x1x128xf32, #tpu.memory_space<vmem>>
    %dma_start3A_185 = tpu.memref_squeeze %dma_start3A_184 : memref<32x1x128xf32, #tpu.memory_space<vmem>> -> memref<32x128xf32, #tpu.memory_space<vmem>>
    %dma_start3A_186 = arith.constant 0 : i32
    %dma_start3A_187 = tpu.memref_slice %arg2[%dma_start3A_173, %mul3A_2, %dma_start3A_186] : memref<32x1024x128xf32, #tpu.memory_space<hbm>> -> memref<1x32x128xf32, #tpu.memory_space<hbm>>
    %dma_start3A_188 = tpu.memref_squeeze %dma_start3A_187 : memref<1x32x128xf32, #tpu.memory_space<hbm>> -> memref<32x128xf32, #tpu.memory_space<hbm>>
    tpu.enqueue_dma source(%dma_start3A_188 : memref<32x128xf32, #tpu.memory_space<hbm>>) target(%dma_start3A_185 : memref<32x128xf32, #tpu.memory_space<vmem>>) target_semaphore(%arg12 : memref<!tpu.dma_semaphore, #tpu.memory_space<semaphore_mem>>)
    %dma_start3A_189 = arith.constant 2 : i32
    %dma_start3A_190 = arith.constant 0 : i32
    %dma_start3A_191 = arith.constant 0 : i32
    %dma_start3A_192 = arith.constant 0 : i32
    %dma_start3A_193 = tpu.memref_slice %arg7[%dma_start3A_191, %dma_start3A_190, %dma_start3A_192] : memref<32x1x512xf32, #tpu.memory_space<vmem>> -> memref<32x1x128xf32, #tpu.memory_space<vmem>>
    %dma_start3A_194 = tpu.memref_squeeze %dma_start3A_193 : memref<32x1x128xf32, #tpu.memory_space<vmem>> -> memref<32x128xf32, #tpu.memory_space<vmem>>
    %dma_start3A_195 = arith.constant 0 : i32
    %dma_start3A_196 = tpu.memref_slice %arg2[%dma_start3A_189, %mul3A_2, %dma_start3A_195] : memref<32x1024x128xf32, #tpu.memory_space<hbm>> -> memref<1x32x128xf32, #tpu.memory_space<hbm>>
    %dma_start3A_197 = tpu.memref_squeeze %dma_start3A_196 : memref<1x32x128xf32, #tpu.memory_space<hbm>> -> memref<32x128xf32, #tpu.memory_space<hbm>>
    %dma_start3A_198 = arith.constant 0 : i32
    %dma_start3A_199 = arith.constant 0 : i32
    %dma_start3A_200 = tpu.memref_slice %arg7[%dma_start3A_198, %dma_start3A_190, %dma_start3A_199] : memref<32x1x512xf32, #tpu.memory_space<vmem>> -> memref<32x1x128xf32, #tpu.memory_space<vmem>>
    %dma_start3A_201 = tpu.memref_squeeze %dma_start3A_200 : memref<32x1x128xf32, #tpu.memory_space<vmem>> -> memref<32x128xf32, #tpu.memory_space<vmem>>
    %dma_start3A_202 = arith.constant 0 : i32
    %dma_start3A_203 = tpu.memref_slice %arg2[%dma_start3A_189, %mul3A_2, %dma_start3A_202] : memref<32x1024x128xf32, #tpu.memory_space<hbm>> -> memref<1x32x128xf32, #tpu.memory_space<hbm>>
    %dma_start3A_204 = tpu.memref_squeeze %dma_start3A_203 : memref<1x32x128xf32, #tpu.memory_space<hbm>> -> memref<32x128xf32, #tpu.memory_space<hbm>>
    tpu.enqueue_dma source(%dma_start3A_204 : memref<32x128xf32, #tpu.memory_space<hbm>>) target(%dma_start3A_201 : memref<32x128xf32, #tpu.memory_space<vmem>>) target_semaphore(%arg13 : memref<!tpu.dma_semaphore, #tpu.memory_space<semaphore_mem>>)
    %dma_start3A_205 = arith.constant 3 : i32
    %dma_start3A_206 = arith.constant 0 : i32
    %dma_start3A_207 = arith.constant 0 : i32
    %dma_start3A_208 = arith.constant 0 : i32
    %dma_start3A_209 = tpu.memref_slice %arg8[%dma_start3A_207, %dma_start3A_206, %dma_start3A_208] : memref<32x1x512xf32, #tpu.memory_space<vmem>> -> memref<32x1x128xf32, #tpu.memory_space<vmem>>
    %dma_start3A_210 = tpu.memref_squeeze %dma_start3A_209 : memref<32x1x128xf32, #tpu.memory_space<vmem>> -> memref<32x128xf32, #tpu.memory_space<vmem>>
    %dma_start3A_211 = arith.constant 0 : i32
    %dma_start3A_212 = tpu.memref_slice %arg2[%dma_start3A_205, %mul3A_2, %dma_start3A_211] : memref<32x1024x128xf32, #tpu.memory_space<hbm>> -> memref<1x32x128xf32, #tpu.memory_space<hbm>>
    %dma_start3A_213 = tpu.memref_squeeze %dma_start3A_212 : memref<1x32x128xf32, #tpu.memory_space<hbm>> -> memref<32x128xf32, #tpu.memory_space<hbm>>
    %dma_start3A_214 = arith.constant 0 : i32
    %dma_start3A_215 = arith.constant 0 : i32
    %dma_start3A_216 = tpu.memref_slice %arg8[%dma_start3A_214, %dma_start3A_206, %dma_start3A_215] : memref<32x1x512xf32, #tpu.memory_space<vmem>> -> memref<32x1x128xf32, #tpu.memory_space<vmem>>
    %dma_start3A_217 = tpu.memref_squeeze %dma_start3A_216 : memref<32x1x128xf32, #tpu.memory_space<vmem>> -> memref<32x128xf32, #tpu.memory_space<vmem>>
    %dma_start3A_218 = arith.constant 0 : i32
    %dma_start3A_219 = tpu.memref_slice %arg2[%dma_start3A_205, %mul3A_2, %dma_start3A_218] : memref<32x1024x128xf32, #tpu.memory_space<hbm>> -> memref<1x32x128xf32, #tpu.memory_space<hbm>>
    %dma_start3A_220 = tpu.memref_squeeze %dma_start3A_219 : memref<1x32x128xf32, #tpu.memory_space<hbm>> -> memref<32x128xf32, #tpu.memory_space<hbm>>
    tpu.enqueue_dma source(%dma_start3A_220 : memref<32x128xf32, #tpu.memory_space<hbm>>) target(%dma_start3A_217 : memref<32x128xf32, #tpu.memory_space<vmem>>) target_semaphore(%arg14 : memref<!tpu.dma_semaphore, #tpu.memory_space<semaphore_mem>>)
    %dma_start3A_221 = arith.constant 4 : i32
    %dma_start3A_222 = arith.constant 0 : i32
    %dma_start3A_223 = arith.constant 0 : i32
    %dma_start3A_224 = arith.constant 0 : i32
    %dma_start3A_225 = tpu.memref_slice %arg9[%dma_start3A_223, %dma_start3A_222, %dma_start3A_224] : memref<32x1x512xf32, #tpu.memory_space<vmem>> -> memref<32x1x128xf32, #tpu.memory_space<vmem>>
    %dma_start3A_226 = tpu.memref_squeeze %dma_start3A_225 : memref<32x1x128xf32, #tpu.memory_space<vmem>> -> memref<32x128xf32, #tpu.memory_space<vmem>>
    %dma_start3A_227 = arith.constant 0 : i32
    %dma_start3A_228 = tpu.memref_slice %arg2[%dma_start3A_221, %mul3A_2, %dma_start3A_227] : memref<32x1024x128xf32, #tpu.memory_space<hbm>> -> memref<1x32x128xf32, #tpu.memory_space<hbm>>
    %dma_start3A_229 = tpu.memref_squeeze %dma_start3A_228 : memref<1x32x128xf32, #tpu.memory_space<hbm>> -> memref<32x128xf32, #tpu.memory_space<hbm>>
    %dma_start3A_230 = arith.constant 0 : i32
    %dma_start3A_231 = arith.constant 0 : i32
    %dma_start3A_232 = tpu.memref_slice %arg9[%dma_start3A_230, %dma_start3A_222, %dma_start3A_231] : memref<32x1x512xf32, #tpu.memory_space<vmem>> -> memref<32x1x128xf32, #tpu.memory_space<vmem>>
    %dma_start3A_233 = tpu.memref_squeeze %dma_start3A_232 : memref<32x1x128xf32, #tpu.memory_space<vmem>> -> memref<32x128xf32, #tpu.memory_space<vmem>>
    %dma_start3A_234 = arith.constant 0 : i32
    %dma_start3A_235 = tpu.memref_slice %arg2[%dma_start3A_221, %mul3A_2, %dma_start3A_234] : memref<32x1024x128xf32, #tpu.memory_space<hbm>> -> memref<1x32x128xf32, #tpu.memory_space<hbm>>
    %dma_start3A_236 = tpu.memref_squeeze %dma_start3A_235 : memref<1x32x128xf32, #tpu.memory_space<hbm>> -> memref<32x128xf32, #tpu.memory_space<hbm>>
    tpu.enqueue_dma source(%dma_start3A_236 : memref<32x128xf32, #tpu.memory_space<hbm>>) target(%dma_start3A_233 : memref<32x128xf32, #tpu.memory_space<vmem>>) target_semaphore(%arg15 : memref<!tpu.dma_semaphore, #tpu.memory_space<semaphore_mem>>)
    %dma_wait3A_237 = arith.constant 0 : i32
    %dma_wait3A_238 = arith.constant 0 : i32
    %dma_wait3A_239 = arith.constant 0 : i32
    %dma_wait3A_240 = arith.constant 0 : i32
    %dma_wait3A_241 = tpu.memref_slice %arg5[%dma_wait3A_239, %dma_wait3A_238, %dma_wait3A_240] : memref<32x1x512xf32, #tpu.memory_space<vmem>> -> memref<32x1x128xf32, #tpu.memory_space<vmem>>
    %dma_wait3A_242 = tpu.memref_squeeze %dma_wait3A_241 : memref<32x1x128xf32, #tpu.memory_space<vmem>> -> memref<32x128xf32, #tpu.memory_space<vmem>>
    %dma_wait3A_243 = arith.constant 0 : i32
    %dma_wait3A_244 = tpu.memref_slice %arg2[%dma_wait3A_237, %mul3A_2, %dma_wait3A_243] : memref<32x1024x128xf32, #tpu.memory_space<hbm>> -> memref<1x32x128xf32, #tpu.memory_space<hbm>>
    %dma_wait3A_245 = tpu.memref_squeeze %dma_wait3A_244 : memref<1x32x128xf32, #tpu.memory_space<hbm>> -> memref<32x128xf32, #tpu.memory_space<hbm>>
    %dma_wait3A_246 = arith.constant 0 : i32
    %dma_wait3A_247 = arith.constant 0 : i32
    %dma_wait3A_248 = tpu.memref_slice %arg5[%dma_wait3A_246, %dma_wait3A_238, %dma_wait3A_247] : memref<32x1x512xf32, #tpu.memory_space<vmem>> -> memref<32x1x128xf32, #tpu.memory_space<vmem>>
    %dma_wait3A_249 = tpu.memref_squeeze %dma_wait3A_248 : memref<32x1x128xf32, #tpu.memory_space<vmem>> -> memref<32x128xf32, #tpu.memory_space<vmem>>
    %dma_wait3A_250 = arith.constant 0 : i32
    %dma_wait3A_251 = tpu.memref_slice %arg2[%dma_wait3A_237, %mul3A_2, %dma_wait3A_250] : memref<32x1024x128xf32, #tpu.memory_space<hbm>> -> memref<1x32x128xf32, #tpu.memory_space<hbm>>
    %dma_wait3A_252 = tpu.memref_squeeze %dma_wait3A_251 : memref<1x32x128xf32, #tpu.memory_space<hbm>> -> memref<32x128xf32, #tpu.memory_space<hbm>>
    tpu.wait_dma2 semaphore(%arg11 : memref<!tpu.dma_semaphore, #tpu.memory_space<semaphore_mem>>) src(%dma_wait3A_252 : memref<32x128xf32, #tpu.memory_space<hbm>>) dst(%dma_wait3A_249 : memref<32x128xf32, #tpu.memory_space<vmem>>)
    %add3A_253 = arith.constant 0 : i32
    %add3A_254 = arith.addi %add3A_253, %mul3A_2 : i32
    %dma_start3A_255 = arith.constant 0 : i32
    %dma_start3A_256 = arith.constant 0 : i32
    %dma_start3A_257 = tpu.memref_slice %arg4[%add3A_254, %dma_start3A_255, %dma_start3A_256] : memref<32768x1x512xf32, #tpu.memory_space<hbm>> -> memref<32x1x512xf32, #tpu.memory_space<hbm>>
    %dma_start3A_258 = arith.constant 0 : i32
    %dma_start3A_259 = arith.constant 0 : i32
    %dma_start3A_260 = tpu.memref_slice %arg4[%add3A_254, %dma_start3A_258, %dma_start3A_259] : memref<32768x1x512xf32, #tpu.memory_space<hbm>> -> memref<32x1x512xf32, #tpu.memory_space<hbm>>
    tpu.enqueue_dma source(%arg5 : memref<32x1x512xf32, #tpu.memory_space<vmem>>) target(%dma_start3A_260 : memref<32x1x512xf32, #tpu.memory_space<hbm>>) target_semaphore(%arg17 : memref<!tpu.dma_semaphore, #tpu.memory_space<semaphore_mem>>)
    %dma_start3A_261 = arith.constant 5 : i32
    %dma_start3A_262 = arith.constant 0 : i32
    %dma_start3A_263 = arith.constant 0 : i32
    %dma_start3A_264 = arith.constant 0 : i32
    %dma_start3A_265 = tpu.memref_slice %arg10[%dma_start3A_263, %dma_start3A_262, %dma_start3A_264] : memref<32x1x512xf32, #tpu.memory_space<vmem>> -> memref<32x1x128xf32, #tpu.memory_space<vmem>>
    %dma_start3A_266 = tpu.memref_squeeze %dma_start3A_265 : memref<32x1x128xf32, #tpu.memory_space<vmem>> -> memref<32x128xf32, #tpu.memory_space<vmem>>
    %dma_start3A_267 = arith.constant 0 : i32
    %dma_start3A_268 = tpu.memref_slice %arg2[%dma_start3A_261, %mul3A_2, %dma_start3A_267] : memref<32x1024x128xf32, #tpu.memory_space<hbm>> -> memref<1x32x128xf32, #tpu.memory_space<hbm>>
    %dma_start3A_269 = tpu.memref_squeeze %dma_start3A_268 : memref<1x32x128xf32, #tpu.memory_space<hbm>> -> memref<32x128xf32, #tpu.memory_space<hbm>>
    %dma_start3A_270 = arith.constant 0 : i32
    %dma_start3A_271 = arith.constant 0 : i32
    %dma_start3A_272 = tpu.memref_slice %arg10[%dma_start3A_270, %dma_start3A_262, %dma_start3A_271] : memref<32x1x512xf32, #tpu.memory_space<vmem>> -> memref<32x1x128xf32, #tpu.memory_space<vmem>>
    %dma_start3A_273 = tpu.memref_squeeze %dma_start3A_272 : memref<32x1x128xf32, #tpu.memory_space<vmem>> -> memref<32x128xf32, #tpu.memory_space<vmem>>
    %dma_start3A_274 = arith.constant 0 : i32
    %dma_start3A_275 = tpu.memref_slice %arg2[%dma_start3A_261, %mul3A_2, %dma_start3A_274] : memref<32x1024x128xf32, #tpu.memory_space<hbm>> -> memref<1x32x128xf32, #tpu.memory_space<hbm>>
    %dma_start3A_276 = tpu.memref_squeeze %dma_start3A_275 : memref<1x32x128xf32, #tpu.memory_space<hbm>> -> memref<32x128xf32, #tpu.memory_space<hbm>>
    tpu.enqueue_dma source(%dma_start3A_276 : memref<32x128xf32, #tpu.memory_space<hbm>>) target(%dma_start3A_273 : memref<32x128xf32, #tpu.memory_space<vmem>>) target_semaphore(%arg16 : memref<!tpu.dma_semaphore, #tpu.memory_space<semaphore_mem>>)
    %dma_wait3A_277 = arith.constant 1 : i32
    %dma_wait3A_278 = arith.constant 0 : i32
    %dma_wait3A_279 = arith.constant 0 : i32
    %dma_wait3A_280 = arith.constant 0 : i32
    %dma_wait3A_281 = tpu.memref_slice %arg6[%dma_wait3A_279, %dma_wait3A_278, %dma_wait3A_280] : memref<32x1x512xf32, #tpu.memory_space<vmem>> -> memref<32x1x128xf32, #tpu.memory_space<vmem>>
    %dma_wait3A_282 = tpu.memref_squeeze %dma_wait3A_281 : memref<32x1x128xf32, #tpu.memory_space<vmem>> -> memref<32x128xf32, #tpu.memory_space<vmem>>
    %dma_wait3A_283 = arith.constant 0 : i32
    %dma_wait3A_284 = tpu.memref_slice %arg2[%dma_wait3A_277, %mul3A_2, %dma_wait3A_283] : memref<32x1024x128xf32, #tpu.memory_space<hbm>> -> memref<1x32x128xf32, #tpu.memory_space<hbm>>
    %dma_wait3A_285 = tpu.memref_squeeze %dma_wait3A_284 : memref<1x32x128xf32, #tpu.memory_space<hbm>> -> memref<32x128xf32, #tpu.memory_space<hbm>>
    %dma_wait3A_286 = arith.constant 0 : i32
    %dma_wait3A_287 = arith.constant 0 : i32
    %dma_wait3A_288 = tpu.memref_slice %arg6[%dma_wait3A_286, %dma_wait3A_278, %dma_wait3A_287] : memref<32x1x512xf32, #tpu.memory_space<vmem>> -> memref<32x1x128xf32, #tpu.memory_space<vmem>>
    %dma_wait3A_289 = tpu.memref_squeeze %dma_wait3A_288 : memref<32x1x128xf32, #tpu.memory_space<vmem>> -> memref<32x128xf32, #tpu.memory_space<vmem>>
    %dma_wait3A_290 = arith.constant 0 : i32
    %dma_wait3A_291 = tpu.memref_slice %arg2[%dma_wait3A_277, %mul3A_2, %dma_wait3A_290] : memref<32x1024x128xf32, #tpu.memory_space<hbm>> -> memref<1x32x128xf32, #tpu.memory_space<hbm>>
    %dma_wait3A_292 = tpu.memref_squeeze %dma_wait3A_291 : memref<1x32x128xf32, #tpu.memory_space<hbm>> -> memref<32x128xf32, #tpu.memory_space<hbm>>
    tpu.wait_dma2 semaphore(%arg12 : memref<!tpu.dma_semaphore, #tpu.memory_space<semaphore_mem>>) src(%dma_wait3A_292 : memref<32x128xf32, #tpu.memory_space<hbm>>) dst(%dma_wait3A_289 : memref<32x128xf32, #tpu.memory_space<vmem>>)
    %add3A_293 = arith.constant 1024 : i32
    %add3A_294 = arith.addi %add3A_293, %mul3A_2 : i32
    %dma_start3A_295 = arith.constant 0 : i32
    %dma_start3A_296 = arith.constant 0 : i32
    %dma_start3A_297 = tpu.memref_slice %arg4[%add3A_294, %dma_start3A_295, %dma_start3A_296] : memref<32768x1x512xf32, #tpu.memory_space<hbm>> -> memref<32x1x512xf32, #tpu.memory_space<hbm>>
    %dma_start3A_298 = arith.constant 0 : i32
    %dma_start3A_299 = arith.constant 0 : i32
    %dma_start3A_300 = tpu.memref_slice %arg4[%add3A_294, %dma_start3A_298, %dma_start3A_299] : memref<32768x1x512xf32, #tpu.memory_space<hbm>> -> memref<32x1x512xf32, #tpu.memory_space<hbm>>
    tpu.enqueue_dma source(%arg6 : memref<32x1x512xf32, #tpu.memory_space<vmem>>) target(%dma_start3A_300 : memref<32x1x512xf32, #tpu.memory_space<hbm>>) target_semaphore(%arg18 : memref<!tpu.dma_semaphore, #tpu.memory_space<semaphore_mem>>)
    %add3A_301 = arith.constant 0 : i32
    %add3A_302 = arith.addi %add3A_301, %mul3A_2 : i32
    %dma_wait3A_303 = arith.constant 0 : i32
    %dma_wait3A_304 = arith.constant 0 : i32
    %dma_wait3A_305 = tpu.memref_slice %arg4[%add3A_302, %dma_wait3A_303, %dma_wait3A_304] : memref<32768x1x512xf32, #tpu.memory_space<hbm>> -> memref<32x1x512xf32, #tpu.memory_space<hbm>>
    %dma_wait3A_306 = arith.constant 0 : i32
    %dma_wait3A_307 = arith.constant 0 : i32
    %dma_wait3A_308 = tpu.memref_slice %arg4[%add3A_302, %dma_wait3A_306, %dma_wait3A_307] : memref<32768x1x512xf32, #tpu.memory_space<hbm>> -> memref<32x1x512xf32, #tpu.memory_space<hbm>>
    tpu.wait_dma2 semaphore(%arg17 : memref<!tpu.dma_semaphore, #tpu.memory_space<semaphore_mem>>) src(%arg5 : memref<32x1x512xf32, #tpu.memory_space<vmem>>) dst(%dma_wait3A_308 : memref<32x1x512xf32, #tpu.memory_space<hbm>>)
    %dma_start3A_309 = arith.constant 6 : i32
    %dma_start3A_310 = arith.constant 0 : i32
    %dma_start3A_311 = arith.constant 0 : i32
    %dma_start3A_312 = arith.constant 0 : i32
    %dma_start3A_313 = tpu.memref_slice %arg5[%dma_start3A_311, %dma_start3A_310, %dma_start3A_312] : memref<32x1x512xf32, #tpu.memory_space<vmem>> -> memref<32x1x128xf32, #tpu.memory_space<vmem>>
    %dma_start3A_314 = tpu.memref_squeeze %dma_start3A_313 : memref<32x1x128xf32, #tpu.memory_space<vmem>> -> memref<32x128xf32, #tpu.memory_space<vmem>>
    %dma_start3A_315 = arith.constant 0 : i32
    %dma_start3A_316 = tpu.memref_slice %arg2[%dma_start3A_309, %mul3A_2, %dma_start3A_315] : memref<32x1024x128xf32, #tpu.memory_space<hbm>> -> memref<1x32x128xf32, #tpu.memory_space<hbm>>
    %dma_start3A_317 = tpu.memref_squeeze %dma_start3A_316 : memref<1x32x128xf32, #tpu.memory_space<hbm>> -> memref<32x128xf32, #tpu.memory_space<hbm>>
    %dma_start3A_318 = arith.constant 0 : i32
    %dma_start3A_319 = arith.constant 0 : i32
    %dma_start3A_320 = tpu.memref_slice %arg5[%dma_start3A_318, %dma_start3A_310, %dma_start3A_319] : memref<32x1x512xf32, #tpu.memory_space<vmem>> -> memref<32x1x128xf32, #tpu.memory_space<vmem>>
    %dma_start3A_321 = tpu.memref_squeeze %dma_start3A_320 : memref<32x1x128xf32, #tpu.memory_space<vmem>> -> memref<32x128xf32, #tpu.memory_space<vmem>>
    %dma_start3A_322 = arith.constant 0 : i32
    %dma_start3A_323 = tpu.memref_slice %arg2[%dma_start3A_309, %mul3A_2, %dma_start3A_322] : memref<32x1024x128xf32, #tpu.memory_space<hbm>> -> memref<1x32x128xf32, #tpu.memory_space<hbm>>
    %dma_start3A_324 = tpu.memref_squeeze %dma_start3A_323 : memref<1x32x128xf32, #tpu.memory_space<hbm>> -> memref<32x128xf32, #tpu.memory_space<hbm>>
    tpu.enqueue_dma source(%dma_start3A_324 : memref<32x128xf32, #tpu.memory_space<hbm>>) target(%dma_start3A_321 : memref<32x128xf32, #tpu.memory_space<vmem>>) target_semaphore(%arg11 : memref<!tpu.dma_semaphore, #tpu.memory_space<semaphore_mem>>)
    %dma_wait3A_325 = arith.constant 2 : i32
    %dma_wait3A_326 = arith.constant 0 : i32
    %dma_wait3A_327 = arith.constant 0 : i32
    %dma_wait3A_328 = arith.constant 0 : i32
    %dma_wait3A_329 = tpu.memref_slice %arg7[%dma_wait3A_327, %dma_wait3A_326, %dma_wait3A_328] : memref<32x1x512xf32, #tpu.memory_space<vmem>> -> memref<32x1x128xf32, #tpu.memory_space<vmem>>
    %dma_wait3A_330 = tpu.memref_squeeze %dma_wait3A_329 : memref<32x1x128xf32, #tpu.memory_space<vmem>> -> memref<32x128xf32, #tpu.memory_space<vmem>>
    %dma_wait3A_331 = arith.constant 0 : i32
    %dma_wait3A_332 = tpu.memref_slice %arg2[%dma_wait3A_325, %mul3A_2, %dma_wait3A_331] : memref<32x1024x128xf32, #tpu.memory_space<hbm>> -> memref<1x32x128xf32, #tpu.memory_space<hbm>>
    %dma_wait3A_333 = tpu.memref_squeeze %dma_wait3A_332 : memref<1x32x128xf32, #tpu.memory_space<hbm>> -> memref<32x128xf32, #tpu.memory_space<hbm>>
    %dma_wait3A_334 = arith.constant 0 : i32
    %dma_wait3A_335 = arith.constant 0 : i32
    %dma_wait3A_336 = tpu.memref_slice %arg7[%dma_wait3A_334, %dma_wait3A_326, %dma_wait3A_335] : memref<32x1x512xf32, #tpu.memory_space<vmem>> -> memref<32x1x128xf32, #tpu.memory_space<vmem>>
    %dma_wait3A_337 = tpu.memref_squeeze %dma_wait3A_336 : memref<32x1x128xf32, #tpu.memory_space<vmem>> -> memref<32x128xf32, #tpu.memory_space<vmem>>
    %dma_wait3A_338 = arith.constant 0 : i32
    %dma_wait3A_339 = tpu.memref_slice %arg2[%dma_wait3A_325, %mul3A_2, %dma_wait3A_338] : memref<32x1024x128xf32, #tpu.memory_space<hbm>> -> memref<1x32x128xf32, #tpu.memory_space<hbm>>
    %dma_wait3A_340 = tpu.memref_squeeze %dma_wait3A_339 : memref<1x32x128xf32, #tpu.memory_space<hbm>> -> memref<32x128xf32, #tpu.memory_space<hbm>>
    tpu.wait_dma2 semaphore(%arg13 : memref<!tpu.dma_semaphore, #tpu.memory_space<semaphore_mem>>) src(%dma_wait3A_340 : memref<32x128xf32, #tpu.memory_space<hbm>>) dst(%dma_wait3A_337 : memref<32x128xf32, #tpu.memory_space<vmem>>)
    %add3A_341 = arith.constant 2048 : i32
    %add3A_342 = arith.addi %add3A_341, %mul3A_2 : i32
    %dma_start3A_343 = arith.constant 0 : i32
    %dma_start3A_344 = arith.constant 0 : i32
    %dma_start3A_345 = tpu.memref_slice %arg4[%add3A_342, %dma_start3A_343, %dma_start3A_344] : memref<32768x1x512xf32, #tpu.memory_space<hbm>> -> memref<32x1x512xf32, #tpu.memory_space<hbm>>
    %dma_start3A_346 = arith.constant 0 : i32
    %dma_start3A_347 = arith.constant 0 : i32
    %dma_start3A_348 = tpu.memref_slice %arg4[%add3A_342, %dma_start3A_346, %dma_start3A_347] : memref<32768x1x512xf32, #tpu.memory_space<hbm>> -> memref<32x1x512xf32, #tpu.memory_space<hbm>>
    tpu.enqueue_dma source(%arg7 : memref<32x1x512xf32, #tpu.memory_space<vmem>>) target(%dma_start3A_348 : memref<32x1x512xf32, #tpu.memory_space<hbm>>) target_semaphore(%arg19 : memref<!tpu.dma_semaphore, #tpu.memory_space<semaphore_mem>>)
    %add3A_349 = arith.constant 1024 : i32
    %add3A_350 = arith.addi %add3A_349, %mul3A_2 : i32
    %dma_wait3A_351 = arith.constant 0 : i32
    %dma_wait3A_352 = arith.constant 0 : i32
    %dma_wait3A_353 = tpu.memref_slice %arg4[%add3A_350, %dma_wait3A_351, %dma_wait3A_352] : memref<32768x1x512xf32, #tpu.memory_space<hbm>> -> memref<32x1x512xf32, #tpu.memory_space<hbm>>
    %dma_wait3A_354 = arith.constant 0 : i32
    %dma_wait3A_355 = arith.constant 0 : i32
    %dma_wait3A_356 = tpu.memref_slice %arg4[%add3A_350, %dma_wait3A_354, %dma_wait3A_355] : memref<32768x1x512xf32, #tpu.memory_space<hbm>> -> memref<32x1x512xf32, #tpu.memory_space<hbm>>
    tpu.wait_dma2 semaphore(%arg18 : memref<!tpu.dma_semaphore, #tpu.memory_space<semaphore_mem>>) src(%arg6 : memref<32x1x512xf32, #tpu.memory_space<vmem>>) dst(%dma_wait3A_356 : memref<32x1x512xf32, #tpu.memory_space<hbm>>)
    %dma_start3A_357 = arith.constant 7 : i32
    %dma_start3A_358 = arith.constant 0 : i32
    %dma_start3A_359 = arith.constant 0 : i32
    %dma_start3A_360 = arith.constant 0 : i32
    %dma_start3A_361 = tpu.memref_slice %arg6[%dma_start3A_359, %dma_start3A_358, %dma_start3A_360] : memref<32x1x512xf32, #tpu.memory_space<vmem>> -> memref<32x1x128xf32, #tpu.memory_space<vmem>>
    %dma_start3A_362 = tpu.memref_squeeze %dma_start3A_361 : memref<32x1x128xf32, #tpu.memory_space<vmem>> -> memref<32x128xf32, #tpu.memory_space<vmem>>
    %dma_start3A_363 = arith.constant 0 : i32
    %dma_start3A_364 = tpu.memref_slice %arg2[%dma_start3A_357, %mul3A_2, %dma_start3A_363] : memref<32x1024x128xf32, #tpu.memory_space<hbm>> -> memref<1x32x128xf32, #tpu.memory_space<hbm>>
    %dma_start3A_365 = tpu.memref_squeeze %dma_start3A_364 : memref<1x32x128xf32, #tpu.memory_space<hbm>> -> memref<32x128xf32, #tpu.memory_space<hbm>>
    %dma_start3A_366 = arith.constant 0 : i32
    %dma_start3A_367 = arith.constant 0 : i32
    %dma_start3A_368 = tpu.memref_slice %arg6[%dma_start3A_366, %dma_start3A_358, %dma_start3A_367] : memref<32x1x512xf32, #tpu.memory_space<vmem>> -> memref<32x1x128xf32, #tpu.memory_space<vmem>>
    %dma_start3A_369 = tpu.memref_squeeze %dma_start3A_368 : memref<32x1x128xf32, #tpu.memory_space<vmem>> -> memref<32x128xf32, #tpu.memory_space<vmem>>
    %dma_start3A_370 = arith.constant 0 : i32
    %dma_start3A_371 = tpu.memref_slice %arg2[%dma_start3A_357, %mul3A_2, %dma_start3A_370] : memref<32x1024x128xf32, #tpu.memory_space<hbm>> -> memref<1x32x128xf32, #tpu.memory_space<hbm>>
    %dma_start3A_372 = tpu.memref_squeeze %dma_start3A_371 : memref<1x32x128xf32, #tpu.memory_space<hbm>> -> memref<32x128xf32, #tpu.memory_space<hbm>>
    tpu.enqueue_dma source(%dma_start3A_372 : memref<32x128xf32, #tpu.memory_space<hbm>>) target(%dma_start3A_369 : memref<32x128xf32, #tpu.memory_space<vmem>>) target_semaphore(%arg12 : memref<!tpu.dma_semaphore, #tpu.memory_space<semaphore_mem>>)
    %dma_wait3A_373 = arith.constant 3 : i32
    %dma_wait3A_374 = arith.constant 0 : i32
    %dma_wait3A_375 = arith.constant 0 : i32
    %dma_wait3A_376 = arith.constant 0 : i32
    %dma_wait3A_377 = tpu.memref_slice %arg8[%dma_wait3A_375, %dma_wait3A_374, %dma_wait3A_376] : memref<32x1x512xf32, #tpu.memory_space<vmem>> -> memref<32x1x128xf32, #tpu.memory_space<vmem>>
    %dma_wait3A_378 = tpu.memref_squeeze %dma_wait3A_377 : memref<32x1x128xf32, #tpu.memory_space<vmem>> -> memref<32x128xf32, #tpu.memory_space<vmem>>
    %dma_wait3A_379 = arith.constant 0 : i32
    %dma_wait3A_380 = tpu.memref_slice %arg2[%dma_wait3A_373, %mul3A_2, %dma_wait3A_379] : memref<32x1024x128xf32, #tpu.memory_space<hbm>> -> memref<1x32x128xf32, #tpu.memory_space<hbm>>
    %dma_wait3A_381 = tpu.memref_squeeze %dma_wait3A_380 : memref<1x32x128xf32, #tpu.memory_space<hbm>> -> memref<32x128xf32, #tpu.memory_space<hbm>>
    %dma_wait3A_382 = arith.constant 0 : i32
    %dma_wait3A_383 = arith.constant 0 : i32
    %dma_wait3A_384 = tpu.memref_slice %arg8[%dma_wait3A_382, %dma_wait3A_374, %dma_wait3A_383] : memref<32x1x512xf32, #tpu.memory_space<vmem>> -> memref<32x1x128xf32, #tpu.memory_space<vmem>>
    %dma_wait3A_385 = tpu.memref_squeeze %dma_wait3A_384 : memref<32x1x128xf32, #tpu.memory_space<vmem>> -> memref<32x128xf32, #tpu.memory_space<vmem>>
    %dma_wait3A_386 = arith.constant 0 : i32
    %dma_wait3A_387 = tpu.memref_slice %arg2[%dma_wait3A_373, %mul3A_2, %dma_wait3A_386] : memref<32x1024x128xf32, #tpu.memory_space<hbm>> -> memref<1x32x128xf32, #tpu.memory_space<hbm>>
    %dma_wait3A_388 = tpu.memref_squeeze %dma_wait3A_387 : memref<1x32x128xf32, #tpu.memory_space<hbm>> -> memref<32x128xf32, #tpu.memory_space<hbm>>
    tpu.wait_dma2 semaphore(%arg14 : memref<!tpu.dma_semaphore, #tpu.memory_space<semaphore_mem>>) src(%dma_wait3A_388 : memref<32x128xf32, #tpu.memory_space<hbm>>) dst(%dma_wait3A_385 : memref<32x128xf32, #tpu.memory_space<vmem>>)
    %add3A_389 = arith.constant 3072 : i32
    %add3A_390 = arith.addi %add3A_389, %mul3A_2 : i32
    %dma_start3A_391 = arith.constant 0 : i32
    %dma_start3A_392 = arith.constant 0 : i32
    %dma_start3A_393 = tpu.memref_slice %arg4[%add3A_390, %dma_start3A_391, %dma_start3A_392] : memref<32768x1x512xf32, #tpu.memory_space<hbm>> -> memref<32x1x512xf32, #tpu.memory_space<hbm>>
    %dma_start3A_394 = arith.constant 0 : i32
    %dma_start3A_395 = arith.constant 0 : i32
    %dma_start3A_396 = tpu.memref_slice %arg4[%add3A_390, %dma_start3A_394, %dma_start3A_395] : memref<32768x1x512xf32, #tpu.memory_space<hbm>> -> memref<32x1x512xf32, #tpu.memory_space<hbm>>
    tpu.enqueue_dma source(%arg8 : memref<32x1x512xf32, #tpu.memory_space<vmem>>) target(%dma_start3A_396 : memref<32x1x512xf32, #tpu.memory_space<hbm>>) target_semaphore(%arg20 : memref<!tpu.dma_semaphore, #tpu.memory_space<semaphore_mem>>)
    %add3A_397 = arith.constant 2048 : i32
    %add3A_398 = arith.addi %add3A_397, %mul3A_2 : i32
    %dma_wait3A_399 = arith.constant 0 : i32
    %dma_wait3A_400 = arith.constant 0 : i32
    %dma_wait3A_401 = tpu.memref_slice %arg4[%add3A_398, %dma_wait3A_399, %dma_wait3A_400] : memref<32768x1x512xf32, #tpu.memory_space<hbm>> -> memref<32x1x512xf32, #tpu.memory_space<hbm>>
    %dma_wait3A_402 = arith.constant 0 : i32
    %dma_wait3A_403 = arith.constant 0 : i32
    %dma_wait3A_404 = tpu.memref_slice %arg4[%add3A_398, %dma_wait3A_402, %dma_wait3A_403] : memref<32768x1x512xf32, #tpu.memory_space<hbm>> -> memref<32x1x512xf32, #tpu.memory_space<hbm>>
    tpu.wait_dma2 semaphore(%arg19 : memref<!tpu.dma_semaphore, #tpu.memory_space<semaphore_mem>>) src(%arg7 : memref<32x1x512xf32, #tpu.memory_space<vmem>>) dst(%dma_wait3A_404 : memref<32x1x512xf32, #tpu.memory_space<hbm>>)
    %dma_start3A_405 = arith.constant 8 : i32
    %dma_start3A_406 = arith.constant 0 : i32
    %dma_start3A_407 = arith.constant 0 : i32
    %dma_start3A_408 = arith.constant 0 : i32
    %dma_start3A_409 = tpu.memref_slice %arg7[%dma_start3A_407, %dma_start3A_406, %dma_start3A_408] : memref<32x1x512xf32, #tpu.memory_space<vmem>> -> memref<32x1x128xf32, #tpu.memory_space<vmem>>
    %dma_start3A_410 = tpu.memref_squeeze %dma_start3A_409 : memref<32x1x128xf32, #tpu.memory_space<vmem>> -> memref<32x128xf32, #tpu.memory_space<vmem>>
    %dma_start3A_411 = arith.constant 0 : i32
    %dma_start3A_412 = tpu.memref_slice %arg2[%dma_start3A_405, %mul3A_2, %dma_start3A_411] : memref<32x1024x128xf32, #tpu.memory_space<hbm>> -> memref<1x32x128xf32, #tpu.memory_space<hbm>>
    %dma_start3A_413 = tpu.memref_squeeze %dma_start3A_412 : memref<1x32x128xf32, #tpu.memory_space<hbm>> -> memref<32x128xf32, #tpu.memory_space<hbm>>
    %dma_start3A_414 = arith.constant 0 : i32
    %dma_start3A_415 = arith.constant 0 : i32
    %dma_start3A_416 = tpu.memref_slice %arg7[%dma_start3A_414, %dma_start3A_406, %dma_start3A_415] : memref<32x1x512xf32, #tpu.memory_space<vmem>> -> memref<32x1x128xf32, #tpu.memory_space<vmem>>
    %dma_start3A_417 = tpu.memref_squeeze %dma_start3A_416 : memref<32x1x128xf32, #tpu.memory_space<vmem>> -> memref<32x128xf32, #tpu.memory_space<vmem>>
    %dma_start3A_418 = arith.constant 0 : i32
    %dma_start3A_419 = tpu.memref_slice %arg2[%dma_start3A_405, %mul3A_2, %dma_start3A_418] : memref<32x1024x128xf32, #tpu.memory_space<hbm>> -> memref<1x32x128xf32, #tpu.memory_space<hbm>>
    %dma_start3A_420 = tpu.memref_squeeze %dma_start3A_419 : memref<1x32x128xf32, #tpu.memory_space<hbm>> -> memref<32x128xf32, #tpu.memory_space<hbm>>
    tpu.enqueue_dma source(%dma_start3A_420 : memref<32x128xf32, #tpu.memory_space<hbm>>) target(%dma_start3A_417 : memref<32x128xf32, #tpu.memory_space<vmem>>) target_semaphore(%arg13 : memref<!tpu.dma_semaphore, #tpu.memory_space<semaphore_mem>>)
    %dma_wait3A_421 = arith.constant 4 : i32
    %dma_wait3A_422 = arith.constant 0 : i32
    %dma_wait3A_423 = arith.constant 0 : i32
    %dma_wait3A_424 = arith.constant 0 : i32
    %dma_wait3A_425 = tpu.memref_slice %arg9[%dma_wait3A_423, %dma_wait3A_422, %dma_wait3A_424] : memref<32x1x512xf32, #tpu.memory_space<vmem>> -> memref<32x1x128xf32, #tpu.memory_space<vmem>>
    %dma_wait3A_426 = tpu.memref_squeeze %dma_wait3A_425 : memref<32x1x128xf32, #tpu.memory_space<vmem>> -> memref<32x128xf32, #tpu.memory_space<vmem>>
    %dma_wait3A_427 = arith.constant 0 : i32
    %dma_wait3A_428 = tpu.memref_slice %arg2[%dma_wait3A_421, %mul3A_2, %dma_wait3A_427] : memref<32x1024x128xf32, #tpu.memory_space<hbm>> -> memref<1x32x128xf32, #tpu.memory_space<hbm>>
    %dma_wait3A_429 = tpu.memref_squeeze %dma_wait3A_428 : memref<1x32x128xf32, #tpu.memory_space<hbm>> -> memref<32x128xf32, #tpu.memory_space<hbm>>
    %dma_wait3A_430 = arith.constant 0 : i32
    %dma_wait3A_431 = arith.constant 0 : i32
    %dma_wait3A_432 = tpu.memref_slice %arg9[%dma_wait3A_430, %dma_wait3A_422, %dma_wait3A_431] : memref<32x1x512xf32, #tpu.memory_space<vmem>> -> memref<32x1x128xf32, #tpu.memory_space<vmem>>
    %dma_wait3A_433 = tpu.memref_squeeze %dma_wait3A_432 : memref<32x1x128xf32, #tpu.memory_space<vmem>> -> memref<32x128xf32, #tpu.memory_space<vmem>>
    %dma_wait3A_434 = arith.constant 0 : i32
    %dma_wait3A_435 = tpu.memref_slice %arg2[%dma_wait3A_421, %mul3A_2, %dma_wait3A_434] : memref<32x1024x128xf32, #tpu.memory_space<hbm>> -> memref<1x32x128xf32, #tpu.memory_space<hbm>>
    %dma_wait3A_436 = tpu.memref_squeeze %dma_wait3A_435 : memref<1x32x128xf32, #tpu.memory_space<hbm>> -> memref<32x128xf32, #tpu.memory_space<hbm>>
    tpu.wait_dma2 semaphore(%arg15 : memref<!tpu.dma_semaphore, #tpu.memory_space<semaphore_mem>>) src(%dma_wait3A_436 : memref<32x128xf32, #tpu.memory_space<hbm>>) dst(%dma_wait3A_433 : memref<32x128xf32, #tpu.memory_space<vmem>>)
    %add3A_437 = arith.constant 4096 : i32
    %add3A_438 = arith.addi %add3A_437, %mul3A_2 : i32
    %dma_start3A_439 = arith.constant 0 : i32
    %dma_start3A_440 = arith.constant 0 : i32
    %dma_start3A_441 = tpu.memref_slice %arg4[%add3A_438, %dma_start3A_439, %dma_start3A_440] : memref<32768x1x512xf32, #tpu.memory_space<hbm>> -> memref<32x1x512xf32, #tpu.memory_space<hbm>>
    %dma_start3A_442 = arith.constant 0 : i32
    %dma_start3A_443 = arith.constant 0 : i32
    %dma_start3A_444 = tpu.memref_slice %arg4[%add3A_438, %dma_start3A_442, %dma_start3A_443] : memref<32768x1x512xf32, #tpu.memory_space<hbm>> -> memref<32x1x512xf32, #tpu.memory_space<hbm>>
    tpu.enqueue_dma source(%arg9 : memref<32x1x512xf32, #tpu.memory_space<vmem>>) target(%dma_start3A_444 : memref<32x1x512xf32, #tpu.memory_space<hbm>>) target_semaphore(%arg21 : memref<!tpu.dma_semaphore, #tpu.memory_space<semaphore_mem>>)
    %add3A_445 = arith.constant 3072 : i32
    %add3A_446 = arith.addi %add3A_445, %mul3A_2 : i32
    %dma_wait3A_447 = arith.constant 0 : i32
    %dma_wait3A_448 = arith.constant 0 : i32
    %dma_wait3A_449 = tpu.memref_slice %arg4[%add3A_446, %dma_wait3A_447, %dma_wait3A_448] : memref<32768x1x512xf32, #tpu.memory_space<hbm>> -> memref<32x1x512xf32, #tpu.memory_space<hbm>>
    %dma_wait3A_450 = arith.constant 0 : i32
    %dma_wait3A_451 = arith.constant 0 : i32
    %dma_wait3A_452 = tpu.memref_slice %arg4[%add3A_446, %dma_wait3A_450, %dma_wait3A_451] : memref<32768x1x512xf32, #tpu.memory_space<hbm>> -> memref<32x1x512xf32, #tpu.memory_space<hbm>>
    tpu.wait_dma2 semaphore(%arg20 : memref<!tpu.dma_semaphore, #tpu.memory_space<semaphore_mem>>) src(%arg8 : memref<32x1x512xf32, #tpu.memory_space<vmem>>) dst(%dma_wait3A_452 : memref<32x1x512xf32, #tpu.memory_space<hbm>>)
    %dma_start3A_453 = arith.constant 9 : i32
    %dma_start3A_454 = arith.constant 0 : i32
    %dma_start3A_455 = arith.constant 0 : i32
    %dma_start3A_456 = arith.constant 0 : i32
    %dma_start3A_457 = tpu.memref_slice %arg8[%dma_start3A_455, %dma_start3A_454, %dma_start3A_456] : memref<32x1x512xf32, #tpu.memory_space<vmem>> -> memref<32x1x128xf32, #tpu.memory_space<vmem>>
    %dma_start3A_458 = tpu.memref_squeeze %dma_start3A_457 : memref<32x1x128xf32, #tpu.memory_space<vmem>> -> memref<32x128xf32, #tpu.memory_space<vmem>>
    %dma_start3A_459 = arith.constant 0 : i32
    %dma_start3A_460 = tpu.memref_slice %arg2[%dma_start3A_453, %mul3A_2, %dma_start3A_459] : memref<32x1024x128xf32, #tpu.memory_space<hbm>> -> memref<1x32x128xf32, #tpu.memory_space<hbm>>
    %dma_start3A_461 = tpu.memref_squeeze %dma_start3A_460 : memref<1x32x128xf32, #tpu.memory_space<hbm>> -> memref<32x128xf32, #tpu.memory_space<hbm>>
    %dma_start3A_462 = arith.constant 0 : i32
    %dma_start3A_463 = arith.constant 0 : i32
    %dma_start3A_464 = tpu.memref_slice %arg8[%dma_start3A_462, %dma_start3A_454, %dma_start3A_463] : memref<32x1x512xf32, #tpu.memory_space<vmem>> -> memref<32x1x128xf32, #tpu.memory_space<vmem>>
    %dma_start3A_465 = tpu.memref_squeeze %dma_start3A_464 : memref<32x1x128xf32, #tpu.memory_space<vmem>> -> memref<32x128xf32, #tpu.memory_space<vmem>>
    %dma_start3A_466 = arith.constant 0 : i32
    %dma_start3A_467 = tpu.memref_slice %arg2[%dma_start3A_453, %mul3A_2, %dma_start3A_466] : memref<32x1024x128xf32, #tpu.memory_space<hbm>> -> memref<1x32x128xf32, #tpu.memory_space<hbm>>
    %dma_start3A_468 = tpu.memref_squeeze %dma_start3A_467 : memref<1x32x128xf32, #tpu.memory_space<hbm>> -> memref<32x128xf32, #tpu.memory_space<hbm>>
    tpu.enqueue_dma source(%dma_start3A_468 : memref<32x128xf32, #tpu.memory_space<hbm>>) target(%dma_start3A_465 : memref<32x128xf32, #tpu.memory_space<vmem>>) target_semaphore(%arg14 : memref<!tpu.dma_semaphore, #tpu.memory_space<semaphore_mem>>)
    %dma_wait3A_469 = arith.constant 5 : i32
    %dma_wait3A_470 = arith.constant 0 : i32
    %dma_wait3A_471 = arith.constant 0 : i32
    %dma_wait3A_472 = arith.constant 0 : i32
    %dma_wait3A_473 = tpu.memref_slice %arg10[%dma_wait3A_471, %dma_wait3A_470, %dma_wait3A_472] : memref<32x1x512xf32, #tpu.memory_space<vmem>> -> memref<32x1x128xf32, #tpu.memory_space<vmem>>
    %dma_wait3A_474 = tpu.memref_squeeze %dma_wait3A_473 : memref<32x1x128xf32, #tpu.memory_space<vmem>> -> memref<32x128xf32, #tpu.memory_space<vmem>>
    %dma_wait3A_475 = arith.constant 0 : i32
    %dma_wait3A_476 = tpu.memref_slice %arg2[%dma_wait3A_469, %mul3A_2, %dma_wait3A_475] : memref<32x1024x128xf32, #tpu.memory_space<hbm>> -> memref<1x32x128xf32, #tpu.memory_space<hbm>>
    %dma_wait3A_477 = tpu.memref_squeeze %dma_wait3A_476 : memref<1x32x128xf32, #tpu.memory_space<hbm>> -> memref<32x128xf32, #tpu.memory_space<hbm>>
    %dma_wait3A_478 = arith.constant 0 : i32
    %dma_wait3A_479 = arith.constant 0 : i32
    %dma_wait3A_480 = tpu.memref_slice %arg10[%dma_wait3A_478, %dma_wait3A_470, %dma_wait3A_479] : memref<32x1x512xf32, #tpu.memory_space<vmem>> -> memref<32x1x128xf32, #tpu.memory_space<vmem>>
    %dma_wait3A_481 = tpu.memref_squeeze %dma_wait3A_480 : memref<32x1x128xf32, #tpu.memory_space<vmem>> -> memref<32x128xf32, #tpu.memory_space<vmem>>
    %dma_wait3A_482 = arith.constant 0 : i32
    %dma_wait3A_483 = tpu.memref_slice %arg2[%dma_wait3A_469, %mul3A_2, %dma_wait3A_482] : memref<32x1024x128xf32, #tpu.memory_space<hbm>> -> memref<1x32x128xf32, #tpu.memory_space<hbm>>
    %dma_wait3A_484 = tpu.memref_squeeze %dma_wait3A_483 : memref<1x32x128xf32, #tpu.memory_space<hbm>> -> memref<32x128xf32, #tpu.memory_space<hbm>>
    tpu.wait_dma2 semaphore(%arg16 : memref<!tpu.dma_semaphore, #tpu.memory_space<semaphore_mem>>) src(%dma_wait3A_484 : memref<32x128xf32, #tpu.memory_space<hbm>>) dst(%dma_wait3A_481 : memref<32x128xf32, #tpu.memory_space<vmem>>)
    %add3A_485 = arith.constant 5120 : i32
    %add3A_486 = arith.addi %add3A_485, %mul3A_2 : i32
    %dma_start3A_487 = arith.constant 0 : i32
    %dma_start3A_488 = arith.constant 0 : i32
    %dma_start3A_489 = tpu.memref_slice %arg4[%add3A_486, %dma_start3A_487, %dma_start3A_488] : memref<32768x1x512xf32, #tpu.memory_space<hbm>> -> memref<32x1x512xf32, #tpu.memory_space<hbm>>
    %dma_start3A_490 = arith.constant 0 : i32
    %dma_start3A_491 = arith.constant 0 : i32
    %dma_start3A_492 = tpu.memref_slice %arg4[%add3A_486, %dma_start3A_490, %dma_start3A_491] : memref<32768x1x512xf32, #tpu.memory_space<hbm>> -> memref<32x1x512xf32, #tpu.memory_space<hbm>>
    tpu.enqueue_dma source(%arg10 : memref<32x1x512xf32, #tpu.memory_space<vmem>>) target(%dma_start3A_492 : memref<32x1x512xf32, #tpu.memory_space<hbm>>) target_semaphore(%arg22 : memref<!tpu.dma_semaphore, #tpu.memory_space<semaphore_mem>>)
    %add3A_493 = arith.constant 4096 : i32
    %add3A_494 = arith.addi %add3A_493, %mul3A_2 : i32
    %dma_wait3A_495 = arith.constant 0 : i32
    %dma_wait3A_496 = arith.constant 0 : i32
    %dma_wait3A_497 = tpu.memref_slice %arg4[%add3A_494, %dma_wait3A_495, %dma_wait3A_496] : memref<32768x1x512xf32, #tpu.memory_space<hbm>> -> memref<32x1x512xf32, #tpu.memory_space<hbm>>
    %dma_wait3A_498 = arith.constant 0 : i32
    %dma_wait3A_499 = arith.constant 0 : i32
    %dma_wait3A_500 = tpu.memref_slice %arg4[%add3A_494, %dma_wait3A_498, %dma_wait3A_499] : memref<32768x1x512xf32, #tpu.memory_space<hbm>> -> memref<32x1x512xf32, #tpu.memory_space<hbm>>
    tpu.wait_dma2 semaphore(%arg21 : memref<!tpu.dma_semaphore, #tpu.memory_space<semaphore_mem>>) src(%arg9 : memref<32x1x512xf32, #tpu.memory_space<vmem>>) dst(%dma_wait3A_500 : memref<32x1x512xf32, #tpu.memory_space<hbm>>)
    %dma_start3A_501 = arith.constant 10 : i32
    %dma_start3A_502 = arith.constant 0 : i32
    %dma_start3A_503 = arith.constant 0 : i32
    %dma_start3A_504 = arith.constant 0 : i32
    %dma_start3A_505 = tpu.memref_slice %arg9[%dma_start3A_503, %dma_start3A_502, %dma_start3A_504] : memref<32x1x512xf32, #tpu.memory_space<vmem>> -> memref<32x1x128xf32, #tpu.memory_space<vmem>>
    %dma_start3A_506 = tpu.memref_squeeze %dma_start3A_505 : memref<32x1x128xf32, #tpu.memory_space<vmem>> -> memref<32x128xf32, #tpu.memory_space<vmem>>
    %dma_start3A_507 = arith.constant 0 : i32
    %dma_start3A_508 = tpu.memref_slice %arg2[%dma_start3A_501, %mul3A_2, %dma_start3A_507] : memref<32x1024x128xf32, #tpu.memory_space<hbm>> -> memref<1x32x128xf32, #tpu.memory_space<hbm>>
    %dma_start3A_509 = tpu.memref_squeeze %dma_start3A_508 : memref<1x32x128xf32, #tpu.memory_space<hbm>> -> memref<32x128xf32, #tpu.memory_space<hbm>>
    %dma_start3A_510 = arith.constant 0 : i32
    %dma_start3A_511 = arith.constant 0 : i32
    %dma_start3A_512 = tpu.memref_slice %arg9[%dma_start3A_510, %dma_start3A_502, %dma_start3A_511] : memref<32x1x512xf32, #tpu.memory_space<vmem>> -> memref<32x1x128xf32, #tpu.memory_space<vmem>>
    %dma_start3A_513 = tpu.memref_squeeze %dma_start3A_512 : memref<32x1x128xf32, #tpu.memory_space<vmem>> -> memref<32x128xf32, #tpu.memory_space<vmem>>
    %dma_start3A_514 = arith.constant 0 : i32
    %dma_start3A_515 = tpu.memref_slice %arg2[%dma_start3A_501, %mul3A_2, %dma_start3A_514] : memref<32x1024x128xf32, #tpu.memory_space<hbm>> -> memref<1x32x128xf32, #tpu.memory_space<hbm>>
    %dma_start3A_516 = tpu.memref_squeeze %dma_start3A_515 : memref<1x32x128xf32, #tpu.memory_space<hbm>> -> memref<32x128xf32, #tpu.memory_space<hbm>>
    tpu.enqueue_dma source(%dma_start3A_516 : memref<32x128xf32, #tpu.memory_space<hbm>>) target(%dma_start3A_513 : memref<32x128xf32, #tpu.memory_space<vmem>>) target_semaphore(%arg15 : memref<!tpu.dma_semaphore, #tpu.memory_space<semaphore_mem>>)
    %dma_wait3A_517 = arith.constant 6 : i32
    %dma_wait3A_518 = arith.constant 0 : i32
    %dma_wait3A_519 = arith.constant 0 : i32
    %dma_wait3A_520 = arith.constant 0 : i32
    %dma_wait3A_521 = tpu.memref_slice %arg5[%dma_wait3A_519, %dma_wait3A_518, %dma_wait3A_520] : memref<32x1x512xf32, #tpu.memory_space<vmem>> -> memref<32x1x128xf32, #tpu.memory_space<vmem>>
    %dma_wait3A_522 = tpu.memref_squeeze %dma_wait3A_521 : memref<32x1x128xf32, #tpu.memory_space<vmem>> -> memref<32x128xf32, #tpu.memory_space<vmem>>
    %dma_wait3A_523 = arith.constant 0 : i32
    %dma_wait3A_524 = tpu.memref_slice %arg2[%dma_wait3A_517, %mul3A_2, %dma_wait3A_523] : memref<32x1024x128xf32, #tpu.memory_space<hbm>> -> memref<1x32x128xf32, #tpu.memory_space<hbm>>
    %dma_wait3A_525 = tpu.memref_squeeze %dma_wait3A_524 : memref<1x32x128xf32, #tpu.memory_space<hbm>> -> memref<32x128xf32, #tpu.memory_space<hbm>>
    %dma_wait3A_526 = arith.constant 0 : i32
    %dma_wait3A_527 = arith.constant 0 : i32
    %dma_wait3A_528 = tpu.memref_slice %arg5[%dma_wait3A_526, %dma_wait3A_518, %dma_wait3A_527] : memref<32x1x512xf32, #tpu.memory_space<vmem>> -> memref<32x1x128xf32, #tpu.memory_space<vmem>>
    %dma_wait3A_529 = tpu.memref_squeeze %dma_wait3A_528 : memref<32x1x128xf32, #tpu.memory_space<vmem>> -> memref<32x128xf32, #tpu.memory_space<vmem>>
    %dma_wait3A_530 = arith.constant 0 : i32
    %dma_wait3A_531 = tpu.memref_slice %arg2[%dma_wait3A_517, %mul3A_2, %dma_wait3A_530] : memref<32x1024x128xf32, #tpu.memory_space<hbm>> -> memref<1x32x128xf32, #tpu.memory_space<hbm>>
    %dma_wait3A_532 = tpu.memref_squeeze %dma_wait3A_531 : memref<1x32x128xf32, #tpu.memory_space<hbm>> -> memref<32x128xf32, #tpu.memory_space<hbm>>
    tpu.wait_dma2 semaphore(%arg11 : memref<!tpu.dma_semaphore, #tpu.memory_space<semaphore_mem>>) src(%dma_wait3A_532 : memref<32x128xf32, #tpu.memory_space<hbm>>) dst(%dma_wait3A_529 : memref<32x128xf32, #tpu.memory_space<vmem>>)
    %add3A_533 = arith.constant 6144 : i32
    %add3A_534 = arith.addi %add3A_533, %mul3A_2 : i32
    %dma_start3A_535 = arith.constant 0 : i32
    %dma_start3A_536 = arith.constant 0 : i32
    %dma_start3A_537 = tpu.memref_slice %arg4[%add3A_534, %dma_start3A_535, %dma_start3A_536] : memref<32768x1x512xf32, #tpu.memory_space<hbm>> -> memref<32x1x512xf32, #tpu.memory_space<hbm>>
    %dma_start3A_538 = arith.constant 0 : i32
    %dma_start3A_539 = arith.constant 0 : i32
    %dma_start3A_540 = tpu.memref_slice %arg4[%add3A_534, %dma_start3A_538, %dma_start3A_539] : memref<32768x1x512xf32, #tpu.memory_space<hbm>> -> memref<32x1x512xf32, #tpu.memory_space<hbm>>
    tpu.enqueue_dma source(%arg5 : memref<32x1x512xf32, #tpu.memory_space<vmem>>) target(%dma_start3A_540 : memref<32x1x512xf32, #tpu.memory_space<hbm>>) target_semaphore(%arg17 : memref<!tpu.dma_semaphore, #tpu.memory_space<semaphore_mem>>)
    %add3A_541 = arith.constant 5120 : i32
    %add3A_542 = arith.addi %add3A_541, %mul3A_2 : i32
    %dma_wait3A_543 = arith.constant 0 : i32
    %dma_wait3A_544 = arith.constant 0 : i32
    %dma_wait3A_545 = tpu.memref_slice %arg4[%add3A_542, %dma_wait3A_543, %dma_wait3A_544] : memref<32768x1x512xf32, #tpu.memory_space<hbm>> -> memref<32x1x512xf32, #tpu.memory_space<hbm>>
    %dma_wait3A_546 = arith.constant 0 : i32
    %dma_wait3A_547 = arith.constant 0 : i32
    %dma_wait3A_548 = tpu.memref_slice %arg4[%add3A_542, %dma_wait3A_546, %dma_wait3A_547] : memref<32768x1x512xf32, #tpu.memory_space<hbm>> -> memref<32x1x512xf32, #tpu.memory_space<hbm>>
    tpu.wait_dma2 semaphore(%arg22 : memref<!tpu.dma_semaphore, #tpu.memory_space<semaphore_mem>>) src(%arg10 : memref<32x1x512xf32, #tpu.memory_space<vmem>>) dst(%dma_wait3A_548 : memref<32x1x512xf32, #tpu.memory_space<hbm>>)
    %dma_start3A_549 = arith.constant 11 : i32
    %dma_start3A_550 = arith.constant 0 : i32
    %dma_start3A_551 = arith.constant 0 : i32
    %dma_start3A_552 = arith.constant 0 : i32
    %dma_start3A_553 = tpu.memref_slice %arg10[%dma_start3A_551, %dma_start3A_550, %dma_start3A_552] : memref<32x1x512xf32, #tpu.memory_space<vmem>> -> memref<32x1x128xf32, #tpu.memory_space<vmem>>
    %dma_start3A_554 = tpu.memref_squeeze %dma_start3A_553 : memref<32x1x128xf32, #tpu.memory_space<vmem>> -> memref<32x128xf32, #tpu.memory_space<vmem>>
    %dma_start3A_555 = arith.constant 0 : i32
    %dma_start3A_556 = tpu.memref_slice %arg2[%dma_start3A_549, %mul3A_2, %dma_start3A_555] : memref<32x1024x128xf32, #tpu.memory_space<hbm>> -> memref<1x32x128xf32, #tpu.memory_space<hbm>>
    %dma_start3A_557 = tpu.memref_squeeze %dma_start3A_556 : memref<1x32x128xf32, #tpu.memory_space<hbm>> -> memref<32x128xf32, #tpu.memory_space<hbm>>
    %dma_start3A_558 = arith.constant 0 : i32
    %dma_start3A_559 = arith.constant 0 : i32
    %dma_start3A_560 = tpu.memref_slice %arg10[%dma_start3A_558, %dma_start3A_550, %dma_start3A_559] : memref<32x1x512xf32, #tpu.memory_space<vmem>> -> memref<32x1x128xf32, #tpu.memory_space<vmem>>
    %dma_start3A_561 = tpu.memref_squeeze %dma_start3A_560 : memref<32x1x128xf32, #tpu.memory_space<vmem>> -> memref<32x128xf32, #tpu.memory_space<vmem>>
    %dma_start3A_562 = arith.constant 0 : i32
    %dma_start3A_563 = tpu.memref_slice %arg2[%dma_start3A_549, %mul3A_2, %dma_start3A_562] : memref<32x1024x128xf32, #tpu.memory_space<hbm>> -> memref<1x32x128xf32, #tpu.memory_space<hbm>>
    %dma_start3A_564 = tpu.memref_squeeze %dma_start3A_563 : memref<1x32x128xf32, #tpu.memory_space<hbm>> -> memref<32x128xf32, #tpu.memory_space<hbm>>
    tpu.enqueue_dma source(%dma_start3A_564 : memref<32x128xf32, #tpu.memory_space<hbm>>) target(%dma_start3A_561 : memref<32x128xf32, #tpu.memory_space<vmem>>) target_semaphore(%arg16 : memref<!tpu.dma_semaphore, #tpu.memory_space<semaphore_mem>>)
    %dma_wait3A_565 = arith.constant 7 : i32
    %dma_wait3A_566 = arith.constant 0 : i32
    %dma_wait3A_567 = arith.constant 0 : i32
    %dma_wait3A_568 = arith.constant 0 : i32
    %dma_wait3A_569 = tpu.memref_slice %arg6[%dma_wait3A_567, %dma_wait3A_566, %dma_wait3A_568] : memref<32x1x512xf32, #tpu.memory_space<vmem>> -> memref<32x1x128xf32, #tpu.memory_space<vmem>>
    %dma_wait3A_570 = tpu.memref_squeeze %dma_wait3A_569 : memref<32x1x128xf32, #tpu.memory_space<vmem>> -> memref<32x128xf32, #tpu.memory_space<vmem>>
    %dma_wait3A_571 = arith.constant 0 : i32
    %dma_wait3A_572 = tpu.memref_slice %arg2[%dma_wait3A_565, %mul3A_2, %dma_wait3A_571] : memref<32x1024x128xf32, #tpu.memory_space<hbm>> -> memref<1x32x128xf32, #tpu.memory_space<hbm>>
    %dma_wait3A_573 = tpu.memref_squeeze %dma_wait3A_572 : memref<1x32x128xf32, #tpu.memory_space<hbm>> -> memref<32x128xf32, #tpu.memory_space<hbm>>
    %dma_wait3A_574 = arith.constant 0 : i32
    %dma_wait3A_575 = arith.constant 0 : i32
    %dma_wait3A_576 = tpu.memref_slice %arg6[%dma_wait3A_574, %dma_wait3A_566, %dma_wait3A_575] : memref<32x1x512xf32, #tpu.memory_space<vmem>> -> memref<32x1x128xf32, #tpu.memory_space<vmem>>
    %dma_wait3A_577 = tpu.memref_squeeze %dma_wait3A_576 : memref<32x1x128xf32, #tpu.memory_space<vmem>> -> memref<32x128xf32, #tpu.memory_space<vmem>>
    %dma_wait3A_578 = arith.constant 0 : i32
    %dma_wait3A_579 = tpu.memref_slice %arg2[%dma_wait3A_565, %mul3A_2, %dma_wait3A_578] : memref<32x1024x128xf32, #tpu.memory_space<hbm>> -> memref<1x32x128xf32, #tpu.memory_space<hbm>>
    %dma_wait3A_580 = tpu.memref_squeeze %dma_wait3A_579 : memref<1x32x128xf32, #tpu.memory_space<hbm>> -> memref<32x128xf32, #tpu.memory_space<hbm>>
    tpu.wait_dma2 semaphore(%arg12 : memref<!tpu.dma_semaphore, #tpu.memory_space<semaphore_mem>>) src(%dma_wait3A_580 : memref<32x128xf32, #tpu.memory_space<hbm>>) dst(%dma_wait3A_577 : memref<32x128xf32, #tpu.memory_space<vmem>>)
    %add3A_581 = arith.constant 7168 : i32
    %add3A_582 = arith.addi %add3A_581, %mul3A_2 : i32
    %dma_start3A_583 = arith.constant 0 : i32
    %dma_start3A_584 = arith.constant 0 : i32
    %dma_start3A_585 = tpu.memref_slice %arg4[%add3A_582, %dma_start3A_583, %dma_start3A_584] : memref<32768x1x512xf32, #tpu.memory_space<hbm>> -> memref<32x1x512xf32, #tpu.memory_space<hbm>>
    %dma_start3A_586 = arith.constant 0 : i32
    %dma_start3A_587 = arith.constant 0 : i32
    %dma_start3A_588 = tpu.memref_slice %arg4[%add3A_582, %dma_start3A_586, %dma_start3A_587] : memref<32768x1x512xf32, #tpu.memory_space<hbm>> -> memref<32x1x512xf32, #tpu.memory_space<hbm>>
    tpu.enqueue_dma source(%arg6 : memref<32x1x512xf32, #tpu.memory_space<vmem>>) target(%dma_start3A_588 : memref<32x1x512xf32, #tpu.memory_space<hbm>>) target_semaphore(%arg18 : memref<!tpu.dma_semaphore, #tpu.memory_space<semaphore_mem>>)
    %add3A_589 = arith.constant 6144 : i32
    %add3A_590 = arith.addi %add3A_589, %mul3A_2 : i32
    %dma_wait3A_591 = arith.constant 0 : i32
    %dma_wait3A_592 = arith.constant 0 : i32
    %dma_wait3A_593 = tpu.memref_slice %arg4[%add3A_590, %dma_wait3A_591, %dma_wait3A_592] : memref<32768x1x512xf32, #tpu.memory_space<hbm>> -> memref<32x1x512xf32, #tpu.memory_space<hbm>>
    %dma_wait3A_594 = arith.constant 0 : i32
    %dma_wait3A_595 = arith.constant 0 : i32
    %dma_wait3A_596 = tpu.memref_slice %arg4[%add3A_590, %dma_wait3A_594, %dma_wait3A_595] : memref<32768x1x512xf32, #tpu.memory_space<hbm>> -> memref<32x1x512xf32, #tpu.memory_space<hbm>>
    tpu.wait_dma2 semaphore(%arg17 : memref<!tpu.dma_semaphore, #tpu.memory_space<semaphore_mem>>) src(%arg5 : memref<32x1x512xf32, #tpu.memory_space<vmem>>) dst(%dma_wait3A_596 : memref<32x1x512xf32, #tpu.memory_space<hbm>>)
    %dma_start3A_597 = arith.constant 12 : i32
    %dma_start3A_598 = arith.constant 0 : i32
    %dma_start3A_599 = arith.constant 0 : i32
    %dma_start3A_600 = arith.constant 0 : i32
    %dma_start3A_601 = tpu.memref_slice %arg5[%dma_start3A_599, %dma_start3A_598, %dma_start3A_600] : memref<32x1x512xf32, #tpu.memory_space<vmem>> -> memref<32x1x128xf32, #tpu.memory_space<vmem>>
    %dma_start3A_602 = tpu.memref_squeeze %dma_start3A_601 : memref<32x1x128xf32, #tpu.memory_space<vmem>> -> memref<32x128xf32, #tpu.memory_space<vmem>>
    %dma_start3A_603 = arith.constant 0 : i32
    %dma_start3A_604 = tpu.memref_slice %arg2[%dma_start3A_597, %mul3A_2, %dma_start3A_603] : memref<32x1024x128xf32, #tpu.memory_space<hbm>> -> memref<1x32x128xf32, #tpu.memory_space<hbm>>
    %dma_start3A_605 = tpu.memref_squeeze %dma_start3A_604 : memref<1x32x128xf32, #tpu.memory_space<hbm>> -> memref<32x128xf32, #tpu.memory_space<hbm>>
    %dma_start3A_606 = arith.constant 0 : i32
    %dma_start3A_607 = arith.constant 0 : i32
    %dma_start3A_608 = tpu.memref_slice %arg5[%dma_start3A_606, %dma_start3A_598, %dma_start3A_607] : memref<32x1x512xf32, #tpu.memory_space<vmem>> -> memref<32x1x128xf32, #tpu.memory_space<vmem>>
    %dma_start3A_609 = tpu.memref_squeeze %dma_start3A_608 : memref<32x1x128xf32, #tpu.memory_space<vmem>> -> memref<32x128xf32, #tpu.memory_space<vmem>>
    %dma_start3A_610 = arith.constant 0 : i32
    %dma_start3A_611 = tpu.memref_slice %arg2[%dma_start3A_597, %mul3A_2, %dma_start3A_610] : memref<32x1024x128xf32, #tpu.memory_space<hbm>> -> memref<1x32x128xf32, #tpu.memory_space<hbm>>
    %dma_start3A_612 = tpu.memref_squeeze %dma_start3A_611 : memref<1x32x128xf32, #tpu.memory_space<hbm>> -> memref<32x128xf32, #tpu.memory_space<hbm>>
    tpu.enqueue_dma source(%dma_start3A_612 : memref<32x128xf32, #tpu.memory_space<hbm>>) target(%dma_start3A_609 : memref<32x128xf32, #tpu.memory_space<vmem>>) target_semaphore(%arg11 : memref<!tpu.dma_semaphore, #tpu.memory_space<semaphore_mem>>)
    %dma_wait3A_613 = arith.constant 8 : i32
    %dma_wait3A_614 = arith.constant 0 : i32
    %dma_wait3A_615 = arith.constant 0 : i32
    %dma_wait3A_616 = arith.constant 0 : i32
    %dma_wait3A_617 = tpu.memref_slice %arg7[%dma_wait3A_615, %dma_wait3A_614, %dma_wait3A_616] : memref<32x1x512xf32, #tpu.memory_space<vmem>> -> memref<32x1x128xf32, #tpu.memory_space<vmem>>
    %dma_wait3A_618 = tpu.memref_squeeze %dma_wait3A_617 : memref<32x1x128xf32, #tpu.memory_space<vmem>> -> memref<32x128xf32, #tpu.memory_space<vmem>>
    %dma_wait3A_619 = arith.constant 0 : i32
    %dma_wait3A_620 = tpu.memref_slice %arg2[%dma_wait3A_613, %mul3A_2, %dma_wait3A_619] : memref<32x1024x128xf32, #tpu.memory_space<hbm>> -> memref<1x32x128xf32, #tpu.memory_space<hbm>>
    %dma_wait3A_621 = tpu.memref_squeeze %dma_wait3A_620 : memref<1x32x128xf32, #tpu.memory_space<hbm>> -> memref<32x128xf32, #tpu.memory_space<hbm>>
    %dma_wait3A_622 = arith.constant 0 : i32
    %dma_wait3A_623 = arith.constant 0 : i32
    %dma_wait3A_624 = tpu.memref_slice %arg7[%dma_wait3A_622, %dma_wait3A_614, %dma_wait3A_623] : memref<32x1x512xf32, #tpu.memory_space<vmem>> -> memref<32x1x128xf32, #tpu.memory_space<vmem>>
    %dma_wait3A_625 = tpu.memref_squeeze %dma_wait3A_624 : memref<32x1x128xf32, #tpu.memory_space<vmem>> -> memref<32x128xf32, #tpu.memory_space<vmem>>
    %dma_wait3A_626 = arith.constant 0 : i32
    %dma_wait3A_627 = tpu.memref_slice %arg2[%dma_wait3A_613, %mul3A_2, %dma_wait3A_626] : memref<32x1024x128xf32, #tpu.memory_space<hbm>> -> memref<1x32x128xf32, #tpu.memory_space<hbm>>
    %dma_wait3A_628 = tpu.memref_squeeze %dma_wait3A_627 : memref<1x32x128xf32, #tpu.memory_space<hbm>> -> memref<32x128xf32, #tpu.memory_space<hbm>>
    tpu.wait_dma2 semaphore(%arg13 : memref<!tpu.dma_semaphore, #tpu.memory_space<semaphore_mem>>) src(%dma_wait3A_628 : memref<32x128xf32, #tpu.memory_space<hbm>>) dst(%dma_wait3A_625 : memref<32x128xf32, #tpu.memory_space<vmem>>)
    %add3A_629 = arith.constant 8192 : i32
    %add3A_630 = arith.addi %add3A_629, %mul3A_2 : i32
    %dma_start3A_631 = arith.constant 0 : i32
    %dma_start3A_632 = arith.constant 0 : i32
    %dma_start3A_633 = tpu.memref_slice %arg4[%add3A_630, %dma_start3A_631, %dma_start3A_632] : memref<32768x1x512xf32, #tpu.memory_space<hbm>> -> memref<32x1x512xf32, #tpu.memory_space<hbm>>
    %dma_start3A_634 = arith.constant 0 : i32
    %dma_start3A_635 = arith.constant 0 : i32
    %dma_start3A_636 = tpu.memref_slice %arg4[%add3A_630, %dma_start3A_634, %dma_start3A_635] : memref<32768x1x512xf32, #tpu.memory_space<hbm>> -> memref<32x1x512xf32, #tpu.memory_space<hbm>>
    tpu.enqueue_dma source(%arg7 : memref<32x1x512xf32, #tpu.memory_space<vmem>>) target(%dma_start3A_636 : memref<32x1x512xf32, #tpu.memory_space<hbm>>) target_semaphore(%arg19 : memref<!tpu.dma_semaphore, #tpu.memory_space<semaphore_mem>>)
    %add3A_637 = arith.constant 7168 : i32
    %add3A_638 = arith.addi %add3A_637, %mul3A_2 : i32
    %dma_wait3A_639 = arith.constant 0 : i32
    %dma_wait3A_640 = arith.constant 0 : i32
    %dma_wait3A_641 = tpu.memref_slice %arg4[%add3A_638, %dma_wait3A_639, %dma_wait3A_640] : memref<32768x1x512xf32, #tpu.memory_space<hbm>> -> memref<32x1x512xf32, #tpu.memory_space<hbm>>
    %dma_wait3A_642 = arith.constant 0 : i32
    %dma_wait3A_643 = arith.constant 0 : i32
    %dma_wait3A_644 = tpu.memref_slice %arg4[%add3A_638, %dma_wait3A_642, %dma_wait3A_643] : memref<32768x1x512xf32, #tpu.memory_space<hbm>> -> memref<32x1x512xf32, #tpu.memory_space<hbm>>
    tpu.wait_dma2 semaphore(%arg18 : memref<!tpu.dma_semaphore, #tpu.memory_space<semaphore_mem>>) src(%arg6 : memref<32x1x512xf32, #tpu.memory_space<vmem>>) dst(%dma_wait3A_644 : memref<32x1x512xf32, #tpu.memory_space<hbm>>)
    %dma_start3A_645 = arith.constant 13 : i32
    %dma_start3A_646 = arith.constant 0 : i32
    %dma_start3A_647 = arith.constant 0 : i32
    %dma_start3A_648 = arith.constant 0 : i32
    %dma_start3A_649 = tpu.memref_slice %arg6[%dma_start3A_647, %dma_start3A_646, %dma_start3A_648] : memref<32x1x512xf32, #tpu.memory_space<vmem>> -> memref<32x1x128xf32, #tpu.memory_space<vmem>>
    %dma_start3A_650 = tpu.memref_squeeze %dma_start3A_649 : memref<32x1x128xf32, #tpu.memory_space<vmem>> -> memref<32x128xf32, #tpu.memory_space<vmem>>
    %dma_start3A_651 = arith.constant 0 : i32
    %dma_start3A_652 = tpu.memref_slice %arg2[%dma_start3A_645, %mul3A_2, %dma_start3A_651] : memref<32x1024x128xf32, #tpu.memory_space<hbm>> -> memref<1x32x128xf32, #tpu.memory_space<hbm>>
    %dma_start3A_653 = tpu.memref_squeeze %dma_start3A_652 : memref<1x32x128xf32, #tpu.memory_space<hbm>> -> memref<32x128xf32, #tpu.memory_space<hbm>>
    %dma_start3A_654 = arith.constant 0 : i32
    %dma_start3A_655 = arith.constant 0 : i32
    %dma_start3A_656 = tpu.memref_slice %arg6[%dma_start3A_654, %dma_start3A_646, %dma_start3A_655] : memref<32x1x512xf32, #tpu.memory_space<vmem>> -> memref<32x1x128xf32, #tpu.memory_space<vmem>>
    %dma_start3A_657 = tpu.memref_squeeze %dma_start3A_656 : memref<32x1x128xf32, #tpu.memory_space<vmem>> -> memref<32x128xf32, #tpu.memory_space<vmem>>
    %dma_start3A_658 = arith.constant 0 : i32
    %dma_start3A_659 = tpu.memref_slice %arg2[%dma_start3A_645, %mul3A_2, %dma_start3A_658] : memref<32x1024x128xf32, #tpu.memory_space<hbm>> -> memref<1x32x128xf32, #tpu.memory_space<hbm>>
    %dma_start3A_660 = tpu.memref_squeeze %dma_start3A_659 : memref<1x32x128xf32, #tpu.memory_space<hbm>> -> memref<32x128xf32, #tpu.memory_space<hbm>>
    tpu.enqueue_dma source(%dma_start3A_660 : memref<32x128xf32, #tpu.memory_space<hbm>>) target(%dma_start3A_657 : memref<32x128xf32, #tpu.memory_space<vmem>>) target_semaphore(%arg12 : memref<!tpu.dma_semaphore, #tpu.memory_space<semaphore_mem>>)
    %dma_wait3A_661 = arith.constant 9 : i32
    %dma_wait3A_662 = arith.constant 0 : i32
    %dma_wait3A_663 = arith.constant 0 : i32
    %dma_wait3A_664 = arith.constant 0 : i32
    %dma_wait3A_665 = tpu.memref_slice %arg8[%dma_wait3A_663, %dma_wait3A_662, %dma_wait3A_664] : memref<32x1x512xf32, #tpu.memory_space<vmem>> -> memref<32x1x128xf32, #tpu.memory_space<vmem>>
    %dma_wait3A_666 = tpu.memref_squeeze %dma_wait3A_665 : memref<32x1x128xf32, #tpu.memory_space<vmem>> -> memref<32x128xf32, #tpu.memory_space<vmem>>
    %dma_wait3A_667 = arith.constant 0 : i32
    %dma_wait3A_668 = tpu.memref_slice %arg2[%dma_wait3A_661, %mul3A_2, %dma_wait3A_667] : memref<32x1024x128xf32, #tpu.memory_space<hbm>> -> memref<1x32x128xf32, #tpu.memory_space<hbm>>
    %dma_wait3A_669 = tpu.memref_squeeze %dma_wait3A_668 : memref<1x32x128xf32, #tpu.memory_space<hbm>> -> memref<32x128xf32, #tpu.memory_space<hbm>>
    %dma_wait3A_670 = arith.constant 0 : i32
    %dma_wait3A_671 = arith.constant 0 : i32
    %dma_wait3A_672 = tpu.memref_slice %arg8[%dma_wait3A_670, %dma_wait3A_662, %dma_wait3A_671] : memref<32x1x512xf32, #tpu.memory_space<vmem>> -> memref<32x1x128xf32, #tpu.memory_space<vmem>>
    %dma_wait3A_673 = tpu.memref_squeeze %dma_wait3A_672 : memref<32x1x128xf32, #tpu.memory_space<vmem>> -> memref<32x128xf32, #tpu.memory_space<vmem>>
    %dma_wait3A_674 = arith.constant 0 : i32
    %dma_wait3A_675 = tpu.memref_slice %arg2[%dma_wait3A_661, %mul3A_2, %dma_wait3A_674] : memref<32x1024x128xf32, #tpu.memory_space<hbm>> -> memref<1x32x128xf32, #tpu.memory_space<hbm>>
    %dma_wait3A_676 = tpu.memref_squeeze %dma_wait3A_675 : memref<1x32x128xf32, #tpu.memory_space<hbm>> -> memref<32x128xf32, #tpu.memory_space<hbm>>
    tpu.wait_dma2 semaphore(%arg14 : memref<!tpu.dma_semaphore, #tpu.memory_space<semaphore_mem>>) src(%dma_wait3A_676 : memref<32x128xf32, #tpu.memory_space<hbm>>) dst(%dma_wait3A_673 : memref<32x128xf32, #tpu.memory_space<vmem>>)
    %add3A_677 = arith.constant 9216 : i32
    %add3A_678 = arith.addi %add3A_677, %mul3A_2 : i32
    %dma_start3A_679 = arith.constant 0 : i32
    %dma_start3A_680 = arith.constant 0 : i32
    %dma_start3A_681 = tpu.memref_slice %arg4[%add3A_678, %dma_start3A_679, %dma_start3A_680] : memref<32768x1x512xf32, #tpu.memory_space<hbm>> -> memref<32x1x512xf32, #tpu.memory_space<hbm>>
    %dma_start3A_682 = arith.constant 0 : i32
    %dma_start3A_683 = arith.constant 0 : i32
    %dma_start3A_684 = tpu.memref_slice %arg4[%add3A_678, %dma_start3A_682, %dma_start3A_683] : memref<32768x1x512xf32, #tpu.memory_space<hbm>> -> memref<32x1x512xf32, #tpu.memory_space<hbm>>
    tpu.enqueue_dma source(%arg8 : memref<32x1x512xf32, #tpu.memory_space<vmem>>) target(%dma_start3A_684 : memref<32x1x512xf32, #tpu.memory_space<hbm>>) target_semaphore(%arg20 : memref<!tpu.dma_semaphore, #tpu.memory_space<semaphore_mem>>)
    %add3A_685 = arith.constant 8192 : i32
    %add3A_686 = arith.addi %add3A_685, %mul3A_2 : i32
    %dma_wait3A_687 = arith.constant 0 : i32
    %dma_wait3A_688 = arith.constant 0 : i32
    %dma_wait3A_689 = tpu.memref_slice %arg4[%add3A_686, %dma_wait3A_687, %dma_wait3A_688] : memref<32768x1x512xf32, #tpu.memory_space<hbm>> -> memref<32x1x512xf32, #tpu.memory_space<hbm>>
    %dma_wait3A_690 = arith.constant 0 : i32
    %dma_wait3A_691 = arith.constant 0 : i32
    %dma_wait3A_692 = tpu.memref_slice %arg4[%add3A_686, %dma_wait3A_690, %dma_wait3A_691] : memref<32768x1x512xf32, #tpu.memory_space<hbm>> -> memref<32x1x512xf32, #tpu.memory_space<hbm>>
    tpu.wait_dma2 semaphore(%arg19 : memref<!tpu.dma_semaphore, #tpu.memory_space<semaphore_mem>>) src(%arg7 : memref<32x1x512xf32, #tpu.memory_space<vmem>>) dst(%dma_wait3A_692 : memref<32x1x512xf32, #tpu.memory_space<hbm>>)
    %dma_start3A_693 = arith.constant 14 : i32
    %dma_start3A_694 = arith.constant 0 : i32
    %dma_start3A_695 = arith.constant 0 : i32
    %dma_start3A_696 = arith.constant 0 : i32
    %dma_start3A_697 = tpu.memref_slice %arg7[%dma_start3A_695, %dma_start3A_694, %dma_start3A_696] : memref<32x1x512xf32, #tpu.memory_space<vmem>> -> memref<32x1x128xf32, #tpu.memory_space<vmem>>
    %dma_start3A_698 = tpu.memref_squeeze %dma_start3A_697 : memref<32x1x128xf32, #tpu.memory_space<vmem>> -> memref<32x128xf32, #tpu.memory_space<vmem>>
    %dma_start3A_699 = arith.constant 0 : i32
    %dma_start3A_700 = tpu.memref_slice %arg2[%dma_start3A_693, %mul3A_2, %dma_start3A_699] : memref<32x1024x128xf32, #tpu.memory_space<hbm>> -> memref<1x32x128xf32, #tpu.memory_space<hbm>>
    %dma_start3A_701 = tpu.memref_squeeze %dma_start3A_700 : memref<1x32x128xf32, #tpu.memory_space<hbm>> -> memref<32x128xf32, #tpu.memory_space<hbm>>
    %dma_start3A_702 = arith.constant 0 : i32
    %dma_start3A_703 = arith.constant 0 : i32
    %dma_start3A_704 = tpu.memref_slice %arg7[%dma_start3A_702, %dma_start3A_694, %dma_start3A_703] : memref<32x1x512xf32, #tpu.memory_space<vmem>> -> memref<32x1x128xf32, #tpu.memory_space<vmem>>
    %dma_start3A_705 = tpu.memref_squeeze %dma_start3A_704 : memref<32x1x128xf32, #tpu.memory_space<vmem>> -> memref<32x128xf32, #tpu.memory_space<vmem>>
    %dma_start3A_706 = arith.constant 0 : i32
    %dma_start3A_707 = tpu.memref_slice %arg2[%dma_start3A_693, %mul3A_2, %dma_start3A_706] : memref<32x1024x128xf32, #tpu.memory_space<hbm>> -> memref<1x32x128xf32, #tpu.memory_space<hbm>>
    %dma_start3A_708 = tpu.memref_squeeze %dma_start3A_707 : memref<1x32x128xf32, #tpu.memory_space<hbm>> -> memref<32x128xf32, #tpu.memory_space<hbm>>
    tpu.enqueue_dma source(%dma_start3A_708 : memref<32x128xf32, #tpu.memory_space<hbm>>) target(%dma_start3A_705 : memref<32x128xf32, #tpu.memory_space<vmem>>) target_semaphore(%arg13 : memref<!tpu.dma_semaphore, #tpu.memory_space<semaphore_mem>>)
    %dma_wait3A_709 = arith.constant 10 : i32
    %dma_wait3A_710 = arith.constant 0 : i32
    %dma_wait3A_711 = arith.constant 0 : i32
    %dma_wait3A_712 = arith.constant 0 : i32
    %dma_wait3A_713 = tpu.memref_slice %arg9[%dma_wait3A_711, %dma_wait3A_710, %dma_wait3A_712] : memref<32x1x512xf32, #tpu.memory_space<vmem>> -> memref<32x1x128xf32, #tpu.memory_space<vmem>>
    %dma_wait3A_714 = tpu.memref_squeeze %dma_wait3A_713 : memref<32x1x128xf32, #tpu.memory_space<vmem>> -> memref<32x128xf32, #tpu.memory_space<vmem>>
    %dma_wait3A_715 = arith.constant 0 : i32
    %dma_wait3A_716 = tpu.memref_slice %arg2[%dma_wait3A_709, %mul3A_2, %dma_wait3A_715] : memref<32x1024x128xf32, #tpu.memory_space<hbm>> -> memref<1x32x128xf32, #tpu.memory_space<hbm>>
    %dma_wait3A_717 = tpu.memref_squeeze %dma_wait3A_716 : memref<1x32x128xf32, #tpu.memory_space<hbm>> -> memref<32x128xf32, #tpu.memory_space<hbm>>
    %dma_wait3A_718 = arith.constant 0 : i32
    %dma_wait3A_719 = arith.constant 0 : i32
    %dma_wait3A_720 = tpu.memref_slice %arg9[%dma_wait3A_718, %dma_wait3A_710, %dma_wait3A_719] : memref<32x1x512xf32, #tpu.memory_space<vmem>> -> memref<32x1x128xf32, #tpu.memory_space<vmem>>
    %dma_wait3A_721 = tpu.memref_squeeze %dma_wait3A_720 : memref<32x1x128xf32, #tpu.memory_space<vmem>> -> memref<32x128xf32, #tpu.memory_space<vmem>>
    %dma_wait3A_722 = arith.constant 0 : i32
    %dma_wait3A_723 = tpu.memref_slice %arg2[%dma_wait3A_709, %mul3A_2, %dma_wait3A_722] : memref<32x1024x128xf32, #tpu.memory_space<hbm>> -> memref<1x32x128xf32, #tpu.memory_space<hbm>>
    %dma_wait3A_724 = tpu.memref_squeeze %dma_wait3A_723 : memref<1x32x128xf32, #tpu.memory_space<hbm>> -> memref<32x128xf32, #tpu.memory_space<hbm>>
    tpu.wait_dma2 semaphore(%arg15 : memref<!tpu.dma_semaphore, #tpu.memory_space<semaphore_mem>>) src(%dma_wait3A_724 : memref<32x128xf32, #tpu.memory_space<hbm>>) dst(%dma_wait3A_721 : memref<32x128xf32, #tpu.memory_space<vmem>>)
    %add3A_725 = arith.constant 10240 : i32
    %add3A_726 = arith.addi %add3A_725, %mul3A_2 : i32
    %dma_start3A_727 = arith.constant 0 : i32
    %dma_start3A_728 = arith.constant 0 : i32
    %dma_start3A_729 = tpu.memref_slice %arg4[%add3A_726, %dma_start3A_727, %dma_start3A_728] : memref<32768x1x512xf32, #tpu.memory_space<hbm>> -> memref<32x1x512xf32, #tpu.memory_space<hbm>>
    %dma_start3A_730 = arith.constant 0 : i32
    %dma_start3A_731 = arith.constant 0 : i32
    %dma_start3A_732 = tpu.memref_slice %arg4[%add3A_726, %dma_start3A_730, %dma_start3A_731] : memref<32768x1x512xf32, #tpu.memory_space<hbm>> -> memref<32x1x512xf32, #tpu.memory_space<hbm>>
    tpu.enqueue_dma source(%arg9 : memref<32x1x512xf32, #tpu.memory_space<vmem>>) target(%dma_start3A_732 : memref<32x1x512xf32, #tpu.memory_space<hbm>>) target_semaphore(%arg21 : memref<!tpu.dma_semaphore, #tpu.memory_space<semaphore_mem>>)
    %add3A_733 = arith.constant 9216 : i32
    %add3A_734 = arith.addi %add3A_733, %mul3A_2 : i32
    %dma_wait3A_735 = arith.constant 0 : i32
    %dma_wait3A_736 = arith.constant 0 : i32
    %dma_wait3A_737 = tpu.memref_slice %arg4[%add3A_734, %dma_wait3A_735, %dma_wait3A_736] : memref<32768x1x512xf32, #tpu.memory_space<hbm>> -> memref<32x1x512xf32, #tpu.memory_space<hbm>>
    %dma_wait3A_738 = arith.constant 0 : i32
    %dma_wait3A_739 = arith.constant 0 : i32
    %dma_wait3A_740 = tpu.memref_slice %arg4[%add3A_734, %dma_wait3A_738, %dma_wait3A_739] : memref<32768x1x512xf32, #tpu.memory_space<hbm>> -> memref<32x1x512xf32, #tpu.memory_space<hbm>>
    tpu.wait_dma2 semaphore(%arg20 : memref<!tpu.dma_semaphore, #tpu.memory_space<semaphore_mem>>) src(%arg8 : memref<32x1x512xf32, #tpu.memory_space<vmem>>) dst(%dma_wait3A_740 : memref<32x1x512xf32, #tpu.memory_space<hbm>>)
    %dma_start3A_741 = arith.constant 15 : i32
    %dma_start3A_742 = arith.constant 0 : i32
    %dma_start3A_743 = arith.constant 0 : i32
    %dma_start3A_744 = arith.constant 0 : i32
    %dma_start3A_745 = tpu.memref_slice %arg8[%dma_start3A_743, %dma_start3A_742, %dma_start3A_744] : memref<32x1x512xf32, #tpu.memory_space<vmem>> -> memref<32x1x128xf32, #tpu.memory_space<vmem>>
    %dma_start3A_746 = tpu.memref_squeeze %dma_start3A_745 : memref<32x1x128xf32, #tpu.memory_space<vmem>> -> memref<32x128xf32, #tpu.memory_space<vmem>>
    %dma_start3A_747 = arith.constant 0 : i32
    %dma_start3A_748 = tpu.memref_slice %arg2[%dma_start3A_741, %mul3A_2, %dma_start3A_747] : memref<32x1024x128xf32, #tpu.memory_space<hbm>> -> memref<1x32x128xf32, #tpu.memory_space<hbm>>
    %dma_start3A_749 = tpu.memref_squeeze %dma_start3A_748 : memref<1x32x128xf32, #tpu.memory_space<hbm>> -> memref<32x128xf32, #tpu.memory_space<hbm>>
    %dma_start3A_750 = arith.constant 0 : i32
    %dma_start3A_751 = arith.constant 0 : i32
    %dma_start3A_752 = tpu.memref_slice %arg8[%dma_start3A_750, %dma_start3A_742, %dma_start3A_751] : memref<32x1x512xf32, #tpu.memory_space<vmem>> -> memref<32x1x128xf32, #tpu.memory_space<vmem>>
    %dma_start3A_753 = tpu.memref_squeeze %dma_start3A_752 : memref<32x1x128xf32, #tpu.memory_space<vmem>> -> memref<32x128xf32, #tpu.memory_space<vmem>>
    %dma_start3A_754 = arith.constant 0 : i32
    %dma_start3A_755 = tpu.memref_slice %arg2[%dma_start3A_741, %mul3A_2, %dma_start3A_754] : memref<32x1024x128xf32, #tpu.memory_space<hbm>> -> memref<1x32x128xf32, #tpu.memory_space<hbm>>
    %dma_start3A_756 = tpu.memref_squeeze %dma_start3A_755 : memref<1x32x128xf32, #tpu.memory_space<hbm>> -> memref<32x128xf32, #tpu.memory_space<hbm>>
    tpu.enqueue_dma source(%dma_start3A_756 : memref<32x128xf32, #tpu.memory_space<hbm>>) target(%dma_start3A_753 : memref<32x128xf32, #tpu.memory_space<vmem>>) target_semaphore(%arg14 : memref<!tpu.dma_semaphore, #tpu.memory_space<semaphore_mem>>)
    %dma_wait3A_757 = arith.constant 11 : i32
    %dma_wait3A_758 = arith.constant 0 : i32
    %dma_wait3A_759 = arith.constant 0 : i32
    %dma_wait3A_760 = arith.constant 0 : i32
    %dma_wait3A_761 = tpu.memref_slice %arg10[%dma_wait3A_759, %dma_wait3A_758, %dma_wait3A_760] : memref<32x1x512xf32, #tpu.memory_space<vmem>> -> memref<32x1x128xf32, #tpu.memory_space<vmem>>
    %dma_wait3A_762 = tpu.memref_squeeze %dma_wait3A_761 : memref<32x1x128xf32, #tpu.memory_space<vmem>> -> memref<32x128xf32, #tpu.memory_space<vmem>>
    %dma_wait3A_763 = arith.constant 0 : i32
    %dma_wait3A_764 = tpu.memref_slice %arg2[%dma_wait3A_757, %mul3A_2, %dma_wait3A_763] : memref<32x1024x128xf32, #tpu.memory_space<hbm>> -> memref<1x32x128xf32, #tpu.memory_space<hbm>>
    %dma_wait3A_765 = tpu.memref_squeeze %dma_wait3A_764 : memref<1x32x128xf32, #tpu.memory_space<hbm>> -> memref<32x128xf32, #tpu.memory_space<hbm>>
    %dma_wait3A_766 = arith.constant 0 : i32
    %dma_wait3A_767 = arith.constant 0 : i32
    %dma_wait3A_768 = tpu.memref_slice %arg10[%dma_wait3A_766, %dma_wait3A_758, %dma_wait3A_767] : memref<32x1x512xf32, #tpu.memory_space<vmem>> -> memref<32x1x128xf32, #tpu.memory_space<vmem>>
    %dma_wait3A_769 = tpu.memref_squeeze %dma_wait3A_768 : memref<32x1x128xf32, #tpu.memory_space<vmem>> -> memref<32x128xf32, #tpu.memory_space<vmem>>
    %dma_wait3A_770 = arith.constant 0 : i32
    %dma_wait3A_771 = tpu.memref_slice %arg2[%dma_wait3A_757, %mul3A_2, %dma_wait3A_770] : memref<32x1024x128xf32, #tpu.memory_space<hbm>> -> memref<1x32x128xf32, #tpu.memory_space<hbm>>
    %dma_wait3A_772 = tpu.memref_squeeze %dma_wait3A_771 : memref<1x32x128xf32, #tpu.memory_space<hbm>> -> memref<32x128xf32, #tpu.memory_space<hbm>>
    tpu.wait_dma2 semaphore(%arg16 : memref<!tpu.dma_semaphore, #tpu.memory_space<semaphore_mem>>) src(%dma_wait3A_772 : memref<32x128xf32, #tpu.memory_space<hbm>>) dst(%dma_wait3A_769 : memref<32x128xf32, #tpu.memory_space<vmem>>)
    %add3A_773 = arith.constant 11264 : i32
    %add3A_774 = arith.addi %add3A_773, %mul3A_2 : i32
    %dma_start3A_775 = arith.constant 0 : i32
    %dma_start3A_776 = arith.constant 0 : i32
    %dma_start3A_777 = tpu.memref_slice %arg4[%add3A_774, %dma_start3A_775, %dma_start3A_776] : memref<32768x1x512xf32, #tpu.memory_space<hbm>> -> memref<32x1x512xf32, #tpu.memory_space<hbm>>
    %dma_start3A_778 = arith.constant 0 : i32
    %dma_start3A_779 = arith.constant 0 : i32
    %dma_start3A_780 = tpu.memref_slice %arg4[%add3A_774, %dma_start3A_778, %dma_start3A_779] : memref<32768x1x512xf32, #tpu.memory_space<hbm>> -> memref<32x1x512xf32, #tpu.memory_space<hbm>>
    tpu.enqueue_dma source(%arg10 : memref<32x1x512xf32, #tpu.memory_space<vmem>>) target(%dma_start3A_780 : memref<32x1x512xf32, #tpu.memory_space<hbm>>) target_semaphore(%arg22 : memref<!tpu.dma_semaphore, #tpu.memory_space<semaphore_mem>>)
    %add3A_781 = arith.constant 10240 : i32
    %add3A_782 = arith.addi %add3A_781, %mul3A_2 : i32
    %dma_wait3A_783 = arith.constant 0 : i32
    %dma_wait3A_784 = arith.constant 0 : i32
    %dma_wait3A_785 = tpu.memref_slice %arg4[%add3A_782, %dma_wait3A_783, %dma_wait3A_784] : memref<32768x1x512xf32, #tpu.memory_space<hbm>> -> memref<32x1x512xf32, #tpu.memory_space<hbm>>
    %dma_wait3A_786 = arith.constant 0 : i32
    %dma_wait3A_787 = arith.constant 0 : i32
    %dma_wait3A_788 = tpu.memref_slice %arg4[%add3A_782, %dma_wait3A_786, %dma_wait3A_787] : memref<32768x1x512xf32, #tpu.memory_space<hbm>> -> memref<32x1x512xf32, #tpu.memory_space<hbm>>
    tpu.wait_dma2 semaphore(%arg21 : memref<!tpu.dma_semaphore, #tpu.memory_space<semaphore_mem>>) src(%arg9 : memref<32x1x512xf32, #tpu.memory_space<vmem>>) dst(%dma_wait3A_788 : memref<32x1x512xf32, #tpu.memory_space<hbm>>)
    %dma_start3A_789 = arith.constant 16 : i32
    %dma_start3A_790 = arith.constant 0 : i32
    %dma_start3A_791 = arith.constant 0 : i32
    %dma_start3A_792 = arith.constant 0 : i32
    %dma_start3A_793 = tpu.memref_slice %arg9[%dma_start3A_791, %dma_start3A_790, %dma_start3A_792] : memref<32x1x512xf32, #tpu.memory_space<vmem>> -> memref<32x1x128xf32, #tpu.memory_space<vmem>>
    %dma_start3A_794 = tpu.memref_squeeze %dma_start3A_793 : memref<32x1x128xf32, #tpu.memory_space<vmem>> -> memref<32x128xf32, #tpu.memory_space<vmem>>
    %dma_start3A_795 = arith.constant 0 : i32
    %dma_start3A_796 = tpu.memref_slice %arg2[%dma_start3A_789, %mul3A_2, %dma_start3A_795] : memref<32x1024x128xf32, #tpu.memory_space<hbm>> -> memref<1x32x128xf32, #tpu.memory_space<hbm>>
    %dma_start3A_797 = tpu.memref_squeeze %dma_start3A_796 : memref<1x32x128xf32, #tpu.memory_space<hbm>> -> memref<32x128xf32, #tpu.memory_space<hbm>>
    %dma_start3A_798 = arith.constant 0 : i32
    %dma_start3A_799 = arith.constant 0 : i32
    %dma_start3A_800 = tpu.memref_slice %arg9[%dma_start3A_798, %dma_start3A_790, %dma_start3A_799] : memref<32x1x512xf32, #tpu.memory_space<vmem>> -> memref<32x1x128xf32, #tpu.memory_space<vmem>>
    %dma_start3A_801 = tpu.memref_squeeze %dma_start3A_800 : memref<32x1x128xf32, #tpu.memory_space<vmem>> -> memref<32x128xf32, #tpu.memory_space<vmem>>
    %dma_start3A_802 = arith.constant 0 : i32
    %dma_start3A_803 = tpu.memref_slice %arg2[%dma_start3A_789, %mul3A_2, %dma_start3A_802] : memref<32x1024x128xf32, #tpu.memory_space<hbm>> -> memref<1x32x128xf32, #tpu.memory_space<hbm>>
    %dma_start3A_804 = tpu.memref_squeeze %dma_start3A_803 : memref<1x32x128xf32, #tpu.memory_space<hbm>> -> memref<32x128xf32, #tpu.memory_space<hbm>>
    tpu.enqueue_dma source(%dma_start3A_804 : memref<32x128xf32, #tpu.memory_space<hbm>>) target(%dma_start3A_801 : memref<32x128xf32, #tpu.memory_space<vmem>>) target_semaphore(%arg15 : memref<!tpu.dma_semaphore, #tpu.memory_space<semaphore_mem>>)
    %dma_wait3A_805 = arith.constant 12 : i32
    %dma_wait3A_806 = arith.constant 0 : i32
    %dma_wait3A_807 = arith.constant 0 : i32
    %dma_wait3A_808 = arith.constant 0 : i32
    %dma_wait3A_809 = tpu.memref_slice %arg5[%dma_wait3A_807, %dma_wait3A_806, %dma_wait3A_808] : memref<32x1x512xf32, #tpu.memory_space<vmem>> -> memref<32x1x128xf32, #tpu.memory_space<vmem>>
    %dma_wait3A_810 = tpu.memref_squeeze %dma_wait3A_809 : memref<32x1x128xf32, #tpu.memory_space<vmem>> -> memref<32x128xf32, #tpu.memory_space<vmem>>
    %dma_wait3A_811 = arith.constant 0 : i32
    %dma_wait3A_812 = tpu.memref_slice %arg2[%dma_wait3A_805, %mul3A_2, %dma_wait3A_811] : memref<32x1024x128xf32, #tpu.memory_space<hbm>> -> memref<1x32x128xf32, #tpu.memory_space<hbm>>
    %dma_wait3A_813 = tpu.memref_squeeze %dma_wait3A_812 : memref<1x32x128xf32, #tpu.memory_space<hbm>> -> memref<32x128xf32, #tpu.memory_space<hbm>>
    %dma_wait3A_814 = arith.constant 0 : i32
    %dma_wait3A_815 = arith.constant 0 : i32
    %dma_wait3A_816 = tpu.memref_slice %arg5[%dma_wait3A_814, %dma_wait3A_806, %dma_wait3A_815] : memref<32x1x512xf32, #tpu.memory_space<vmem>> -> memref<32x1x128xf32, #tpu.memory_space<vmem>>
    %dma_wait3A_817 = tpu.memref_squeeze %dma_wait3A_816 : memref<32x1x128xf32, #tpu.memory_space<vmem>> -> memref<32x128xf32, #tpu.memory_space<vmem>>
    %dma_wait3A_818 = arith.constant 0 : i32
    %dma_wait3A_819 = tpu.memref_slice %arg2[%dma_wait3A_805, %mul3A_2, %dma_wait3A_818] : memref<32x1024x128xf32, #tpu.memory_space<hbm>> -> memref<1x32x128xf32, #tpu.memory_space<hbm>>
    %dma_wait3A_820 = tpu.memref_squeeze %dma_wait3A_819 : memref<1x32x128xf32, #tpu.memory_space<hbm>> -> memref<32x128xf32, #tpu.memory_space<hbm>>
    tpu.wait_dma2 semaphore(%arg11 : memref<!tpu.dma_semaphore, #tpu.memory_space<semaphore_mem>>) src(%dma_wait3A_820 : memref<32x128xf32, #tpu.memory_space<hbm>>) dst(%dma_wait3A_817 : memref<32x128xf32, #tpu.memory_space<vmem>>)
    %add3A_821 = arith.constant 12288 : i32
    %add3A_822 = arith.addi %add3A_821, %mul3A_2 : i32
    %dma_start3A_823 = arith.constant 0 : i32
    %dma_start3A_824 = arith.constant 0 : i32
    %dma_start3A_825 = tpu.memref_slice %arg4[%add3A_822, %dma_start3A_823, %dma_start3A_824] : memref<32768x1x512xf32, #tpu.memory_space<hbm>> -> memref<32x1x512xf32, #tpu.memory_space<hbm>>
    %dma_start3A_826 = arith.constant 0 : i32
    %dma_start3A_827 = arith.constant 0 : i32
    %dma_start3A_828 = tpu.memref_slice %arg4[%add3A_822, %dma_start3A_826, %dma_start3A_827] : memref<32768x1x512xf32, #tpu.memory_space<hbm>> -> memref<32x1x512xf32, #tpu.memory_space<hbm>>
    tpu.enqueue_dma source(%arg5 : memref<32x1x512xf32, #tpu.memory_space<vmem>>) target(%dma_start3A_828 : memref<32x1x512xf32, #tpu.memory_space<hbm>>) target_semaphore(%arg17 : memref<!tpu.dma_semaphore, #tpu.memory_space<semaphore_mem>>)
    %add3A_829 = arith.constant 11264 : i32
    %add3A_830 = arith.addi %add3A_829, %mul3A_2 : i32
    %dma_wait3A_831 = arith.constant 0 : i32
    %dma_wait3A_832 = arith.constant 0 : i32
    %dma_wait3A_833 = tpu.memref_slice %arg4[%add3A_830, %dma_wait3A_831, %dma_wait3A_832] : memref<32768x1x512xf32, #tpu.memory_space<hbm>> -> memref<32x1x512xf32, #tpu.memory_space<hbm>>
    %dma_wait3A_834 = arith.constant 0 : i32
    %dma_wait3A_835 = arith.constant 0 : i32
    %dma_wait3A_836 = tpu.memref_slice %arg4[%add3A_830, %dma_wait3A_834, %dma_wait3A_835] : memref<32768x1x512xf32, #tpu.memory_space<hbm>> -> memref<32x1x512xf32, #tpu.memory_space<hbm>>
    tpu.wait_dma2 semaphore(%arg22 : memref<!tpu.dma_semaphore, #tpu.memory_space<semaphore_mem>>) src(%arg10 : memref<32x1x512xf32, #tpu.memory_space<vmem>>) dst(%dma_wait3A_836 : memref<32x1x512xf32, #tpu.memory_space<hbm>>)
    %dma_start3A_837 = arith.constant 17 : i32
    %dma_start3A_838 = arith.constant 0 : i32
    %dma_start3A_839 = arith.constant 0 : i32
    %dma_start3A_840 = arith.constant 0 : i32
    %dma_start3A_841 = tpu.memref_slice %arg10[%dma_start3A_839, %dma_start3A_838, %dma_start3A_840] : memref<32x1x512xf32, #tpu.memory_space<vmem>> -> memref<32x1x128xf32, #tpu.memory_space<vmem>>
    %dma_start3A_842 = tpu.memref_squeeze %dma_start3A_841 : memref<32x1x128xf32, #tpu.memory_space<vmem>> -> memref<32x128xf32, #tpu.memory_space<vmem>>
    %dma_start3A_843 = arith.constant 0 : i32
    %dma_start3A_844 = tpu.memref_slice %arg2[%dma_start3A_837, %mul3A_2, %dma_start3A_843] : memref<32x1024x128xf32, #tpu.memory_space<hbm>> -> memref<1x32x128xf32, #tpu.memory_space<hbm>>
    %dma_start3A_845 = tpu.memref_squeeze %dma_start3A_844 : memref<1x32x128xf32, #tpu.memory_space<hbm>> -> memref<32x128xf32, #tpu.memory_space<hbm>>
    %dma_start3A_846 = arith.constant 0 : i32
    %dma_start3A_847 = arith.constant 0 : i32
    %dma_start3A_848 = tpu.memref_slice %arg10[%dma_start3A_846, %dma_start3A_838, %dma_start3A_847] : memref<32x1x512xf32, #tpu.memory_space<vmem>> -> memref<32x1x128xf32, #tpu.memory_space<vmem>>
    %dma_start3A_849 = tpu.memref_squeeze %dma_start3A_848 : memref<32x1x128xf32, #tpu.memory_space<vmem>> -> memref<32x128xf32, #tpu.memory_space<vmem>>
    %dma_start3A_850 = arith.constant 0 : i32
    %dma_start3A_851 = tpu.memref_slice %arg2[%dma_start3A_837, %mul3A_2, %dma_start3A_850] : memref<32x1024x128xf32, #tpu.memory_space<hbm>> -> memref<1x32x128xf32, #tpu.memory_space<hbm>>
    %dma_start3A_852 = tpu.memref_squeeze %dma_start3A_851 : memref<1x32x128xf32, #tpu.memory_space<hbm>> -> memref<32x128xf32, #tpu.memory_space<hbm>>
    tpu.enqueue_dma source(%dma_start3A_852 : memref<32x128xf32, #tpu.memory_space<hbm>>) target(%dma_start3A_849 : memref<32x128xf32, #tpu.memory_space<vmem>>) target_semaphore(%arg16 : memref<!tpu.dma_semaphore, #tpu.memory_space<semaphore_mem>>)
    %dma_wait3A_853 = arith.constant 13 : i32
    %dma_wait3A_854 = arith.constant 0 : i32
    %dma_wait3A_855 = arith.constant 0 : i32
    %dma_wait3A_856 = arith.constant 0 : i32
    %dma_wait3A_857 = tpu.memref_slice %arg6[%dma_wait3A_855, %dma_wait3A_854, %dma_wait3A_856] : memref<32x1x512xf32, #tpu.memory_space<vmem>> -> memref<32x1x128xf32, #tpu.memory_space<vmem>>
    %dma_wait3A_858 = tpu.memref_squeeze %dma_wait3A_857 : memref<32x1x128xf32, #tpu.memory_space<vmem>> -> memref<32x128xf32, #tpu.memory_space<vmem>>
    %dma_wait3A_859 = arith.constant 0 : i32
    %dma_wait3A_860 = tpu.memref_slice %arg2[%dma_wait3A_853, %mul3A_2, %dma_wait3A_859] : memref<32x1024x128xf32, #tpu.memory_space<hbm>> -> memref<1x32x128xf32, #tpu.memory_space<hbm>>
    %dma_wait3A_861 = tpu.memref_squeeze %dma_wait3A_860 : memref<1x32x128xf32, #tpu.memory_space<hbm>> -> memref<32x128xf32, #tpu.memory_space<hbm>>
    %dma_wait3A_862 = arith.constant 0 : i32
    %dma_wait3A_863 = arith.constant 0 : i32
    %dma_wait3A_864 = tpu.memref_slice %arg6[%dma_wait3A_862, %dma_wait3A_854, %dma_wait3A_863] : memref<32x1x512xf32, #tpu.memory_space<vmem>> -> memref<32x1x128xf32, #tpu.memory_space<vmem>>
    %dma_wait3A_865 = tpu.memref_squeeze %dma_wait3A_864 : memref<32x1x128xf32, #tpu.memory_space<vmem>> -> memref<32x128xf32, #tpu.memory_space<vmem>>
    %dma_wait3A_866 = arith.constant 0 : i32
    %dma_wait3A_867 = tpu.memref_slice %arg2[%dma_wait3A_853, %mul3A_2, %dma_wait3A_866] : memref<32x1024x128xf32, #tpu.memory_space<hbm>> -> memref<1x32x128xf32, #tpu.memory_space<hbm>>
    %dma_wait3A_868 = tpu.memref_squeeze %dma_wait3A_867 : memref<1x32x128xf32, #tpu.memory_space<hbm>> -> memref<32x128xf32, #tpu.memory_space<hbm>>
    tpu.wait_dma2 semaphore(%arg12 : memref<!tpu.dma_semaphore, #tpu.memory_space<semaphore_mem>>) src(%dma_wait3A_868 : memref<32x128xf32, #tpu.memory_space<hbm>>) dst(%dma_wait3A_865 : memref<32x128xf32, #tpu.memory_space<vmem>>)
    %add3A_869 = arith.constant 13312 : i32
    %add3A_870 = arith.addi %add3A_869, %mul3A_2 : i32
    %dma_start3A_871 = arith.constant 0 : i32
    %dma_start3A_872 = arith.constant 0 : i32
    %dma_start3A_873 = tpu.memref_slice %arg4[%add3A_870, %dma_start3A_871, %dma_start3A_872] : memref<32768x1x512xf32, #tpu.memory_space<hbm>> -> memref<32x1x512xf32, #tpu.memory_space<hbm>>
    %dma_start3A_874 = arith.constant 0 : i32
    %dma_start3A_875 = arith.constant 0 : i32
    %dma_start3A_876 = tpu.memref_slice %arg4[%add3A_870, %dma_start3A_874, %dma_start3A_875] : memref<32768x1x512xf32, #tpu.memory_space<hbm>> -> memref<32x1x512xf32, #tpu.memory_space<hbm>>
    tpu.enqueue_dma source(%arg6 : memref<32x1x512xf32, #tpu.memory_space<vmem>>) target(%dma_start3A_876 : memref<32x1x512xf32, #tpu.memory_space<hbm>>) target_semaphore(%arg18 : memref<!tpu.dma_semaphore, #tpu.memory_space<semaphore_mem>>)
    %add3A_877 = arith.constant 12288 : i32
    %add3A_878 = arith.addi %add3A_877, %mul3A_2 : i32
    %dma_wait3A_879 = arith.constant 0 : i32
    %dma_wait3A_880 = arith.constant 0 : i32
    %dma_wait3A_881 = tpu.memref_slice %arg4[%add3A_878, %dma_wait3A_879, %dma_wait3A_880] : memref<32768x1x512xf32, #tpu.memory_space<hbm>> -> memref<32x1x512xf32, #tpu.memory_space<hbm>>
    %dma_wait3A_882 = arith.constant 0 : i32
    %dma_wait3A_883 = arith.constant 0 : i32
    %dma_wait3A_884 = tpu.memref_slice %arg4[%add3A_878, %dma_wait3A_882, %dma_wait3A_883] : memref<32768x1x512xf32, #tpu.memory_space<hbm>> -> memref<32x1x512xf32, #tpu.memory_space<hbm>>
    tpu.wait_dma2 semaphore(%arg17 : memref<!tpu.dma_semaphore, #tpu.memory_space<semaphore_mem>>) src(%arg5 : memref<32x1x512xf32, #tpu.memory_space<vmem>>) dst(%dma_wait3A_884 : memref<32x1x512xf32, #tpu.memory_space<hbm>>)
    %dma_start3A_885 = arith.constant 18 : i32
    %dma_start3A_886 = arith.constant 0 : i32
    %dma_start3A_887 = arith.constant 0 : i32
    %dma_start3A_888 = arith.constant 0 : i32
    %dma_start3A_889 = tpu.memref_slice %arg5[%dma_start3A_887, %dma_start3A_886, %dma_start3A_888] : memref<32x1x512xf32, #tpu.memory_space<vmem>> -> memref<32x1x128xf32, #tpu.memory_space<vmem>>
    %dma_start3A_890 = tpu.memref_squeeze %dma_start3A_889 : memref<32x1x128xf32, #tpu.memory_space<vmem>> -> memref<32x128xf32, #tpu.memory_space<vmem>>
    %dma_start3A_891 = arith.constant 0 : i32
    %dma_start3A_892 = tpu.memref_slice %arg2[%dma_start3A_885, %mul3A_2, %dma_start3A_891] : memref<32x1024x128xf32, #tpu.memory_space<hbm>> -> memref<1x32x128xf32, #tpu.memory_space<hbm>>
    %dma_start3A_893 = tpu.memref_squeeze %dma_start3A_892 : memref<1x32x128xf32, #tpu.memory_space<hbm>> -> memref<32x128xf32, #tpu.memory_space<hbm>>
    %dma_start3A_894 = arith.constant 0 : i32
    %dma_start3A_895 = arith.constant 0 : i32
    %dma_start3A_896 = tpu.memref_slice %arg5[%dma_start3A_894, %dma_start3A_886, %dma_start3A_895] : memref<32x1x512xf32, #tpu.memory_space<vmem>> -> memref<32x1x128xf32, #tpu.memory_space<vmem>>
    %dma_start3A_897 = tpu.memref_squeeze %dma_start3A_896 : memref<32x1x128xf32, #tpu.memory_space<vmem>> -> memref<32x128xf32, #tpu.memory_space<vmem>>
    %dma_start3A_898 = arith.constant 0 : i32
    %dma_start3A_899 = tpu.memref_slice %arg2[%dma_start3A_885, %mul3A_2, %dma_start3A_898] : memref<32x1024x128xf32, #tpu.memory_space<hbm>> -> memref<1x32x128xf32, #tpu.memory_space<hbm>>
    %dma_start3A_900 = tpu.memref_squeeze %dma_start3A_899 : memref<1x32x128xf32, #tpu.memory_space<hbm>> -> memref<32x128xf32, #tpu.memory_space<hbm>>
    tpu.enqueue_dma source(%dma_start3A_900 : memref<32x128xf32, #tpu.memory_space<hbm>>) target(%dma_start3A_897 : memref<32x128xf32, #tpu.memory_space<vmem>>) target_semaphore(%arg11 : memref<!tpu.dma_semaphore, #tpu.memory_space<semaphore_mem>>)
    %dma_wait3A_901 = arith.constant 14 : i32
    %dma_wait3A_902 = arith.constant 0 : i32
    %dma_wait3A_903 = arith.constant 0 : i32
    %dma_wait3A_904 = arith.constant 0 : i32
    %dma_wait3A_905 = tpu.memref_slice %arg7[%dma_wait3A_903, %dma_wait3A_902, %dma_wait3A_904] : memref<32x1x512xf32, #tpu.memory_space<vmem>> -> memref<32x1x128xf32, #tpu.memory_space<vmem>>
    %dma_wait3A_906 = tpu.memref_squeeze %dma_wait3A_905 : memref<32x1x128xf32, #tpu.memory_space<vmem>> -> memref<32x128xf32, #tpu.memory_space<vmem>>
    %dma_wait3A_907 = arith.constant 0 : i32
    %dma_wait3A_908 = tpu.memref_slice %arg2[%dma_wait3A_901, %mul3A_2, %dma_wait3A_907] : memref<32x1024x128xf32, #tpu.memory_space<hbm>> -> memref<1x32x128xf32, #tpu.memory_space<hbm>>
    %dma_wait3A_909 = tpu.memref_squeeze %dma_wait3A_908 : memref<1x32x128xf32, #tpu.memory_space<hbm>> -> memref<32x128xf32, #tpu.memory_space<hbm>>
    %dma_wait3A_910 = arith.constant 0 : i32
    %dma_wait3A_911 = arith.constant 0 : i32
    %dma_wait3A_912 = tpu.memref_slice %arg7[%dma_wait3A_910, %dma_wait3A_902, %dma_wait3A_911] : memref<32x1x512xf32, #tpu.memory_space<vmem>> -> memref<32x1x128xf32, #tpu.memory_space<vmem>>
    %dma_wait3A_913 = tpu.memref_squeeze %dma_wait3A_912 : memref<32x1x128xf32, #tpu.memory_space<vmem>> -> memref<32x128xf32, #tpu.memory_space<vmem>>
    %dma_wait3A_914 = arith.constant 0 : i32
    %dma_wait3A_915 = tpu.memref_slice %arg2[%dma_wait3A_901, %mul3A_2, %dma_wait3A_914] : memref<32x1024x128xf32, #tpu.memory_space<hbm>> -> memref<1x32x128xf32, #tpu.memory_space<hbm>>
    %dma_wait3A_916 = tpu.memref_squeeze %dma_wait3A_915 : memref<1x32x128xf32, #tpu.memory_space<hbm>> -> memref<32x128xf32, #tpu.memory_space<hbm>>
    tpu.wait_dma2 semaphore(%arg13 : memref<!tpu.dma_semaphore, #tpu.memory_space<semaphore_mem>>) src(%dma_wait3A_916 : memref<32x128xf32, #tpu.memory_space<hbm>>) dst(%dma_wait3A_913 : memref<32x128xf32, #tpu.memory_space<vmem>>)
    %add3A_917 = arith.constant 14336 : i32
    %add3A_918 = arith.addi %add3A_917, %mul3A_2 : i32
    %dma_start3A_919 = arith.constant 0 : i32
    %dma_start3A_920 = arith.constant 0 : i32
    %dma_start3A_921 = tpu.memref_slice %arg4[%add3A_918, %dma_start3A_919, %dma_start3A_920] : memref<32768x1x512xf32, #tpu.memory_space<hbm>> -> memref<32x1x512xf32, #tpu.memory_space<hbm>>
    %dma_start3A_922 = arith.constant 0 : i32
    %dma_start3A_923 = arith.constant 0 : i32
    %dma_start3A_924 = tpu.memref_slice %arg4[%add3A_918, %dma_start3A_922, %dma_start3A_923] : memref<32768x1x512xf32, #tpu.memory_space<hbm>> -> memref<32x1x512xf32, #tpu.memory_space<hbm>>
    tpu.enqueue_dma source(%arg7 : memref<32x1x512xf32, #tpu.memory_space<vmem>>) target(%dma_start3A_924 : memref<32x1x512xf32, #tpu.memory_space<hbm>>) target_semaphore(%arg19 : memref<!tpu.dma_semaphore, #tpu.memory_space<semaphore_mem>>)
    %add3A_925 = arith.constant 13312 : i32
    %add3A_926 = arith.addi %add3A_925, %mul3A_2 : i32
    %dma_wait3A_927 = arith.constant 0 : i32
    %dma_wait3A_928 = arith.constant 0 : i32
    %dma_wait3A_929 = tpu.memref_slice %arg4[%add3A_926, %dma_wait3A_927, %dma_wait3A_928] : memref<32768x1x512xf32, #tpu.memory_space<hbm>> -> memref<32x1x512xf32, #tpu.memory_space<hbm>>
    %dma_wait3A_930 = arith.constant 0 : i32
    %dma_wait3A_931 = arith.constant 0 : i32
    %dma_wait3A_932 = tpu.memref_slice %arg4[%add3A_926, %dma_wait3A_930, %dma_wait3A_931] : memref<32768x1x512xf32, #tpu.memory_space<hbm>> -> memref<32x1x512xf32, #tpu.memory_space<hbm>>
    tpu.wait_dma2 semaphore(%arg18 : memref<!tpu.dma_semaphore, #tpu.memory_space<semaphore_mem>>) src(%arg6 : memref<32x1x512xf32, #tpu.memory_space<vmem>>) dst(%dma_wait3A_932 : memref<32x1x512xf32, #tpu.memory_space<hbm>>)
    %dma_start3A_933 = arith.constant 19 : i32
    %dma_start3A_934 = arith.constant 0 : i32
    %dma_start3A_935 = arith.constant 0 : i32
    %dma_start3A_936 = arith.constant 0 : i32
    %dma_start3A_937 = tpu.memref_slice %arg6[%dma_start3A_935, %dma_start3A_934, %dma_start3A_936] : memref<32x1x512xf32, #tpu.memory_space<vmem>> -> memref<32x1x128xf32, #tpu.memory_space<vmem>>
    %dma_start3A_938 = tpu.memref_squeeze %dma_start3A_937 : memref<32x1x128xf32, #tpu.memory_space<vmem>> -> memref<32x128xf32, #tpu.memory_space<vmem>>
    %dma_start3A_939 = arith.constant 0 : i32
    %dma_start3A_940 = tpu.memref_slice %arg2[%dma_start3A_933, %mul3A_2, %dma_start3A_939] : memref<32x1024x128xf32, #tpu.memory_space<hbm>> -> memref<1x32x128xf32, #tpu.memory_space<hbm>>
    %dma_start3A_941 = tpu.memref_squeeze %dma_start3A_940 : memref<1x32x128xf32, #tpu.memory_space<hbm>> -> memref<32x128xf32, #tpu.memory_space<hbm>>
    %dma_start3A_942 = arith.constant 0 : i32
    %dma_start3A_943 = arith.constant 0 : i32
    %dma_start3A_944 = tpu.memref_slice %arg6[%dma_start3A_942, %dma_start3A_934, %dma_start3A_943] : memref<32x1x512xf32, #tpu.memory_space<vmem>> -> memref<32x1x128xf32, #tpu.memory_space<vmem>>
    %dma_start3A_945 = tpu.memref_squeeze %dma_start3A_944 : memref<32x1x128xf32, #tpu.memory_space<vmem>> -> memref<32x128xf32, #tpu.memory_space<vmem>>
    %dma_start3A_946 = arith.constant 0 : i32
    %dma_start3A_947 = tpu.memref_slice %arg2[%dma_start3A_933, %mul3A_2, %dma_start3A_946] : memref<32x1024x128xf32, #tpu.memory_space<hbm>> -> memref<1x32x128xf32, #tpu.memory_space<hbm>>
    %dma_start3A_948 = tpu.memref_squeeze %dma_start3A_947 : memref<1x32x128xf32, #tpu.memory_space<hbm>> -> memref<32x128xf32, #tpu.memory_space<hbm>>
    tpu.enqueue_dma source(%dma_start3A_948 : memref<32x128xf32, #tpu.memory_space<hbm>>) target(%dma_start3A_945 : memref<32x128xf32, #tpu.memory_space<vmem>>) target_semaphore(%arg12 : memref<!tpu.dma_semaphore, #tpu.memory_space<semaphore_mem>>)
    %dma_wait3A_949 = arith.constant 15 : i32
    %dma_wait3A_950 = arith.constant 0 : i32
    %dma_wait3A_951 = arith.constant 0 : i32
    %dma_wait3A_952 = arith.constant 0 : i32
    %dma_wait3A_953 = tpu.memref_slice %arg8[%dma_wait3A_951, %dma_wait3A_950, %dma_wait3A_952] : memref<32x1x512xf32, #tpu.memory_space<vmem>> -> memref<32x1x128xf32, #tpu.memory_space<vmem>>
    %dma_wait3A_954 = tpu.memref_squeeze %dma_wait3A_953 : memref<32x1x128xf32, #tpu.memory_space<vmem>> -> memref<32x128xf32, #tpu.memory_space<vmem>>
    %dma_wait3A_955 = arith.constant 0 : i32
    %dma_wait3A_956 = tpu.memref_slice %arg2[%dma_wait3A_949, %mul3A_2, %dma_wait3A_955] : memref<32x1024x128xf32, #tpu.memory_space<hbm>> -> memref<1x32x128xf32, #tpu.memory_space<hbm>>
    %dma_wait3A_957 = tpu.memref_squeeze %dma_wait3A_956 : memref<1x32x128xf32, #tpu.memory_space<hbm>> -> memref<32x128xf32, #tpu.memory_space<hbm>>
    %dma_wait3A_958 = arith.constant 0 : i32
    %dma_wait3A_959 = arith.constant 0 : i32
    %dma_wait3A_960 = tpu.memref_slice %arg8[%dma_wait3A_958, %dma_wait3A_950, %dma_wait3A_959] : memref<32x1x512xf32, #tpu.memory_space<vmem>> -> memref<32x1x128xf32, #tpu.memory_space<vmem>>
    %dma_wait3A_961 = tpu.memref_squeeze %dma_wait3A_960 : memref<32x1x128xf32, #tpu.memory_space<vmem>> -> memref<32x128xf32, #tpu.memory_space<vmem>>
    %dma_wait3A_962 = arith.constant 0 : i32
    %dma_wait3A_963 = tpu.memref_slice %arg2[%dma_wait3A_949, %mul3A_2, %dma_wait3A_962] : memref<32x1024x128xf32, #tpu.memory_space<hbm>> -> memref<1x32x128xf32, #tpu.memory_space<hbm>>
    %dma_wait3A_964 = tpu.memref_squeeze %dma_wait3A_963 : memref<1x32x128xf32, #tpu.memory_space<hbm>> -> memref<32x128xf32, #tpu.memory_space<hbm>>
    tpu.wait_dma2 semaphore(%arg14 : memref<!tpu.dma_semaphore, #tpu.memory_space<semaphore_mem>>) src(%dma_wait3A_964 : memref<32x128xf32, #tpu.memory_space<hbm>>) dst(%dma_wait3A_961 : memref<32x128xf32, #tpu.memory_space<vmem>>)
    %add3A_965 = arith.constant 15360 : i32
    %add3A_966 = arith.addi %add3A_965, %mul3A_2 : i32
    %dma_start3A_967 = arith.constant 0 : i32
    %dma_start3A_968 = arith.constant 0 : i32
    %dma_start3A_969 = tpu.memref_slice %arg4[%add3A_966, %dma_start3A_967, %dma_start3A_968] : memref<32768x1x512xf32, #tpu.memory_space<hbm>> -> memref<32x1x512xf32, #tpu.memory_space<hbm>>
    %dma_start3A_970 = arith.constant 0 : i32
    %dma_start3A_971 = arith.constant 0 : i32
    %dma_start3A_972 = tpu.memref_slice %arg4[%add3A_966, %dma_start3A_970, %dma_start3A_971] : memref<32768x1x512xf32, #tpu.memory_space<hbm>> -> memref<32x1x512xf32, #tpu.memory_space<hbm>>
    tpu.enqueue_dma source(%arg8 : memref<32x1x512xf32, #tpu.memory_space<vmem>>) target(%dma_start3A_972 : memref<32x1x512xf32, #tpu.memory_space<hbm>>) target_semaphore(%arg20 : memref<!tpu.dma_semaphore, #tpu.memory_space<semaphore_mem>>)
    %add3A_973 = arith.constant 14336 : i32
    %add3A_974 = arith.addi %add3A_973, %mul3A_2 : i32
    %dma_wait3A_975 = arith.constant 0 : i32
    %dma_wait3A_976 = arith.constant 0 : i32
    %dma_wait3A_977 = tpu.memref_slice %arg4[%add3A_974, %dma_wait3A_975, %dma_wait3A_976] : memref<32768x1x512xf32, #tpu.memory_space<hbm>> -> memref<32x1x512xf32, #tpu.memory_space<hbm>>
    %dma_wait3A_978 = arith.constant 0 : i32
    %dma_wait3A_979 = arith.constant 0 : i32
    %dma_wait3A_980 = tpu.memref_slice %arg4[%add3A_974, %dma_wait3A_978, %dma_wait3A_979] : memref<32768x1x512xf32, #tpu.memory_space<hbm>> -> memref<32x1x512xf32, #tpu.memory_space<hbm>>
    tpu.wait_dma2 semaphore(%arg19 : memref<!tpu.dma_semaphore, #tpu.memory_space<semaphore_mem>>) src(%arg7 : memref<32x1x512xf32, #tpu.memory_space<vmem>>) dst(%dma_wait3A_980 : memref<32x1x512xf32, #tpu.memory_space<hbm>>)
    %dma_start3A_981 = arith.constant 20 : i32
    %dma_start3A_982 = arith.constant 0 : i32
    %dma_start3A_983 = arith.constant 0 : i32
    %dma_start3A_984 = arith.constant 0 : i32
    %dma_start3A_985 = tpu.memref_slice %arg7[%dma_start3A_983, %dma_start3A_982, %dma_start3A_984] : memref<32x1x512xf32, #tpu.memory_space<vmem>> -> memref<32x1x128xf32, #tpu.memory_space<vmem>>
    %dma_start3A_986 = tpu.memref_squeeze %dma_start3A_985 : memref<32x1x128xf32, #tpu.memory_space<vmem>> -> memref<32x128xf32, #tpu.memory_space<vmem>>
    %dma_start3A_987 = arith.constant 0 : i32
    %dma_start3A_988 = tpu.memref_slice %arg2[%dma_start3A_981, %mul3A_2, %dma_start3A_987] : memref<32x1024x128xf32, #tpu.memory_space<hbm>> -> memref<1x32x128xf32, #tpu.memory_space<hbm>>
    %dma_start3A_989 = tpu.memref_squeeze %dma_start3A_988 : memref<1x32x128xf32, #tpu.memory_space<hbm>> -> memref<32x128xf32, #tpu.memory_space<hbm>>
    %dma_start3A_990 = arith.constant 0 : i32
    %dma_start3A_991 = arith.constant 0 : i32
    %dma_start3A_992 = tpu.memref_slice %arg7[%dma_start3A_990, %dma_start3A_982, %dma_start3A_991] : memref<32x1x512xf32, #tpu.memory_space<vmem>> -> memref<32x1x128xf32, #tpu.memory_space<vmem>>
    %dma_start3A_993 = tpu.memref_squeeze %dma_start3A_992 : memref<32x1x128xf32, #tpu.memory_space<vmem>> -> memref<32x128xf32, #tpu.memory_space<vmem>>
    %dma_start3A_994 = arith.constant 0 : i32
    %dma_start3A_995 = tpu.memref_slice %arg2[%dma_start3A_981, %mul3A_2, %dma_start3A_994] : memref<32x1024x128xf32, #tpu.memory_space<hbm>> -> memref<1x32x128xf32, #tpu.memory_space<hbm>>
    %dma_start3A_996 = tpu.memref_squeeze %dma_start3A_995 : memref<1x32x128xf32, #tpu.memory_space<hbm>> -> memref<32x128xf32, #tpu.memory_space<hbm>>
    tpu.enqueue_dma source(%dma_start3A_996 : memref<32x128xf32, #tpu.memory_space<hbm>>) target(%dma_start3A_993 : memref<32x128xf32, #tpu.memory_space<vmem>>) target_semaphore(%arg13 : memref<!tpu.dma_semaphore, #tpu.memory_space<semaphore_mem>>)
    %dma_wait3A_997 = arith.constant 16 : i32
    %dma_wait3A_998 = arith.constant 0 : i32
    %dma_wait3A_999 = arith.constant 0 : i32
    %dma_wait3A_1000 = arith.constant 0 : i32
    %dma_wait3A_1001 = tpu.memref_slice %arg9[%dma_wait3A_999, %dma_wait3A_998, %dma_wait3A_1000] : memref<32x1x512xf32, #tpu.memory_space<vmem>> -> memref<32x1x128xf32, #tpu.memory_space<vmem>>
    %dma_wait3A_1002 = tpu.memref_squeeze %dma_wait3A_1001 : memref<32x1x128xf32, #tpu.memory_space<vmem>> -> memref<32x128xf32, #tpu.memory_space<vmem>>
    %dma_wait3A_1003 = arith.constant 0 : i32
    %dma_wait3A_1004 = tpu.memref_slice %arg2[%dma_wait3A_997, %mul3A_2, %dma_wait3A_1003] : memref<32x1024x128xf32, #tpu.memory_space<hbm>> -> memref<1x32x128xf32, #tpu.memory_space<hbm>>
    %dma_wait3A_1005 = tpu.memref_squeeze %dma_wait3A_1004 : memref<1x32x128xf32, #tpu.memory_space<hbm>> -> memref<32x128xf32, #tpu.memory_space<hbm>>
    %dma_wait3A_1006 = arith.constant 0 : i32
    %dma_wait3A_1007 = arith.constant 0 : i32
    %dma_wait3A_1008 = tpu.memref_slice %arg9[%dma_wait3A_1006, %dma_wait3A_998, %dma_wait3A_1007] : memref<32x1x512xf32, #tpu.memory_space<vmem>> -> memref<32x1x128xf32, #tpu.memory_space<vmem>>
    %dma_wait3A_1009 = tpu.memref_squeeze %dma_wait3A_1008 : memref<32x1x128xf32, #tpu.memory_space<vmem>> -> memref<32x128xf32, #tpu.memory_space<vmem>>
    %dma_wait3A_1010 = arith.constant 0 : i32
    %dma_wait3A_1011 = tpu.memref_slice %arg2[%dma_wait3A_997, %mul3A_2, %dma_wait3A_1010] : memref<32x1024x128xf32, #tpu.memory_space<hbm>> -> memref<1x32x128xf32, #tpu.memory_space<hbm>>
    %dma_wait3A_1012 = tpu.memref_squeeze %dma_wait3A_1011 : memref<1x32x128xf32, #tpu.memory_space<hbm>> -> memref<32x128xf32, #tpu.memory_space<hbm>>
    tpu.wait_dma2 semaphore(%arg15 : memref<!tpu.dma_semaphore, #tpu.memory_space<semaphore_mem>>) src(%dma_wait3A_1012 : memref<32x128xf32, #tpu.memory_space<hbm>>) dst(%dma_wait3A_1009 : memref<32x128xf32, #tpu.memory_space<vmem>>)
    %add3A_1013 = arith.constant 16384 : i32
    %add3A_1014 = arith.addi %add3A_1013, %mul3A_2 : i32
    %dma_start3A_1015 = arith.constant 0 : i32
    %dma_start3A_1016 = arith.constant 0 : i32
    %dma_start3A_1017 = tpu.memref_slice %arg4[%add3A_1014, %dma_start3A_1015, %dma_start3A_1016] : memref<32768x1x512xf32, #tpu.memory_space<hbm>> -> memref<32x1x512xf32, #tpu.memory_space<hbm>>
    %dma_start3A_1018 = arith.constant 0 : i32
    %dma_start3A_1019 = arith.constant 0 : i32
    %dma_start3A_1020 = tpu.memref_slice %arg4[%add3A_1014, %dma_start3A_1018, %dma_start3A_1019] : memref<32768x1x512xf32, #tpu.memory_space<hbm>> -> memref<32x1x512xf32, #tpu.memory_space<hbm>>
    tpu.enqueue_dma source(%arg9 : memref<32x1x512xf32, #tpu.memory_space<vmem>>) target(%dma_start3A_1020 : memref<32x1x512xf32, #tpu.memory_space<hbm>>) target_semaphore(%arg21 : memref<!tpu.dma_semaphore, #tpu.memory_space<semaphore_mem>>)
    %add3A_1021 = arith.constant 15360 : i32
    %add3A_1022 = arith.addi %add3A_1021, %mul3A_2 : i32
    %dma_wait3A_1023 = arith.constant 0 : i32
    %dma_wait3A_1024 = arith.constant 0 : i32
    %dma_wait3A_1025 = tpu.memref_slice %arg4[%add3A_1022, %dma_wait3A_1023, %dma_wait3A_1024] : memref<32768x1x512xf32, #tpu.memory_space<hbm>> -> memref<32x1x512xf32, #tpu.memory_space<hbm>>
    %dma_wait3A_1026 = arith.constant 0 : i32
    %dma_wait3A_1027 = arith.constant 0 : i32
    %dma_wait3A_1028 = tpu.memref_slice %arg4[%add3A_1022, %dma_wait3A_1026, %dma_wait3A_1027] : memref<32768x1x512xf32, #tpu.memory_space<hbm>> -> memref<32x1x512xf32, #tpu.memory_space<hbm>>
    tpu.wait_dma2 semaphore(%arg20 : memref<!tpu.dma_semaphore, #tpu.memory_space<semaphore_mem>>) src(%arg8 : memref<32x1x512xf32, #tpu.memory_space<vmem>>) dst(%dma_wait3A_1028 : memref<32x1x512xf32, #tpu.memory_space<hbm>>)
    %dma_start3A_1029 = arith.constant 21 : i32
    %dma_start3A_1030 = arith.constant 0 : i32
    %dma_start3A_1031 = arith.constant 0 : i32
    %dma_start3A_1032 = arith.constant 0 : i32
    %dma_start3A_1033 = tpu.memref_slice %arg8[%dma_start3A_1031, %dma_start3A_1030, %dma_start3A_1032] : memref<32x1x512xf32, #tpu.memory_space<vmem>> -> memref<32x1x128xf32, #tpu.memory_space<vmem>>
    %dma_start3A_1034 = tpu.memref_squeeze %dma_start3A_1033 : memref<32x1x128xf32, #tpu.memory_space<vmem>> -> memref<32x128xf32, #tpu.memory_space<vmem>>
    %dma_start3A_1035 = arith.constant 0 : i32
    %dma_start3A_1036 = tpu.memref_slice %arg2[%dma_start3A_1029, %mul3A_2, %dma_start3A_1035] : memref<32x1024x128xf32, #tpu.memory_space<hbm>> -> memref<1x32x128xf32, #tpu.memory_space<hbm>>
    %dma_start3A_1037 = tpu.memref_squeeze %dma_start3A_1036 : memref<1x32x128xf32, #tpu.memory_space<hbm>> -> memref<32x128xf32, #tpu.memory_space<hbm>>
    %dma_start3A_1038 = arith.constant 0 : i32
    %dma_start3A_1039 = arith.constant 0 : i32
    %dma_start3A_1040 = tpu.memref_slice %arg8[%dma_start3A_1038, %dma_start3A_1030, %dma_start3A_1039] : memref<32x1x512xf32, #tpu.memory_space<vmem>> -> memref<32x1x128xf32, #tpu.memory_space<vmem>>
    %dma_start3A_1041 = tpu.memref_squeeze %dma_start3A_1040 : memref<32x1x128xf32, #tpu.memory_space<vmem>> -> memref<32x128xf32, #tpu.memory_space<vmem>>
    %dma_start3A_1042 = arith.constant 0 : i32
    %dma_start3A_1043 = tpu.memref_slice %arg2[%dma_start3A_1029, %mul3A_2, %dma_start3A_1042] : memref<32x1024x128xf32, #tpu.memory_space<hbm>> -> memref<1x32x128xf32, #tpu.memory_space<hbm>>
    %dma_start3A_1044 = tpu.memref_squeeze %dma_start3A_1043 : memref<1x32x128xf32, #tpu.memory_space<hbm>> -> memref<32x128xf32, #tpu.memory_space<hbm>>
    tpu.enqueue_dma source(%dma_start3A_1044 : memref<32x128xf32, #tpu.memory_space<hbm>>) target(%dma_start3A_1041 : memref<32x128xf32, #tpu.memory_space<vmem>>) target_semaphore(%arg14 : memref<!tpu.dma_semaphore, #tpu.memory_space<semaphore_mem>>)
    %dma_wait3A_1045 = arith.constant 17 : i32
    %dma_wait3A_1046 = arith.constant 0 : i32
    %dma_wait3A_1047 = arith.constant 0 : i32
    %dma_wait3A_1048 = arith.constant 0 : i32
    %dma_wait3A_1049 = tpu.memref_slice %arg10[%dma_wait3A_1047, %dma_wait3A_1046, %dma_wait3A_1048] : memref<32x1x512xf32, #tpu.memory_space<vmem>> -> memref<32x1x128xf32, #tpu.memory_space<vmem>>
    %dma_wait3A_1050 = tpu.memref_squeeze %dma_wait3A_1049 : memref<32x1x128xf32, #tpu.memory_space<vmem>> -> memref<32x128xf32, #tpu.memory_space<vmem>>
    %dma_wait3A_1051 = arith.constant 0 : i32
    %dma_wait3A_1052 = tpu.memref_slice %arg2[%dma_wait3A_1045, %mul3A_2, %dma_wait3A_1051] : memref<32x1024x128xf32, #tpu.memory_space<hbm>> -> memref<1x32x128xf32, #tpu.memory_space<hbm>>
    %dma_wait3A_1053 = tpu.memref_squeeze %dma_wait3A_1052 : memref<1x32x128xf32, #tpu.memory_space<hbm>> -> memref<32x128xf32, #tpu.memory_space<hbm>>
    %dma_wait3A_1054 = arith.constant 0 : i32
    %dma_wait3A_1055 = arith.constant 0 : i32
    %dma_wait3A_1056 = tpu.memref_slice %arg10[%dma_wait3A_1054, %dma_wait3A_1046, %dma_wait3A_1055] : memref<32x1x512xf32, #tpu.memory_space<vmem>> -> memref<32x1x128xf32, #tpu.memory_space<vmem>>
    %dma_wait3A_1057 = tpu.memref_squeeze %dma_wait3A_1056 : memref<32x1x128xf32, #tpu.memory_space<vmem>> -> memref<32x128xf32, #tpu.memory_space<vmem>>
    %dma_wait3A_1058 = arith.constant 0 : i32
    %dma_wait3A_1059 = tpu.memref_slice %arg2[%dma_wait3A_1045, %mul3A_2, %dma_wait3A_1058] : memref<32x1024x128xf32, #tpu.memory_space<hbm>> -> memref<1x32x128xf32, #tpu.memory_space<hbm>>
    %dma_wait3A_1060 = tpu.memref_squeeze %dma_wait3A_1059 : memref<1x32x128xf32, #tpu.memory_space<hbm>> -> memref<32x128xf32, #tpu.memory_space<hbm>>
    tpu.wait_dma2 semaphore(%arg16 : memref<!tpu.dma_semaphore, #tpu.memory_space<semaphore_mem>>) src(%dma_wait3A_1060 : memref<32x128xf32, #tpu.memory_space<hbm>>) dst(%dma_wait3A_1057 : memref<32x128xf32, #tpu.memory_space<vmem>>)
    %add3A_1061 = arith.constant 17408 : i32
    %add3A_1062 = arith.addi %add3A_1061, %mul3A_2 : i32
    %dma_start3A_1063 = arith.constant 0 : i32
    %dma_start3A_1064 = arith.constant 0 : i32
    %dma_start3A_1065 = tpu.memref_slice %arg4[%add3A_1062, %dma_start3A_1063, %dma_start3A_1064] : memref<32768x1x512xf32, #tpu.memory_space<hbm>> -> memref<32x1x512xf32, #tpu.memory_space<hbm>>
    %dma_start3A_1066 = arith.constant 0 : i32
    %dma_start3A_1067 = arith.constant 0 : i32
    %dma_start3A_1068 = tpu.memref_slice %arg4[%add3A_1062, %dma_start3A_1066, %dma_start3A_1067] : memref<32768x1x512xf32, #tpu.memory_space<hbm>> -> memref<32x1x512xf32, #tpu.memory_space<hbm>>
    tpu.enqueue_dma source(%arg10 : memref<32x1x512xf32, #tpu.memory_space<vmem>>) target(%dma_start3A_1068 : memref<32x1x512xf32, #tpu.memory_space<hbm>>) target_semaphore(%arg22 : memref<!tpu.dma_semaphore, #tpu.memory_space<semaphore_mem>>)
    %add3A_1069 = arith.constant 16384 : i32
    %add3A_1070 = arith.addi %add3A_1069, %mul3A_2 : i32
    %dma_wait3A_1071 = arith.constant 0 : i32
    %dma_wait3A_1072 = arith.constant 0 : i32
    %dma_wait3A_1073 = tpu.memref_slice %arg4[%add3A_1070, %dma_wait3A_1071, %dma_wait3A_1072] : memref<32768x1x512xf32, #tpu.memory_space<hbm>> -> memref<32x1x512xf32, #tpu.memory_space<hbm>>
    %dma_wait3A_1074 = arith.constant 0 : i32
    %dma_wait3A_1075 = arith.constant 0 : i32
    %dma_wait3A_1076 = tpu.memref_slice %arg4[%add3A_1070, %dma_wait3A_1074, %dma_wait3A_1075] : memref<32768x1x512xf32, #tpu.memory_space<hbm>> -> memref<32x1x512xf32, #tpu.memory_space<hbm>>
    tpu.wait_dma2 semaphore(%arg21 : memref<!tpu.dma_semaphore, #tpu.memory_space<semaphore_mem>>) src(%arg9 : memref<32x1x512xf32, #tpu.memory_space<vmem>>) dst(%dma_wait3A_1076 : memref<32x1x512xf32, #tpu.memory_space<hbm>>)
    %dma_start3A_1077 = arith.constant 22 : i32
    %dma_start3A_1078 = arith.constant 0 : i32
    %dma_start3A_1079 = arith.constant 0 : i32
    %dma_start3A_1080 = arith.constant 0 : i32
    %dma_start3A_1081 = tpu.memref_slice %arg9[%dma_start3A_1079, %dma_start3A_1078, %dma_start3A_1080] : memref<32x1x512xf32, #tpu.memory_space<vmem>> -> memref<32x1x128xf32, #tpu.memory_space<vmem>>
    %dma_start3A_1082 = tpu.memref_squeeze %dma_start3A_1081 : memref<32x1x128xf32, #tpu.memory_space<vmem>> -> memref<32x128xf32, #tpu.memory_space<vmem>>
    %dma_start3A_1083 = arith.constant 0 : i32
    %dma_start3A_1084 = tpu.memref_slice %arg2[%dma_start3A_1077, %mul3A_2, %dma_start3A_1083] : memref<32x1024x128xf32, #tpu.memory_space<hbm>> -> memref<1x32x128xf32, #tpu.memory_space<hbm>>
    %dma_start3A_1085 = tpu.memref_squeeze %dma_start3A_1084 : memref<1x32x128xf32, #tpu.memory_space<hbm>> -> memref<32x128xf32, #tpu.memory_space<hbm>>
    %dma_start3A_1086 = arith.constant 0 : i32
    %dma_start3A_1087 = arith.constant 0 : i32
    %dma_start3A_1088 = tpu.memref_slice %arg9[%dma_start3A_1086, %dma_start3A_1078, %dma_start3A_1087] : memref<32x1x512xf32, #tpu.memory_space<vmem>> -> memref<32x1x128xf32, #tpu.memory_space<vmem>>
    %dma_start3A_1089 = tpu.memref_squeeze %dma_start3A_1088 : memref<32x1x128xf32, #tpu.memory_space<vmem>> -> memref<32x128xf32, #tpu.memory_space<vmem>>
    %dma_start3A_1090 = arith.constant 0 : i32
    %dma_start3A_1091 = tpu.memref_slice %arg2[%dma_start3A_1077, %mul3A_2, %dma_start3A_1090] : memref<32x1024x128xf32, #tpu.memory_space<hbm>> -> memref<1x32x128xf32, #tpu.memory_space<hbm>>
    %dma_start3A_1092 = tpu.memref_squeeze %dma_start3A_1091 : memref<1x32x128xf32, #tpu.memory_space<hbm>> -> memref<32x128xf32, #tpu.memory_space<hbm>>
    tpu.enqueue_dma source(%dma_start3A_1092 : memref<32x128xf32, #tpu.memory_space<hbm>>) target(%dma_start3A_1089 : memref<32x128xf32, #tpu.memory_space<vmem>>) target_semaphore(%arg15 : memref<!tpu.dma_semaphore, #tpu.memory_space<semaphore_mem>>)
    %dma_wait3A_1093 = arith.constant 18 : i32
    %dma_wait3A_1094 = arith.constant 0 : i32
    %dma_wait3A_1095 = arith.constant 0 : i32
    %dma_wait3A_1096 = arith.constant 0 : i32
    %dma_wait3A_1097 = tpu.memref_slice %arg5[%dma_wait3A_1095, %dma_wait3A_1094, %dma_wait3A_1096] : memref<32x1x512xf32, #tpu.memory_space<vmem>> -> memref<32x1x128xf32, #tpu.memory_space<vmem>>
    %dma_wait3A_1098 = tpu.memref_squeeze %dma_wait3A_1097 : memref<32x1x128xf32, #tpu.memory_space<vmem>> -> memref<32x128xf32, #tpu.memory_space<vmem>>
    %dma_wait3A_1099 = arith.constant 0 : i32
    %dma_wait3A_1100 = tpu.memref_slice %arg2[%dma_wait3A_1093, %mul3A_2, %dma_wait3A_1099] : memref<32x1024x128xf32, #tpu.memory_space<hbm>> -> memref<1x32x128xf32, #tpu.memory_space<hbm>>
    %dma_wait3A_1101 = tpu.memref_squeeze %dma_wait3A_1100 : memref<1x32x128xf32, #tpu.memory_space<hbm>> -> memref<32x128xf32, #tpu.memory_space<hbm>>
    %dma_wait3A_1102 = arith.constant 0 : i32
    %dma_wait3A_1103 = arith.constant 0 : i32
    %dma_wait3A_1104 = tpu.memref_slice %arg5[%dma_wait3A_1102, %dma_wait3A_1094, %dma_wait3A_1103] : memref<32x1x512xf32, #tpu.memory_space<vmem>> -> memref<32x1x128xf32, #tpu.memory_space<vmem>>
    %dma_wait3A_1105 = tpu.memref_squeeze %dma_wait3A_1104 : memref<32x1x128xf32, #tpu.memory_space<vmem>> -> memref<32x128xf32, #tpu.memory_space<vmem>>
    %dma_wait3A_1106 = arith.constant 0 : i32
    %dma_wait3A_1107 = tpu.memref_slice %arg2[%dma_wait3A_1093, %mul3A_2, %dma_wait3A_1106] : memref<32x1024x128xf32, #tpu.memory_space<hbm>> -> memref<1x32x128xf32, #tpu.memory_space<hbm>>
    %dma_wait3A_1108 = tpu.memref_squeeze %dma_wait3A_1107 : memref<1x32x128xf32, #tpu.memory_space<hbm>> -> memref<32x128xf32, #tpu.memory_space<hbm>>
    tpu.wait_dma2 semaphore(%arg11 : memref<!tpu.dma_semaphore, #tpu.memory_space<semaphore_mem>>) src(%dma_wait3A_1108 : memref<32x128xf32, #tpu.memory_space<hbm>>) dst(%dma_wait3A_1105 : memref<32x128xf32, #tpu.memory_space<vmem>>)
    %add3A_1109 = arith.constant 18432 : i32
    %add3A_1110 = arith.addi %add3A_1109, %mul3A_2 : i32
    %dma_start3A_1111 = arith.constant 0 : i32
    %dma_start3A_1112 = arith.constant 0 : i32
    %dma_start3A_1113 = tpu.memref_slice %arg4[%add3A_1110, %dma_start3A_1111, %dma_start3A_1112] : memref<32768x1x512xf32, #tpu.memory_space<hbm>> -> memref<32x1x512xf32, #tpu.memory_space<hbm>>
    %dma_start3A_1114 = arith.constant 0 : i32
    %dma_start3A_1115 = arith.constant 0 : i32
    %dma_start3A_1116 = tpu.memref_slice %arg4[%add3A_1110, %dma_start3A_1114, %dma_start3A_1115] : memref<32768x1x512xf32, #tpu.memory_space<hbm>> -> memref<32x1x512xf32, #tpu.memory_space<hbm>>
    tpu.enqueue_dma source(%arg5 : memref<32x1x512xf32, #tpu.memory_space<vmem>>) target(%dma_start3A_1116 : memref<32x1x512xf32, #tpu.memory_space<hbm>>) target_semaphore(%arg17 : memref<!tpu.dma_semaphore, #tpu.memory_space<semaphore_mem>>)
    %add3A_1117 = arith.constant 17408 : i32
    %add3A_1118 = arith.addi %add3A_1117, %mul3A_2 : i32
    %dma_wait3A_1119 = arith.constant 0 : i32
    %dma_wait3A_1120 = arith.constant 0 : i32
    %dma_wait3A_1121 = tpu.memref_slice %arg4[%add3A_1118, %dma_wait3A_1119, %dma_wait3A_1120] : memref<32768x1x512xf32, #tpu.memory_space<hbm>> -> memref<32x1x512xf32, #tpu.memory_space<hbm>>
    %dma_wait3A_1122 = arith.constant 0 : i32
    %dma_wait3A_1123 = arith.constant 0 : i32
    %dma_wait3A_1124 = tpu.memref_slice %arg4[%add3A_1118, %dma_wait3A_1122, %dma_wait3A_1123] : memref<32768x1x512xf32, #tpu.memory_space<hbm>> -> memref<32x1x512xf32, #tpu.memory_space<hbm>>
    tpu.wait_dma2 semaphore(%arg22 : memref<!tpu.dma_semaphore, #tpu.memory_space<semaphore_mem>>) src(%arg10 : memref<32x1x512xf32, #tpu.memory_space<vmem>>) dst(%dma_wait3A_1124 : memref<32x1x512xf32, #tpu.memory_space<hbm>>)
    %dma_start3A_1125 = arith.constant 23 : i32
    %dma_start3A_1126 = arith.constant 0 : i32
    %dma_start3A_1127 = arith.constant 0 : i32
    %dma_start3A_1128 = arith.constant 0 : i32
    %dma_start3A_1129 = tpu.memref_slice %arg10[%dma_start3A_1127, %dma_start3A_1126, %dma_start3A_1128] : memref<32x1x512xf32, #tpu.memory_space<vmem>> -> memref<32x1x128xf32, #tpu.memory_space<vmem>>
    %dma_start3A_1130 = tpu.memref_squeeze %dma_start3A_1129 : memref<32x1x128xf32, #tpu.memory_space<vmem>> -> memref<32x128xf32, #tpu.memory_space<vmem>>
    %dma_start3A_1131 = arith.constant 0 : i32
    %dma_start3A_1132 = tpu.memref_slice %arg2[%dma_start3A_1125, %mul3A_2, %dma_start3A_1131] : memref<32x1024x128xf32, #tpu.memory_space<hbm>> -> memref<1x32x128xf32, #tpu.memory_space<hbm>>
    %dma_start3A_1133 = tpu.memref_squeeze %dma_start3A_1132 : memref<1x32x128xf32, #tpu.memory_space<hbm>> -> memref<32x128xf32, #tpu.memory_space<hbm>>
    %dma_start3A_1134 = arith.constant 0 : i32
    %dma_start3A_1135 = arith.constant 0 : i32
    %dma_start3A_1136 = tpu.memref_slice %arg10[%dma_start3A_1134, %dma_start3A_1126, %dma_start3A_1135] : memref<32x1x512xf32, #tpu.memory_space<vmem>> -> memref<32x1x128xf32, #tpu.memory_space<vmem>>
    %dma_start3A_1137 = tpu.memref_squeeze %dma_start3A_1136 : memref<32x1x128xf32, #tpu.memory_space<vmem>> -> memref<32x128xf32, #tpu.memory_space<vmem>>
    %dma_start3A_1138 = arith.constant 0 : i32
    %dma_start3A_1139 = tpu.memref_slice %arg2[%dma_start3A_1125, %mul3A_2, %dma_start3A_1138] : memref<32x1024x128xf32, #tpu.memory_space<hbm>> -> memref<1x32x128xf32, #tpu.memory_space<hbm>>
    %dma_start3A_1140 = tpu.memref_squeeze %dma_start3A_1139 : memref<1x32x128xf32, #tpu.memory_space<hbm>> -> memref<32x128xf32, #tpu.memory_space<hbm>>
    tpu.enqueue_dma source(%dma_start3A_1140 : memref<32x128xf32, #tpu.memory_space<hbm>>) target(%dma_start3A_1137 : memref<32x128xf32, #tpu.memory_space<vmem>>) target_semaphore(%arg16 : memref<!tpu.dma_semaphore, #tpu.memory_space<semaphore_mem>>)
    %dma_wait3A_1141 = arith.constant 19 : i32
    %dma_wait3A_1142 = arith.constant 0 : i32
    %dma_wait3A_1143 = arith.constant 0 : i32
    %dma_wait3A_1144 = arith.constant 0 : i32
    %dma_wait3A_1145 = tpu.memref_slice %arg6[%dma_wait3A_1143, %dma_wait3A_1142, %dma_wait3A_1144] : memref<32x1x512xf32, #tpu.memory_space<vmem>> -> memref<32x1x128xf32, #tpu.memory_space<vmem>>
    %dma_wait3A_1146 = tpu.memref_squeeze %dma_wait3A_1145 : memref<32x1x128xf32, #tpu.memory_space<vmem>> -> memref<32x128xf32, #tpu.memory_space<vmem>>
    %dma_wait3A_1147 = arith.constant 0 : i32
    %dma_wait3A_1148 = tpu.memref_slice %arg2[%dma_wait3A_1141, %mul3A_2, %dma_wait3A_1147] : memref<32x1024x128xf32, #tpu.memory_space<hbm>> -> memref<1x32x128xf32, #tpu.memory_space<hbm>>
    %dma_wait3A_1149 = tpu.memref_squeeze %dma_wait3A_1148 : memref<1x32x128xf32, #tpu.memory_space<hbm>> -> memref<32x128xf32, #tpu.memory_space<hbm>>
    %dma_wait3A_1150 = arith.constant 0 : i32
    %dma_wait3A_1151 = arith.constant 0 : i32
    %dma_wait3A_1152 = tpu.memref_slice %arg6[%dma_wait3A_1150, %dma_wait3A_1142, %dma_wait3A_1151] : memref<32x1x512xf32, #tpu.memory_space<vmem>> -> memref<32x1x128xf32, #tpu.memory_space<vmem>>
    %dma_wait3A_1153 = tpu.memref_squeeze %dma_wait3A_1152 : memref<32x1x128xf32, #tpu.memory_space<vmem>> -> memref<32x128xf32, #tpu.memory_space<vmem>>
    %dma_wait3A_1154 = arith.constant 0 : i32
    %dma_wait3A_1155 = tpu.memref_slice %arg2[%dma_wait3A_1141, %mul3A_2, %dma_wait3A_1154] : memref<32x1024x128xf32, #tpu.memory_space<hbm>> -> memref<1x32x128xf32, #tpu.memory_space<hbm>>
    %dma_wait3A_1156 = tpu.memref_squeeze %dma_wait3A_1155 : memref<1x32x128xf32, #tpu.memory_space<hbm>> -> memref<32x128xf32, #tpu.memory_space<hbm>>
    tpu.wait_dma2 semaphore(%arg12 : memref<!tpu.dma_semaphore, #tpu.memory_space<semaphore_mem>>) src(%dma_wait3A_1156 : memref<32x128xf32, #tpu.memory_space<hbm>>) dst(%dma_wait3A_1153 : memref<32x128xf32, #tpu.memory_space<vmem>>)
    %add3A_1157 = arith.constant 19456 : i32
    %add3A_1158 = arith.addi %add3A_1157, %mul3A_2 : i32
    %dma_start3A_1159 = arith.constant 0 : i32
    %dma_start3A_1160 = arith.constant 0 : i32
    %dma_start3A_1161 = tpu.memref_slice %arg4[%add3A_1158, %dma_start3A_1159, %dma_start3A_1160] : memref<32768x1x512xf32, #tpu.memory_space<hbm>> -> memref<32x1x512xf32, #tpu.memory_space<hbm>>
    %dma_start3A_1162 = arith.constant 0 : i32
    %dma_start3A_1163 = arith.constant 0 : i32
    %dma_start3A_1164 = tpu.memref_slice %arg4[%add3A_1158, %dma_start3A_1162, %dma_start3A_1163] : memref<32768x1x512xf32, #tpu.memory_space<hbm>> -> memref<32x1x512xf32, #tpu.memory_space<hbm>>
    tpu.enqueue_dma source(%arg6 : memref<32x1x512xf32, #tpu.memory_space<vmem>>) target(%dma_start3A_1164 : memref<32x1x512xf32, #tpu.memory_space<hbm>>) target_semaphore(%arg18 : memref<!tpu.dma_semaphore, #tpu.memory_space<semaphore_mem>>)
    %add3A_1165 = arith.constant 18432 : i32
    %add3A_1166 = arith.addi %add3A_1165, %mul3A_2 : i32
    %dma_wait3A_1167 = arith.constant 0 : i32
    %dma_wait3A_1168 = arith.constant 0 : i32
    %dma_wait3A_1169 = tpu.memref_slice %arg4[%add3A_1166, %dma_wait3A_1167, %dma_wait3A_1168] : memref<32768x1x512xf32, #tpu.memory_space<hbm>> -> memref<32x1x512xf32, #tpu.memory_space<hbm>>
    %dma_wait3A_1170 = arith.constant 0 : i32
    %dma_wait3A_1171 = arith.constant 0 : i32
    %dma_wait3A_1172 = tpu.memref_slice %arg4[%add3A_1166, %dma_wait3A_1170, %dma_wait3A_1171] : memref<32768x1x512xf32, #tpu.memory_space<hbm>> -> memref<32x1x512xf32, #tpu.memory_space<hbm>>
    tpu.wait_dma2 semaphore(%arg17 : memref<!tpu.dma_semaphore, #tpu.memory_space<semaphore_mem>>) src(%arg5 : memref<32x1x512xf32, #tpu.memory_space<vmem>>) dst(%dma_wait3A_1172 : memref<32x1x512xf32, #tpu.memory_space<hbm>>)
    %dma_start3A_1173 = arith.constant 24 : i32
    %dma_start3A_1174 = arith.constant 0 : i32
    %dma_start3A_1175 = arith.constant 0 : i32
    %dma_start3A_1176 = arith.constant 0 : i32
    %dma_start3A_1177 = tpu.memref_slice %arg5[%dma_start3A_1175, %dma_start3A_1174, %dma_start3A_1176] : memref<32x1x512xf32, #tpu.memory_space<vmem>> -> memref<32x1x128xf32, #tpu.memory_space<vmem>>
    %dma_start3A_1178 = tpu.memref_squeeze %dma_start3A_1177 : memref<32x1x128xf32, #tpu.memory_space<vmem>> -> memref<32x128xf32, #tpu.memory_space<vmem>>
    %dma_start3A_1179 = arith.constant 0 : i32
    %dma_start3A_1180 = tpu.memref_slice %arg2[%dma_start3A_1173, %mul3A_2, %dma_start3A_1179] : memref<32x1024x128xf32, #tpu.memory_space<hbm>> -> memref<1x32x128xf32, #tpu.memory_space<hbm>>
    %dma_start3A_1181 = tpu.memref_squeeze %dma_start3A_1180 : memref<1x32x128xf32, #tpu.memory_space<hbm>> -> memref<32x128xf32, #tpu.memory_space<hbm>>
    %dma_start3A_1182 = arith.constant 0 : i32
    %dma_start3A_1183 = arith.constant 0 : i32
    %dma_start3A_1184 = tpu.memref_slice %arg5[%dma_start3A_1182, %dma_start3A_1174, %dma_start3A_1183] : memref<32x1x512xf32, #tpu.memory_space<vmem>> -> memref<32x1x128xf32, #tpu.memory_space<vmem>>
    %dma_start3A_1185 = tpu.memref_squeeze %dma_start3A_1184 : memref<32x1x128xf32, #tpu.memory_space<vmem>> -> memref<32x128xf32, #tpu.memory_space<vmem>>
    %dma_start3A_1186 = arith.constant 0 : i32
    %dma_start3A_1187 = tpu.memref_slice %arg2[%dma_start3A_1173, %mul3A_2, %dma_start3A_1186] : memref<32x1024x128xf32, #tpu.memory_space<hbm>> -> memref<1x32x128xf32, #tpu.memory_space<hbm>>
    %dma_start3A_1188 = tpu.memref_squeeze %dma_start3A_1187 : memref<1x32x128xf32, #tpu.memory_space<hbm>> -> memref<32x128xf32, #tpu.memory_space<hbm>>
    tpu.enqueue_dma source(%dma_start3A_1188 : memref<32x128xf32, #tpu.memory_space<hbm>>) target(%dma_start3A_1185 : memref<32x128xf32, #tpu.memory_space<vmem>>) target_semaphore(%arg11 : memref<!tpu.dma_semaphore, #tpu.memory_space<semaphore_mem>>)
    %dma_wait3A_1189 = arith.constant 20 : i32
    %dma_wait3A_1190 = arith.constant 0 : i32
    %dma_wait3A_1191 = arith.constant 0 : i32
    %dma_wait3A_1192 = arith.constant 0 : i32
    %dma_wait3A_1193 = tpu.memref_slice %arg7[%dma_wait3A_1191, %dma_wait3A_1190, %dma_wait3A_1192] : memref<32x1x512xf32, #tpu.memory_space<vmem>> -> memref<32x1x128xf32, #tpu.memory_space<vmem>>
    %dma_wait3A_1194 = tpu.memref_squeeze %dma_wait3A_1193 : memref<32x1x128xf32, #tpu.memory_space<vmem>> -> memref<32x128xf32, #tpu.memory_space<vmem>>
    %dma_wait3A_1195 = arith.constant 0 : i32
    %dma_wait3A_1196 = tpu.memref_slice %arg2[%dma_wait3A_1189, %mul3A_2, %dma_wait3A_1195] : memref<32x1024x128xf32, #tpu.memory_space<hbm>> -> memref<1x32x128xf32, #tpu.memory_space<hbm>>
    %dma_wait3A_1197 = tpu.memref_squeeze %dma_wait3A_1196 : memref<1x32x128xf32, #tpu.memory_space<hbm>> -> memref<32x128xf32, #tpu.memory_space<hbm>>
    %dma_wait3A_1198 = arith.constant 0 : i32
    %dma_wait3A_1199 = arith.constant 0 : i32
    %dma_wait3A_1200 = tpu.memref_slice %arg7[%dma_wait3A_1198, %dma_wait3A_1190, %dma_wait3A_1199] : memref<32x1x512xf32, #tpu.memory_space<vmem>> -> memref<32x1x128xf32, #tpu.memory_space<vmem>>
    %dma_wait3A_1201 = tpu.memref_squeeze %dma_wait3A_1200 : memref<32x1x128xf32, #tpu.memory_space<vmem>> -> memref<32x128xf32, #tpu.memory_space<vmem>>
    %dma_wait3A_1202 = arith.constant 0 : i32
    %dma_wait3A_1203 = tpu.memref_slice %arg2[%dma_wait3A_1189, %mul3A_2, %dma_wait3A_1202] : memref<32x1024x128xf32, #tpu.memory_space<hbm>> -> memref<1x32x128xf32, #tpu.memory_space<hbm>>
    %dma_wait3A_1204 = tpu.memref_squeeze %dma_wait3A_1203 : memref<1x32x128xf32, #tpu.memory_space<hbm>> -> memref<32x128xf32, #tpu.memory_space<hbm>>
    tpu.wait_dma2 semaphore(%arg13 : memref<!tpu.dma_semaphore, #tpu.memory_space<semaphore_mem>>) src(%dma_wait3A_1204 : memref<32x128xf32, #tpu.memory_space<hbm>>) dst(%dma_wait3A_1201 : memref<32x128xf32, #tpu.memory_space<vmem>>)
    %add3A_1205 = arith.constant 20480 : i32
    %add3A_1206 = arith.addi %add3A_1205, %mul3A_2 : i32
    %dma_start3A_1207 = arith.constant 0 : i32
    %dma_start3A_1208 = arith.constant 0 : i32
    %dma_start3A_1209 = tpu.memref_slice %arg4[%add3A_1206, %dma_start3A_1207, %dma_start3A_1208] : memref<32768x1x512xf32, #tpu.memory_space<hbm>> -> memref<32x1x512xf32, #tpu.memory_space<hbm>>
    %dma_start3A_1210 = arith.constant 0 : i32
    %dma_start3A_1211 = arith.constant 0 : i32
    %dma_start3A_1212 = tpu.memref_slice %arg4[%add3A_1206, %dma_start3A_1210, %dma_start3A_1211] : memref<32768x1x512xf32, #tpu.memory_space<hbm>> -> memref<32x1x512xf32, #tpu.memory_space<hbm>>
    tpu.enqueue_dma source(%arg7 : memref<32x1x512xf32, #tpu.memory_space<vmem>>) target(%dma_start3A_1212 : memref<32x1x512xf32, #tpu.memory_space<hbm>>) target_semaphore(%arg19 : memref<!tpu.dma_semaphore, #tpu.memory_space<semaphore_mem>>)
    %add3A_1213 = arith.constant 19456 : i32
    %add3A_1214 = arith.addi %add3A_1213, %mul3A_2 : i32
    %dma_wait3A_1215 = arith.constant 0 : i32
    %dma_wait3A_1216 = arith.constant 0 : i32
    %dma_wait3A_1217 = tpu.memref_slice %arg4[%add3A_1214, %dma_wait3A_1215, %dma_wait3A_1216] : memref<32768x1x512xf32, #tpu.memory_space<hbm>> -> memref<32x1x512xf32, #tpu.memory_space<hbm>>
    %dma_wait3A_1218 = arith.constant 0 : i32
    %dma_wait3A_1219 = arith.constant 0 : i32
    %dma_wait3A_1220 = tpu.memref_slice %arg4[%add3A_1214, %dma_wait3A_1218, %dma_wait3A_1219] : memref<32768x1x512xf32, #tpu.memory_space<hbm>> -> memref<32x1x512xf32, #tpu.memory_space<hbm>>
    tpu.wait_dma2 semaphore(%arg18 : memref<!tpu.dma_semaphore, #tpu.memory_space<semaphore_mem>>) src(%arg6 : memref<32x1x512xf32, #tpu.memory_space<vmem>>) dst(%dma_wait3A_1220 : memref<32x1x512xf32, #tpu.memory_space<hbm>>)
    %dma_start3A_1221 = arith.constant 25 : i32
    %dma_start3A_1222 = arith.constant 0 : i32
    %dma_start3A_1223 = arith.constant 0 : i32
    %dma_start3A_1224 = arith.constant 0 : i32
    %dma_start3A_1225 = tpu.memref_slice %arg6[%dma_start3A_1223, %dma_start3A_1222, %dma_start3A_1224] : memref<32x1x512xf32, #tpu.memory_space<vmem>> -> memref<32x1x128xf32, #tpu.memory_space<vmem>>
    %dma_start3A_1226 = tpu.memref_squeeze %dma_start3A_1225 : memref<32x1x128xf32, #tpu.memory_space<vmem>> -> memref<32x128xf32, #tpu.memory_space<vmem>>
    %dma_start3A_1227 = arith.constant 0 : i32
    %dma_start3A_1228 = tpu.memref_slice %arg2[%dma_start3A_1221, %mul3A_2, %dma_start3A_1227] : memref<32x1024x128xf32, #tpu.memory_space<hbm>> -> memref<1x32x128xf32, #tpu.memory_space<hbm>>
    %dma_start3A_1229 = tpu.memref_squeeze %dma_start3A_1228 : memref<1x32x128xf32, #tpu.memory_space<hbm>> -> memref<32x128xf32, #tpu.memory_space<hbm>>
    %dma_start3A_1230 = arith.constant 0 : i32
    %dma_start3A_1231 = arith.constant 0 : i32
    %dma_start3A_1232 = tpu.memref_slice %arg6[%dma_start3A_1230, %dma_start3A_1222, %dma_start3A_1231] : memref<32x1x512xf32, #tpu.memory_space<vmem>> -> memref<32x1x128xf32, #tpu.memory_space<vmem>>
    %dma_start3A_1233 = tpu.memref_squeeze %dma_start3A_1232 : memref<32x1x128xf32, #tpu.memory_space<vmem>> -> memref<32x128xf32, #tpu.memory_space<vmem>>
    %dma_start3A_1234 = arith.constant 0 : i32
    %dma_start3A_1235 = tpu.memref_slice %arg2[%dma_start3A_1221, %mul3A_2, %dma_start3A_1234] : memref<32x1024x128xf32, #tpu.memory_space<hbm>> -> memref<1x32x128xf32, #tpu.memory_space<hbm>>
    %dma_start3A_1236 = tpu.memref_squeeze %dma_start3A_1235 : memref<1x32x128xf32, #tpu.memory_space<hbm>> -> memref<32x128xf32, #tpu.memory_space<hbm>>
    tpu.enqueue_dma source(%dma_start3A_1236 : memref<32x128xf32, #tpu.memory_space<hbm>>) target(%dma_start3A_1233 : memref<32x128xf32, #tpu.memory_space<vmem>>) target_semaphore(%arg12 : memref<!tpu.dma_semaphore, #tpu.memory_space<semaphore_mem>>)
    %dma_wait3A_1237 = arith.constant 21 : i32
    %dma_wait3A_1238 = arith.constant 0 : i32
    %dma_wait3A_1239 = arith.constant 0 : i32
    %dma_wait3A_1240 = arith.constant 0 : i32
    %dma_wait3A_1241 = tpu.memref_slice %arg8[%dma_wait3A_1239, %dma_wait3A_1238, %dma_wait3A_1240] : memref<32x1x512xf32, #tpu.memory_space<vmem>> -> memref<32x1x128xf32, #tpu.memory_space<vmem>>
    %dma_wait3A_1242 = tpu.memref_squeeze %dma_wait3A_1241 : memref<32x1x128xf32, #tpu.memory_space<vmem>> -> memref<32x128xf32, #tpu.memory_space<vmem>>
    %dma_wait3A_1243 = arith.constant 0 : i32
    %dma_wait3A_1244 = tpu.memref_slice %arg2[%dma_wait3A_1237, %mul3A_2, %dma_wait3A_1243] : memref<32x1024x128xf32, #tpu.memory_space<hbm>> -> memref<1x32x128xf32, #tpu.memory_space<hbm>>
    %dma_wait3A_1245 = tpu.memref_squeeze %dma_wait3A_1244 : memref<1x32x128xf32, #tpu.memory_space<hbm>> -> memref<32x128xf32, #tpu.memory_space<hbm>>
    %dma_wait3A_1246 = arith.constant 0 : i32
    %dma_wait3A_1247 = arith.constant 0 : i32
    %dma_wait3A_1248 = tpu.memref_slice %arg8[%dma_wait3A_1246, %dma_wait3A_1238, %dma_wait3A_1247] : memref<32x1x512xf32, #tpu.memory_space<vmem>> -> memref<32x1x128xf32, #tpu.memory_space<vmem>>
    %dma_wait3A_1249 = tpu.memref_squeeze %dma_wait3A_1248 : memref<32x1x128xf32, #tpu.memory_space<vmem>> -> memref<32x128xf32, #tpu.memory_space<vmem>>
    %dma_wait3A_1250 = arith.constant 0 : i32
    %dma_wait3A_1251 = tpu.memref_slice %arg2[%dma_wait3A_1237, %mul3A_2, %dma_wait3A_1250] : memref<32x1024x128xf32, #tpu.memory_space<hbm>> -> memref<1x32x128xf32, #tpu.memory_space<hbm>>
    %dma_wait3A_1252 = tpu.memref_squeeze %dma_wait3A_1251 : memref<1x32x128xf32, #tpu.memory_space<hbm>> -> memref<32x128xf32, #tpu.memory_space<hbm>>
    tpu.wait_dma2 semaphore(%arg14 : memref<!tpu.dma_semaphore, #tpu.memory_space<semaphore_mem>>) src(%dma_wait3A_1252 : memref<32x128xf32, #tpu.memory_space<hbm>>) dst(%dma_wait3A_1249 : memref<32x128xf32, #tpu.memory_space<vmem>>)
    %add3A_1253 = arith.constant 21504 : i32
    %add3A_1254 = arith.addi %add3A_1253, %mul3A_2 : i32
    %dma_start3A_1255 = arith.constant 0 : i32
    %dma_start3A_1256 = arith.constant 0 : i32
    %dma_start3A_1257 = tpu.memref_slice %arg4[%add3A_1254, %dma_start3A_1255, %dma_start3A_1256] : memref<32768x1x512xf32, #tpu.memory_space<hbm>> -> memref<32x1x512xf32, #tpu.memory_space<hbm>>
    %dma_start3A_1258 = arith.constant 0 : i32
    %dma_start3A_1259 = arith.constant 0 : i32
    %dma_start3A_1260 = tpu.memref_slice %arg4[%add3A_1254, %dma_start3A_1258, %dma_start3A_1259] : memref<32768x1x512xf32, #tpu.memory_space<hbm>> -> memref<32x1x512xf32, #tpu.memory_space<hbm>>
    tpu.enqueue_dma source(%arg8 : memref<32x1x512xf32, #tpu.memory_space<vmem>>) target(%dma_start3A_1260 : memref<32x1x512xf32, #tpu.memory_space<hbm>>) target_semaphore(%arg20 : memref<!tpu.dma_semaphore, #tpu.memory_space<semaphore_mem>>)
    %add3A_1261 = arith.constant 20480 : i32
    %add3A_1262 = arith.addi %add3A_1261, %mul3A_2 : i32
    %dma_wait3A_1263 = arith.constant 0 : i32
    %dma_wait3A_1264 = arith.constant 0 : i32
    %dma_wait3A_1265 = tpu.memref_slice %arg4[%add3A_1262, %dma_wait3A_1263, %dma_wait3A_1264] : memref<32768x1x512xf32, #tpu.memory_space<hbm>> -> memref<32x1x512xf32, #tpu.memory_space<hbm>>
    %dma_wait3A_1266 = arith.constant 0 : i32
    %dma_wait3A_1267 = arith.constant 0 : i32
    %dma_wait3A_1268 = tpu.memref_slice %arg4[%add3A_1262, %dma_wait3A_1266, %dma_wait3A_1267] : memref<32768x1x512xf32, #tpu.memory_space<hbm>> -> memref<32x1x512xf32, #tpu.memory_space<hbm>>
    tpu.wait_dma2 semaphore(%arg19 : memref<!tpu.dma_semaphore, #tpu.memory_space<semaphore_mem>>) src(%arg7 : memref<32x1x512xf32, #tpu.memory_space<vmem>>) dst(%dma_wait3A_1268 : memref<32x1x512xf32, #tpu.memory_space<hbm>>)
    %dma_start3A_1269 = arith.constant 26 : i32
    %dma_start3A_1270 = arith.constant 0 : i32
    %dma_start3A_1271 = arith.constant 0 : i32
    %dma_start3A_1272 = arith.constant 0 : i32
    %dma_start3A_1273 = tpu.memref_slice %arg7[%dma_start3A_1271, %dma_start3A_1270, %dma_start3A_1272] : memref<32x1x512xf32, #tpu.memory_space<vmem>> -> memref<32x1x128xf32, #tpu.memory_space<vmem>>
    %dma_start3A_1274 = tpu.memref_squeeze %dma_start3A_1273 : memref<32x1x128xf32, #tpu.memory_space<vmem>> -> memref<32x128xf32, #tpu.memory_space<vmem>>
    %dma_start3A_1275 = arith.constant 0 : i32
    %dma_start3A_1276 = tpu.memref_slice %arg2[%dma_start3A_1269, %mul3A_2, %dma_start3A_1275] : memref<32x1024x128xf32, #tpu.memory_space<hbm>> -> memref<1x32x128xf32, #tpu.memory_space<hbm>>
    %dma_start3A_1277 = tpu.memref_squeeze %dma_start3A_1276 : memref<1x32x128xf32, #tpu.memory_space<hbm>> -> memref<32x128xf32, #tpu.memory_space<hbm>>
    %dma_start3A_1278 = arith.constant 0 : i32
    %dma_start3A_1279 = arith.constant 0 : i32
    %dma_start3A_1280 = tpu.memref_slice %arg7[%dma_start3A_1278, %dma_start3A_1270, %dma_start3A_1279] : memref<32x1x512xf32, #tpu.memory_space<vmem>> -> memref<32x1x128xf32, #tpu.memory_space<vmem>>
    %dma_start3A_1281 = tpu.memref_squeeze %dma_start3A_1280 : memref<32x1x128xf32, #tpu.memory_space<vmem>> -> memref<32x128xf32, #tpu.memory_space<vmem>>
    %dma_start3A_1282 = arith.constant 0 : i32
    %dma_start3A_1283 = tpu.memref_slice %arg2[%dma_start3A_1269, %mul3A_2, %dma_start3A_1282] : memref<32x1024x128xf32, #tpu.memory_space<hbm>> -> memref<1x32x128xf32, #tpu.memory_space<hbm>>
    %dma_start3A_1284 = tpu.memref_squeeze %dma_start3A_1283 : memref<1x32x128xf32, #tpu.memory_space<hbm>> -> memref<32x128xf32, #tpu.memory_space<hbm>>
    tpu.enqueue_dma source(%dma_start3A_1284 : memref<32x128xf32, #tpu.memory_space<hbm>>) target(%dma_start3A_1281 : memref<32x128xf32, #tpu.memory_space<vmem>>) target_semaphore(%arg13 : memref<!tpu.dma_semaphore, #tpu.memory_space<semaphore_mem>>)
    %dma_wait3A_1285 = arith.constant 22 : i32
    %dma_wait3A_1286 = arith.constant 0 : i32
    %dma_wait3A_1287 = arith.constant 0 : i32
    %dma_wait3A_1288 = arith.constant 0 : i32
    %dma_wait3A_1289 = tpu.memref_slice %arg9[%dma_wait3A_1287, %dma_wait3A_1286, %dma_wait3A_1288] : memref<32x1x512xf32, #tpu.memory_space<vmem>> -> memref<32x1x128xf32, #tpu.memory_space<vmem>>
    %dma_wait3A_1290 = tpu.memref_squeeze %dma_wait3A_1289 : memref<32x1x128xf32, #tpu.memory_space<vmem>> -> memref<32x128xf32, #tpu.memory_space<vmem>>
    %dma_wait3A_1291 = arith.constant 0 : i32
    %dma_wait3A_1292 = tpu.memref_slice %arg2[%dma_wait3A_1285, %mul3A_2, %dma_wait3A_1291] : memref<32x1024x128xf32, #tpu.memory_space<hbm>> -> memref<1x32x128xf32, #tpu.memory_space<hbm>>
    %dma_wait3A_1293 = tpu.memref_squeeze %dma_wait3A_1292 : memref<1x32x128xf32, #tpu.memory_space<hbm>> -> memref<32x128xf32, #tpu.memory_space<hbm>>
    %dma_wait3A_1294 = arith.constant 0 : i32
    %dma_wait3A_1295 = arith.constant 0 : i32
    %dma_wait3A_1296 = tpu.memref_slice %arg9[%dma_wait3A_1294, %dma_wait3A_1286, %dma_wait3A_1295] : memref<32x1x512xf32, #tpu.memory_space<vmem>> -> memref<32x1x128xf32, #tpu.memory_space<vmem>>
    %dma_wait3A_1297 = tpu.memref_squeeze %dma_wait3A_1296 : memref<32x1x128xf32, #tpu.memory_space<vmem>> -> memref<32x128xf32, #tpu.memory_space<vmem>>
    %dma_wait3A_1298 = arith.constant 0 : i32
    %dma_wait3A_1299 = tpu.memref_slice %arg2[%dma_wait3A_1285, %mul3A_2, %dma_wait3A_1298] : memref<32x1024x128xf32, #tpu.memory_space<hbm>> -> memref<1x32x128xf32, #tpu.memory_space<hbm>>
    %dma_wait3A_1300 = tpu.memref_squeeze %dma_wait3A_1299 : memref<1x32x128xf32, #tpu.memory_space<hbm>> -> memref<32x128xf32, #tpu.memory_space<hbm>>
    tpu.wait_dma2 semaphore(%arg15 : memref<!tpu.dma_semaphore, #tpu.memory_space<semaphore_mem>>) src(%dma_wait3A_1300 : memref<32x128xf32, #tpu.memory_space<hbm>>) dst(%dma_wait3A_1297 : memref<32x128xf32, #tpu.memory_space<vmem>>)
    %add3A_1301 = arith.constant 22528 : i32
    %add3A_1302 = arith.addi %add3A_1301, %mul3A_2 : i32
    %dma_start3A_1303 = arith.constant 0 : i32
    %dma_start3A_1304 = arith.constant 0 : i32
    %dma_start3A_1305 = tpu.memref_slice %arg4[%add3A_1302, %dma_start3A_1303, %dma_start3A_1304] : memref<32768x1x512xf32, #tpu.memory_space<hbm>> -> memref<32x1x512xf32, #tpu.memory_space<hbm>>
    %dma_start3A_1306 = arith.constant 0 : i32
    %dma_start3A_1307 = arith.constant 0 : i32
    %dma_start3A_1308 = tpu.memref_slice %arg4[%add3A_1302, %dma_start3A_1306, %dma_start3A_1307] : memref<32768x1x512xf32, #tpu.memory_space<hbm>> -> memref<32x1x512xf32, #tpu.memory_space<hbm>>
    tpu.enqueue_dma source(%arg9 : memref<32x1x512xf32, #tpu.memory_space<vmem>>) target(%dma_start3A_1308 : memref<32x1x512xf32, #tpu.memory_space<hbm>>) target_semaphore(%arg21 : memref<!tpu.dma_semaphore, #tpu.memory_space<semaphore_mem>>)
    %add3A_1309 = arith.constant 21504 : i32
    %add3A_1310 = arith.addi %add3A_1309, %mul3A_2 : i32
    %dma_wait3A_1311 = arith.constant 0 : i32
    %dma_wait3A_1312 = arith.constant 0 : i32
    %dma_wait3A_1313 = tpu.memref_slice %arg4[%add3A_1310, %dma_wait3A_1311, %dma_wait3A_1312] : memref<32768x1x512xf32, #tpu.memory_space<hbm>> -> memref<32x1x512xf32, #tpu.memory_space<hbm>>
    %dma_wait3A_1314 = arith.constant 0 : i32
    %dma_wait3A_1315 = arith.constant 0 : i32
    %dma_wait3A_1316 = tpu.memref_slice %arg4[%add3A_1310, %dma_wait3A_1314, %dma_wait3A_1315] : memref<32768x1x512xf32, #tpu.memory_space<hbm>> -> memref<32x1x512xf32, #tpu.memory_space<hbm>>
    tpu.wait_dma2 semaphore(%arg20 : memref<!tpu.dma_semaphore, #tpu.memory_space<semaphore_mem>>) src(%arg8 : memref<32x1x512xf32, #tpu.memory_space<vmem>>) dst(%dma_wait3A_1316 : memref<32x1x512xf32, #tpu.memory_space<hbm>>)
    %dma_start3A_1317 = arith.constant 27 : i32
    %dma_start3A_1318 = arith.constant 0 : i32
    %dma_start3A_1319 = arith.constant 0 : i32
    %dma_start3A_1320 = arith.constant 0 : i32
    %dma_start3A_1321 = tpu.memref_slice %arg8[%dma_start3A_1319, %dma_start3A_1318, %dma_start3A_1320] : memref<32x1x512xf32, #tpu.memory_space<vmem>> -> memref<32x1x128xf32, #tpu.memory_space<vmem>>
    %dma_start3A_1322 = tpu.memref_squeeze %dma_start3A_1321 : memref<32x1x128xf32, #tpu.memory_space<vmem>> -> memref<32x128xf32, #tpu.memory_space<vmem>>
    %dma_start3A_1323 = arith.constant 0 : i32
    %dma_start3A_1324 = tpu.memref_slice %arg2[%dma_start3A_1317, %mul3A_2, %dma_start3A_1323] : memref<32x1024x128xf32, #tpu.memory_space<hbm>> -> memref<1x32x128xf32, #tpu.memory_space<hbm>>
    %dma_start3A_1325 = tpu.memref_squeeze %dma_start3A_1324 : memref<1x32x128xf32, #tpu.memory_space<hbm>> -> memref<32x128xf32, #tpu.memory_space<hbm>>
    %dma_start3A_1326 = arith.constant 0 : i32
    %dma_start3A_1327 = arith.constant 0 : i32
    %dma_start3A_1328 = tpu.memref_slice %arg8[%dma_start3A_1326, %dma_start3A_1318, %dma_start3A_1327] : memref<32x1x512xf32, #tpu.memory_space<vmem>> -> memref<32x1x128xf32, #tpu.memory_space<vmem>>
    %dma_start3A_1329 = tpu.memref_squeeze %dma_start3A_1328 : memref<32x1x128xf32, #tpu.memory_space<vmem>> -> memref<32x128xf32, #tpu.memory_space<vmem>>
    %dma_start3A_1330 = arith.constant 0 : i32
    %dma_start3A_1331 = tpu.memref_slice %arg2[%dma_start3A_1317, %mul3A_2, %dma_start3A_1330] : memref<32x1024x128xf32, #tpu.memory_space<hbm>> -> memref<1x32x128xf32, #tpu.memory_space<hbm>>
    %dma_start3A_1332 = tpu.memref_squeeze %dma_start3A_1331 : memref<1x32x128xf32, #tpu.memory_space<hbm>> -> memref<32x128xf32, #tpu.memory_space<hbm>>
    tpu.enqueue_dma source(%dma_start3A_1332 : memref<32x128xf32, #tpu.memory_space<hbm>>) target(%dma_start3A_1329 : memref<32x128xf32, #tpu.memory_space<vmem>>) target_semaphore(%arg14 : memref<!tpu.dma_semaphore, #tpu.memory_space<semaphore_mem>>)
    %dma_wait3A_1333 = arith.constant 23 : i32
    %dma_wait3A_1334 = arith.constant 0 : i32
    %dma_wait3A_1335 = arith.constant 0 : i32
    %dma_wait3A_1336 = arith.constant 0 : i32
    %dma_wait3A_1337 = tpu.memref_slice %arg10[%dma_wait3A_1335, %dma_wait3A_1334, %dma_wait3A_1336] : memref<32x1x512xf32, #tpu.memory_space<vmem>> -> memref<32x1x128xf32, #tpu.memory_space<vmem>>
    %dma_wait3A_1338 = tpu.memref_squeeze %dma_wait3A_1337 : memref<32x1x128xf32, #tpu.memory_space<vmem>> -> memref<32x128xf32, #tpu.memory_space<vmem>>
    %dma_wait3A_1339 = arith.constant 0 : i32
    %dma_wait3A_1340 = tpu.memref_slice %arg2[%dma_wait3A_1333, %mul3A_2, %dma_wait3A_1339] : memref<32x1024x128xf32, #tpu.memory_space<hbm>> -> memref<1x32x128xf32, #tpu.memory_space<hbm>>
    %dma_wait3A_1341 = tpu.memref_squeeze %dma_wait3A_1340 : memref<1x32x128xf32, #tpu.memory_space<hbm>> -> memref<32x128xf32, #tpu.memory_space<hbm>>
    %dma_wait3A_1342 = arith.constant 0 : i32
    %dma_wait3A_1343 = arith.constant 0 : i32
    %dma_wait3A_1344 = tpu.memref_slice %arg10[%dma_wait3A_1342, %dma_wait3A_1334, %dma_wait3A_1343] : memref<32x1x512xf32, #tpu.memory_space<vmem>> -> memref<32x1x128xf32, #tpu.memory_space<vmem>>
    %dma_wait3A_1345 = tpu.memref_squeeze %dma_wait3A_1344 : memref<32x1x128xf32, #tpu.memory_space<vmem>> -> memref<32x128xf32, #tpu.memory_space<vmem>>
    %dma_wait3A_1346 = arith.constant 0 : i32
    %dma_wait3A_1347 = tpu.memref_slice %arg2[%dma_wait3A_1333, %mul3A_2, %dma_wait3A_1346] : memref<32x1024x128xf32, #tpu.memory_space<hbm>> -> memref<1x32x128xf32, #tpu.memory_space<hbm>>
    %dma_wait3A_1348 = tpu.memref_squeeze %dma_wait3A_1347 : memref<1x32x128xf32, #tpu.memory_space<hbm>> -> memref<32x128xf32, #tpu.memory_space<hbm>>
    tpu.wait_dma2 semaphore(%arg16 : memref<!tpu.dma_semaphore, #tpu.memory_space<semaphore_mem>>) src(%dma_wait3A_1348 : memref<32x128xf32, #tpu.memory_space<hbm>>) dst(%dma_wait3A_1345 : memref<32x128xf32, #tpu.memory_space<vmem>>)
    %add3A_1349 = arith.constant 23552 : i32
    %add3A_1350 = arith.addi %add3A_1349, %mul3A_2 : i32
    %dma_start3A_1351 = arith.constant 0 : i32
    %dma_start3A_1352 = arith.constant 0 : i32
    %dma_start3A_1353 = tpu.memref_slice %arg4[%add3A_1350, %dma_start3A_1351, %dma_start3A_1352] : memref<32768x1x512xf32, #tpu.memory_space<hbm>> -> memref<32x1x512xf32, #tpu.memory_space<hbm>>
    %dma_start3A_1354 = arith.constant 0 : i32
    %dma_start3A_1355 = arith.constant 0 : i32
    %dma_start3A_1356 = tpu.memref_slice %arg4[%add3A_1350, %dma_start3A_1354, %dma_start3A_1355] : memref<32768x1x512xf32, #tpu.memory_space<hbm>> -> memref<32x1x512xf32, #tpu.memory_space<hbm>>
    tpu.enqueue_dma source(%arg10 : memref<32x1x512xf32, #tpu.memory_space<vmem>>) target(%dma_start3A_1356 : memref<32x1x512xf32, #tpu.memory_space<hbm>>) target_semaphore(%arg22 : memref<!tpu.dma_semaphore, #tpu.memory_space<semaphore_mem>>)
    %add3A_1357 = arith.constant 22528 : i32
    %add3A_1358 = arith.addi %add3A_1357, %mul3A_2 : i32
    %dma_wait3A_1359 = arith.constant 0 : i32
    %dma_wait3A_1360 = arith.constant 0 : i32
    %dma_wait3A_1361 = tpu.memref_slice %arg4[%add3A_1358, %dma_wait3A_1359, %dma_wait3A_1360] : memref<32768x1x512xf32, #tpu.memory_space<hbm>> -> memref<32x1x512xf32, #tpu.memory_space<hbm>>
    %dma_wait3A_1362 = arith.constant 0 : i32
    %dma_wait3A_1363 = arith.constant 0 : i32
    %dma_wait3A_1364 = tpu.memref_slice %arg4[%add3A_1358, %dma_wait3A_1362, %dma_wait3A_1363] : memref<32768x1x512xf32, #tpu.memory_space<hbm>> -> memref<32x1x512xf32, #tpu.memory_space<hbm>>
    tpu.wait_dma2 semaphore(%arg21 : memref<!tpu.dma_semaphore, #tpu.memory_space<semaphore_mem>>) src(%arg9 : memref<32x1x512xf32, #tpu.memory_space<vmem>>) dst(%dma_wait3A_1364 : memref<32x1x512xf32, #tpu.memory_space<hbm>>)
    %dma_start3A_1365 = arith.constant 28 : i32
    %dma_start3A_1366 = arith.constant 0 : i32
    %dma_start3A_1367 = arith.constant 0 : i32
    %dma_start3A_1368 = arith.constant 0 : i32
    %dma_start3A_1369 = tpu.memref_slice %arg9[%dma_start3A_1367, %dma_start3A_1366, %dma_start3A_1368] : memref<32x1x512xf32, #tpu.memory_space<vmem>> -> memref<32x1x128xf32, #tpu.memory_space<vmem>>
    %dma_start3A_1370 = tpu.memref_squeeze %dma_start3A_1369 : memref<32x1x128xf32, #tpu.memory_space<vmem>> -> memref<32x128xf32, #tpu.memory_space<vmem>>
    %dma_start3A_1371 = arith.constant 0 : i32
    %dma_start3A_1372 = tpu.memref_slice %arg2[%dma_start3A_1365, %mul3A_2, %dma_start3A_1371] : memref<32x1024x128xf32, #tpu.memory_space<hbm>> -> memref<1x32x128xf32, #tpu.memory_space<hbm>>
    %dma_start3A_1373 = tpu.memref_squeeze %dma_start3A_1372 : memref<1x32x128xf32, #tpu.memory_space<hbm>> -> memref<32x128xf32, #tpu.memory_space<hbm>>
    %dma_start3A_1374 = arith.constant 0 : i32
    %dma_start3A_1375 = arith.constant 0 : i32
    %dma_start3A_1376 = tpu.memref_slice %arg9[%dma_start3A_1374, %dma_start3A_1366, %dma_start3A_1375] : memref<32x1x512xf32, #tpu.memory_space<vmem>> -> memref<32x1x128xf32, #tpu.memory_space<vmem>>
    %dma_start3A_1377 = tpu.memref_squeeze %dma_start3A_1376 : memref<32x1x128xf32, #tpu.memory_space<vmem>> -> memref<32x128xf32, #tpu.memory_space<vmem>>
    %dma_start3A_1378 = arith.constant 0 : i32
    %dma_start3A_1379 = tpu.memref_slice %arg2[%dma_start3A_1365, %mul3A_2, %dma_start3A_1378] : memref<32x1024x128xf32, #tpu.memory_space<hbm>> -> memref<1x32x128xf32, #tpu.memory_space<hbm>>
    %dma_start3A_1380 = tpu.memref_squeeze %dma_start3A_1379 : memref<1x32x128xf32, #tpu.memory_space<hbm>> -> memref<32x128xf32, #tpu.memory_space<hbm>>
    tpu.enqueue_dma source(%dma_start3A_1380 : memref<32x128xf32, #tpu.memory_space<hbm>>) target(%dma_start3A_1377 : memref<32x128xf32, #tpu.memory_space<vmem>>) target_semaphore(%arg15 : memref<!tpu.dma_semaphore, #tpu.memory_space<semaphore_mem>>)
    %dma_wait3A_1381 = arith.constant 24 : i32
    %dma_wait3A_1382 = arith.constant 0 : i32
    %dma_wait3A_1383 = arith.constant 0 : i32
    %dma_wait3A_1384 = arith.constant 0 : i32
    %dma_wait3A_1385 = tpu.memref_slice %arg5[%dma_wait3A_1383, %dma_wait3A_1382, %dma_wait3A_1384] : memref<32x1x512xf32, #tpu.memory_space<vmem>> -> memref<32x1x128xf32, #tpu.memory_space<vmem>>
    %dma_wait3A_1386 = tpu.memref_squeeze %dma_wait3A_1385 : memref<32x1x128xf32, #tpu.memory_space<vmem>> -> memref<32x128xf32, #tpu.memory_space<vmem>>
    %dma_wait3A_1387 = arith.constant 0 : i32
    %dma_wait3A_1388 = tpu.memref_slice %arg2[%dma_wait3A_1381, %mul3A_2, %dma_wait3A_1387] : memref<32x1024x128xf32, #tpu.memory_space<hbm>> -> memref<1x32x128xf32, #tpu.memory_space<hbm>>
    %dma_wait3A_1389 = tpu.memref_squeeze %dma_wait3A_1388 : memref<1x32x128xf32, #tpu.memory_space<hbm>> -> memref<32x128xf32, #tpu.memory_space<hbm>>
    %dma_wait3A_1390 = arith.constant 0 : i32
    %dma_wait3A_1391 = arith.constant 0 : i32
    %dma_wait3A_1392 = tpu.memref_slice %arg5[%dma_wait3A_1390, %dma_wait3A_1382, %dma_wait3A_1391] : memref<32x1x512xf32, #tpu.memory_space<vmem>> -> memref<32x1x128xf32, #tpu.memory_space<vmem>>
    %dma_wait3A_1393 = tpu.memref_squeeze %dma_wait3A_1392 : memref<32x1x128xf32, #tpu.memory_space<vmem>> -> memref<32x128xf32, #tpu.memory_space<vmem>>
    %dma_wait3A_1394 = arith.constant 0 : i32
    %dma_wait3A_1395 = tpu.memref_slice %arg2[%dma_wait3A_1381, %mul3A_2, %dma_wait3A_1394] : memref<32x1024x128xf32, #tpu.memory_space<hbm>> -> memref<1x32x128xf32, #tpu.memory_space<hbm>>
    %dma_wait3A_1396 = tpu.memref_squeeze %dma_wait3A_1395 : memref<1x32x128xf32, #tpu.memory_space<hbm>> -> memref<32x128xf32, #tpu.memory_space<hbm>>
    tpu.wait_dma2 semaphore(%arg11 : memref<!tpu.dma_semaphore, #tpu.memory_space<semaphore_mem>>) src(%dma_wait3A_1396 : memref<32x128xf32, #tpu.memory_space<hbm>>) dst(%dma_wait3A_1393 : memref<32x128xf32, #tpu.memory_space<vmem>>)
    %add3A_1397 = arith.constant 24576 : i32
    %add3A_1398 = arith.addi %add3A_1397, %mul3A_2 : i32
    %dma_start3A_1399 = arith.constant 0 : i32
    %dma_start3A_1400 = arith.constant 0 : i32
    %dma_start3A_1401 = tpu.memref_slice %arg4[%add3A_1398, %dma_start3A_1399, %dma_start3A_1400] : memref<32768x1x512xf32, #tpu.memory_space<hbm>> -> memref<32x1x512xf32, #tpu.memory_space<hbm>>
    %dma_start3A_1402 = arith.constant 0 : i32
    %dma_start3A_1403 = arith.constant 0 : i32
    %dma_start3A_1404 = tpu.memref_slice %arg4[%add3A_1398, %dma_start3A_1402, %dma_start3A_1403] : memref<32768x1x512xf32, #tpu.memory_space<hbm>> -> memref<32x1x512xf32, #tpu.memory_space<hbm>>
    tpu.enqueue_dma source(%arg5 : memref<32x1x512xf32, #tpu.memory_space<vmem>>) target(%dma_start3A_1404 : memref<32x1x512xf32, #tpu.memory_space<hbm>>) target_semaphore(%arg17 : memref<!tpu.dma_semaphore, #tpu.memory_space<semaphore_mem>>)
    %add3A_1405 = arith.constant 23552 : i32
    %add3A_1406 = arith.addi %add3A_1405, %mul3A_2 : i32
    %dma_wait3A_1407 = arith.constant 0 : i32
    %dma_wait3A_1408 = arith.constant 0 : i32
    %dma_wait3A_1409 = tpu.memref_slice %arg4[%add3A_1406, %dma_wait3A_1407, %dma_wait3A_1408] : memref<32768x1x512xf32, #tpu.memory_space<hbm>> -> memref<32x1x512xf32, #tpu.memory_space<hbm>>
    %dma_wait3A_1410 = arith.constant 0 : i32
    %dma_wait3A_1411 = arith.constant 0 : i32
    %dma_wait3A_1412 = tpu.memref_slice %arg4[%add3A_1406, %dma_wait3A_1410, %dma_wait3A_1411] : memref<32768x1x512xf32, #tpu.memory_space<hbm>> -> memref<32x1x512xf32, #tpu.memory_space<hbm>>
    tpu.wait_dma2 semaphore(%arg22 : memref<!tpu.dma_semaphore, #tpu.memory_space<semaphore_mem>>) src(%arg10 : memref<32x1x512xf32, #tpu.memory_space<vmem>>) dst(%dma_wait3A_1412 : memref<32x1x512xf32, #tpu.memory_space<hbm>>)
    %dma_start3A_1413 = arith.constant 29 : i32
    %dma_start3A_1414 = arith.constant 0 : i32
    %dma_start3A_1415 = arith.constant 0 : i32
    %dma_start3A_1416 = arith.constant 0 : i32
    %dma_start3A_1417 = tpu.memref_slice %arg10[%dma_start3A_1415, %dma_start3A_1414, %dma_start3A_1416] : memref<32x1x512xf32, #tpu.memory_space<vmem>> -> memref<32x1x128xf32, #tpu.memory_space<vmem>>
    %dma_start3A_1418 = tpu.memref_squeeze %dma_start3A_1417 : memref<32x1x128xf32, #tpu.memory_space<vmem>> -> memref<32x128xf32, #tpu.memory_space<vmem>>
    %dma_start3A_1419 = arith.constant 0 : i32
    %dma_start3A_1420 = tpu.memref_slice %arg2[%dma_start3A_1413, %mul3A_2, %dma_start3A_1419] : memref<32x1024x128xf32, #tpu.memory_space<hbm>> -> memref<1x32x128xf32, #tpu.memory_space<hbm>>
    %dma_start3A_1421 = tpu.memref_squeeze %dma_start3A_1420 : memref<1x32x128xf32, #tpu.memory_space<hbm>> -> memref<32x128xf32, #tpu.memory_space<hbm>>
    %dma_start3A_1422 = arith.constant 0 : i32
    %dma_start3A_1423 = arith.constant 0 : i32
    %dma_start3A_1424 = tpu.memref_slice %arg10[%dma_start3A_1422, %dma_start3A_1414, %dma_start3A_1423] : memref<32x1x512xf32, #tpu.memory_space<vmem>> -> memref<32x1x128xf32, #tpu.memory_space<vmem>>
    %dma_start3A_1425 = tpu.memref_squeeze %dma_start3A_1424 : memref<32x1x128xf32, #tpu.memory_space<vmem>> -> memref<32x128xf32, #tpu.memory_space<vmem>>
    %dma_start3A_1426 = arith.constant 0 : i32
    %dma_start3A_1427 = tpu.memref_slice %arg2[%dma_start3A_1413, %mul3A_2, %dma_start3A_1426] : memref<32x1024x128xf32, #tpu.memory_space<hbm>> -> memref<1x32x128xf32, #tpu.memory_space<hbm>>
    %dma_start3A_1428 = tpu.memref_squeeze %dma_start3A_1427 : memref<1x32x128xf32, #tpu.memory_space<hbm>> -> memref<32x128xf32, #tpu.memory_space<hbm>>
    tpu.enqueue_dma source(%dma_start3A_1428 : memref<32x128xf32, #tpu.memory_space<hbm>>) target(%dma_start3A_1425 : memref<32x128xf32, #tpu.memory_space<vmem>>) target_semaphore(%arg16 : memref<!tpu.dma_semaphore, #tpu.memory_space<semaphore_mem>>)
    %dma_wait3A_1429 = arith.constant 25 : i32
    %dma_wait3A_1430 = arith.constant 0 : i32
    %dma_wait3A_1431 = arith.constant 0 : i32
    %dma_wait3A_1432 = arith.constant 0 : i32
    %dma_wait3A_1433 = tpu.memref_slice %arg6[%dma_wait3A_1431, %dma_wait3A_1430, %dma_wait3A_1432] : memref<32x1x512xf32, #tpu.memory_space<vmem>> -> memref<32x1x128xf32, #tpu.memory_space<vmem>>
    %dma_wait3A_1434 = tpu.memref_squeeze %dma_wait3A_1433 : memref<32x1x128xf32, #tpu.memory_space<vmem>> -> memref<32x128xf32, #tpu.memory_space<vmem>>
    %dma_wait3A_1435 = arith.constant 0 : i32
    %dma_wait3A_1436 = tpu.memref_slice %arg2[%dma_wait3A_1429, %mul3A_2, %dma_wait3A_1435] : memref<32x1024x128xf32, #tpu.memory_space<hbm>> -> memref<1x32x128xf32, #tpu.memory_space<hbm>>
    %dma_wait3A_1437 = tpu.memref_squeeze %dma_wait3A_1436 : memref<1x32x128xf32, #tpu.memory_space<hbm>> -> memref<32x128xf32, #tpu.memory_space<hbm>>
    %dma_wait3A_1438 = arith.constant 0 : i32
    %dma_wait3A_1439 = arith.constant 0 : i32
    %dma_wait3A_1440 = tpu.memref_slice %arg6[%dma_wait3A_1438, %dma_wait3A_1430, %dma_wait3A_1439] : memref<32x1x512xf32, #tpu.memory_space<vmem>> -> memref<32x1x128xf32, #tpu.memory_space<vmem>>
    %dma_wait3A_1441 = tpu.memref_squeeze %dma_wait3A_1440 : memref<32x1x128xf32, #tpu.memory_space<vmem>> -> memref<32x128xf32, #tpu.memory_space<vmem>>
    %dma_wait3A_1442 = arith.constant 0 : i32
    %dma_wait3A_1443 = tpu.memref_slice %arg2[%dma_wait3A_1429, %mul3A_2, %dma_wait3A_1442] : memref<32x1024x128xf32, #tpu.memory_space<hbm>> -> memref<1x32x128xf32, #tpu.memory_space<hbm>>
    %dma_wait3A_1444 = tpu.memref_squeeze %dma_wait3A_1443 : memref<1x32x128xf32, #tpu.memory_space<hbm>> -> memref<32x128xf32, #tpu.memory_space<hbm>>
    tpu.wait_dma2 semaphore(%arg12 : memref<!tpu.dma_semaphore, #tpu.memory_space<semaphore_mem>>) src(%dma_wait3A_1444 : memref<32x128xf32, #tpu.memory_space<hbm>>) dst(%dma_wait3A_1441 : memref<32x128xf32, #tpu.memory_space<vmem>>)
    %add3A_1445 = arith.constant 25600 : i32
    %add3A_1446 = arith.addi %add3A_1445, %mul3A_2 : i32
    %dma_start3A_1447 = arith.constant 0 : i32
    %dma_start3A_1448 = arith.constant 0 : i32
    %dma_start3A_1449 = tpu.memref_slice %arg4[%add3A_1446, %dma_start3A_1447, %dma_start3A_1448] : memref<32768x1x512xf32, #tpu.memory_space<hbm>> -> memref<32x1x512xf32, #tpu.memory_space<hbm>>
    %dma_start3A_1450 = arith.constant 0 : i32
    %dma_start3A_1451 = arith.constant 0 : i32
    %dma_start3A_1452 = tpu.memref_slice %arg4[%add3A_1446, %dma_start3A_1450, %dma_start3A_1451] : memref<32768x1x512xf32, #tpu.memory_space<hbm>> -> memref<32x1x512xf32, #tpu.memory_space<hbm>>
    tpu.enqueue_dma source(%arg6 : memref<32x1x512xf32, #tpu.memory_space<vmem>>) target(%dma_start3A_1452 : memref<32x1x512xf32, #tpu.memory_space<hbm>>) target_semaphore(%arg18 : memref<!tpu.dma_semaphore, #tpu.memory_space<semaphore_mem>>)
    %add3A_1453 = arith.constant 24576 : i32
    %add3A_1454 = arith.addi %add3A_1453, %mul3A_2 : i32
    %dma_wait3A_1455 = arith.constant 0 : i32
    %dma_wait3A_1456 = arith.constant 0 : i32
    %dma_wait3A_1457 = tpu.memref_slice %arg4[%add3A_1454, %dma_wait3A_1455, %dma_wait3A_1456] : memref<32768x1x512xf32, #tpu.memory_space<hbm>> -> memref<32x1x512xf32, #tpu.memory_space<hbm>>
    %dma_wait3A_1458 = arith.constant 0 : i32
    %dma_wait3A_1459 = arith.constant 0 : i32
    %dma_wait3A_1460 = tpu.memref_slice %arg4[%add3A_1454, %dma_wait3A_1458, %dma_wait3A_1459] : memref<32768x1x512xf32, #tpu.memory_space<hbm>> -> memref<32x1x512xf32, #tpu.memory_space<hbm>>
    tpu.wait_dma2 semaphore(%arg17 : memref<!tpu.dma_semaphore, #tpu.memory_space<semaphore_mem>>) src(%arg5 : memref<32x1x512xf32, #tpu.memory_space<vmem>>) dst(%dma_wait3A_1460 : memref<32x1x512xf32, #tpu.memory_space<hbm>>)
    %dma_start3A_1461 = arith.constant 30 : i32
    %dma_start3A_1462 = arith.constant 0 : i32
    %dma_start3A_1463 = arith.constant 0 : i32
    %dma_start3A_1464 = arith.constant 0 : i32
    %dma_start3A_1465 = tpu.memref_slice %arg5[%dma_start3A_1463, %dma_start3A_1462, %dma_start3A_1464] : memref<32x1x512xf32, #tpu.memory_space<vmem>> -> memref<32x1x128xf32, #tpu.memory_space<vmem>>
    %dma_start3A_1466 = tpu.memref_squeeze %dma_start3A_1465 : memref<32x1x128xf32, #tpu.memory_space<vmem>> -> memref<32x128xf32, #tpu.memory_space<vmem>>
    %dma_start3A_1467 = arith.constant 0 : i32
    %dma_start3A_1468 = tpu.memref_slice %arg2[%dma_start3A_1461, %mul3A_2, %dma_start3A_1467] : memref<32x1024x128xf32, #tpu.memory_space<hbm>> -> memref<1x32x128xf32, #tpu.memory_space<hbm>>
    %dma_start3A_1469 = tpu.memref_squeeze %dma_start3A_1468 : memref<1x32x128xf32, #tpu.memory_space<hbm>> -> memref<32x128xf32, #tpu.memory_space<hbm>>
    %dma_start3A_1470 = arith.constant 0 : i32
    %dma_start3A_1471 = arith.constant 0 : i32
    %dma_start3A_1472 = tpu.memref_slice %arg5[%dma_start3A_1470, %dma_start3A_1462, %dma_start3A_1471] : memref<32x1x512xf32, #tpu.memory_space<vmem>> -> memref<32x1x128xf32, #tpu.memory_space<vmem>>
    %dma_start3A_1473 = tpu.memref_squeeze %dma_start3A_1472 : memref<32x1x128xf32, #tpu.memory_space<vmem>> -> memref<32x128xf32, #tpu.memory_space<vmem>>
    %dma_start3A_1474 = arith.constant 0 : i32
    %dma_start3A_1475 = tpu.memref_slice %arg2[%dma_start3A_1461, %mul3A_2, %dma_start3A_1474] : memref<32x1024x128xf32, #tpu.memory_space<hbm>> -> memref<1x32x128xf32, #tpu.memory_space<hbm>>
    %dma_start3A_1476 = tpu.memref_squeeze %dma_start3A_1475 : memref<1x32x128xf32, #tpu.memory_space<hbm>> -> memref<32x128xf32, #tpu.memory_space<hbm>>
    tpu.enqueue_dma source(%dma_start3A_1476 : memref<32x128xf32, #tpu.memory_space<hbm>>) target(%dma_start3A_1473 : memref<32x128xf32, #tpu.memory_space<vmem>>) target_semaphore(%arg11 : memref<!tpu.dma_semaphore, #tpu.memory_space<semaphore_mem>>)
    %dma_wait3A_1477 = arith.constant 26 : i32
    %dma_wait3A_1478 = arith.constant 0 : i32
    %dma_wait3A_1479 = arith.constant 0 : i32
    %dma_wait3A_1480 = arith.constant 0 : i32
    %dma_wait3A_1481 = tpu.memref_slice %arg7[%dma_wait3A_1479, %dma_wait3A_1478, %dma_wait3A_1480] : memref<32x1x512xf32, #tpu.memory_space<vmem>> -> memref<32x1x128xf32, #tpu.memory_space<vmem>>
    %dma_wait3A_1482 = tpu.memref_squeeze %dma_wait3A_1481 : memref<32x1x128xf32, #tpu.memory_space<vmem>> -> memref<32x128xf32, #tpu.memory_space<vmem>>
    %dma_wait3A_1483 = arith.constant 0 : i32
    %dma_wait3A_1484 = tpu.memref_slice %arg2[%dma_wait3A_1477, %mul3A_2, %dma_wait3A_1483] : memref<32x1024x128xf32, #tpu.memory_space<hbm>> -> memref<1x32x128xf32, #tpu.memory_space<hbm>>
    %dma_wait3A_1485 = tpu.memref_squeeze %dma_wait3A_1484 : memref<1x32x128xf32, #tpu.memory_space<hbm>> -> memref<32x128xf32, #tpu.memory_space<hbm>>
    %dma_wait3A_1486 = arith.constant 0 : i32
    %dma_wait3A_1487 = arith.constant 0 : i32
    %dma_wait3A_1488 = tpu.memref_slice %arg7[%dma_wait3A_1486, %dma_wait3A_1478, %dma_wait3A_1487] : memref<32x1x512xf32, #tpu.memory_space<vmem>> -> memref<32x1x128xf32, #tpu.memory_space<vmem>>
    %dma_wait3A_1489 = tpu.memref_squeeze %dma_wait3A_1488 : memref<32x1x128xf32, #tpu.memory_space<vmem>> -> memref<32x128xf32, #tpu.memory_space<vmem>>
    %dma_wait3A_1490 = arith.constant 0 : i32
    %dma_wait3A_1491 = tpu.memref_slice %arg2[%dma_wait3A_1477, %mul3A_2, %dma_wait3A_1490] : memref<32x1024x128xf32, #tpu.memory_space<hbm>> -> memref<1x32x128xf32, #tpu.memory_space<hbm>>
    %dma_wait3A_1492 = tpu.memref_squeeze %dma_wait3A_1491 : memref<1x32x128xf32, #tpu.memory_space<hbm>> -> memref<32x128xf32, #tpu.memory_space<hbm>>
    tpu.wait_dma2 semaphore(%arg13 : memref<!tpu.dma_semaphore, #tpu.memory_space<semaphore_mem>>) src(%dma_wait3A_1492 : memref<32x128xf32, #tpu.memory_space<hbm>>) dst(%dma_wait3A_1489 : memref<32x128xf32, #tpu.memory_space<vmem>>)
    %add3A_1493 = arith.constant 26624 : i32
    %add3A_1494 = arith.addi %add3A_1493, %mul3A_2 : i32
    %dma_start3A_1495 = arith.constant 0 : i32
    %dma_start3A_1496 = arith.constant 0 : i32
    %dma_start3A_1497 = tpu.memref_slice %arg4[%add3A_1494, %dma_start3A_1495, %dma_start3A_1496] : memref<32768x1x512xf32, #tpu.memory_space<hbm>> -> memref<32x1x512xf32, #tpu.memory_space<hbm>>
    %dma_start3A_1498 = arith.constant 0 : i32
    %dma_start3A_1499 = arith.constant 0 : i32
    %dma_start3A_1500 = tpu.memref_slice %arg4[%add3A_1494, %dma_start3A_1498, %dma_start3A_1499] : memref<32768x1x512xf32, #tpu.memory_space<hbm>> -> memref<32x1x512xf32, #tpu.memory_space<hbm>>
    tpu.enqueue_dma source(%arg7 : memref<32x1x512xf32, #tpu.memory_space<vmem>>) target(%dma_start3A_1500 : memref<32x1x512xf32, #tpu.memory_space<hbm>>) target_semaphore(%arg19 : memref<!tpu.dma_semaphore, #tpu.memory_space<semaphore_mem>>)
    %add3A_1501 = arith.constant 25600 : i32
    %add3A_1502 = arith.addi %add3A_1501, %mul3A_2 : i32
    %dma_wait3A_1503 = arith.constant 0 : i32
    %dma_wait3A_1504 = arith.constant 0 : i32
    %dma_wait3A_1505 = tpu.memref_slice %arg4[%add3A_1502, %dma_wait3A_1503, %dma_wait3A_1504] : memref<32768x1x512xf32, #tpu.memory_space<hbm>> -> memref<32x1x512xf32, #tpu.memory_space<hbm>>
    %dma_wait3A_1506 = arith.constant 0 : i32
    %dma_wait3A_1507 = arith.constant 0 : i32
    %dma_wait3A_1508 = tpu.memref_slice %arg4[%add3A_1502, %dma_wait3A_1506, %dma_wait3A_1507] : memref<32768x1x512xf32, #tpu.memory_space<hbm>> -> memref<32x1x512xf32, #tpu.memory_space<hbm>>
    tpu.wait_dma2 semaphore(%arg18 : memref<!tpu.dma_semaphore, #tpu.memory_space<semaphore_mem>>) src(%arg6 : memref<32x1x512xf32, #tpu.memory_space<vmem>>) dst(%dma_wait3A_1508 : memref<32x1x512xf32, #tpu.memory_space<hbm>>)
    %dma_start3A_1509 = arith.constant 31 : i32
    %dma_start3A_1510 = arith.constant 0 : i32
    %dma_start3A_1511 = arith.constant 0 : i32
    %dma_start3A_1512 = arith.constant 0 : i32
    %dma_start3A_1513 = tpu.memref_slice %arg6[%dma_start3A_1511, %dma_start3A_1510, %dma_start3A_1512] : memref<32x1x512xf32, #tpu.memory_space<vmem>> -> memref<32x1x128xf32, #tpu.memory_space<vmem>>
    %dma_start3A_1514 = tpu.memref_squeeze %dma_start3A_1513 : memref<32x1x128xf32, #tpu.memory_space<vmem>> -> memref<32x128xf32, #tpu.memory_space<vmem>>
    %dma_start3A_1515 = arith.constant 0 : i32
    %dma_start3A_1516 = tpu.memref_slice %arg2[%dma_start3A_1509, %mul3A_2, %dma_start3A_1515] : memref<32x1024x128xf32, #tpu.memory_space<hbm>> -> memref<1x32x128xf32, #tpu.memory_space<hbm>>
    %dma_start3A_1517 = tpu.memref_squeeze %dma_start3A_1516 : memref<1x32x128xf32, #tpu.memory_space<hbm>> -> memref<32x128xf32, #tpu.memory_space<hbm>>
    %dma_start3A_1518 = arith.constant 0 : i32
    %dma_start3A_1519 = arith.constant 0 : i32
    %dma_start3A_1520 = tpu.memref_slice %arg6[%dma_start3A_1518, %dma_start3A_1510, %dma_start3A_1519] : memref<32x1x512xf32, #tpu.memory_space<vmem>> -> memref<32x1x128xf32, #tpu.memory_space<vmem>>
    %dma_start3A_1521 = tpu.memref_squeeze %dma_start3A_1520 : memref<32x1x128xf32, #tpu.memory_space<vmem>> -> memref<32x128xf32, #tpu.memory_space<vmem>>
    %dma_start3A_1522 = arith.constant 0 : i32
    %dma_start3A_1523 = tpu.memref_slice %arg2[%dma_start3A_1509, %mul3A_2, %dma_start3A_1522] : memref<32x1024x128xf32, #tpu.memory_space<hbm>> -> memref<1x32x128xf32, #tpu.memory_space<hbm>>
    %dma_start3A_1524 = tpu.memref_squeeze %dma_start3A_1523 : memref<1x32x128xf32, #tpu.memory_space<hbm>> -> memref<32x128xf32, #tpu.memory_space<hbm>>
    tpu.enqueue_dma source(%dma_start3A_1524 : memref<32x128xf32, #tpu.memory_space<hbm>>) target(%dma_start3A_1521 : memref<32x128xf32, #tpu.memory_space<vmem>>) target_semaphore(%arg12 : memref<!tpu.dma_semaphore, #tpu.memory_space<semaphore_mem>>)
    %dma_wait3A_1525 = arith.constant 27 : i32
    %dma_wait3A_1526 = arith.constant 0 : i32
    %dma_wait3A_1527 = arith.constant 0 : i32
    %dma_wait3A_1528 = arith.constant 0 : i32
    %dma_wait3A_1529 = tpu.memref_slice %arg8[%dma_wait3A_1527, %dma_wait3A_1526, %dma_wait3A_1528] : memref<32x1x512xf32, #tpu.memory_space<vmem>> -> memref<32x1x128xf32, #tpu.memory_space<vmem>>
    %dma_wait3A_1530 = tpu.memref_squeeze %dma_wait3A_1529 : memref<32x1x128xf32, #tpu.memory_space<vmem>> -> memref<32x128xf32, #tpu.memory_space<vmem>>
    %dma_wait3A_1531 = arith.constant 0 : i32
    %dma_wait3A_1532 = tpu.memref_slice %arg2[%dma_wait3A_1525, %mul3A_2, %dma_wait3A_1531] : memref<32x1024x128xf32, #tpu.memory_space<hbm>> -> memref<1x32x128xf32, #tpu.memory_space<hbm>>
    %dma_wait3A_1533 = tpu.memref_squeeze %dma_wait3A_1532 : memref<1x32x128xf32, #tpu.memory_space<hbm>> -> memref<32x128xf32, #tpu.memory_space<hbm>>
    %dma_wait3A_1534 = arith.constant 0 : i32
    %dma_wait3A_1535 = arith.constant 0 : i32
    %dma_wait3A_1536 = tpu.memref_slice %arg8[%dma_wait3A_1534, %dma_wait3A_1526, %dma_wait3A_1535] : memref<32x1x512xf32, #tpu.memory_space<vmem>> -> memref<32x1x128xf32, #tpu.memory_space<vmem>>
    %dma_wait3A_1537 = tpu.memref_squeeze %dma_wait3A_1536 : memref<32x1x128xf32, #tpu.memory_space<vmem>> -> memref<32x128xf32, #tpu.memory_space<vmem>>
    %dma_wait3A_1538 = arith.constant 0 : i32
    %dma_wait3A_1539 = tpu.memref_slice %arg2[%dma_wait3A_1525, %mul3A_2, %dma_wait3A_1538] : memref<32x1024x128xf32, #tpu.memory_space<hbm>> -> memref<1x32x128xf32, #tpu.memory_space<hbm>>
    %dma_wait3A_1540 = tpu.memref_squeeze %dma_wait3A_1539 : memref<1x32x128xf32, #tpu.memory_space<hbm>> -> memref<32x128xf32, #tpu.memory_space<hbm>>
    tpu.wait_dma2 semaphore(%arg14 : memref<!tpu.dma_semaphore, #tpu.memory_space<semaphore_mem>>) src(%dma_wait3A_1540 : memref<32x128xf32, #tpu.memory_space<hbm>>) dst(%dma_wait3A_1537 : memref<32x128xf32, #tpu.memory_space<vmem>>)
    %add3A_1541 = arith.constant 27648 : i32
    %add3A_1542 = arith.addi %add3A_1541, %mul3A_2 : i32
    %dma_start3A_1543 = arith.constant 0 : i32
    %dma_start3A_1544 = arith.constant 0 : i32
    %dma_start3A_1545 = tpu.memref_slice %arg4[%add3A_1542, %dma_start3A_1543, %dma_start3A_1544] : memref<32768x1x512xf32, #tpu.memory_space<hbm>> -> memref<32x1x512xf32, #tpu.memory_space<hbm>>
    %dma_start3A_1546 = arith.constant 0 : i32
    %dma_start3A_1547 = arith.constant 0 : i32
    %dma_start3A_1548 = tpu.memref_slice %arg4[%add3A_1542, %dma_start3A_1546, %dma_start3A_1547] : memref<32768x1x512xf32, #tpu.memory_space<hbm>> -> memref<32x1x512xf32, #tpu.memory_space<hbm>>
    tpu.enqueue_dma source(%arg8 : memref<32x1x512xf32, #tpu.memory_space<vmem>>) target(%dma_start3A_1548 : memref<32x1x512xf32, #tpu.memory_space<hbm>>) target_semaphore(%arg20 : memref<!tpu.dma_semaphore, #tpu.memory_space<semaphore_mem>>)
    %dma_wait3A_1549 = arith.constant 28 : i32
    %dma_wait3A_1550 = arith.constant 0 : i32
    %dma_wait3A_1551 = arith.constant 0 : i32
    %dma_wait3A_1552 = arith.constant 0 : i32
    %dma_wait3A_1553 = tpu.memref_slice %arg9[%dma_wait3A_1551, %dma_wait3A_1550, %dma_wait3A_1552] : memref<32x1x512xf32, #tpu.memory_space<vmem>> -> memref<32x1x128xf32, #tpu.memory_space<vmem>>
    %dma_wait3A_1554 = tpu.memref_squeeze %dma_wait3A_1553 : memref<32x1x128xf32, #tpu.memory_space<vmem>> -> memref<32x128xf32, #tpu.memory_space<vmem>>
    %dma_wait3A_1555 = arith.constant 0 : i32
    %dma_wait3A_1556 = tpu.memref_slice %arg2[%dma_wait3A_1549, %mul3A_2, %dma_wait3A_1555] : memref<32x1024x128xf32, #tpu.memory_space<hbm>> -> memref<1x32x128xf32, #tpu.memory_space<hbm>>
    %dma_wait3A_1557 = tpu.memref_squeeze %dma_wait3A_1556 : memref<1x32x128xf32, #tpu.memory_space<hbm>> -> memref<32x128xf32, #tpu.memory_space<hbm>>
    %dma_wait3A_1558 = arith.constant 0 : i32
    %dma_wait3A_1559 = arith.constant 0 : i32
    %dma_wait3A_1560 = tpu.memref_slice %arg9[%dma_wait3A_1558, %dma_wait3A_1550, %dma_wait3A_1559] : memref<32x1x512xf32, #tpu.memory_space<vmem>> -> memref<32x1x128xf32, #tpu.memory_space<vmem>>
    %dma_wait3A_1561 = tpu.memref_squeeze %dma_wait3A_1560 : memref<32x1x128xf32, #tpu.memory_space<vmem>> -> memref<32x128xf32, #tpu.memory_space<vmem>>
    %dma_wait3A_1562 = arith.constant 0 : i32
    %dma_wait3A_1563 = tpu.memref_slice %arg2[%dma_wait3A_1549, %mul3A_2, %dma_wait3A_1562] : memref<32x1024x128xf32, #tpu.memory_space<hbm>> -> memref<1x32x128xf32, #tpu.memory_space<hbm>>
    %dma_wait3A_1564 = tpu.memref_squeeze %dma_wait3A_1563 : memref<1x32x128xf32, #tpu.memory_space<hbm>> -> memref<32x128xf32, #tpu.memory_space<hbm>>
    tpu.wait_dma2 semaphore(%arg15 : memref<!tpu.dma_semaphore, #tpu.memory_space<semaphore_mem>>) src(%dma_wait3A_1564 : memref<32x128xf32, #tpu.memory_space<hbm>>) dst(%dma_wait3A_1561 : memref<32x128xf32, #tpu.memory_space<vmem>>)
    %add3A_1565 = arith.constant 28672 : i32
    %add3A_1566 = arith.addi %add3A_1565, %mul3A_2 : i32
    %dma_start3A_1567 = arith.constant 0 : i32
    %dma_start3A_1568 = arith.constant 0 : i32
    %dma_start3A_1569 = tpu.memref_slice %arg4[%add3A_1566, %dma_start3A_1567, %dma_start3A_1568] : memref<32768x1x512xf32, #tpu.memory_space<hbm>> -> memref<32x1x512xf32, #tpu.memory_space<hbm>>
    %dma_start3A_1570 = arith.constant 0 : i32
    %dma_start3A_1571 = arith.constant 0 : i32
    %dma_start3A_1572 = tpu.memref_slice %arg4[%add3A_1566, %dma_start3A_1570, %dma_start3A_1571] : memref<32768x1x512xf32, #tpu.memory_space<hbm>> -> memref<32x1x512xf32, #tpu.memory_space<hbm>>
    tpu.enqueue_dma source(%arg9 : memref<32x1x512xf32, #tpu.memory_space<vmem>>) target(%dma_start3A_1572 : memref<32x1x512xf32, #tpu.memory_space<hbm>>) target_semaphore(%arg21 : memref<!tpu.dma_semaphore, #tpu.memory_space<semaphore_mem>>)
    %dma_wait3A_1573 = arith.constant 29 : i32
    %dma_wait3A_1574 = arith.constant 0 : i32
    %dma_wait3A_1575 = arith.constant 0 : i32
    %dma_wait3A_1576 = arith.constant 0 : i32
    %dma_wait3A_1577 = tpu.memref_slice %arg10[%dma_wait3A_1575, %dma_wait3A_1574, %dma_wait3A_1576] : memref<32x1x512xf32, #tpu.memory_space<vmem>> -> memref<32x1x128xf32, #tpu.memory_space<vmem>>
    %dma_wait3A_1578 = tpu.memref_squeeze %dma_wait3A_1577 : memref<32x1x128xf32, #tpu.memory_space<vmem>> -> memref<32x128xf32, #tpu.memory_space<vmem>>
    %dma_wait3A_1579 = arith.constant 0 : i32
    %dma_wait3A_1580 = tpu.memref_slice %arg2[%dma_wait3A_1573, %mul3A_2, %dma_wait3A_1579] : memref<32x1024x128xf32, #tpu.memory_space<hbm>> -> memref<1x32x128xf32, #tpu.memory_space<hbm>>
    %dma_wait3A_1581 = tpu.memref_squeeze %dma_wait3A_1580 : memref<1x32x128xf32, #tpu.memory_space<hbm>> -> memref<32x128xf32, #tpu.memory_space<hbm>>
    %dma_wait3A_1582 = arith.constant 0 : i32
    %dma_wait3A_1583 = arith.constant 0 : i32
    %dma_wait3A_1584 = tpu.memref_slice %arg10[%dma_wait3A_1582, %dma_wait3A_1574, %dma_wait3A_1583] : memref<32x1x512xf32, #tpu.memory_space<vmem>> -> memref<32x1x128xf32, #tpu.memory_space<vmem>>
    %dma_wait3A_1585 = tpu.memref_squeeze %dma_wait3A_1584 : memref<32x1x128xf32, #tpu.memory_space<vmem>> -> memref<32x128xf32, #tpu.memory_space<vmem>>
    %dma_wait3A_1586 = arith.constant 0 : i32
    %dma_wait3A_1587 = tpu.memref_slice %arg2[%dma_wait3A_1573, %mul3A_2, %dma_wait3A_1586] : memref<32x1024x128xf32, #tpu.memory_space<hbm>> -> memref<1x32x128xf32, #tpu.memory_space<hbm>>
    %dma_wait3A_1588 = tpu.memref_squeeze %dma_wait3A_1587 : memref<1x32x128xf32, #tpu.memory_space<hbm>> -> memref<32x128xf32, #tpu.memory_space<hbm>>
    tpu.wait_dma2 semaphore(%arg16 : memref<!tpu.dma_semaphore, #tpu.memory_space<semaphore_mem>>) src(%dma_wait3A_1588 : memref<32x128xf32, #tpu.memory_space<hbm>>) dst(%dma_wait3A_1585 : memref<32x128xf32, #tpu.memory_space<vmem>>)
    %add3A_1589 = arith.constant 29696 : i32
    %add3A_1590 = arith.addi %add3A_1589, %mul3A_2 : i32
    %dma_start3A_1591 = arith.constant 0 : i32
    %dma_start3A_1592 = arith.constant 0 : i32
    %dma_start3A_1593 = tpu.memref_slice %arg4[%add3A_1590, %dma_start3A_1591, %dma_start3A_1592] : memref<32768x1x512xf32, #tpu.memory_space<hbm>> -> memref<32x1x512xf32, #tpu.memory_space<hbm>>
    %dma_start3A_1594 = arith.constant 0 : i32
    %dma_start3A_1595 = arith.constant 0 : i32
    %dma_start3A_1596 = tpu.memref_slice %arg4[%add3A_1590, %dma_start3A_1594, %dma_start3A_1595] : memref<32768x1x512xf32, #tpu.memory_space<hbm>> -> memref<32x1x512xf32, #tpu.memory_space<hbm>>
    tpu.enqueue_dma source(%arg10 : memref<32x1x512xf32, #tpu.memory_space<vmem>>) target(%dma_start3A_1596 : memref<32x1x512xf32, #tpu.memory_space<hbm>>) target_semaphore(%arg22 : memref<!tpu.dma_semaphore, #tpu.memory_space<semaphore_mem>>)
    %dma_wait3A_1597 = arith.constant 30 : i32
    %dma_wait3A_1598 = arith.constant 0 : i32
    %dma_wait3A_1599 = arith.constant 0 : i32
    %dma_wait3A_1600 = arith.constant 0 : i32
    %dma_wait3A_1601 = tpu.memref_slice %arg5[%dma_wait3A_1599, %dma_wait3A_1598, %dma_wait3A_1600] : memref<32x1x512xf32, #tpu.memory_space<vmem>> -> memref<32x1x128xf32, #tpu.memory_space<vmem>>
    %dma_wait3A_1602 = tpu.memref_squeeze %dma_wait3A_1601 : memref<32x1x128xf32, #tpu.memory_space<vmem>> -> memref<32x128xf32, #tpu.memory_space<vmem>>
    %dma_wait3A_1603 = arith.constant 0 : i32
    %dma_wait3A_1604 = tpu.memref_slice %arg2[%dma_wait3A_1597, %mul3A_2, %dma_wait3A_1603] : memref<32x1024x128xf32, #tpu.memory_space<hbm>> -> memref<1x32x128xf32, #tpu.memory_space<hbm>>
    %dma_wait3A_1605 = tpu.memref_squeeze %dma_wait3A_1604 : memref<1x32x128xf32, #tpu.memory_space<hbm>> -> memref<32x128xf32, #tpu.memory_space<hbm>>
    %dma_wait3A_1606 = arith.constant 0 : i32
    %dma_wait3A_1607 = arith.constant 0 : i32
    %dma_wait3A_1608 = tpu.memref_slice %arg5[%dma_wait3A_1606, %dma_wait3A_1598, %dma_wait3A_1607] : memref<32x1x512xf32, #tpu.memory_space<vmem>> -> memref<32x1x128xf32, #tpu.memory_space<vmem>>
    %dma_wait3A_1609 = tpu.memref_squeeze %dma_wait3A_1608 : memref<32x1x128xf32, #tpu.memory_space<vmem>> -> memref<32x128xf32, #tpu.memory_space<vmem>>
    %dma_wait3A_1610 = arith.constant 0 : i32
    %dma_wait3A_1611 = tpu.memref_slice %arg2[%dma_wait3A_1597, %mul3A_2, %dma_wait3A_1610] : memref<32x1024x128xf32, #tpu.memory_space<hbm>> -> memref<1x32x128xf32, #tpu.memory_space<hbm>>
    %dma_wait3A_1612 = tpu.memref_squeeze %dma_wait3A_1611 : memref<1x32x128xf32, #tpu.memory_space<hbm>> -> memref<32x128xf32, #tpu.memory_space<hbm>>
    tpu.wait_dma2 semaphore(%arg11 : memref<!tpu.dma_semaphore, #tpu.memory_space<semaphore_mem>>) src(%dma_wait3A_1612 : memref<32x128xf32, #tpu.memory_space<hbm>>) dst(%dma_wait3A_1609 : memref<32x128xf32, #tpu.memory_space<vmem>>)
    %add3A_1613 = arith.constant 30720 : i32
    %add3A_1614 = arith.addi %add3A_1613, %mul3A_2 : i32
    %dma_start3A_1615 = arith.constant 0 : i32
    %dma_start3A_1616 = arith.constant 0 : i32
    %dma_start3A_1617 = tpu.memref_slice %arg4[%add3A_1614, %dma_start3A_1615, %dma_start3A_1616] : memref<32768x1x512xf32, #tpu.memory_space<hbm>> -> memref<32x1x512xf32, #tpu.memory_space<hbm>>
    %dma_start3A_1618 = arith.constant 0 : i32
    %dma_start3A_1619 = arith.constant 0 : i32
    %dma_start3A_1620 = tpu.memref_slice %arg4[%add3A_1614, %dma_start3A_1618, %dma_start3A_1619] : memref<32768x1x512xf32, #tpu.memory_space<hbm>> -> memref<32x1x512xf32, #tpu.memory_space<hbm>>
    tpu.enqueue_dma source(%arg5 : memref<32x1x512xf32, #tpu.memory_space<vmem>>) target(%dma_start3A_1620 : memref<32x1x512xf32, #tpu.memory_space<hbm>>) target_semaphore(%arg17 : memref<!tpu.dma_semaphore, #tpu.memory_space<semaphore_mem>>)
    %dma_wait3A_1621 = arith.constant 31 : i32
    %dma_wait3A_1622 = arith.constant 0 : i32
    %dma_wait3A_1623 = arith.constant 0 : i32
    %dma_wait3A_1624 = arith.constant 0 : i32
    %dma_wait3A_1625 = tpu.memref_slice %arg6[%dma_wait3A_1623, %dma_wait3A_1622, %dma_wait3A_1624] : memref<32x1x512xf32, #tpu.memory_space<vmem>> -> memref<32x1x128xf32, #tpu.memory_space<vmem>>
    %dma_wait3A_1626 = tpu.memref_squeeze %dma_wait3A_1625 : memref<32x1x128xf32, #tpu.memory_space<vmem>> -> memref<32x128xf32, #tpu.memory_space<vmem>>
    %dma_wait3A_1627 = arith.constant 0 : i32
    %dma_wait3A_1628 = tpu.memref_slice %arg2[%dma_wait3A_1621, %mul3A_2, %dma_wait3A_1627] : memref<32x1024x128xf32, #tpu.memory_space<hbm>> -> memref<1x32x128xf32, #tpu.memory_space<hbm>>
    %dma_wait3A_1629 = tpu.memref_squeeze %dma_wait3A_1628 : memref<1x32x128xf32, #tpu.memory_space<hbm>> -> memref<32x128xf32, #tpu.memory_space<hbm>>
    %dma_wait3A_1630 = arith.constant 0 : i32
    %dma_wait3A_1631 = arith.constant 0 : i32
    %dma_wait3A_1632 = tpu.memref_slice %arg6[%dma_wait3A_1630, %dma_wait3A_1622, %dma_wait3A_1631] : memref<32x1x512xf32, #tpu.memory_space<vmem>> -> memref<32x1x128xf32, #tpu.memory_space<vmem>>
    %dma_wait3A_1633 = tpu.memref_squeeze %dma_wait3A_1632 : memref<32x1x128xf32, #tpu.memory_space<vmem>> -> memref<32x128xf32, #tpu.memory_space<vmem>>
    %dma_wait3A_1634 = arith.constant 0 : i32
    %dma_wait3A_1635 = tpu.memref_slice %arg2[%dma_wait3A_1621, %mul3A_2, %dma_wait3A_1634] : memref<32x1024x128xf32, #tpu.memory_space<hbm>> -> memref<1x32x128xf32, #tpu.memory_space<hbm>>
    %dma_wait3A_1636 = tpu.memref_squeeze %dma_wait3A_1635 : memref<1x32x128xf32, #tpu.memory_space<hbm>> -> memref<32x128xf32, #tpu.memory_space<hbm>>
    tpu.wait_dma2 semaphore(%arg12 : memref<!tpu.dma_semaphore, #tpu.memory_space<semaphore_mem>>) src(%dma_wait3A_1636 : memref<32x128xf32, #tpu.memory_space<hbm>>) dst(%dma_wait3A_1633 : memref<32x128xf32, #tpu.memory_space<vmem>>)
    %add3A_1637 = arith.constant 31744 : i32
    %add3A_1638 = arith.addi %add3A_1637, %mul3A_2 : i32
    %dma_start3A_1639 = arith.constant 0 : i32
    %dma_start3A_1640 = arith.constant 0 : i32
    %dma_start3A_1641 = tpu.memref_slice %arg4[%add3A_1638, %dma_start3A_1639, %dma_start3A_1640] : memref<32768x1x512xf32, #tpu.memory_space<hbm>> -> memref<32x1x512xf32, #tpu.memory_space<hbm>>
    %dma_start3A_1642 = arith.constant 0 : i32
    %dma_start3A_1643 = arith.constant 0 : i32
    %dma_start3A_1644 = tpu.memref_slice %arg4[%add3A_1638, %dma_start3A_1642, %dma_start3A_1643] : memref<32768x1x512xf32, #tpu.memory_space<hbm>> -> memref<32x1x512xf32, #tpu.memory_space<hbm>>
    tpu.enqueue_dma source(%arg6 : memref<32x1x512xf32, #tpu.memory_space<vmem>>) target(%dma_start3A_1644 : memref<32x1x512xf32, #tpu.memory_space<hbm>>) target_semaphore(%arg18 : memref<!tpu.dma_semaphore, #tpu.memory_space<semaphore_mem>>)
    %add3A_1645 = arith.constant 26624 : i32
    %add3A_1646 = arith.addi %add3A_1645, %mul3A_2 : i32
    %dma_wait3A_1647 = arith.constant 0 : i32
    %dma_wait3A_1648 = arith.constant 0 : i32
    %dma_wait3A_1649 = tpu.memref_slice %arg4[%add3A_1646, %dma_wait3A_1647, %dma_wait3A_1648] : memref<32768x1x512xf32, #tpu.memory_space<hbm>> -> memref<32x1x512xf32, #tpu.memory_space<hbm>>
    %dma_wait3A_1650 = arith.constant 0 : i32
    %dma_wait3A_1651 = arith.constant 0 : i32
    %dma_wait3A_1652 = tpu.memref_slice %arg4[%add3A_1646, %dma_wait3A_1650, %dma_wait3A_1651] : memref<32768x1x512xf32, #tpu.memory_space<hbm>> -> memref<32x1x512xf32, #tpu.memory_space<hbm>>
    tpu.wait_dma2 semaphore(%arg19 : memref<!tpu.dma_semaphore, #tpu.memory_space<semaphore_mem>>) src(%arg7 : memref<32x1x512xf32, #tpu.memory_space<vmem>>) dst(%dma_wait3A_1652 : memref<32x1x512xf32, #tpu.memory_space<hbm>>)
    %add3A_1653 = arith.constant 27648 : i32
    %add3A_1654 = arith.addi %add3A_1653, %mul3A_2 : i32
    %dma_wait3A_1655 = arith.constant 0 : i32
    %dma_wait3A_1656 = arith.constant 0 : i32
    %dma_wait3A_1657 = tpu.memref_slice %arg4[%add3A_1654, %dma_wait3A_1655, %dma_wait3A_1656] : memref<32768x1x512xf32, #tpu.memory_space<hbm>> -> memref<32x1x512xf32, #tpu.memory_space<hbm>>
    %dma_wait3A_1658 = arith.constant 0 : i32
    %dma_wait3A_1659 = arith.constant 0 : i32
    %dma_wait3A_1660 = tpu.memref_slice %arg4[%add3A_1654, %dma_wait3A_1658, %dma_wait3A_1659] : memref<32768x1x512xf32, #tpu.memory_space<hbm>> -> memref<32x1x512xf32, #tpu.memory_space<hbm>>
    tpu.wait_dma2 semaphore(%arg20 : memref<!tpu.dma_semaphore, #tpu.memory_space<semaphore_mem>>) src(%arg8 : memref<32x1x512xf32, #tpu.memory_space<vmem>>) dst(%dma_wait3A_1660 : memref<32x1x512xf32, #tpu.memory_space<hbm>>)
    %add3A_1661 = arith.constant 28672 : i32
    %add3A_1662 = arith.addi %add3A_1661, %mul3A_2 : i32
    %dma_wait3A_1663 = arith.constant 0 : i32
    %dma_wait3A_1664 = arith.constant 0 : i32
    %dma_wait3A_1665 = tpu.memref_slice %arg4[%add3A_1662, %dma_wait3A_1663, %dma_wait3A_1664] : memref<32768x1x512xf32, #tpu.memory_space<hbm>> -> memref<32x1x512xf32, #tpu.memory_space<hbm>>
    %dma_wait3A_1666 = arith.constant 0 : i32
    %dma_wait3A_1667 = arith.constant 0 : i32
    %dma_wait3A_1668 = tpu.memref_slice %arg4[%add3A_1662, %dma_wait3A_1666, %dma_wait3A_1667] : memref<32768x1x512xf32, #tpu.memory_space<hbm>> -> memref<32x1x512xf32, #tpu.memory_space<hbm>>
    tpu.wait_dma2 semaphore(%arg21 : memref<!tpu.dma_semaphore, #tpu.memory_space<semaphore_mem>>) src(%arg9 : memref<32x1x512xf32, #tpu.memory_space<vmem>>) dst(%dma_wait3A_1668 : memref<32x1x512xf32, #tpu.memory_space<hbm>>)
    %add3A_1669 = arith.constant 29696 : i32
    %add3A_1670 = arith.addi %add3A_1669, %mul3A_2 : i32
    %dma_wait3A_1671 = arith.constant 0 : i32
    %dma_wait3A_1672 = arith.constant 0 : i32
    %dma_wait3A_1673 = tpu.memref_slice %arg4[%add3A_1670, %dma_wait3A_1671, %dma_wait3A_1672] : memref<32768x1x512xf32, #tpu.memory_space<hbm>> -> memref<32x1x512xf32, #tpu.memory_space<hbm>>
    %dma_wait3A_1674 = arith.constant 0 : i32
    %dma_wait3A_1675 = arith.constant 0 : i32
    %dma_wait3A_1676 = tpu.memref_slice %arg4[%add3A_1670, %dma_wait3A_1674, %dma_wait3A_1675] : memref<32768x1x512xf32, #tpu.memory_space<hbm>> -> memref<32x1x512xf32, #tpu.memory_space<hbm>>
    tpu.wait_dma2 semaphore(%arg22 : memref<!tpu.dma_semaphore, #tpu.memory_space<semaphore_mem>>) src(%arg10 : memref<32x1x512xf32, #tpu.memory_space<vmem>>) dst(%dma_wait3A_1676 : memref<32x1x512xf32, #tpu.memory_space<hbm>>)
    %add3A_1677 = arith.constant 30720 : i32
    %add3A_1678 = arith.addi %add3A_1677, %mul3A_2 : i32
    %dma_wait3A_1679 = arith.constant 0 : i32
    %dma_wait3A_1680 = arith.constant 0 : i32
    %dma_wait3A_1681 = tpu.memref_slice %arg4[%add3A_1678, %dma_wait3A_1679, %dma_wait3A_1680] : memref<32768x1x512xf32, #tpu.memory_space<hbm>> -> memref<32x1x512xf32, #tpu.memory_space<hbm>>
    %dma_wait3A_1682 = arith.constant 0 : i32
    %dma_wait3A_1683 = arith.constant 0 : i32
    %dma_wait3A_1684 = tpu.memref_slice %arg4[%add3A_1678, %dma_wait3A_1682, %dma_wait3A_1683] : memref<32768x1x512xf32, #tpu.memory_space<hbm>> -> memref<32x1x512xf32, #tpu.memory_space<hbm>>
    tpu.wait_dma2 semaphore(%arg17 : memref<!tpu.dma_semaphore, #tpu.memory_space<semaphore_mem>>) src(%arg5 : memref<32x1x512xf32, #tpu.memory_space<vmem>>) dst(%dma_wait3A_1684 : memref<32x1x512xf32, #tpu.memory_space<hbm>>)
    %add3A_1685 = arith.constant 31744 : i32
    %add3A_1686 = arith.addi %add3A_1685, %mul3A_2 : i32
    %dma_wait3A_1687 = arith.constant 0 : i32
    %dma_wait3A_1688 = arith.constant 0 : i32
    %dma_wait3A_1689 = tpu.memref_slice %arg4[%add3A_1686, %dma_wait3A_1687, %dma_wait3A_1688] : memref<32768x1x512xf32, #tpu.memory_space<hbm>> -> memref<32x1x512xf32, #tpu.memory_space<hbm>>
    %dma_wait3A_1690 = arith.constant 0 : i32
    %dma_wait3A_1691 = arith.constant 0 : i32
    %dma_wait3A_1692 = tpu.memref_slice %arg4[%add3A_1686, %dma_wait3A_1690, %dma_wait3A_1691] : memref<32768x1x512xf32, #tpu.memory_space<hbm>> -> memref<32x1x512xf32, #tpu.memory_space<hbm>>
    tpu.wait_dma2 semaphore(%arg18 : memref<!tpu.dma_semaphore, #tpu.memory_space<semaphore_mem>>) src(%arg6 : memref<32x1x512xf32, #tpu.memory_space<vmem>>) dst(%dma_wait3A_1692 : memref<32x1x512xf32, #tpu.memory_space<hbm>>)
    return
  }
}

</mosaic_0001>

<sc_bundles>
// kernel: kernel.3.cloned.1.call-start
scs
__scs_entry_jumppad:
0x0: {  	(pc) =	sbr.rel $0x88, $3  }
0x1: {  	(tag) =	ssettag $0x0;
	lr =	simm.s32 $0x1  }
0x2: {  	[smem:$0x3F9F] =	sst lr;
	_ =	strace $0xD0000000  }
0x3: {  	_ = 	snop  }
0x4: {  	_ = 	snop  }
0x5: {  	_ = 	snop  }
0x6: {  	_ = 	snop  }
0x7: {  	_ = 	snop  }
__scs_overlays_trampoline_lowered:
0x8: {  	[smem:$0x3FAE] =	sst s0  }
0x9: {  	[smem:$0x3FAF] =	sst s1  }
0xa: {  	[smem:$0x3FB0] =	sst s2  }
0xb: {  	[smem:$0x3FB1] =	sst s3  }
0xc: {  	[smem:$0x3FB2] =	sst s4  }
0xd: {  	[smem:$0x3FB3] =	sst s5  }
0xe: {  	[smem:$0x3FB4] =	sst s6  }
0xf: {  	[smem:$0x3FB5] =	sst s7  }
0x10: {  	[smem:$0x3FB6] =	sst s8  }
0x11: {  	[smem:$0x3FB7] =	sst s9;
	s0 =	simm.s32 @!p0 $0x0  }
0x12: {  	s1 =	sld [smem:$0x3F9D];
	s0 =	simm.s32 @p0 $0x1  }
0x13: {  	[smem:$0x3FB8] =	sst s0;
	s0 =	simm.s32 @!p1 $0x0  }
0x14: {  	s2 =	sld [smem:$0x3F9C];
	s0 =	simm.s32 @p1 $0x1  }
0x15: {  	[smem:$0x3FB9] =	sst s0;
	s0 =	simm.s32 @!p2 $0x0  }
0x16: {  	s3 =	sld [smem:$0x3FDB];
	s0 =	simm.s32 @p2 $0x1  }
0x17: {  	s4 =	simm.s32 $0x1BF5;
	[smem:$0x3FBB] =	sst s0  }
0x18: {  	s0 =	sld [smem:$0x3F9E];
	_ =	swait.ge [sflag:s4], $0x0  }
0x19: {  	s7 =	sld [smem:$0x3F9F]  }
0x1a: {  	s8 =	sadd.s32 $0xFFFFE003, lr  }
0x1b: {  	s9 =	sadd.s32 $0xFFFFFEF7, lr;
	s5 =	simm.s32 $0xFFFFFFFF;
	p2 =	slt.u32 s8, $0xFFFFF086  }
0x1c: {  	p1 =	slt.u32 s9, $0xF7A;
	s5 =	simm.s32 @!p2 $0x0  }
0x1d: {  	s5 =	simm.s32 @p1 $0x1;
	p0 =	seq.s32 s7, s2  }
0x1e: {  	s7 =	smul.u32 @!p0 $0xF7A, s2;
	p2 =	seq.s32 @!p0 s5, $0x0  }
0x1f: {  	s9 =	smul.u32 $0xF7A, s1;
	s8 =	simm.s32 @!p0 $0x1BF5;
	p2 =	por !p2, p0  }
0x20: {  	[sflag:s8] =	ssyncset.s32 @!p0 $0xFFFFF086;
	s6 =	sadd.s32 @!p0 s3, s7;
	s7 =	simm.s32 @!p0 $0x108  }
0x21: {  	s3 =	sadd.s32 s3, s9;
	s6 =	sadd.s32 @!p0 $0x88, s6;
	s7 =	simm.s32 @p2 $0x1082  }
0x22: {  	[simem:s7], [sflag:s8] =	dma.local @!p0 [hbm:s6], $0xF7A  }
0x23: {  	s9 =	sor.u32 $0xD0000000, s2;
	s6 =	simm.s32 $0x108;
	_ =	swait.ge @!p0 [sflag:s8], $0x0  }
0x24: {  	s3 =	sadd.s32 $0x88, s3;
	s6 =	simm.s32 @!p1 $0x1082;
	[sflag:s4] =	ssyncset.s32 $0xFFFFF086  }
0x25: {  	[simem:s6], [sflag:s4] =	dma.local [hbm:s3], $0xF7A  }
0x26: {  	[smem:$0x3F9F] =	sst s1;
	(tag) =	ssettag s2;
	_ =	strace s9  }
0x27: {  	s1 =	sld [smem:$0x3FAF]  }
0x28: {  	s2 =	sld [smem:$0x3FB0]  }
0x29: {  	s4 =	sld [smem:$0x3FB2]  }
0x2a: {  	p0 =	seq.s32 s5, $0x0;
	s5 =	sld [smem:$0x3FB3]  }
0x2b: {  	s6 =	sld [smem:$0x3FB4]  }
0x2c: {  	s7 =	sld [smem:$0x3FB5]  }
0x2d: {  	s3 =	simm.s32 $0x108;
	s8 =	sld [smem:$0x3FB6]  }
0x2e: {  	s3 =	simm.s32 @!p0 $0x1082;
	s9 =	sld [smem:$0x3FB7]  }
0x2f: {  	lr =	sadd.s32 s0, s3;
	s0 =	sld [smem:$0x3FAE]  }
0x30: {  	s3 =	sld [smem:$0x3FB1]  }
0x31: {  	[smem:$0x3FBA] =	sst s10  }
0x32: {  	s10 =	sld [smem:$0x3FB8];
	_ =	sdelay $0x3  }
0x33: {  	p0 =	seq.s32 s10, $0x1;
	s10 =	sld [smem:$0x3FBA];
	_ =	sdelay $0x3  }
0x34: {  	[smem:$0x3FBA] =	sst s10  }
0x35: {  	s10 =	sld [smem:$0x3FB9];
	_ =	sdelay $0x3  }
0x36: {  	p1 =	seq.s32 s10, $0x1;
	s10 =	sld [smem:$0x3FBA];
	_ =	sdelay $0x3  }
0x37: {  	[smem:$0x3FBA] =	sst s10  }
0x38: {  	s10 =	sld [smem:$0x3FBB]  }
0x39: {  	_ = 	snop;
	(pc) =	sbr.ind lr, $3  }
0x3a: {  	_ = 	snop  }
0x3b: {  	_ = 	snop  }
0x3c: {  	p2 =	seq.s32 s10, $0x1;
	s10 =	sld [smem:$0x3FBA]  }
0x3d: {  	_ =	shalt  }
0x3e: {  	_ =	shalt  }
0x3f: {  	_ =	shalt  }
0x40: {  	_ =	shalt  }
0x41: {  	_ =	shalt  }
0x42: {  	_ =	shalt  }
0x43: {  	_ =	shalt  }
0x44: {  	_ =	shalt  }
0x45: {  	_ =	shalt  }
0x46: {  	_ =	shalt  }
0x47: {  	_ =	shalt  }
0x48: {  	_ =	shalt  }
0x49: {  	_ =	shalt  }
0x4a: {  	_ =	shalt  }
0x4b: {  	_ =	shalt  }
0x4c: {  	_ =	shalt  }
0x4d: {  	_ =	shalt  }
0x4e: {  	_ =	shalt  }
0x4f: {  	_ =	shalt  }
0x50: {  	_ =	shalt  }
0x51: {  	_ =	shalt  }
0x52: {  	_ =	shalt  }
0x53: {  	_ =	shalt  }
0x54: {  	_ =	shalt  }
0x55: {  	_ =	shalt  }
0x56: {  	_ =	shalt  }
0x57: {  	_ =	shalt  }
0x58: {  	_ =	shalt  }
0x59: {  	_ =	shalt  }
0x5a: {  	_ =	shalt  }
0x5b: {  	_ =	shalt  }
0x5c: {  	_ =	shalt  }
0x5d: {  	_ =	shalt  }
0x5e: {  	_ =	shalt  }
0x5f: {  	_ =	shalt  }
0x60: {  	_ =	shalt  }
0x61: {  	_ =	shalt  }
0x62: {  	_ =	shalt  }
0x63: {  	_ =	shalt  }
0x64: {  	_ =	shalt  }
0x65: {  	_ =	shalt  }
0x66: {  	_ =	shalt  }
0x67: {  	_ =	shalt  }
0x68: {  	_ =	shalt  }
0x69: {  	_ =	shalt  }
0x6a: {  	_ =	shalt  }
0x6b: {  	_ =	shalt  }
0x6c: {  	_ =	shalt  }
0x6d: {  	_ =	shalt  }
0x6e: {  	_ =	shalt  }
0x6f: {  	_ =	shalt  }
0x70: {  	_ =	shalt  }
0x71: {  	_ =	shalt  }
0x72: {  	_ =	shalt  }
0x73: {  	_ =	shalt  }
0x74: {  	_ =	shalt  }
0x75: {  	_ =	shalt  }
0x76: {  	_ =	shalt  }
0x77: {  	_ =	shalt  }
0x78: {  	_ =	shalt  }
0x79: {  	_ =	shalt  }
0x7a: {  	_ =	shalt  }
0x7b: {  	_ =	shalt  }
0x7c: {  	_ =	shalt  }
0x7d: {  	_ =	shalt  }
0x7e: {  	_ =	shalt  }
0x7f: {  	_ =	shalt  }
0x80: {  	_ =	shalt  }
0x81: {  	_ =	shalt  }
0x82: {  	_ =	shalt  }
0x83: {  	_ =	shalt  }
0x84: {  	_ =	shalt  }
0x85: {  	_ =	shalt  }
0x86: {  	_ =	shalt  }
0x87: {  	_ =	shalt  }
.Lfunc_end0:
.L_simem_size_0:
called_computation_lowered:
.L_overlay_start_0:
0x88: {  	s2 =	sld [smem:$0x3FD9]  }
0x89: {  	s3 =	sld [smem:$0x3FFE];
	_ =	sdelay $0x1  }
0x8a: {  	s1 =	srdreg.scid  }
0x8b: {  	s0 =	sand.u32 $0x1, s1  }
0x8c: {  	s18 =	sshll.u32 s0, $0xA;
	s2 =	sadd.s32 s3, s2  }
0x8d: {  	s2 =	sadd.s32 s2, s18  }
0x8e: {  	[smem:$0x3FC6] =	sst s2  }
0x8f: {  	_ = 	snop  }
0x90: {  	s2 =	sld [smem:$0x3FC9]  }
0x91: {  	s19 =	sld [smem:$0x3FC8]  }
0x92: {  	s4 =	sld [smem:$0x3FD0];
	(tm) =	ssettm $0x1  }
0x93: {  	s5 =	sld [smem:$0x3FFB];
	_ =	sdelay $0x3  }
0x94: {  	_ =	strace s5  }
0x95: {  	s5 =	sld [smem:$0x3FFC];
	_ =	sdelay $0x3  }
0x96: {  	_ =	strace s5  }
0x97: {  	s5 =	sld [smem:$0x3FFD];
	_ =	sdelay $0x3  }
0x98: {  	_ =	strace s5  }
0x99: {  	_ =	strace $0x8FFFFFFF  }
0x9a: {  	s20 =	sld [smem:$0x3FDB];
	_ =	sdelay $0x1  }
0x9b: {  	s6 =	simm.s32 $_scs_section_size  }
0x9c: {  	s7 =	simm.s32 $_size__tile_overlayer_lowered;
	s8 =	simm.s32 $_tile_overlayer_lowered  }
0x9d: {  	s23 =	simm.s32 $0x1BFF;
	s22 =	sshll.u32 s8, $0x1;
	s5 =	sadd.s32 s6, s20  }
0x9e: {  	s9 =	simm.s32 $0x0;
	s21 =	sshll.u32 s7, $0x1;
	s7 =	sadd.s32 s22, s5  }
0x9f: {  	[timem:s9], [sflag:s23] =	dma.local [hbm:s7], s21  }
0xa0: {  	_ =	swait.ge [sflag:s23], s21  }
0xa1: {  	s6 =	ssub.s32 $0x0, s21;
	[sflag:s23] =	ssyncset.done $0x0  }
0xa2: {  	[sflag:s23] =	ssyncadd.s32 s6;
	_ =	sdelay $0x1  }
0xa3: {  	s24 =	simm.s32 $0x1B8B  }
0xa4: {  	_ =	swait.ge [sflag:s24], $0x1  }
0xa5: {  	[sflag:s24] =	ssyncset.done $0x0  }
0xa6: {  	s25 =	simm.s32 $0x1B8E;
	[sflag:s24] =	ssyncadd.s32 $0xFFFFFFFF  }
0xa7: {  	s26 =	simm.s32 $execute0_lowered;
	[smem:$0x3FD2] =	sst s25  }
0xa8: {  	s6 =	sshll.u32 s26, $0x1;
	_ =	strace $0x80000046;
	[dreg:$0x1] =	wrdreg $0xFFFFFFFF  }
0xa9: {  	s28 =	simm.s32 $_size_execute0_lowered;
	s5 =	sadd.s32 s5, s6;
	[dreg:$0x0] =	wrdreg $0x0  }
0xaa: {  	s6 =	sshll.u32 s28, $0x1;
	[dreg:$0x2] =	wrdreg s5  }
0xab: {  	[dreg:$0x3] =	wrdreg s6  }
0xac: {  	[dreg:$0x4] =	wrdreg $0xC0  }
0xad: {  	_ =	task [dreg:s9], $0x5FFFF  }
0xae: {  	[dreg:$0x1] =	wrdreg $0xFFFFFFFF  }
0xaf: {  	[dreg:$0x0] =	wrdreg $0x60  }
0xb0: {  	[dreg:$0x2] =	wrdreg s2  }
0xb1: {  	[dreg:$0x3] =	wrdreg s19  }
0xb2: {  	[dreg:$0x4] =	wrdreg s4  }
0xb3: {  	[dreg:$0x5] =	wrdreg $0x9  }
0xb4: {  	_ =	task.clear_ibuf [dreg:s9], $0x6FFFF;
	_ =	strace $0x90000046  }
0xb5: {  	s29 =	simm.s32 $0x9;
	_ =	strace $0x80000048  }
0xb6: {  	_ =	swait.ge [sflag:s29], $0x1  }
0xb7: {  	[sflag:s29] =	ssyncadd.s32 $0xFFFFFFFF  }
0xb8: {  	_ =	strace $0x90000048  }
0xb9: {  	_ =	sfence  }
0xba: {  	s30 =	sld [smem:$0x0];
	_ =	sdelay $0x2  }
0xbb: {  	s31 =	sshll.u32 s1, $0xD;
	s1 =	sshrl.u32 s1, $0x2  }
0xbc: {  	s3 =	sand.u32 $0x4000, s31;
	s1 =	sadd.s32 s1, s30  }
0xbd: {  	s0 =	sor.u32 s3, s0;
	s1 =	sshll.u32 s1, $0x11  }
0xbe: {  	s0 =	sor.u32 s1, s0  }
0xbf: {  	s0 =	sadd.s32 $0x8F2B, s0  }
0xc0: {  	[sflag:s0] =	ssyncadd.remote.s32 $0x1  }
0xc1: {  	_ =	sfence.sel $0xFFFF  }
0xc2: {  	[dreg:$0x0] =	wrdreg $0xFFFFFFFF;
	(pc) =	sbr.abs _section_cstart, $3  }
0xc3: {  	[dreg:$0x1] =	wrdreg $0xFFFFFFFF  }
0xc4: {  	_ =	task.clear_ibuf [dreg:s9], $0x2FFFF;
	_ =	strace $0x9FFFFFFF  }
0xc5: {  	(tm) =	ssettm $0x7FFFFFFF  }
tec
execute0_lowered:
.L_overlay_start_1:
0x0: {  	(tag) =	ssettag $0x1  }
0x1: {  	s0 =	rddreg [dreg:$0x0]  }
0x2: {  	s1 =	rddreg [dreg:$0x1];
	s4 =	srdreg.scid  }
0x3: {  	s3 =	rddreg [dreg:$0x2];
	s4 =	sand.u32 $0x1, s4  }
0x4: {  	s5 =	stileid.u32;
	s6 =	sshll.u32 s4, $0x5;
	s4 =	ssub.s32 $0x2, s4  }
0x5: {  	s2 =	simm.s32 $0x0;
	s5 =	sshll.u32 s5, $0x6;
	s12 =	sshrl.u32 s4, $0x1  }
0x6: {  	[smem:$0x7FF] =	sst s2;
	s5 =	sor.u32 s6, s5;
	s4 =	ssub.s32 s4, s12  }
0x7: {  	s7 =	sshll.u32 s5, $0x6;
	s5 =	sshll.u32 s5, $0x4;
	s26 =	smax.u32 s4, $0x1  }
0x8: {  	_ =	strace $0x80000047;
	s8 =	sadd.s32 s0, s5;
	[dreg:$0x19] =	wrdreg s26  }
0x9: {  	s6 =	sadd.s32 s1, s7;
	s7 =	sadd.s32 s3, s7;
	[dreg:$0x5] =	wrdreg s8  }
0xa: {  	[dreg:$0xa] =	wrdreg s7  }
0xb: {  	s0 =	sadd.s32 $0x8000, s8;
	[dreg:$0x4] =	wrdreg s6  }
0xc: {  	s13 =	sadd.s32 $0x10000, s8;
	[dreg:$0x7] =	wrdreg s0  }
0xd: {  	s15 =	sadd.s32 $0x10000, s7;
	[dreg:$0x9] =	wrdreg s13  }
0xe: {  	s17 =	sadd.s32 $0x18000, s8;
	[dreg:$0xc] =	wrdreg s15  }
0xf: {  	s18 =	sadd.s32 $0x20000, s7;
	[dreg:$0xd] =	wrdreg s17  }
0x10: {  	s19 =	sadd.s32 $0x30000, s7;
	[dreg:$0xe] =	wrdreg s18  }
0x11: {  	s20 =	sadd.s32 $0x20000, s8;
	[dreg:$0x10] =	wrdreg s19  }
0x12: {  	s21 =	sadd.s32 $0x40000, s7;
	[dreg:$0x11] =	wrdreg s20  }
0x13: {  	s22 =	sadd.s32 $0x50000, s7;
	[dreg:$0x12] =	wrdreg s21  }
0x14: {  	s23 =	sadd.s32 $0x28000, s8;
	[dreg:$0x14] =	wrdreg s22  }
0x15: {  	s24 =	sadd.s32 $0x60000, s7;
	[dreg:$0x15] =	wrdreg s23  }
0x16: {  	s25 =	sadd.s32 $0x70000, s7;
	[dreg:$0x16] =	wrdreg s24  }
0x17: {  	s1 =	sadd.s32 $0x80000, s7;
	[dreg:$0x18] =	wrdreg s25  }
0x18: {  	s3 =	sadd.s32 $0x90000, s7;
	[dreg:$0x1a] =	wrdreg s1  }
0x19: {  	s4 =	sadd.s32 $0xA0000, s7;
	[dreg:$0x1b] =	wrdreg s3  }
0x1a: {  	s5 =	sadd.s32 $0xB0000, s7;
	[dreg:$0x1c] =	wrdreg s4  }
0x1b: {  	s9 =	sadd.s32 $0xC0000, s7;
	[dreg:$0x1d] =	wrdreg s5  }
0x1c: {  	s10 =	sadd.s32 $0xD0000, s7;
	[dreg:$0x1e] =	wrdreg s9  }
0x1d: {  	s12 =	sadd.s32 $0x4000, s8;
	[dreg:$0x1f] =	wrdreg s10  }
0x1e: {  	s14 =	sadd.s32 $0xC000, s8;
	s16 =	sadd.s32 $0x14000, s8;
	[dreg:$0x6] =	wrdreg s12  }
0x1f: {  	s28 =	sadd.s32 $0x34000, s8;
	s30 =	sadd.s32 $0x38000, s8;
	[dreg:$0x8] =	wrdreg s14  }
0x20: {  	s11 =	sadd.s32 $0x40000, s8;
	s13 =	sadd.s32 $0xE0000, s7;
	[dreg:$0xb] =	wrdreg s16  }
0x21: {  	s26 =	sadd.s32 $0x50000, s8;
	s17 =	sadd.s32 $0xF0000, s7;
	[smem:$0x7CD] =	sst s13  }
0x22: {  	s31 =	sadd.s32 $0x54000, s8;
	s21 =	sadd.s32 $0x100000, s7;
	[smem:$0x7CE] =	sst s17  }
0x23: {  	s29 =	sadd.s32 $0x60000, s8;
	s25 =	sadd.s32 $0x110000, s7;
	[smem:$0x7CF] =	sst s21  }
0x24: {  	s18 =	sadd.s32 $0x1C000, s8;
	s3 =	sadd.s32 $0x120000, s7;
	[smem:$0x7D0] =	sst s25  }
0x25: {  	s20 =	sadd.s32 $0x24000, s8;
	s4 =	sadd.s32 $0x130000, s7;
	[smem:$0x7D1] =	sst s3  }
0x26: {  	s22 =	sadd.s32 $0x2C000, s8;
	s5 =	sadd.s32 $0x140000, s7;
	[smem:$0x7D2] =	sst s4  }
0x27: {  	s24 =	sadd.s32 $0x30000, s8;
	s9 =	sadd.s32 $0x150000, s7;
	[smem:$0x7D3] =	sst s5  }
0x28: {  	s0 =	sadd.s32 $0x3C000, s8;
	s10 =	sadd.s32 $0x170000, s7;
	[smem:$0x7D4] =	sst s9  }
0x29: {  	s15 =	sadd.s32 $0x44000, s8;
	s19 =	sadd.s32 $0x48000, s8;
	[smem:$0x7D6] =	sst s10  }
0x2a: {  	s23 =	sadd.s32 $0x4C000, s8;
	s1 =	sadd.s32 $0x68000, s8;
	[dreg:$0xf] =	wrdreg s18  }
0x2b: {  	s13 =	sadd.s32 $0x58000, s8;
	s21 =	sadd.s32 $0x5C000, s8;
	[dreg:$0x13] =	wrdreg s20  }
0x2c: {  	s17 =	sadd.s32 $0x64000, s8;
	s3 =	sadd.s32 $0x160000, s7;
	[dreg:$0x17] =	wrdreg s22  }
0x2d: {  	s25 =	sadd.s32 $0x6C000, s8;
	s4 =	sadd.s32 $0x180000, s7;
	[smem:$0x7D5] =	sst s3  }
0x2e: {  	s9 =	sadd.s32 $0x70000, s8;
	s5 =	sadd.s32 $0x190000, s7;
	[smem:$0x7D7] =	sst s4  }
0x2f: {  	s10 =	sadd.s32 $0x1A0000, s7;
	s3 =	sadd.s32 $0x74000, s8;
	[smem:$0x7D8] =	sst s5  }
0x30: {  	s5 =	sadd.s32 $0x78000, s8;
	[smem:$0x7D9] =	sst s10;
	s10 =	sadd.s32 $0x1B0000, s7  }
0x31: {  	s4 =	sadd.s32 $0x7C000, s8;
	s8 =	sadd.s32 $0x1C0000, s7;
	[smem:$0x7DA] =	sst s10  }
0x32: {  	[smem:$0x7DB] =	sst s8;
	s8 =	sadd.s32 $0x1D0000, s7  }
0x33: {  	s10 =	sadd.s32 $0x20, s6;
	[smem:$0x7DC] =	sst s8  }
0x34: {  	s8 =	sadd.s32 $0x1E0000, s7;
	[smem:$0x7E0] =	sst s10  }
0x35: {  	s7 =	sadd.s32 $0x1F0000, s7;
	[smem:$0x7DD] =	sst s8  }
0x36: {  	s10 =	sadd.s32 $0x40, s6;
	[smem:$0x7DE] =	sst s7  }
0x37: {  	s8 =	sadd.s32 $0x10, s6;
	[smem:$0x7E2] =	sst s10  }
0x38: {  	s10 =	sadd.s32 $0x60, s6;
	[smem:$0x7DF] =	sst s8  }
0x39: {  	s8 =	sadd.s32 $0x30, s6;
	[smem:$0x7E4] =	sst s10  }
0x3a: {  	s10 =	sadd.s32 $0x200, s6;
	[smem:$0x7E1] =	sst s8  }
0x3b: {  	s8 =	sadd.s32 $0x50, s6;
	[smem:$0x7E6] =	sst s10  }
0x3c: {  	s10 =	sadd.s32 $0x220, s6;
	[smem:$0x7E3] =	sst s8  }
0x3d: {  	s8 =	sadd.s32 $0x70, s6;
	[smem:$0x7E8] =	sst s10  }
0x3e: {  	s10 =	sadd.s32 $0x240, s6;
	[smem:$0x7E5] =	sst s8  }
0x3f: {  	s8 =	sadd.s32 $0x210, s6;
	[smem:$0x7EA] =	sst s10  }
0x40: {  	s10 =	sadd.s32 $0x260, s6;
	[smem:$0x7E7] =	sst s8  }
0x41: {  	s8 =	sadd.s32 $0x230, s6;
	[smem:$0x7EC] =	sst s10  }
0x42: {  	s10 =	sadd.s32 $0x400, s6;
	[smem:$0x7E9] =	sst s8  }
0x43: {  	s8 =	sadd.s32 $0x250, s6;
	[smem:$0x7EE] =	sst s10  }
0x44: {  	s10 =	sadd.s32 $0x420, s6;
	[smem:$0x7EB] =	sst s8  }
0x45: {  	s8 =	sadd.s32 $0x270, s6;
	[smem:$0x7F0] =	sst s10  }
0x46: {  	s10 =	sadd.s32 $0x440, s6;
	[smem:$0x7ED] =	sst s8  }
0x47: {  	s8 =	sadd.s32 $0x410, s6;
	[smem:$0x7F2] =	sst s10  }
0x48: {  	s10 =	sadd.s32 $0x460, s6;
	[smem:$0x7EF] =	sst s8  }
0x49: {  	s8 =	sadd.s32 $0x430, s6;
	[smem:$0x7F4] =	sst s10  }
0x4a: {  	s10 =	sadd.s32 $0x600, s6;
	[smem:$0x7F1] =	sst s8  }
0x4b: {  	s8 =	sadd.s32 $0x450, s6;
	[smem:$0x7F6] =	sst s10  }
0x4c: {  	s10 =	sadd.s32 $0x620, s6;
	[smem:$0x7F3] =	sst s8  }
0x4d: {  	s8 =	sadd.s32 $0x470, s6;
	[smem:$0x7F8] =	sst s10  }
0x4e: {  	s10 =	sadd.s32 $0x640, s6;
	[smem:$0x7F5] =	sst s8  }
0x4f: {  	s8 =	sadd.s32 $0x610, s6;
	[smem:$0x7FA] =	sst s10  }
0x50: {  	s10 =	sadd.s32 $0x660, s6;
	[smem:$0x7F7] =	sst s8  }
0x51: {  	s8 =	sadd.s32 $0x630, s6;
	[smem:$0x7FC] =	sst s10  }
0x52: {  	[smem:$0x7F9] =	sst s8;
	s8 =	sadd.s32 $0x650, s6  }
0x53: {  	s6 =	sadd.s32 $0x670, s6;
	[smem:$0x7FB] =	sst s8  }
0x54: {  	[smem:$0x7FD] =	sst s6;
	s8 =	simm.s32 $0x0  }
.LBB2_1:
0x55: {  	s12 =	rddreg [dreg:$0x4]  }
0x56: {  	s6 =	simm.s32 $0x400;
	s7 =	simm.s32 $0x80;
	s14 =	sld [smem:$0x7DF]  }
0x57: {  	[tilespmem:s7], [sflag:$0x7] =	stream.strided.gather [hbm4b:s12+s7], $0x180, s6, s7, $0x38;
	[tilespmem:$0x18000] =	vst v63  }
0x58: {  	s10 =	simm.s32 $0x280  }
0x59: {  	[tilespmem:s10], [sflag:$0x7] =	stream.strided.gather [hbm4b:s14+s7], $0x180, s6, s7, $0x38;
	[tilespmem:$0x18000] =	vst v63  }
0x5a: {  	s10 =	sld [smem:$0x7E0];
	_ =	sdelay $0x1  }
0x5b: {  	s16 =	sld [smem:$0x7E1];
	s12 =	simm.s32 $0x480  }
0x5c: {  	[tilespmem:s12], [sflag:$0x7] =	stream.strided.gather [hbm4b:s10+s7], $0x180, s6, s7, $0x38;
	[tilespmem:$0x18000] =	vst v63  }
0x5d: {  	s18 =	simm.s32 $0x680;
	s20 =	sld [smem:$0x7E2]  }
0x5e: {  	[tilespmem:s18], [sflag:$0x7] =	stream.strided.gather [hbm4b:s16+s7], $0x180, s6, s7, $0x38;
	[tilespmem:$0x18000] =	vst v63  }
0x5f: {  	s22 =	simm.s32 $0x880;
	s12 =	sld [smem:$0x7E3]  }
0x60: {  	[tilespmem:s22], [sflag:$0x7] =	stream.strided.gather [hbm4b:s20+s7], $0x180, s6, s7, $0x38;
	[tilespmem:$0x18000] =	vst v63  }
0x61: {  	s14 =	simm.s32 $0xA80;
	s16 =	sld [smem:$0x7E4]  }
0x62: {  	[tilespmem:s14], [sflag:$0x7] =	stream.strided.gather [hbm4b:s12+s7], $0x180, s6, s7, $0x38;
	[tilespmem:$0x18000] =	vst v63  }
0x63: {  	s18 =	simm.s32 $0xC80;
	s20 =	sld [smem:$0x7E5]  }
0x64: {  	[tilespmem:s18], [sflag:$0x7] =	stream.strided.gather [hbm4b:s16+s7], $0x180, s6, s7, $0x38;
	[tilespmem:$0x18000] =	vst v63  }
0x65: {  	s22 =	simm.s32 $0xE80;
	s12 =	sld [smem:$0x7E6]  }
0x66: {  	[tilespmem:s22], [sflag:$0x7] =	stream.strided.gather [hbm4b:s20+s7], $0x180, s6, s7, $0x38;
	[tilespmem:$0x18000] =	vst v63  }
0x67: {  	s14 =	simm.s32 $0x1080;
	s16 =	sld [smem:$0x7E7]  }
0x68: {  	[tilespmem:s14], [sflag:$0x7] =	stream.strided.gather [hbm4b:s12+s7], $0x180, s6, s7, $0x38;
	[tilespmem:$0x18000] =	vst v63  }
0x69: {  	s18 =	simm.s32 $0x1280;
	s20 =	sld [smem:$0x7E8]  }
0x6a: {  	[tilespmem:s18], [sflag:$0x7] =	stream.strided.gather [hbm4b:s16+s7], $0x180, s6, s7, $0x38;
	[tilespmem:$0x18000] =	vst v63  }
0x6b: {  	s22 =	simm.s32 $0x1480;
	s12 =	sld [smem:$0x7E9]  }
0x6c: {  	[tilespmem:s22], [sflag:$0x7] =	stream.strided.gather [hbm4b:s20+s7], $0x180, s6, s7, $0x38;
	[tilespmem:$0x18000] =	vst v63  }
0x6d: {  	s14 =	simm.s32 $0x1680;
	s16 =	sld [smem:$0x7EA]  }
0x6e: {  	[tilespmem:s14], [sflag:$0x7] =	stream.strided.gather [hbm4b:s12+s7], $0x180, s6, s7, $0x38;
	[tilespmem:$0x18000] =	vst v63  }
0x6f: {  	s18 =	simm.s32 $0x1880;
	s20 =	sld [smem:$0x7EB]  }
0x70: {  	[tilespmem:s18], [sflag:$0x7] =	stream.strided.gather [hbm4b:s16+s7], $0x180, s6, s7, $0x38;
	[tilespmem:$0x18000] =	vst v63  }
0x71: {  	s22 =	simm.s32 $0x1A80;
	s12 =	sld [smem:$0x7EC]  }
0x72: {  	[tilespmem:s22], [sflag:$0x7] =	stream.strided.gather [hbm4b:s20+s7], $0x180, s6, s7, $0x38;
	[tilespmem:$0x18000] =	vst v63  }
0x73: {  	s14 =	simm.s32 $0x1C80;
	s16 =	sld [smem:$0x7ED]  }
0x74: {  	[tilespmem:s14], [sflag:$0x7] =	stream.strided.gather [hbm4b:s12+s7], $0x180, s6, s7, $0x38;
	[tilespmem:$0x18000] =	vst v63  }
0x75: {  	s18 =	simm.s32 $0x1E80;
	s20 =	sld [smem:$0x7EE]  }
0x76: {  	[tilespmem:s18], [sflag:$0x7] =	stream.strided.gather [hbm4b:s16+s7], $0x180, s6, s7, $0x38;
	[tilespmem:$0x18000] =	vst v63  }
0x77: {  	s22 =	simm.s32 $0x2080;
	s12 =	sld [smem:$0x7EF]  }
0x78: {  	[tilespmem:s22], [sflag:$0x7] =	stream.strided.gather [hbm4b:s20+s7], $0x180, s6, s7, $0x38;
	[tilespmem:$0x18000] =	vst v63  }
0x79: {  	s14 =	simm.s32 $0x2280;
	s16 =	sld [smem:$0x7F0]  }
0x7a: {  	[tilespmem:s14], [sflag:$0x7] =	stream.strided.gather [hbm4b:s12+s7], $0x180, s6, s7, $0x38;
	[tilespmem:$0x18000] =	vst v63  }
0x7b: {  	s18 =	simm.s32 $0x2480;
	s20 =	sld [smem:$0x7F1]  }
0x7c: {  	[tilespmem:s18], [sflag:$0x7] =	stream.strided.gather [hbm4b:s16+s7], $0x180, s6, s7, $0x38;
	[tilespmem:$0x18000] =	vst v63  }
0x7d: {  	s22 =	simm.s32 $0x2680;
	s12 =	sld [smem:$0x7F2]  }
0x7e: {  	[tilespmem:s22], [sflag:$0x7] =	stream.strided.gather [hbm4b:s20+s7], $0x180, s6, s7, $0x38;
	[tilespmem:$0x18000] =	vst v63  }
0x7f: {  	s14 =	simm.s32 $0x2880;
	s16 =	sld [smem:$0x7F3]  }
0x80: {  	[tilespmem:s14], [sflag:$0x7] =	stream.strided.gather [hbm4b:s12+s7], $0x180, s6, s7, $0x38;
	[tilespmem:$0x18000] =	vst v63  }
0x81: {  	s18 =	simm.s32 $0x2A80;
	s20 =	sld [smem:$0x7F4]  }
0x82: {  	[tilespmem:s18], [sflag:$0x7] =	stream.strided.gather [hbm4b:s16+s7], $0x180, s6, s7, $0x38;
	[tilespmem:$0x18000] =	vst v63  }
0x83: {  	s22 =	simm.s32 $0x2C80;
	s12 =	sld [smem:$0x7F5]  }
0x84: {  	[tilespmem:s22], [sflag:$0x7] =	stream.strided.gather [hbm4b:s20+s7], $0x180, s6, s7, $0x38;
	[tilespmem:$0x18000] =	vst v63  }
0x85: {  	s14 =	simm.s32 $0x2E80;
	s16 =	sld [smem:$0x7F6]  }
0x86: {  	[tilespmem:s14], [sflag:$0x7] =	stream.strided.gather [hbm4b:s12+s7], $0x180, s6, s7, $0x38;
	[tilespmem:$0x18000] =	vst v63  }
0x87: {  	s18 =	simm.s32 $0x3080;
	s20 =	sld [smem:$0x7F7]  }
0x88: {  	[tilespmem:s18], [sflag:$0x7] =	stream.strided.gather [hbm4b:s16+s7], $0x180, s6, s7, $0x38;
	[tilespmem:$0x18000] =	vst v63  }
0x89: {  	s22 =	simm.s32 $0x3280;
	s12 =	sld [smem:$0x7F8]  }
0x8a: {  	[tilespmem:s22], [sflag:$0x7] =	stream.strided.gather [hbm4b:s20+s7], $0x180, s6, s7, $0x38;
	[tilespmem:$0x18000] =	vst v63  }
0x8b: {  	s14 =	simm.s32 $0x3480;
	s16 =	sld [smem:$0x7F9]  }
0x8c: {  	[tilespmem:s14], [sflag:$0x7] =	stream.strided.gather [hbm4b:s12+s7], $0x180, s6, s7, $0x38;
	[tilespmem:$0x18000] =	vst v63  }
0x8d: {  	s18 =	simm.s32 $0x3680;
	s20 =	sld [smem:$0x7FA]  }
0x8e: {  	[tilespmem:s18], [sflag:$0x7] =	stream.strided.gather [hbm4b:s16+s7], $0x180, s6, s7, $0x38;
	[tilespmem:$0x18000] =	vst v63  }
0x8f: {  	s22 =	simm.s32 $0x3880;
	s12 =	sld [smem:$0x7FB]  }
0x90: {  	[tilespmem:s22], [sflag:$0x7] =	stream.strided.gather [hbm4b:s20+s7], $0x180, s6, s7, $0x38;
	[tilespmem:$0x18000] =	vst v63  }
0x91: {  	s14 =	simm.s32 $0x3A80;
	s16 =	sld [smem:$0x7FC]  }
0x92: {  	[tilespmem:s14], [sflag:$0x7] =	stream.strided.gather [hbm4b:s12+s7], $0x180, s6, s7, $0x38;
	[tilespmem:$0x18000] =	vst v63  }
0x93: {  	s18 =	simm.s32 $0x3C80;
	s20 =	sld [smem:$0x7FD]  }
0x94: {  	[tilespmem:s18], [sflag:$0x7] =	stream.strided.gather [hbm4b:s16+s7], $0x180, s6, s7, $0x38;
	[tilespmem:$0x18000] =	vst v63  }
0x95: {  	s22 =	simm.s32 $0x3E80;
	s16 =	rddreg [dreg:$0x4]  }
0x96: {  	[tilespmem:s22], [sflag:$0x7] =	stream.strided.gather [hbm4b:s20+s7], $0x180, s6, s7, $0x38;
	[tilespmem:$0x18000] =	vst v63  }
0x97: {  	s14 =	simm.s32 $0x4080;
	s20 =	sld [smem:$0x7DF]  }
0x98: {  	[tilespmem:s14], [sflag:$0x8] =	stream.strided.gather [hbm4b:s16+s7], $0x180, s6, s7, $0x38;
	[tilespmem:$0x18000] =	vst v63  }
0x99: {  	s18 =	simm.s32 $0x4280  }
0x9a: {  	[tilespmem:s18], [sflag:$0x8] =	stream.strided.gather [hbm4b:s20+s7], $0x180, s6, s7, $0x38;
	[tilespmem:$0x18000] =	vst v63  }
0x9b: {  	s22 =	simm.s32 $0x4480  }
0x9c: {  	[tilespmem:s22], [sflag:$0x8] =	stream.strided.gather [hbm4b:s10+s7], $0x180, s6, s7, $0x38;
	[tilespmem:$0x18000] =	vst v63  }
0x9d: {  	s10 =	sld [smem:$0x7E1]  }
0x9e: {  	[smem:$0x7CC] =	sst s8  }
0x9f: {  	s8 =	simm.s32 $0x4680;
	s16 =	sld [smem:$0x7E2]  }
0xa0: {  	[tilespmem:s8], [sflag:$0x8] =	stream.strided.gather [hbm4b:s10+s7], $0x180, s6, s7, $0x38;
	[tilespmem:$0x18000] =	vst v63  }
0xa1: {  	s14 =	simm.s32 $0x4880;
	s20 =	sld [smem:$0x7E3]  }
0xa2: {  	[tilespmem:s14], [sflag:$0x8] =	stream.strided.gather [hbm4b:s16+s7], $0x180, s6, s7, $0x38;
	[tilespmem:$0x18000] =	vst v63  }
0xa3: {  	s18 =	simm.s32 $0x4A80;
	s10 =	sld [smem:$0x7E4]  }
0xa4: {  	[tilespmem:s18], [sflag:$0x8] =	stream.strided.gather [hbm4b:s20+s7], $0x180, s6, s7, $0x38;
	[tilespmem:$0x18000] =	vst v63  }
0xa5: {  	s22 =	simm.s32 $0x4C80;
	s14 =	sld [smem:$0x7E5]  }
0xa6: {  	[tilespmem:s22], [sflag:$0x8] =	stream.strided.gather [hbm4b:s10+s7], $0x180, s6, s7, $0x38;
	[tilespmem:$0x18000] =	vst v63  }
0xa7: {  	s8 =	simm.s32 $0x4E80;
	s18 =	sld [smem:$0x7E6]  }
0xa8: {  	[tilespmem:s8], [sflag:$0x8] =	stream.strided.gather [hbm4b:s14+s7], $0x180, s6, s7, $0x38;
	[tilespmem:$0x18000] =	vst v63  }
0xa9: {  	s16 =	simm.s32 $0x5080;
	s22 =	sld [smem:$0x7E7]  }
0xaa: {  	[tilespmem:s16], [sflag:$0x8] =	stream.strided.gather [hbm4b:s18+s7], $0x180, s6, s7, $0x38;
	[tilespmem:$0x18000] =	vst v63  }
0xab: {  	s20 =	simm.s32 $0x5280;
	s14 =	sld [smem:$0x7E8]  }
0xac: {  	[tilespmem:s20], [sflag:$0x8] =	stream.strided.gather [hbm4b:s22+s7], $0x180, s6, s7, $0x38;
	[tilespmem:$0x18000] =	vst v63  }
0xad: {  	s8 =	simm.s32 $0x5480;
	s18 =	sld [smem:$0x7E9]  }
0xae: {  	[tilespmem:s8], [sflag:$0x8] =	stream.strided.gather [hbm4b:s14+s7], $0x180, s6, s7, $0x38;
	[tilespmem:$0x18000] =	vst v63  }
0xaf: {  	s16 =	simm.s32 $0x5680;
	s22 =	sld [smem:$0x7EA]  }
0xb0: {  	[tilespmem:s16], [sflag:$0x8] =	stream.strided.gather [hbm4b:s18+s7], $0x180, s6, s7, $0x38;
	[tilespmem:$0x18000] =	vst v63  }
0xb1: {  	s20 =	simm.s32 $0x5880;
	s14 =	sld [smem:$0x7EB]  }
0xb2: {  	[tilespmem:s20], [sflag:$0x8] =	stream.strided.gather [hbm4b:s22+s7], $0x180, s6, s7, $0x38;
	[tilespmem:$0x18000] =	vst v63  }
0xb3: {  	s8 =	simm.s32 $0x5A80;
	s18 =	sld [smem:$0x7EC]  }
0xb4: {  	[tilespmem:s8], [sflag:$0x8] =	stream.strided.gather [hbm4b:s14+s7], $0x180, s6, s7, $0x38;
	[tilespmem:$0x18000] =	vst v63  }
0xb5: {  	s16 =	simm.s32 $0x5C80;
	s22 =	sld [smem:$0x7ED]  }
0xb6: {  	[tilespmem:s16], [sflag:$0x8] =	stream.strided.gather [hbm4b:s18+s7], $0x180, s6, s7, $0x38;
	[tilespmem:$0x18000] =	vst v63  }
0xb7: {  	s20 =	simm.s32 $0x5E80;
	s14 =	sld [smem:$0x7EE]  }
0xb8: {  	[tilespmem:s20], [sflag:$0x8] =	stream.strided.gather [hbm4b:s22+s7], $0x180, s6, s7, $0x38;
	[tilespmem:$0x18000] =	vst v63  }
0xb9: {  	s8 =	simm.s32 $0x6080;
	s18 =	sld [smem:$0x7EF]  }
0xba: {  	[tilespmem:s8], [sflag:$0x8] =	stream.strided.gather [hbm4b:s14+s7], $0x180, s6, s7, $0x38;
	[tilespmem:$0x18000] =	vst v63  }
0xbb: {  	s16 =	simm.s32 $0x6280;
	s22 =	sld [smem:$0x7F0]  }
0xbc: {  	[tilespmem:s16], [sflag:$0x8] =	stream.strided.gather [hbm4b:s18+s7], $0x180, s6, s7, $0x38;
	[tilespmem:$0x18000] =	vst v63  }
0xbd: {  	s20 =	simm.s32 $0x6480;
	s14 =	sld [smem:$0x7F1]  }
0xbe: {  	[tilespmem:s20], [sflag:$0x8] =	stream.strided.gather [hbm4b:s22+s7], $0x180, s6, s7, $0x38;
	[tilespmem:$0x18000] =	vst v63  }
0xbf: {  	s8 =	simm.s32 $0x6680;
	s18 =	sld [smem:$0x7F2]  }
0xc0: {  	[tilespmem:s8], [sflag:$0x8] =	stream.strided.gather [hbm4b:s14+s7], $0x180, s6, s7, $0x38;
	[tilespmem:$0x18000] =	vst v63  }
0xc1: {  	s16 =	simm.s32 $0x6880;
	s22 =	sld [smem:$0x7F3]  }
0xc2: {  	[tilespmem:s16], [sflag:$0x8] =	stream.strided.gather [hbm4b:s18+s7], $0x180, s6, s7, $0x38;
	[tilespmem:$0x18000] =	vst v63  }
0xc3: {  	s20 =	simm.s32 $0x6A80;
	s14 =	sld [smem:$0x7F4]  }
0xc4: {  	[tilespmem:s20], [sflag:$0x8] =	stream.strided.gather [hbm4b:s22+s7], $0x180, s6, s7, $0x38;
	[tilespmem:$0x18000] =	vst v63  }
0xc5: {  	s8 =	simm.s32 $0x6C80;
	s18 =	sld [smem:$0x7F5]  }
0xc6: {  	[tilespmem:s8], [sflag:$0x8] =	stream.strided.gather [hbm4b:s14+s7], $0x180, s6, s7, $0x38;
	[tilespmem:$0x18000] =	vst v63  }
0xc7: {  	s16 =	simm.s32 $0x6E80;
	s22 =	sld [smem:$0x7F6]  }
0xc8: {  	[tilespmem:s16], [sflag:$0x8] =	stream.strided.gather [hbm4b:s18+s7], $0x180, s6, s7, $0x38;
	[tilespmem:$0x18000] =	vst v63  }
0xc9: {  	s20 =	simm.s32 $0x7080;
	s14 =	sld [smem:$0x7F7]  }
0xca: {  	[tilespmem:s20], [sflag:$0x8] =	stream.strided.gather [hbm4b:s22+s7], $0x180, s6, s7, $0x38;
	[tilespmem:$0x18000] =	vst v63  }
0xcb: {  	s8 =	simm.s32 $0x7280;
	s18 =	sld [smem:$0x7F8]  }
0xcc: {  	[tilespmem:s8], [sflag:$0x8] =	stream.strided.gather [hbm4b:s14+s7], $0x180, s6, s7, $0x38;
	[tilespmem:$0x18000] =	vst v63  }
0xcd: {  	s16 =	simm.s32 $0x7480;
	s22 =	sld [smem:$0x7F9]  }
0xce: {  	[tilespmem:s16], [sflag:$0x8] =	stream.strided.gather [hbm4b:s18+s7], $0x180, s6, s7, $0x38;
	[tilespmem:$0x18000] =	vst v63  }
0xcf: {  	s20 =	simm.s32 $0x7680;
	s14 =	sld [smem:$0x7FA]  }
0xd0: {  	[tilespmem:s20], [sflag:$0x8] =	stream.strided.gather [hbm4b:s22+s7], $0x180, s6, s7, $0x38;
	[tilespmem:$0x18000] =	vst v63  }
0xd1: {  	s8 =	simm.s32 $0x7880;
	s18 =	sld [smem:$0x7FB]  }
0xd2: {  	[tilespmem:s8], [sflag:$0x8] =	stream.strided.gather [hbm4b:s14+s7], $0x180, s6, s7, $0x38;
	[tilespmem:$0x18000] =	vst v63  }
0xd3: {  	s16 =	simm.s32 $0x7A80;
	s22 =	sld [smem:$0x7FC]  }
0xd4: {  	[tilespmem:s16], [sflag:$0x8] =	stream.strided.gather [hbm4b:s18+s7], $0x180, s6, s7, $0x38;
	[tilespmem:$0x18000] =	vst v63  }
0xd5: {  	s20 =	simm.s32 $0x7C80;
	s14 =	sld [smem:$0x7FD]  }
0xd6: {  	[tilespmem:s20], [sflag:$0x8] =	stream.strided.gather [hbm4b:s22+s7], $0x180, s6, s7, $0x38;
	[tilespmem:$0x18000] =	vst v63  }
0xd7: {  	s8 =	simm.s32 $0x7E80;
	s18 =	rddreg [dreg:$0x4]  }
0xd8: {  	[tilespmem:s8], [sflag:$0x8] =	stream.strided.gather [hbm4b:s14+s7], $0x180, s6, s7, $0x38;
	[tilespmem:$0x18000] =	vst v63  }
0xd9: {  	s16 =	simm.s32 $0x8080;
	s22 =	sld [smem:$0x7DF]  }
0xda: {  	[tilespmem:s16], [sflag:$0x9] =	stream.strided.gather [hbm4b:s18+s7], $0x180, s6, s7, $0x38;
	[tilespmem:$0x18000] =	vst v63  }
0xdb: {  	s20 =	simm.s32 $0x8280;
	s14 =	sld [smem:$0x7E0]  }
0xdc: {  	[tilespmem:s20], [sflag:$0x9] =	stream.strided.gather [hbm4b:s22+s7], $0x180, s6, s7, $0x38;
	[tilespmem:$0x18000] =	vst v63  }
0xdd: {  	s8 =	simm.s32 $0x8480;
	s18 =	sld [smem:$0x7E1]  }
0xde: {  	[tilespmem:s8], [sflag:$0x9] =	stream.strided.gather [hbm4b:s14+s7], $0x180, s6, s7, $0x38;
	[tilespmem:$0x18000] =	vst v63  }
0xdf: {  	s16 =	simm.s32 $0x8680;
	s22 =	sld [smem:$0x7E2]  }
0xe0: {  	[tilespmem:s16], [sflag:$0x9] =	stream.strided.gather [hbm4b:s18+s7], $0x180, s6, s7, $0x38;
	[tilespmem:$0x18000] =	vst v63  }
0xe1: {  	s20 =	simm.s32 $0x8880;
	s14 =	sld [smem:$0x7E3]  }
0xe2: {  	[tilespmem:s20], [sflag:$0x9] =	stream.strided.gather [hbm4b:s22+s7], $0x180, s6, s7, $0x38;
	[tilespmem:$0x18000] =	vst v63  }
0xe3: {  	s8 =	simm.s32 $0x8A80  }
0xe4: {  	[tilespmem:s8], [sflag:$0x9] =	stream.strided.gather [hbm4b:s14+s7], $0x180, s6, s7, $0x38;
	[tilespmem:$0x18000] =	vst v63  }
0xe5: {  	s16 =	simm.s32 $0x8C80  }
0xe6: {  	[tilespmem:s16], [sflag:$0x9] =	stream.strided.gather [hbm4b:s10+s7], $0x180, s6, s7, $0x38;
	[tilespmem:$0x18000] =	vst v63  }
0xe7: {  	s10 =	sld [smem:$0x7E5];
	_ =	sdelay $0x1  }
0xe8: {  	s18 =	simm.s32 $0x8E80;
	s22 =	sld [smem:$0x7E6]  }
0xe9: {  	[tilespmem:s18], [sflag:$0x9] =	stream.strided.gather [hbm4b:s10+s7], $0x180, s6, s7, $0x38;
	[tilespmem:$0x18000] =	vst v63  }
0xea: {  	s20 =	simm.s32 $0x9080;
	s14 =	sld [smem:$0x7E7]  }
0xeb: {  	[tilespmem:s20], [sflag:$0x9] =	stream.strided.gather [hbm4b:s22+s7], $0x180, s6, s7, $0x38;
	[tilespmem:$0x18000] =	vst v63  }
0xec: {  	s8 =	simm.s32 $0x9280;
	s18 =	sld [smem:$0x7E8]  }
0xed: {  	[tilespmem:s8], [sflag:$0x9] =	stream.strided.gather [hbm4b:s14+s7], $0x180, s6, s7, $0x38;
	[tilespmem:$0x18000] =	vst v63  }
0xee: {  	s16 =	simm.s32 $0x9480;
	s22 =	sld [smem:$0x7E9]  }
0xef: {  	[tilespmem:s16], [sflag:$0x9] =	stream.strided.gather [hbm4b:s18+s7], $0x180, s6, s7, $0x38;
	[tilespmem:$0x18000] =	vst v63  }
0xf0: {  	s20 =	simm.s32 $0x9680;
	s14 =	sld [smem:$0x7EA]  }
0xf1: {  	[tilespmem:s20], [sflag:$0x9] =	stream.strided.gather [hbm4b:s22+s7], $0x180, s6, s7, $0x38;
	[tilespmem:$0x18000] =	vst v63  }
0xf2: {  	s8 =	simm.s32 $0x9880;
	s18 =	sld [smem:$0x7EB]  }
0xf3: {  	[tilespmem:s8], [sflag:$0x9] =	stream.strided.gather [hbm4b:s14+s7], $0x180, s6, s7, $0x38;
	[tilespmem:$0x18000] =	vst v63  }
0xf4: {  	s16 =	simm.s32 $0x9A80;
	s22 =	sld [smem:$0x7EC]  }
0xf5: {  	[tilespmem:s16], [sflag:$0x9] =	stream.strided.gather [hbm4b:s18+s7], $0x180, s6, s7, $0x38;
	[tilespmem:$0x18000] =	vst v63  }
0xf6: {  	s20 =	simm.s32 $0x9C80;
	s14 =	sld [smem:$0x7ED]  }
0xf7: {  	[tilespmem:s20], [sflag:$0x9] =	stream.strided.gather [hbm4b:s22+s7], $0x180, s6, s7, $0x38;
	[tilespmem:$0x18000] =	vst v63  }
0xf8: {  	s8 =	simm.s32 $0x9E80;
	s18 =	sld [smem:$0x7EE]  }
0xf9: {  	[tilespmem:s8], [sflag:$0x9] =	stream.strided.gather [hbm4b:s14+s7], $0x180, s6, s7, $0x38;
	[tilespmem:$0x18000] =	vst v63  }
0xfa: {  	s16 =	simm.s32 $0xA080;
	s22 =	sld [smem:$0x7EF]  }
0xfb: {  	[tilespmem:s16], [sflag:$0x9] =	stream.strided.gather [hbm4b:s18+s7], $0x180, s6, s7, $0x38;
	[tilespmem:$0x18000] =	vst v63  }
0xfc: {  	s20 =	simm.s32 $0xA280;
	s14 =	sld [smem:$0x7F0]  }
0xfd: {  	[tilespmem:s20], [sflag:$0x9] =	stream.strided.gather [hbm4b:s22+s7], $0x180, s6, s7, $0x38;
	[tilespmem:$0x18000] =	vst v63  }
0xfe: {  	s8 =	simm.s32 $0xA480;
	s18 =	sld [smem:$0x7F1]  }
0xff: {  	[tilespmem:s8], [sflag:$0x9] =	stream.strided.gather [hbm4b:s14+s7], $0x180, s6, s7, $0x38;
	[tilespmem:$0x18000] =	vst v63  }
0x100: {  	s16 =	simm.s32 $0xA680;
	s22 =	sld [smem:$0x7F2]  }
0x101: {  	[tilespmem:s16], [sflag:$0x9] =	stream.strided.gather [hbm4b:s18+s7], $0x180, s6, s7, $0x38;
	[tilespmem:$0x18000] =	vst v63  }
0x102: {  	s20 =	simm.s32 $0xA880;
	s14 =	sld [smem:$0x7F3]  }
0x103: {  	[tilespmem:s20], [sflag:$0x9] =	stream.strided.gather [hbm4b:s22+s7], $0x180, s6, s7, $0x38;
	[tilespmem:$0x18000] =	vst v63  }
0x104: {  	s8 =	simm.s32 $0xAA80;
	s18 =	sld [smem:$0x7F4]  }
0x105: {  	[tilespmem:s8], [sflag:$0x9] =	stream.strided.gather [hbm4b:s14+s7], $0x180, s6, s7, $0x38;
	[tilespmem:$0x18000] =	vst v63  }
0x106: {  	s16 =	simm.s32 $0xAC80;
	s22 =	sld [smem:$0x7F5]  }
0x107: {  	[tilespmem:s16], [sflag:$0x9] =	stream.strided.gather [hbm4b:s18+s7], $0x180, s6, s7, $0x38;
	[tilespmem:$0x18000] =	vst v63  }
0x108: {  	s20 =	simm.s32 $0xAE80;
	s14 =	sld [smem:$0x7F6]  }
0x109: {  	[tilespmem:s20], [sflag:$0x9] =	stream.strided.gather [hbm4b:s22+s7], $0x180, s6, s7, $0x38;
	[tilespmem:$0x18000] =	vst v63  }
0x10a: {  	s8 =	simm.s32 $0xB080;
	s18 =	sld [smem:$0x7F7]  }
0x10b: {  	[tilespmem:s8], [sflag:$0x9] =	stream.strided.gather [hbm4b:s14+s7], $0x180, s6, s7, $0x38;
	[tilespmem:$0x18000] =	vst v63  }
0x10c: {  	s16 =	simm.s32 $0xB280;
	s22 =	sld [smem:$0x7F8]  }
0x10d: {  	[tilespmem:s16], [sflag:$0x9] =	stream.strided.gather [hbm4b:s18+s7], $0x180, s6, s7, $0x38;
	[tilespmem:$0x18000] =	vst v63  }
0x10e: {  	s20 =	simm.s32 $0xB480;
	s14 =	sld [smem:$0x7F9]  }
0x10f: {  	[tilespmem:s20], [sflag:$0x9] =	stream.strided.gather [hbm4b:s22+s7], $0x180, s6, s7, $0x38;
	[tilespmem:$0x18000] =	vst v63  }
0x110: {  	s8 =	simm.s32 $0xB680;
	s18 =	sld [smem:$0x7FA]  }
0x111: {  	[tilespmem:s8], [sflag:$0x9] =	stream.strided.gather [hbm4b:s14+s7], $0x180, s6, s7, $0x38;
	[tilespmem:$0x18000] =	vst v63  }
0x112: {  	s16 =	simm.s32 $0xB880;
	s22 =	sld [smem:$0x7FB]  }
0x113: {  	[tilespmem:s16], [sflag:$0x9] =	stream.strided.gather [hbm4b:s18+s7], $0x180, s6, s7, $0x38;
	[tilespmem:$0x18000] =	vst v63  }
0x114: {  	s20 =	simm.s32 $0xBA80;
	s14 =	sld [smem:$0x7FC]  }
0x115: {  	[tilespmem:s20], [sflag:$0x9] =	stream.strided.gather [hbm4b:s22+s7], $0x180, s6, s7, $0x38;
	[tilespmem:$0x18000] =	vst v63  }
0x116: {  	s8 =	simm.s32 $0xBC80;
	s18 =	sld [smem:$0x7FD]  }
0x117: {  	[tilespmem:s8], [sflag:$0x9] =	stream.strided.gather [hbm4b:s14+s7], $0x180, s6, s7, $0x38;
	[tilespmem:$0x18000] =	vst v63  }
0x118: {  	s16 =	simm.s32 $0xBE80;
	s22 =	rddreg [dreg:$0x4]  }
0x119: {  	[tilespmem:s16], [sflag:$0x9] =	stream.strided.gather [hbm4b:s18+s7], $0x180, s6, s7, $0x38;
	[tilespmem:$0x18000] =	vst v63  }
0x11a: {  	s20 =	simm.s32 $0xC080;
	s14 =	sld [smem:$0x7DF]  }
0x11b: {  	[tilespmem:s20], [sflag:$0xA] =	stream.strided.gather [hbm4b:s22+s7], $0x180, s6, s7, $0x38;
	[tilespmem:$0x18000] =	vst v63  }
0x11c: {  	s8 =	simm.s32 $0xC280;
	s18 =	sld [smem:$0x7E0]  }
0x11d: {  	[tilespmem:s8], [sflag:$0xA] =	stream.strided.gather [hbm4b:s14+s7], $0x180, s6, s7, $0x38;
	[tilespmem:$0x18000] =	vst v63  }
0x11e: {  	s16 =	simm.s32 $0xC480;
	s22 =	sld [smem:$0x7E1]  }
0x11f: {  	[tilespmem:s16], [sflag:$0xA] =	stream.strided.gather [hbm4b:s18+s7], $0x180, s6, s7, $0x38;
	[tilespmem:$0x18000] =	vst v63  }
0x120: {  	s20 =	simm.s32 $0xC680;
	s14 =	sld [smem:$0x7E2]  }
0x121: {  	[tilespmem:s20], [sflag:$0xA] =	stream.strided.gather [hbm4b:s22+s7], $0x180, s6, s7, $0x38;
	[tilespmem:$0x18000] =	vst v63  }
0x122: {  	s8 =	simm.s32 $0xC880;
	s18 =	sld [smem:$0x7E3]  }
0x123: {  	[tilespmem:s8], [sflag:$0xA] =	stream.strided.gather [hbm4b:s14+s7], $0x180, s6, s7, $0x38;
	[tilespmem:$0x18000] =	vst v63  }
0x124: {  	s16 =	simm.s32 $0xCA80;
	s22 =	sld [smem:$0x7E4]  }
0x125: {  	[tilespmem:s16], [sflag:$0xA] =	stream.strided.gather [hbm4b:s18+s7], $0x180, s6, s7, $0x38;
	[tilespmem:$0x18000] =	vst v63  }
0x126: {  	s20 =	simm.s32 $0xCC80  }
0x127: {  	[tilespmem:s20], [sflag:$0xA] =	stream.strided.gather [hbm4b:s22+s7], $0x180, s6, s7, $0x38;
	[tilespmem:$0x18000] =	vst v63  }
0x128: {  	s14 =	simm.s32 $0xCE80;
	s18 =	sld [smem:$0x7E6]  }
0x129: {  	[tilespmem:s14], [sflag:$0xA] =	stream.strided.gather [hbm4b:s10+s7], $0x180, s6, s7, $0x38;
	[tilespmem:$0x18000] =	vst v63  }
0x12a: {  	s16 =	simm.s32 $0xD080;
	s22 =	sld [smem:$0x7E7]  }
0x12b: {  	[tilespmem:s16], [sflag:$0xA] =	stream.strided.gather [hbm4b:s18+s7], $0x180, s6, s7, $0x38;
	[tilespmem:$0x18000] =	vst v63  }
0x12c: {  	s20 =	simm.s32 $0xD280;
	s14 =	sld [smem:$0x7E8]  }
0x12d: {  	[tilespmem:s20], [sflag:$0xA] =	stream.strided.gather [hbm4b:s22+s7], $0x180, s6, s7, $0x38;
	[tilespmem:$0x18000] =	vst v63  }
0x12e: {  	s10 =	simm.s32 $0xD480;
	s18 =	sld [smem:$0x7E9]  }
0x12f: {  	[tilespmem:s10], [sflag:$0xA] =	stream.strided.gather [hbm4b:s14+s7], $0x180, s6, s7, $0x38;
	[tilespmem:$0x18000] =	vst v63  }
0x130: {  	s16 =	simm.s32 $0xD680;
	s22 =	sld [smem:$0x7EA]  }
0x131: {  	[tilespmem:s16], [sflag:$0xA] =	stream.strided.gather [hbm4b:s18+s7], $0x180, s6, s7, $0x38;
	[tilespmem:$0x18000] =	vst v63  }
0x132: {  	s20 =	simm.s32 $0xD880;
	s14 =	sld [smem:$0x7EB]  }
0x133: {  	[tilespmem:s20], [sflag:$0xA] =	stream.strided.gather [hbm4b:s22+s7], $0x180, s6, s7, $0x38;
	[tilespmem:$0x18000] =	vst v63  }
0x134: {  	s10 =	simm.s32 $0xDA80;
	s18 =	sld [smem:$0x7EC]  }
0x135: {  	[tilespmem:s10], [sflag:$0xA] =	stream.strided.gather [hbm4b:s14+s7], $0x180, s6, s7, $0x38;
	[tilespmem:$0x18000] =	vst v63  }
0x136: {  	s16 =	simm.s32 $0xDC80;
	s22 =	sld [smem:$0x7ED]  }
0x137: {  	[tilespmem:s16], [sflag:$0xA] =	stream.strided.gather [hbm4b:s18+s7], $0x180, s6, s7, $0x38;
	[tilespmem:$0x18000] =	vst v63  }
0x138: {  	s20 =	simm.s32 $0xDE80;
	s14 =	sld [smem:$0x7EE]  }
0x139: {  	[tilespmem:s20], [sflag:$0xA] =	stream.strided.gather [hbm4b:s22+s7], $0x180, s6, s7, $0x38;
	[tilespmem:$0x18000] =	vst v63  }
0x13a: {  	s10 =	simm.s32 $0xE080;
	s18 =	sld [smem:$0x7EF]  }
0x13b: {  	[tilespmem:s10], [sflag:$0xA] =	stream.strided.gather [hbm4b:s14+s7], $0x180, s6, s7, $0x38;
	[tilespmem:$0x18000] =	vst v63  }
0x13c: {  	s16 =	simm.s32 $0xE280;
	s22 =	sld [smem:$0x7F0]  }
0x13d: {  	[tilespmem:s16], [sflag:$0xA] =	stream.strided.gather [hbm4b:s18+s7], $0x180, s6, s7, $0x38;
	[tilespmem:$0x18000] =	vst v63  }
0x13e: {  	s20 =	simm.s32 $0xE480;
	s14 =	sld [smem:$0x7F1]  }
0x13f: {  	[tilespmem:s20], [sflag:$0xA] =	stream.strided.gather [hbm4b:s22+s7], $0x180, s6, s7, $0x38;
	[tilespmem:$0x18000] =	vst v63  }
0x140: {  	s10 =	simm.s32 $0xE680;
	s18 =	sld [smem:$0x7F2]  }
0x141: {  	[tilespmem:s10], [sflag:$0xA] =	stream.strided.gather [hbm4b:s14+s7], $0x180, s6, s7, $0x38;
	[tilespmem:$0x18000] =	vst v63  }
0x142: {  	s16 =	simm.s32 $0xE880;
	s22 =	sld [smem:$0x7F3]  }
0x143: {  	[tilespmem:s16], [sflag:$0xA] =	stream.strided.gather [hbm4b:s18+s7], $0x180, s6, s7, $0x38;
	[tilespmem:$0x18000] =	vst v63  }
0x144: {  	s20 =	simm.s32 $0xEA80;
	s14 =	sld [smem:$0x7F4]  }
0x145: {  	[tilespmem:s20], [sflag:$0xA] =	stream.strided.gather [hbm4b:s22+s7], $0x180, s6, s7, $0x38;
	[tilespmem:$0x18000] =	vst v63  }
0x146: {  	s10 =	simm.s32 $0xEC80;
	s18 =	sld [smem:$0x7F5]  }
0x147: {  	[tilespmem:s10], [sflag:$0xA] =	stream.strided.gather [hbm4b:s14+s7], $0x180, s6, s7, $0x38;
	[tilespmem:$0x18000] =	vst v63  }
0x148: {  	s16 =	simm.s32 $0xEE80;
	s22 =	sld [smem:$0x7F6]  }
0x149: {  	[tilespmem:s16], [sflag:$0xA] =	stream.strided.gather [hbm4b:s18+s7], $0x180, s6, s7, $0x38;
	[tilespmem:$0x18000] =	vst v63  }
0x14a: {  	s20 =	simm.s32 $0xF080;
	s14 =	sld [smem:$0x7F7]  }
0x14b: {  	[tilespmem:s20], [sflag:$0xA] =	stream.strided.gather [hbm4b:s22+s7], $0x180, s6, s7, $0x38;
	[tilespmem:$0x18000] =	vst v63  }
0x14c: {  	s10 =	simm.s32 $0xF280;
	s18 =	sld [smem:$0x7F8]  }
0x14d: {  	[tilespmem:s10], [sflag:$0xA] =	stream.strided.gather [hbm4b:s14+s7], $0x180, s6, s7, $0x38;
	[tilespmem:$0x18000] =	vst v63  }
0x14e: {  	s16 =	simm.s32 $0xF480;
	s22 =	sld [smem:$0x7F9]  }
0x14f: {  	[tilespmem:s16], [sflag:$0xA] =	stream.strided.gather [hbm4b:s18+s7], $0x180, s6, s7, $0x38;
	[tilespmem:$0x18000] =	vst v63  }
0x150: {  	s20 =	simm.s32 $0xF680;
	s10 =	sld [smem:$0x7FA]  }
0x151: {  	[tilespmem:s20], [sflag:$0xA] =	stream.strided.gather [hbm4b:s22+s7], $0x180, s6, s7, $0x38;
	[tilespmem:$0x18000] =	vst v63  }
0x152: {  	s8 =	simm.s32 $0xF880;
	s16 =	sld [smem:$0x7FB]  }
0x153: {  	[tilespmem:s8], [sflag:$0xA] =	stream.strided.gather [hbm4b:s10+s7], $0x180, s6, s7, $0x38;
	[tilespmem:$0x18000] =	vst v63  }
0x154: {  	s14 =	simm.s32 $0xFA80;
	s20 =	sld [smem:$0x7FC]  }
0x155: {  	[tilespmem:s14], [sflag:$0xA] =	stream.strided.gather [hbm4b:s16+s7], $0x180, s6, s7, $0x38;
	[tilespmem:$0x18000] =	vst v63  }
0x156: {  	s18 =	simm.s32 $0xFC80;
	s10 =	sld [smem:$0x7FD]  }
0x157: {  	[tilespmem:s18], [sflag:$0xA] =	stream.strided.gather [hbm4b:s20+s7], $0x180, s6, s7, $0x38;
	[tilespmem:$0x18000] =	vst v63  }
0x158: {  	s22 =	simm.s32 $0xFE80;
	s14 =	rddreg [dreg:$0x4]  }
0x159: {  	[tilespmem:s22], [sflag:$0xA] =	stream.strided.gather [hbm4b:s10+s7], $0x180, s6, s7, $0x38;
	[tilespmem:$0x18000] =	vst v63  }
0x15a: {  	s8 =	simm.s32 $0x10080;
	s18 =	sld [smem:$0x7DF]  }
0x15b: {  	[tilespmem:s8], [sflag:$0xB] =	stream.strided.gather [hbm4b:s14+s7], $0x180, s6, s7, $0x38;
	[tilespmem:$0x18000] =	vst v63  }
0x15c: {  	s16 =	simm.s32 $0x10280;
	s22 =	sld [smem:$0x7E0]  }
0x15d: {  	[tilespmem:s16], [sflag:$0xB] =	stream.strided.gather [hbm4b:s18+s7], $0x180, s6, s7, $0x38;
	[tilespmem:$0x18000] =	vst v63  }
0x15e: {  	s20 =	simm.s32 $0x10480;
	s14 =	sld [smem:$0x7E1]  }
0x15f: {  	[tilespmem:s20], [sflag:$0xB] =	stream.strided.gather [hbm4b:s22+s7], $0x180, s6, s7, $0x38;
	[tilespmem:$0x18000] =	vst v63  }
0x160: {  	s8 =	simm.s32 $0x10680;
	s18 =	sld [smem:$0x7E2]  }
0x161: {  	[tilespmem:s8], [sflag:$0xB] =	stream.strided.gather [hbm4b:s14+s7], $0x180, s6, s7, $0x38;
	[tilespmem:$0x18000] =	vst v63  }
0x162: {  	s16 =	simm.s32 $0x10880;
	s22 =	sld [smem:$0x7E3]  }
0x163: {  	[tilespmem:s16], [sflag:$0xB] =	stream.strided.gather [hbm4b:s18+s7], $0x180, s6, s7, $0x38;
	[tilespmem:$0x18000] =	vst v63  }
0x164: {  	s20 =	simm.s32 $0x10A80;
	s14 =	sld [smem:$0x7E4]  }
0x165: {  	[tilespmem:s20], [sflag:$0xB] =	stream.strided.gather [hbm4b:s22+s7], $0x180, s6, s7, $0x38;
	[tilespmem:$0x18000] =	vst v63  }
0x166: {  	s8 =	simm.s32 $0x10C80;
	s18 =	sld [smem:$0x7E5]  }
0x167: {  	[tilespmem:s8], [sflag:$0xB] =	stream.strided.gather [hbm4b:s14+s7], $0x180, s6, s7, $0x38;
	[tilespmem:$0x18000] =	vst v63  }
0x168: {  	s16 =	simm.s32 $0x10E80;
	s22 =	sld [smem:$0x7E6]  }
0x169: {  	[tilespmem:s16], [sflag:$0xB] =	stream.strided.gather [hbm4b:s18+s7], $0x180, s6, s7, $0x38;
	[tilespmem:$0x18000] =	vst v63  }
0x16a: {  	s20 =	simm.s32 $0x11080;
	s14 =	sld [smem:$0x7E7]  }
0x16b: {  	[tilespmem:s20], [sflag:$0xB] =	stream.strided.gather [hbm4b:s22+s7], $0x180, s6, s7, $0x38;
	[tilespmem:$0x18000] =	vst v63  }
0x16c: {  	s8 =	simm.s32 $0x11280;
	s18 =	sld [smem:$0x7E8]  }
0x16d: {  	[tilespmem:s8], [sflag:$0xB] =	stream.strided.gather [hbm4b:s14+s7], $0x180, s6, s7, $0x38;
	[tilespmem:$0x18000] =	vst v63  }
0x16e: {  	s16 =	simm.s32 $0x11480;
	s22 =	sld [smem:$0x7E9]  }
0x16f: {  	[tilespmem:s16], [sflag:$0xB] =	stream.strided.gather [hbm4b:s18+s7], $0x180, s6, s7, $0x38;
	[tilespmem:$0x18000] =	vst v63  }
0x170: {  	s20 =	simm.s32 $0x11680;
	s14 =	sld [smem:$0x7EA]  }
0x171: {  	[tilespmem:s20], [sflag:$0xB] =	stream.strided.gather [hbm4b:s22+s7], $0x180, s6, s7, $0x38;
	[tilespmem:$0x18000] =	vst v63  }
0x172: {  	s8 =	simm.s32 $0x11880;
	s18 =	sld [smem:$0x7EB]  }
0x173: {  	[tilespmem:s8], [sflag:$0xB] =	stream.strided.gather [hbm4b:s14+s7], $0x180, s6, s7, $0x38;
	[tilespmem:$0x18000] =	vst v63  }
0x174: {  	s16 =	simm.s32 $0x11A80;
	s22 =	sld [smem:$0x7EC]  }
0x175: {  	[tilespmem:s16], [sflag:$0xB] =	stream.strided.gather [hbm4b:s18+s7], $0x180, s6, s7, $0x38;
	[tilespmem:$0x18000] =	vst v63  }
0x176: {  	s20 =	simm.s32 $0x11C80;
	s14 =	sld [smem:$0x7ED]  }
0x177: {  	[tilespmem:s20], [sflag:$0xB] =	stream.strided.gather [hbm4b:s22+s7], $0x180, s6, s7, $0x38;
	[tilespmem:$0x18000] =	vst v63  }
0x178: {  	s8 =	simm.s32 $0x11E80;
	s18 =	sld [smem:$0x7EE]  }
0x179: {  	[tilespmem:s8], [sflag:$0xB] =	stream.strided.gather [hbm4b:s14+s7], $0x180, s6, s7, $0x38;
	[tilespmem:$0x18000] =	vst v63  }
0x17a: {  	s16 =	simm.s32 $0x12080;
	s22 =	sld [smem:$0x7EF]  }
0x17b: {  	[tilespmem:s16], [sflag:$0xB] =	stream.strided.gather [hbm4b:s18+s7], $0x180, s6, s7, $0x38;
	[tilespmem:$0x18000] =	vst v63  }
0x17c: {  	s20 =	simm.s32 $0x12280;
	s14 =	sld [smem:$0x7F0]  }
0x17d: {  	[tilespmem:s20], [sflag:$0xB] =	stream.strided.gather [hbm4b:s22+s7], $0x180, s6, s7, $0x38;
	[tilespmem:$0x18000] =	vst v63  }
0x17e: {  	s8 =	simm.s32 $0x12480;
	s18 =	sld [smem:$0x7F1]  }
0x17f: {  	[tilespmem:s8], [sflag:$0xB] =	stream.strided.gather [hbm4b:s14+s7], $0x180, s6, s7, $0x38;
	[tilespmem:$0x18000] =	vst v63  }
0x180: {  	s16 =	simm.s32 $0x12680;
	s22 =	sld [smem:$0x7F2]  }
0x181: {  	[tilespmem:s16], [sflag:$0xB] =	stream.strided.gather [hbm4b:s18+s7], $0x180, s6, s7, $0x38;
	[tilespmem:$0x18000] =	vst v63  }
0x182: {  	s20 =	simm.s32 $0x12880;
	s14 =	sld [smem:$0x7F3]  }
0x183: {  	[tilespmem:s20], [sflag:$0xB] =	stream.strided.gather [hbm4b:s22+s7], $0x180, s6, s7, $0x38;
	[tilespmem:$0x18000] =	vst v63  }
0x184: {  	s8 =	simm.s32 $0x12A80;
	s18 =	sld [smem:$0x7F4]  }
0x185: {  	[tilespmem:s8], [sflag:$0xB] =	stream.strided.gather [hbm4b:s14+s7], $0x180, s6, s7, $0x38;
	[tilespmem:$0x18000] =	vst v63  }
0x186: {  	s16 =	simm.s32 $0x12C80;
	s22 =	sld [smem:$0x7F5]  }
0x187: {  	[tilespmem:s16], [sflag:$0xB] =	stream.strided.gather [hbm4b:s18+s7], $0x180, s6, s7, $0x38;
	[tilespmem:$0x18000] =	vst v63  }
0x188: {  	s20 =	simm.s32 $0x12E80;
	s14 =	sld [smem:$0x7F6]  }
0x189: {  	[tilespmem:s20], [sflag:$0xB] =	stream.strided.gather [hbm4b:s22+s7], $0x180, s6, s7, $0x38;
	[tilespmem:$0x18000] =	vst v63  }
0x18a: {  	s8 =	simm.s32 $0x13080;
	s18 =	sld [smem:$0x7F7]  }
0x18b: {  	[tilespmem:s8], [sflag:$0xB] =	stream.strided.gather [hbm4b:s14+s7], $0x180, s6, s7, $0x38;
	[tilespmem:$0x18000] =	vst v63  }
0x18c: {  	s16 =	simm.s32 $0x13280;
	s22 =	sld [smem:$0x7F8]  }
0x18d: {  	[tilespmem:s16], [sflag:$0xB] =	stream.strided.gather [hbm4b:s18+s7], $0x180, s6, s7, $0x38;
	[tilespmem:$0x18000] =	vst v63  }
0x18e: {  	s20 =	simm.s32 $0x13480;
	s14 =	sld [smem:$0x7F9]  }
0x18f: {  	[tilespmem:s20], [sflag:$0xB] =	stream.strided.gather [hbm4b:s22+s7], $0x180, s6, s7, $0x38;
	[tilespmem:$0x18000] =	vst v63  }
0x190: {  	s8 =	simm.s32 $0x13680;
	s18 =	sld [smem:$0x7FA]  }
0x191: {  	[tilespmem:s8], [sflag:$0xB] =	stream.strided.gather [hbm4b:s14+s7], $0x180, s6, s7, $0x38;
	[tilespmem:$0x18000] =	vst v63  }
0x192: {  	s16 =	simm.s32 $0x13880;
	s22 =	sld [smem:$0x7FB]  }
0x193: {  	[tilespmem:s16], [sflag:$0xB] =	stream.strided.gather [hbm4b:s18+s7], $0x180, s6, s7, $0x38;
	[tilespmem:$0x18000] =	vst v63  }
0x194: {  	s20 =	simm.s32 $0x13A80;
	s16 =	sld [smem:$0x7FC]  }
0x195: {  	[tilespmem:s20], [sflag:$0xB] =	stream.strided.gather [hbm4b:s22+s7], $0x180, s6, s7, $0x38;
	[tilespmem:$0x18000] =	vst v63  }
0x196: {  	s14 =	simm.s32 $0x13C80  }
0x197: {  	[tilespmem:s14], [sflag:$0xB] =	stream.strided.gather [hbm4b:s16+s7], $0x180, s6, s7, $0x38;
	[tilespmem:$0x18000] =	vst v63  }
0x198: {  	s18 =	simm.s32 $0x13E80;
	s22 =	rddreg [dreg:$0x4]  }
0x199: {  	[tilespmem:s18], [sflag:$0xB] =	stream.strided.gather [hbm4b:s10+s7], $0x180, s6, s7, $0x38;
	[tilespmem:$0x18000] =	vst v63  }
0x19a: {  	s20 =	simm.s32 $0x14080;
	s10 =	sld [smem:$0x7DF]  }
0x19b: {  	[tilespmem:s20], [sflag:$0xC] =	stream.strided.gather [hbm4b:s22+s7], $0x180, s6, s7, $0x38;
	[tilespmem:$0x18000] =	vst v63  }
0x19c: {  	s8 =	simm.s32 $0x14280;
	s14 =	sld [smem:$0x7E0]  }
0x19d: {  	[tilespmem:s8], [sflag:$0xC] =	stream.strided.gather [hbm4b:s10+s7], $0x180, s6, s7, $0x38;
	[tilespmem:$0x18000] =	vst v63  }
0x19e: {  	s12 =	simm.s32 $0x14480;
	s18 =	sld [smem:$0x7E1]  }
0x19f: {  	[tilespmem:s12], [sflag:$0xC] =	stream.strided.gather [hbm4b:s14+s7], $0x180, s6, s7, $0x38;
	[tilespmem:$0x18000] =	vst v63  }
0x1a0: {  	s16 =	simm.s32 $0x14680;
	s22 =	sld [smem:$0x7E2]  }
0x1a1: {  	[tilespmem:s16], [sflag:$0xC] =	stream.strided.gather [hbm4b:s18+s7], $0x180, s6, s7, $0x38;
	[tilespmem:$0x18000] =	vst v63  }
0x1a2: {  	s20 =	simm.s32 $0x14880;
	s14 =	sld [smem:$0x7E3]  }
0x1a3: {  	[tilespmem:s20], [sflag:$0xC] =	stream.strided.gather [hbm4b:s22+s7], $0x180, s6, s7, $0x38;
	[tilespmem:$0x18000] =	vst v63  }
0x1a4: {  	s12 =	simm.s32 $0x14A80;
	s18 =	sld [smem:$0x7E4]  }
0x1a5: {  	[tilespmem:s12], [sflag:$0xC] =	stream.strided.gather [hbm4b:s14+s7], $0x180, s6, s7, $0x38;
	[tilespmem:$0x18000] =	vst v63  }
0x1a6: {  	s16 =	simm.s32 $0x14C80;
	s22 =	sld [smem:$0x7E5]  }
0x1a7: {  	[tilespmem:s16], [sflag:$0xC] =	stream.strided.gather [hbm4b:s18+s7], $0x180, s6, s7, $0x38;
	[tilespmem:$0x18000] =	vst v63  }
0x1a8: {  	s20 =	simm.s32 $0x14E80;
	s14 =	sld [smem:$0x7E6]  }
0x1a9: {  	[tilespmem:s20], [sflag:$0xC] =	stream.strided.gather [hbm4b:s22+s7], $0x180, s6, s7, $0x38;
	[tilespmem:$0x18000] =	vst v63  }
0x1aa: {  	s12 =	simm.s32 $0x15080;
	s18 =	sld [smem:$0x7E7]  }
0x1ab: {  	[tilespmem:s12], [sflag:$0xC] =	stream.strided.gather [hbm4b:s14+s7], $0x180, s6, s7, $0x38;
	[tilespmem:$0x18000] =	vst v63  }
0x1ac: {  	s16 =	simm.s32 $0x15280;
	s22 =	sld [smem:$0x7E8]  }
0x1ad: {  	[tilespmem:s16], [sflag:$0xC] =	stream.strided.gather [hbm4b:s18+s7], $0x180, s6, s7, $0x38;
	[tilespmem:$0x18000] =	vst v63  }
0x1ae: {  	s20 =	simm.s32 $0x15480;
	s14 =	sld [smem:$0x7E9]  }
0x1af: {  	[tilespmem:s20], [sflag:$0xC] =	stream.strided.gather [hbm4b:s22+s7], $0x180, s6, s7, $0x38;
	[tilespmem:$0x18000] =	vst v63  }
0x1b0: {  	s12 =	simm.s32 $0x15680;
	s18 =	sld [smem:$0x7EA]  }
0x1b1: {  	[tilespmem:s12], [sflag:$0xC] =	stream.strided.gather [hbm4b:s14+s7], $0x180, s6, s7, $0x38;
	[tilespmem:$0x18000] =	vst v63  }
0x1b2: {  	s16 =	simm.s32 $0x15880;
	s22 =	sld [smem:$0x7EB]  }
0x1b3: {  	[tilespmem:s16], [sflag:$0xC] =	stream.strided.gather [hbm4b:s18+s7], $0x180, s6, s7, $0x38;
	[tilespmem:$0x18000] =	vst v63  }
0x1b4: {  	s20 =	simm.s32 $0x15A80;
	s14 =	sld [smem:$0x7EC]  }
0x1b5: {  	[tilespmem:s20], [sflag:$0xC] =	stream.strided.gather [hbm4b:s22+s7], $0x180, s6, s7, $0x38;
	[tilespmem:$0x18000] =	vst v63  }
0x1b6: {  	s12 =	simm.s32 $0x15C80;
	s18 =	sld [smem:$0x7ED]  }
0x1b7: {  	[tilespmem:s12], [sflag:$0xC] =	stream.strided.gather [hbm4b:s14+s7], $0x180, s6, s7, $0x38;
	[tilespmem:$0x18000] =	vst v63  }
0x1b8: {  	s16 =	simm.s32 $0x15E80;
	s22 =	sld [smem:$0x7EE]  }
0x1b9: {  	[tilespmem:s16], [sflag:$0xC] =	stream.strided.gather [hbm4b:s18+s7], $0x180, s6, s7, $0x38;
	[tilespmem:$0x18000] =	vst v63  }
0x1ba: {  	s20 =	simm.s32 $0x16080;
	s14 =	sld [smem:$0x7EF]  }
0x1bb: {  	[tilespmem:s20], [sflag:$0xC] =	stream.strided.gather [hbm4b:s22+s7], $0x180, s6, s7, $0x38;
	[tilespmem:$0x18000] =	vst v63  }
0x1bc: {  	s12 =	simm.s32 $0x16280;
	s18 =	sld [smem:$0x7F0]  }
0x1bd: {  	[tilespmem:s12], [sflag:$0xC] =	stream.strided.gather [hbm4b:s14+s7], $0x180, s6, s7, $0x38;
	[tilespmem:$0x18000] =	vst v63  }
0x1be: {  	s16 =	simm.s32 $0x16480;
	s22 =	sld [smem:$0x7F1]  }
0x1bf: {  	[tilespmem:s16], [sflag:$0xC] =	stream.strided.gather [hbm4b:s18+s7], $0x180, s6, s7, $0x38;
	[tilespmem:$0x18000] =	vst v63  }
0x1c0: {  	s20 =	simm.s32 $0x16680;
	s14 =	sld [smem:$0x7F2]  }
0x1c1: {  	[tilespmem:s20], [sflag:$0xC] =	stream.strided.gather [hbm4b:s22+s7], $0x180, s6, s7, $0x38;
	[tilespmem:$0x18000] =	vst v63  }
0x1c2: {  	s12 =	simm.s32 $0x16880;
	s18 =	sld [smem:$0x7F3]  }
0x1c3: {  	[tilespmem:s12], [sflag:$0xC] =	stream.strided.gather [hbm4b:s14+s7], $0x180, s6, s7, $0x38;
	[tilespmem:$0x18000] =	vst v63  }
0x1c4: {  	s16 =	simm.s32 $0x16A80;
	s22 =	sld [smem:$0x7F4]  }
0x1c5: {  	[tilespmem:s16], [sflag:$0xC] =	stream.strided.gather [hbm4b:s18+s7], $0x180, s6, s7, $0x38;
	[tilespmem:$0x18000] =	vst v63  }
0x1c6: {  	s20 =	simm.s32 $0x16C80;
	s14 =	sld [smem:$0x7F5]  }
0x1c7: {  	[tilespmem:s20], [sflag:$0xC] =	stream.strided.gather [hbm4b:s22+s7], $0x180, s6, s7, $0x38;
	[tilespmem:$0x18000] =	vst v63  }
0x1c8: {  	s12 =	simm.s32 $0x16E80;
	s18 =	sld [smem:$0x7F6]  }
0x1c9: {  	[tilespmem:s12], [sflag:$0xC] =	stream.strided.gather [hbm4b:s14+s7], $0x180, s6, s7, $0x38;
	[tilespmem:$0x18000] =	vst v63  }
0x1ca: {  	s16 =	simm.s32 $0x17080;
	s22 =	sld [smem:$0x7F7]  }
0x1cb: {  	[tilespmem:s16], [sflag:$0xC] =	stream.strided.gather [hbm4b:s18+s7], $0x180, s6, s7, $0x38;
	[tilespmem:$0x18000] =	vst v63  }
0x1cc: {  	s20 =	simm.s32 $0x17280;
	s14 =	sld [smem:$0x7F8]  }
0x1cd: {  	[tilespmem:s20], [sflag:$0xC] =	stream.strided.gather [hbm4b:s22+s7], $0x180, s6, s7, $0x38;
	[tilespmem:$0x18000] =	vst v63  }
0x1ce: {  	s12 =	simm.s32 $0x17480;
	s18 =	sld [smem:$0x7F9]  }
0x1cf: {  	[tilespmem:s12], [sflag:$0xC] =	stream.strided.gather [hbm4b:s14+s7], $0x180, s6, s7, $0x38;
	[tilespmem:$0x18000] =	vst v63  }
0x1d0: {  	s16 =	simm.s32 $0x17680;
	s22 =	sld [smem:$0x7FA]  }
0x1d1: {  	[tilespmem:s16], [sflag:$0xC] =	stream.strided.gather [hbm4b:s18+s7], $0x180, s6, s7, $0x38;
	[tilespmem:$0x18000] =	vst v63  }
0x1d2: {  	s20 =	simm.s32 $0x17880;
	s14 =	sld [smem:$0x7FB]  }
0x1d3: {  	[tilespmem:s20], [sflag:$0xC] =	stream.strided.gather [hbm4b:s22+s7], $0x180, s6, s7, $0x38;
	[tilespmem:$0x18000] =	vst v63  }
0x1d4: {  	s12 =	simm.s32 $0x17A80;
	s18 =	sld [smem:$0x7FC]  }
0x1d5: {  	[tilespmem:s12], [sflag:$0xC] =	stream.strided.gather [hbm4b:s14+s7], $0x180, s6, s7, $0x38;
	[tilespmem:$0x18000] =	vst v63  }
0x1d6: {  	s16 =	simm.s32 $0x17C80;
	s22 =	sld [smem:$0x7FD]  }
0x1d7: {  	[tilespmem:s16], [sflag:$0xC] =	stream.strided.gather [hbm4b:s18+s7], $0x180, s6, s7, $0x38;
	[tilespmem:$0x18000] =	vst v63  }
0x1d8: {  	s20 =	simm.s32 $0x17E80;
	s12 =	simm.s32 $0x7  }
0x1d9: {  	[tilespmem:s20], [sflag:$0xC] =	stream.strided.gather [hbm4b:s22+s7], $0x180, s6, s7, $0x38;
	[tilespmem:$0x18000] =	vst v63  }
0x1da: {  	_ =	swait.ge [sflag:s12], $0x3000  }
0x1db: {  	[sflag:s12] =	ssyncset.done $0x0  }
0x1dc: {  	s14 =	simm.s32 $0x8;
	[sflag:s12] =	ssyncadd.s32 $0xFFFFD000  }
0x1dd: {  	_ =	swait.ge [sflag:s14], $0x3000  }
0x1de: {  	[sflag:s14] =	ssyncset.done $0x0  }
0x1df: {  	s16 =	simm.s32 $0x9;
	[sflag:s14] =	ssyncadd.s32 $0xFFFFD000  }
0x1e0: {  	_ =	swait.ge [sflag:s16], $0x3000  }
0x1e1: {  	[sflag:s16] =	ssyncset.done $0x0  }
0x1e2: {  	s18 =	simm.s32 $0xA;
	[sflag:s16] =	ssyncadd.s32 $0xFFFFD000  }
0x1e3: {  	_ =	swait.ge [sflag:s18], $0x3000  }
0x1e4: {  	[sflag:s18] =	ssyncset.done $0x0  }
0x1e5: {  	s20 =	simm.s32 $0xB;
	[sflag:s18] =	ssyncadd.s32 $0xFFFFD000  }
0x1e6: {  	_ =	swait.ge [sflag:s20], $0x3000  }
0x1e7: {  	[sflag:s20] =	ssyncset.done $0x0  }
0x1e8: {  	s22 =	simm.s32 $0xC;
	[sflag:s20] =	ssyncadd.s32 $0xFFFFD000  }
0x1e9: {  	s8 =	simm.s32 $0x0;
	_ =	swait.ge [sflag:s22], $0x3000  }
0x1ea: {  	s6 =	simm.s32 $0x10;
	[sflag:s22] =	ssyncset.done $0x0;
	s12 =	rddreg [dreg:$0x5]  }
0x1eb: {  	s7 =	simm.s32 $0x200;
	[sflag:s22] =	ssyncadd.s32 $0xFFFFD000;
	s10 =	sadd.s32 $0x0, s12  }
.LBB2_2:
0x1ec: {  	[tilespmem:s8], [sflag:$0x1] =	stream.linear.gather [hbm4b:s10+s2], $0x80, $0x38;
	[tilespmem:$0x18000] =	vst v63  }
0x1ed: {  	s10 =	smov.u32 s6;
	s8 =	smov.u32 s7;
	p0 =	sne.s32 s6, $0x1F0  }
.Ltmp0:
0x1ee: {  	s6 =	sadd.s32 $0x10, s6;
	(pc) =	sbr.rel @p0 .LBB2_2-.Ltmp0, $2  }
0x1ef: {  	_ =	sdelay $0x2  }
0x1f0: {  	s7 =	sadd.s32 $0x200, s7;
	s10 =	sadd.s32 s10, s12  }
0x1f1: {  	[tilespmem:s8], [sflag:$0x1] =	stream.linear.gather [hbm4b:s10+s2], $0x80, $0x38;
	[tilespmem:$0x18000] =	vst v63  }
0x1f2: {  	s6 =	simm.s32 $0x4000;
	s12 =	rddreg [dreg:$0x6]  }
0x1f3: {  	s7 =	simm.s32 $0x10;
	s8 =	simm.s32 $0x4200;
	s10 =	sadd.s32 $0x0, s12  }
.LBB2_4:
0x1f4: {  	[tilespmem:s6], [sflag:$0x2] =	stream.linear.gather [hbm4b:s10+s2], $0x80, $0x38;
	[tilespmem:$0x18000] =	vst v63  }
0x1f5: {  	s10 =	smov.u32 s7;
	s6 =	smov.u32 s8;
	p0 =	sne.s32 s7, $0x1F0  }
.Ltmp1:
0x1f6: {  	s7 =	sadd.s32 $0x10, s7;
	(pc) =	sbr.rel @p0 .LBB2_4-.Ltmp1, $2  }
0x1f7: {  	_ =	sdelay $0x2  }
0x1f8: {  	s8 =	sadd.s32 $0x200, s8;
	s10 =	sadd.s32 s10, s12  }
0x1f9: {  	[tilespmem:s6], [sflag:$0x2] =	stream.linear.gather [hbm4b:s10+s2], $0x80, $0x38;
	[tilespmem:$0x18000] =	vst v63  }
0x1fa: {  	s6 =	simm.s32 $0x8000;
	s14 =	rddreg [dreg:$0x7]  }
0x1fb: {  	s7 =	simm.s32 $0x10;
	s8 =	simm.s32 $0x8200;
	s10 =	sadd.s32 $0x0, s14  }
.LBB2_6:
0x1fc: {  	[tilespmem:s6], [sflag:$0x3] =	stream.linear.gather [hbm4b:s10+s2], $0x80, $0x38;
	[tilespmem:$0x18000] =	vst v63  }
0x1fd: {  	s10 =	smov.u32 s7;
	s6 =	smov.u32 s8;
	p0 =	sne.s32 s7, $0x1F0  }
.Ltmp2:
0x1fe: {  	s7 =	sadd.s32 $0x10, s7;
	(pc) =	sbr.rel @p0 .LBB2_6-.Ltmp2, $2  }
0x1ff: {  	_ =	sdelay $0x2  }
0x200: {  	s8 =	sadd.s32 $0x200, s8;
	s10 =	sadd.s32 s10, s14  }
0x201: {  	[tilespmem:s6], [sflag:$0x3] =	stream.linear.gather [hbm4b:s10+s2], $0x80, $0x38;
	[tilespmem:$0x18000] =	vst v63  }
0x202: {  	s6 =	simm.s32 $0xC000;
	s14 =	rddreg [dreg:$0x8]  }
0x203: {  	s7 =	simm.s32 $0x10;
	s8 =	simm.s32 $0xC200;
	s10 =	sadd.s32 $0x0, s14  }
.LBB2_8:
0x204: {  	[tilespmem:s6], [sflag:$0x4] =	stream.linear.gather [hbm4b:s10+s2], $0x80, $0x38;
	[tilespmem:$0x18000] =	vst v63  }
0x205: {  	s10 =	smov.u32 s7;
	s6 =	smov.u32 s8;
	p0 =	sne.s32 s7, $0x1F0  }
.Ltmp3:
0x206: {  	s7 =	sadd.s32 $0x10, s7;
	(pc) =	sbr.rel @p0 .LBB2_8-.Ltmp3, $2  }
0x207: {  	_ =	sdelay $0x2  }
0x208: {  	s8 =	sadd.s32 $0x200, s8;
	s10 =	sadd.s32 s10, s14  }
0x209: {  	[tilespmem:s6], [sflag:$0x4] =	stream.linear.gather [hbm4b:s10+s2], $0x80, $0x38;
	[tilespmem:$0x18000] =	vst v63  }
0x20a: {  	s6 =	simm.s32 $0x10000;
	s16 =	rddreg [dreg:$0x9]  }
0x20b: {  	s7 =	simm.s32 $0x10;
	s8 =	simm.s32 $0x10200;
	s10 =	sadd.s32 $0x0, s16  }
.LBB2_10:
0x20c: {  	[tilespmem:s6], [sflag:$0x5] =	stream.linear.gather [hbm4b:s10+s2], $0x80, $0x38;
	[tilespmem:$0x18000] =	vst v63  }
0x20d: {  	s10 =	smov.u32 s7;
	s6 =	smov.u32 s8;
	p0 =	sne.s32 s7, $0x1F0  }
.Ltmp4:
0x20e: {  	s7 =	sadd.s32 $0x10, s7;
	(pc) =	sbr.rel @p0 .LBB2_10-.Ltmp4, $2  }
0x20f: {  	_ =	sdelay $0x2  }
0x210: {  	s8 =	sadd.s32 $0x200, s8;
	s10 =	sadd.s32 s10, s16  }
0x211: {  	[tilespmem:s6], [sflag:$0x5] =	stream.linear.gather [hbm4b:s10+s2], $0x80, $0x38;
	[tilespmem:$0x18000] =	vst v63  }
0x212: {  	s20 =	simm.s32 $0x1  }
0x213: {  	_ =	swait.ge [sflag:s20], $0x1000  }
0x214: {  	s22 =	simm.s32 $0x0;
	[sflag:s20] =	ssyncset.done $0x0;
	s7 =	rddreg [dreg:$0xa]  }
0x215: {  	s6 =	simm.s32 $0x14000;
	s16 =	rddreg [dreg:$0xb];
	[sflag:s20] =	ssyncadd.s32 $0xFFFFF000  }
0x216: {  	[hbm4b:s7+s22] =	stream.linear.scatter [tilespmem:s22], [sflag:$0x7], $0x4000, $0x38;
	[tilespmem:$0x18000] =	vst v63  }
0x217: {  	s8 =	simm.s32 $0x14200;
	s10 =	sadd.s32 $0x0, s16;
	s7 =	simm.s32 $0x10  }
.LBB2_12:
0x218: {  	[tilespmem:s6], [sflag:$0x6] =	stream.linear.gather [hbm4b:s10+s2], $0x80, $0x38;
	[tilespmem:$0x18000] =	vst v63  }
0x219: {  	s10 =	smov.u32 s7;
	s6 =	smov.u32 s8;
	p0 =	sne.s32 s7, $0x1F0  }
.Ltmp5:
0x21a: {  	s7 =	sadd.s32 $0x10, s7;
	(pc) =	sbr.rel @p0 .LBB2_12-.Ltmp5, $2  }
0x21b: {  	_ =	sdelay $0x2  }
0x21c: {  	s8 =	sadd.s32 $0x200, s8;
	s10 =	sadd.s32 s10, s16  }
0x21d: {  	[tilespmem:s6], [sflag:$0x6] =	stream.linear.gather [hbm4b:s10+s2], $0x80, $0x38;
	[tilespmem:$0x18000] =	vst v63  }
0x21e: {  	s20 =	simm.s32 $0x2  }
0x21f: {  	_ =	swait.ge [sflag:s20], $0x1000  }
0x220: {  	s6 =	simm.s32 $0x0;
	s8 =	simm.s32 $0x4000;
	[sflag:s20] =	ssyncset.done $0x0  }
0x221: {  	s22 =	simm.s32 $0x7;
	s7 =	rddreg [dreg:$0xc];
	[sflag:s20] =	ssyncadd.s32 $0xFFFFF000  }
0x222: {  	[hbm4b:s7+s6] =	stream.linear.scatter [tilespmem:s8], [sflag:$0x8], $0x4000, $0x38;
	[tilespmem:$0x18000] =	vst v63  }
0x223: {  	_ =	swait.ge [sflag:s22], $0x4000  }
0x224: {  	s7 =	simm.s32 $0x10;
	[sflag:s22] =	ssyncset.done $0x0;
	s18 =	rddreg [dreg:$0xd]  }
0x225: {  	s8 =	simm.s32 $0x200;
	[sflag:s22] =	ssyncadd.s32 $0xFFFFC000;
	s10 =	sadd.s32 $0x0, s18  }
.LBB2_14:
0x226: {  	[tilespmem:s6], [sflag:$0x1] =	stream.linear.gather [hbm4b:s10+s2], $0x80, $0x38;
	[tilespmem:$0x18000] =	vst v63  }
0x227: {  	s10 =	smov.u32 s7;
	s6 =	smov.u32 s8;
	p0 =	sne.s32 s7, $0x1F0  }
.Ltmp6:
0x228: {  	s7 =	sadd.s32 $0x10, s7;
	(pc) =	sbr.rel @p0 .LBB2_14-.Ltmp6, $2  }
0x229: {  	_ =	sdelay $0x2  }
0x22a: {  	s8 =	sadd.s32 $0x200, s8;
	s10 =	sadd.s32 s10, s18  }
0x22b: {  	[tilespmem:s6], [sflag:$0x1] =	stream.linear.gather [hbm4b:s10+s2], $0x80, $0x38;
	[tilespmem:$0x18000] =	vst v63  }
0x22c: {  	s18 =	simm.s32 $0x3  }
0x22d: {  	_ =	swait.ge [sflag:s18], $0x1000  }
0x22e: {  	s20 =	simm.s32 $0x0;
	s8 =	simm.s32 $0x8000;
	[sflag:s18] =	ssyncset.done $0x0  }
0x22f: {  	s22 =	simm.s32 $0x8;
	s7 =	rddreg [dreg:$0xe];
	[sflag:s18] =	ssyncadd.s32 $0xFFFFF000  }
0x230: {  	[hbm4b:s7+s20] =	stream.linear.scatter [tilespmem:s8], [sflag:$0x9], $0x4000, $0x38;
	[tilespmem:$0x18000] =	vst v63  }
0x231: {  	s6 =	simm.s32 $0x4000;
	_ =	swait.ge [sflag:s22], $0x4000  }
0x232: {  	s7 =	simm.s32 $0x10;
	[sflag:s22] =	ssyncset.done $0x0;
	s18 =	rddreg [dreg:$0xf]  }
0x233: {  	s8 =	simm.s32 $0x4200;
	[sflag:s22] =	ssyncadd.s32 $0xFFFFC000;
	s10 =	sadd.s32 $0x0, s18  }
.LBB2_16:
0x234: {  	[tilespmem:s6], [sflag:$0x2] =	stream.linear.gather [hbm4b:s10+s2], $0x80, $0x38;
	[tilespmem:$0x18000] =	vst v63  }
0x235: {  	s10 =	smov.u32 s7;
	s6 =	smov.u32 s8;
	p0 =	sne.s32 s7, $0x1F0  }
.Ltmp7:
0x236: {  	s7 =	sadd.s32 $0x10, s7;
	(pc) =	sbr.rel @p0 .LBB2_16-.Ltmp7, $2  }
0x237: {  	_ =	sdelay $0x2  }
0x238: {  	s8 =	sadd.s32 $0x200, s8;
	s10 =	sadd.s32 s10, s18  }
0x239: {  	[tilespmem:s6], [sflag:$0x2] =	stream.linear.gather [hbm4b:s10+s2], $0x80, $0x38;
	[tilespmem:$0x18000] =	vst v63  }
0x23a: {  	s18 =	simm.s32 $0x4  }
0x23b: {  	_ =	swait.ge [sflag:s18], $0x1000  }
0x23c: {  	s20 =	simm.s32 $0x0;
	s8 =	simm.s32 $0xC000;
	[sflag:s18] =	ssyncset.done $0x0  }
0x23d: {  	s22 =	simm.s32 $0x9;
	s7 =	rddreg [dreg:$0x10];
	[sflag:s18] =	ssyncadd.s32 $0xFFFFF000  }
0x23e: {  	[hbm4b:s7+s20] =	stream.linear.scatter [tilespmem:s8], [sflag:$0xA], $0x4000, $0x38;
	[tilespmem:$0x18000] =	vst v63  }
0x23f: {  	s6 =	simm.s32 $0x8000;
	_ =	swait.ge [sflag:s22], $0x4000  }
0x240: {  	s7 =	simm.s32 $0x10;
	[sflag:s22] =	ssyncset.done $0x0;
	s20 =	rddreg [dreg:$0x11]  }
0x241: {  	s8 =	simm.s32 $0x8200;
	[sflag:s22] =	ssyncadd.s32 $0xFFFFC000;
	s10 =	sadd.s32 $0x0, s20  }
.LBB2_18:
0x242: {  	[tilespmem:s6], [sflag:$0x3] =	stream.linear.gather [hbm4b:s10+s2], $0x80, $0x38;
	[tilespmem:$0x18000] =	vst v63  }
0x243: {  	s10 =	smov.u32 s7;
	s6 =	smov.u32 s8;
	p0 =	sne.s32 s7, $0x1F0  }
.Ltmp8:
0x244: {  	s7 =	sadd.s32 $0x10, s7;
	(pc) =	sbr.rel @p0 .LBB2_18-.Ltmp8, $2  }
0x245: {  	_ =	sdelay $0x2  }
0x246: {  	s8 =	sadd.s32 $0x200, s8;
	s10 =	sadd.s32 s10, s20  }
0x247: {  	[tilespmem:s6], [sflag:$0x3] =	stream.linear.gather [hbm4b:s10+s2], $0x80, $0x38;
	[tilespmem:$0x18000] =	vst v63  }
0x248: {  	s18 =	simm.s32 $0x5  }
0x249: {  	_ =	swait.ge [sflag:s18], $0x1000  }
0x24a: {  	s20 =	simm.s32 $0x0;
	s8 =	simm.s32 $0x10000;
	[sflag:s18] =	ssyncset.done $0x0  }
0x24b: {  	s22 =	simm.s32 $0xA;
	s7 =	rddreg [dreg:$0x12];
	[sflag:s18] =	ssyncadd.s32 $0xFFFFF000  }
0x24c: {  	[hbm4b:s7+s20] =	stream.linear.scatter [tilespmem:s8], [sflag:$0xB], $0x4000, $0x38;
	[tilespmem:$0x18000] =	vst v63  }
0x24d: {  	s6 =	simm.s32 $0xC000;
	_ =	swait.ge [sflag:s22], $0x4000  }
0x24e: {  	s7 =	simm.s32 $0x10;
	[sflag:s22] =	ssyncset.done $0x0;
	s20 =	rddreg [dreg:$0x13]  }
0x24f: {  	s8 =	simm.s32 $0xC200;
	[sflag:s22] =	ssyncadd.s32 $0xFFFFC000;
	s10 =	sadd.s32 $0x0, s20  }
.LBB2_20:
0x250: {  	[tilespmem:s6], [sflag:$0x4] =	stream.linear.gather [hbm4b:s10+s2], $0x80, $0x38;
	[tilespmem:$0x18000] =	vst v63  }
0x251: {  	s10 =	smov.u32 s7;
	s6 =	smov.u32 s8;
	p0 =	sne.s32 s7, $0x1F0  }
.Ltmp9:
0x252: {  	s7 =	sadd.s32 $0x10, s7;
	(pc) =	sbr.rel @p0 .LBB2_20-.Ltmp9, $2  }
0x253: {  	_ =	sdelay $0x2  }
0x254: {  	s8 =	sadd.s32 $0x200, s8;
	s10 =	sadd.s32 s10, s20  }
0x255: {  	[tilespmem:s6], [sflag:$0x4] =	stream.linear.gather [hbm4b:s10+s2], $0x80, $0x38;
	[tilespmem:$0x18000] =	vst v63  }
0x256: {  	s18 =	simm.s32 $0x6  }
0x257: {  	_ =	swait.ge [sflag:s18], $0x1000  }
0x258: {  	s20 =	simm.s32 $0x0;
	s8 =	simm.s32 $0x14000;
	[sflag:s18] =	ssyncset.done $0x0  }
0x259: {  	s22 =	simm.s32 $0xB;
	s7 =	rddreg [dreg:$0x14];
	[sflag:s18] =	ssyncadd.s32 $0xFFFFF000  }
0x25a: {  	[hbm4b:s7+s20] =	stream.linear.scatter [tilespmem:s8], [sflag:$0xC], $0x4000, $0x38;
	[tilespmem:$0x18000] =	vst v63  }
0x25b: {  	_ =	swait.ge [sflag:s22], $0x4000  }
0x25c: {  	[sflag:s22] =	ssyncset.done $0x0  }
0x25d: {  	s6 =	simm.s32 $0x10000;
	[sflag:s22] =	ssyncadd.s32 $0xFFFFC000;
	s22 =	rddreg [dreg:$0x15]  }
0x25e: {  	s7 =	simm.s32 $0x10;
	s8 =	simm.s32 $0x10200;
	s10 =	sadd.s32 $0x0, s22  }
.LBB2_22:
0x25f: {  	[tilespmem:s6], [sflag:$0x5] =	stream.linear.gather [hbm4b:s10+s2], $0x80, $0x38;
	[tilespmem:$0x18000] =	vst v63  }
0x260: {  	s10 =	smov.u32 s7;
	s6 =	smov.u32 s8;
	p0 =	sne.s32 s7, $0x1F0  }
.Ltmp10:
0x261: {  	s7 =	sadd.s32 $0x10, s7;
	(pc) =	sbr.rel @p0 .LBB2_22-.Ltmp10, $2  }
0x262: {  	_ =	sdelay $0x2  }
0x263: {  	s8 =	sadd.s32 $0x200, s8;
	s10 =	sadd.s32 s10, s22  }
0x264: {  	[tilespmem:s6], [sflag:$0x5] =	stream.linear.gather [hbm4b:s10+s2], $0x80, $0x38;
	[tilespmem:$0x18000] =	vst v63  }
0x265: {  	s18 =	simm.s32 $0x1  }
0x266: {  	_ =	swait.ge [sflag:s18], $0x1000  }
0x267: {  	s20 =	simm.s32 $0x0;
	[sflag:s18] =	ssyncset.done $0x0  }
0x268: {  	s22 =	simm.s32 $0xC;
	s7 =	rddreg [dreg:$0x16];
	[sflag:s18] =	ssyncadd.s32 $0xFFFFF000  }
0x269: {  	[hbm4b:s7+s20] =	stream.linear.scatter [tilespmem:s20], [sflag:$0x7], $0x4000, $0x38;
	[tilespmem:$0x18000] =	vst v63  }
0x26a: {  	_ =	swait.ge [sflag:s22], $0x4000  }
0x26b: {  	[sflag:s22] =	ssyncset.done $0x0  }
0x26c: {  	s6 =	simm.s32 $0x14000;
	[sflag:s22] =	ssyncadd.s32 $0xFFFFC000;
	s22 =	rddreg [dreg:$0x17]  }
0x26d: {  	s8 =	simm.s32 $0x14200;
	s7 =	simm.s32 $0x10;
	s10 =	sadd.s32 $0x0, s22  }
.LBB2_24:
0x26e: {  	[tilespmem:s6], [sflag:$0x6] =	stream.linear.gather [hbm4b:s10+s2], $0x80, $0x38;
	[tilespmem:$0x18000] =	vst v63  }
0x26f: {  	s10 =	smov.u32 s7;
	s6 =	smov.u32 s8;
	p0 =	sne.s32 s7, $0x1F0  }
.Ltmp11:
0x270: {  	s7 =	sadd.s32 $0x10, s7;
	(pc) =	sbr.rel @p0 .LBB2_24-.Ltmp11, $2  }
0x271: {  	_ =	sdelay $0x2  }
0x272: {  	s8 =	sadd.s32 $0x200, s8;
	s10 =	sadd.s32 s10, s22  }
0x273: {  	[tilespmem:s6], [sflag:$0x6] =	stream.linear.gather [hbm4b:s10+s2], $0x80, $0x38;
	[tilespmem:$0x18000] =	vst v63  }
0x274: {  	s20 =	simm.s32 $0x2  }
0x275: {  	_ =	swait.ge [sflag:s20], $0x1000  }
0x276: {  	s6 =	simm.s32 $0x0;
	s8 =	simm.s32 $0x4000;
	[sflag:s20] =	ssyncset.done $0x0  }
0x277: {  	s22 =	simm.s32 $0x7;
	s7 =	rddreg [dreg:$0x18];
	[sflag:s20] =	ssyncadd.s32 $0xFFFFF000  }
0x278: {  	[hbm4b:s7+s6] =	stream.linear.scatter [tilespmem:s8], [sflag:$0x8], $0x4000, $0x38;
	[tilespmem:$0x18000] =	vst v63  }
0x279: {  	_ =	swait.ge [sflag:s22], $0x4000  }
0x27a: {  	s10 =	sadd.s32 $0x0, s24;
	[sflag:s22] =	ssyncset.done $0x0  }
0x27b: {  	s7 =	simm.s32 $0x10;
	s8 =	simm.s32 $0x200;
	[sflag:s22] =	ssyncadd.s32 $0xFFFFC000  }
.LBB2_26:
0x27c: {  	[tilespmem:s6], [sflag:$0x1] =	stream.linear.gather [hbm4b:s10+s2], $0x80, $0x38;
	[tilespmem:$0x18000] =	vst v63  }
0x27d: {  	s10 =	smov.u32 s7;
	s6 =	smov.u32 s8;
	p0 =	sne.s32 s7, $0x1F0  }
.Ltmp12:
0x27e: {  	s7 =	sadd.s32 $0x10, s7;
	(pc) =	sbr.rel @p0 .LBB2_26-.Ltmp12, $2  }
0x27f: {  	_ =	sdelay $0x2  }
0x280: {  	s8 =	sadd.s32 $0x200, s8;
	s10 =	sadd.s32 s10, s24  }
0x281: {  	[tilespmem:s6], [sflag:$0x1] =	stream.linear.gather [hbm4b:s10+s2], $0x80, $0x38;
	[tilespmem:$0x18000] =	vst v63  }
0x282: {  	s18 =	simm.s32 $0x3  }
0x283: {  	_ =	swait.ge [sflag:s18], $0x1000  }
0x284: {  	s20 =	simm.s32 $0x0;
	s8 =	simm.s32 $0x8000;
	[sflag:s18] =	ssyncset.done $0x0  }
0x285: {  	s22 =	simm.s32 $0x8;
	s7 =	rddreg [dreg:$0x1a];
	[sflag:s18] =	ssyncadd.s32 $0xFFFFF000  }
0x286: {  	[hbm4b:s7+s20] =	stream.linear.scatter [tilespmem:s8], [sflag:$0x9], $0x4000, $0x38;
	[tilespmem:$0x18000] =	vst v63  }
0x287: {  	_ =	swait.ge [sflag:s22], $0x4000  }
0x288: {  	s6 =	simm.s32 $0x4000;
	s10 =	sadd.s32 $0x0, s28;
	[sflag:s22] =	ssyncset.done $0x0  }
0x289: {  	s7 =	simm.s32 $0x10;
	s8 =	simm.s32 $0x4200;
	[sflag:s22] =	ssyncadd.s32 $0xFFFFC000  }
.LBB2_28:
0x28a: {  	[tilespmem:s6], [sflag:$0x2] =	stream.linear.gather [hbm4b:s10+s2], $0x80, $0x38;
	[tilespmem:$0x18000] =	vst v63  }
0x28b: {  	s10 =	smov.u32 s7;
	s6 =	smov.u32 s8;
	p0 =	sne.s32 s7, $0x1F0  }
.Ltmp13:
0x28c: {  	s7 =	sadd.s32 $0x10, s7;
	(pc) =	sbr.rel @p0 .LBB2_28-.Ltmp13, $2  }
0x28d: {  	_ =	sdelay $0x2  }
0x28e: {  	s8 =	sadd.s32 $0x200, s8;
	s10 =	sadd.s32 s10, s28  }
0x28f: {  	[tilespmem:s6], [sflag:$0x2] =	stream.linear.gather [hbm4b:s10+s2], $0x80, $0x38;
	[tilespmem:$0x18000] =	vst v63  }
0x290: {  	s18 =	simm.s32 $0x4  }
0x291: {  	_ =	swait.ge [sflag:s18], $0x1000  }
0x292: {  	s20 =	simm.s32 $0x0;
	s8 =	simm.s32 $0xC000;
	[sflag:s18] =	ssyncset.done $0x0  }
0x293: {  	s22 =	simm.s32 $0x9;
	s7 =	rddreg [dreg:$0x1b];
	[sflag:s18] =	ssyncadd.s32 $0xFFFFF000  }
0x294: {  	[hbm4b:s7+s20] =	stream.linear.scatter [tilespmem:s8], [sflag:$0xA], $0x4000, $0x38;
	[tilespmem:$0x18000] =	vst v63  }
0x295: {  	_ =	swait.ge [sflag:s22], $0x4000  }
0x296: {  	s6 =	simm.s32 $0x8000;
	s10 =	sadd.s32 $0x0, s30;
	[sflag:s22] =	ssyncset.done $0x0  }
0x297: {  	s7 =	simm.s32 $0x10;
	s8 =	simm.s32 $0x8200;
	[sflag:s22] =	ssyncadd.s32 $0xFFFFC000  }
.LBB2_30:
0x298: {  	[tilespmem:s6], [sflag:$0x3] =	stream.linear.gather [hbm4b:s10+s2], $0x80, $0x38;
	[tilespmem:$0x18000] =	vst v63  }
0x299: {  	s10 =	smov.u32 s7;
	s6 =	smov.u32 s8;
	p0 =	sne.s32 s7, $0x1F0  }
.Ltmp14:
0x29a: {  	s7 =	sadd.s32 $0x10, s7;
	(pc) =	sbr.rel @p0 .LBB2_30-.Ltmp14, $2  }
0x29b: {  	_ =	sdelay $0x2  }
0x29c: {  	s8 =	sadd.s32 $0x200, s8;
	s10 =	sadd.s32 s10, s30  }
0x29d: {  	[tilespmem:s6], [sflag:$0x3] =	stream.linear.gather [hbm4b:s10+s2], $0x80, $0x38;
	[tilespmem:$0x18000] =	vst v63  }
0x29e: {  	s18 =	simm.s32 $0x5  }
0x29f: {  	_ =	swait.ge [sflag:s18], $0x1000  }
0x2a0: {  	s20 =	simm.s32 $0x0;
	s8 =	simm.s32 $0x10000;
	[sflag:s18] =	ssyncset.done $0x0  }
0x2a1: {  	s22 =	simm.s32 $0xA;
	s7 =	rddreg [dreg:$0x1c];
	[sflag:s18] =	ssyncadd.s32 $0xFFFFF000  }
0x2a2: {  	[hbm4b:s7+s20] =	stream.linear.scatter [tilespmem:s8], [sflag:$0xB], $0x4000, $0x38;
	[tilespmem:$0x18000] =	vst v63  }
0x2a3: {  	_ =	swait.ge [sflag:s22], $0x4000  }
0x2a4: {  	s6 =	simm.s32 $0xC000;
	s10 =	sadd.s32 $0x0, s0;
	[sflag:s22] =	ssyncset.done $0x0  }
0x2a5: {  	s7 =	simm.s32 $0x10;
	s8 =	simm.s32 $0xC200;
	[sflag:s22] =	ssyncadd.s32 $0xFFFFC000  }
.LBB2_32:
0x2a6: {  	[tilespmem:s6], [sflag:$0x4] =	stream.linear.gather [hbm4b:s10+s2], $0x80, $0x38;
	[tilespmem:$0x18000] =	vst v63  }
0x2a7: {  	s10 =	smov.u32 s7;
	s6 =	smov.u32 s8;
	p0 =	sne.s32 s7, $0x1F0  }
.Ltmp15:
0x2a8: {  	s7 =	sadd.s32 $0x10, s7;
	(pc) =	sbr.rel @p0 .LBB2_32-.Ltmp15, $2  }
0x2a9: {  	_ =	sdelay $0x2  }
0x2aa: {  	s8 =	sadd.s32 $0x200, s8;
	s10 =	sadd.s32 s10, s0  }
0x2ab: {  	[tilespmem:s6], [sflag:$0x4] =	stream.linear.gather [hbm4b:s10+s2], $0x80, $0x38;
	[tilespmem:$0x18000] =	vst v63  }
0x2ac: {  	s18 =	simm.s32 $0x6  }
0x2ad: {  	_ =	swait.ge [sflag:s18], $0x1000  }
0x2ae: {  	s20 =	simm.s32 $0x0;
	s8 =	simm.s32 $0x14000;
	[sflag:s18] =	ssyncset.done $0x0  }
0x2af: {  	s22 =	simm.s32 $0xB;
	s7 =	rddreg [dreg:$0x1d];
	[sflag:s18] =	ssyncadd.s32 $0xFFFFF000  }
0x2b0: {  	[hbm4b:s7+s20] =	stream.linear.scatter [tilespmem:s8], [sflag:$0xC], $0x4000, $0x38;
	[tilespmem:$0x18000] =	vst v63  }
0x2b1: {  	_ =	swait.ge [sflag:s22], $0x4000  }
0x2b2: {  	s6 =	simm.s32 $0x10000;
	s10 =	sadd.s32 $0x0, s11;
	[sflag:s22] =	ssyncset.done $0x0  }
0x2b3: {  	s7 =	simm.s32 $0x10;
	s8 =	simm.s32 $0x10200;
	[sflag:s22] =	ssyncadd.s32 $0xFFFFC000  }
.LBB2_34:
0x2b4: {  	[tilespmem:s6], [sflag:$0x5] =	stream.linear.gather [hbm4b:s10+s2], $0x80, $0x38;
	[tilespmem:$0x18000] =	vst v63  }
0x2b5: {  	s10 =	smov.u32 s7;
	s6 =	smov.u32 s8;
	p0 =	sne.s32 s7, $0x1F0  }
.Ltmp16:
0x2b6: {  	s7 =	sadd.s32 $0x10, s7;
	(pc) =	sbr.rel @p0 .LBB2_34-.Ltmp16, $2  }
0x2b7: {  	_ =	sdelay $0x2  }
0x2b8: {  	s8 =	sadd.s32 $0x200, s8;
	s10 =	sadd.s32 s10, s11  }
0x2b9: {  	[tilespmem:s6], [sflag:$0x5] =	stream.linear.gather [hbm4b:s10+s2], $0x80, $0x38;
	[tilespmem:$0x18000] =	vst v63  }
0x2ba: {  	s18 =	simm.s32 $0x1  }
0x2bb: {  	_ =	swait.ge [sflag:s18], $0x1000  }
0x2bc: {  	s20 =	simm.s32 $0x0;
	[sflag:s18] =	ssyncset.done $0x0  }
0x2bd: {  	s22 =	simm.s32 $0xC;
	s7 =	rddreg [dreg:$0x1e];
	[sflag:s18] =	ssyncadd.s32 $0xFFFFF000  }
0x2be: {  	[hbm4b:s7+s20] =	stream.linear.scatter [tilespmem:s20], [sflag:$0x7], $0x4000, $0x38;
	[tilespmem:$0x18000] =	vst v63  }
0x2bf: {  	_ =	swait.ge [sflag:s22], $0x4000  }
0x2c0: {  	s6 =	simm.s32 $0x14000;
	s10 =	sadd.s32 $0x0, s15;
	[sflag:s22] =	ssyncset.done $0x0  }
0x2c1: {  	s8 =	simm.s32 $0x14200;
	s7 =	simm.s32 $0x10;
	[sflag:s22] =	ssyncadd.s32 $0xFFFFC000  }
.LBB2_36:
0x2c2: {  	[tilespmem:s6], [sflag:$0x6] =	stream.linear.gather [hbm4b:s10+s2], $0x80, $0x38;
	[tilespmem:$0x18000] =	vst v63  }
0x2c3: {  	s10 =	smov.u32 s7;
	s6 =	smov.u32 s8;
	p0 =	sne.s32 s7, $0x1F0  }
.Ltmp17:
0x2c4: {  	s7 =	sadd.s32 $0x10, s7;
	(pc) =	sbr.rel @p0 .LBB2_36-.Ltmp17, $2  }
0x2c5: {  	_ =	sdelay $0x2  }
0x2c6: {  	s8 =	sadd.s32 $0x200, s8;
	s10 =	sadd.s32 s10, s15  }
0x2c7: {  	[tilespmem:s6], [sflag:$0x6] =	stream.linear.gather [hbm4b:s10+s2], $0x80, $0x38;
	[tilespmem:$0x18000] =	vst v63  }
0x2c8: {  	s20 =	simm.s32 $0x2  }
0x2c9: {  	_ =	swait.ge [sflag:s20], $0x1000  }
0x2ca: {  	s6 =	simm.s32 $0x0;
	s8 =	simm.s32 $0x4000;
	[sflag:s20] =	ssyncset.done $0x0  }
0x2cb: {  	s22 =	simm.s32 $0x7;
	s7 =	rddreg [dreg:$0x1f];
	[sflag:s20] =	ssyncadd.s32 $0xFFFFF000  }
0x2cc: {  	[hbm4b:s7+s6] =	stream.linear.scatter [tilespmem:s8], [sflag:$0x8], $0x4000, $0x38;
	[tilespmem:$0x18000] =	vst v63  }
0x2cd: {  	_ =	swait.ge [sflag:s22], $0x4000  }
0x2ce: {  	s10 =	sadd.s32 $0x0, s19;
	[sflag:s22] =	ssyncset.done $0x0  }
0x2cf: {  	s7 =	simm.s32 $0x10;
	s8 =	simm.s32 $0x200;
	[sflag:s22] =	ssyncadd.s32 $0xFFFFC000  }
.LBB2_38:
0x2d0: {  	[tilespmem:s6], [sflag:$0x1] =	stream.linear.gather [hbm4b:s10+s2], $0x80, $0x38;
	[tilespmem:$0x18000] =	vst v63  }
0x2d1: {  	s10 =	smov.u32 s7;
	s6 =	smov.u32 s8;
	p0 =	sne.s32 s7, $0x1F0  }
.Ltmp18:
0x2d2: {  	s7 =	sadd.s32 $0x10, s7;
	(pc) =	sbr.rel @p0 .LBB2_38-.Ltmp18, $2  }
0x2d3: {  	_ =	sdelay $0x2  }
0x2d4: {  	s8 =	sadd.s32 $0x200, s8;
	s10 =	sadd.s32 s10, s19  }
0x2d5: {  	[tilespmem:s6], [sflag:$0x1] =	stream.linear.gather [hbm4b:s10+s2], $0x80, $0x38;
	[tilespmem:$0x18000] =	vst v63  }
0x2d6: {  	s18 =	simm.s32 $0x3  }
0x2d7: {  	_ =	swait.ge [sflag:s18], $0x1000  }
0x2d8: {  	s7 =	sld [smem:$0x7CD]  }
0x2d9: {  	s20 =	simm.s32 $0x0;
	[sflag:s18] =	ssyncset.done $0x0  }
0x2da: {  	s8 =	simm.s32 $0x8000;
	s22 =	simm.s32 $0x8;
	[sflag:s18] =	ssyncadd.s32 $0xFFFFF000  }
0x2db: {  	[hbm4b:s7+s20] =	stream.linear.scatter [tilespmem:s8], [sflag:$0x9], $0x4000, $0x38;
	[tilespmem:$0x18000] =	vst v63  }
0x2dc: {  	_ =	swait.ge [sflag:s22], $0x4000  }
0x2dd: {  	s6 =	simm.s32 $0x4000;
	s10 =	sadd.s32 $0x0, s23;
	[sflag:s22] =	ssyncset.done $0x0  }
0x2de: {  	s7 =	simm.s32 $0x10;
	s8 =	simm.s32 $0x4200;
	[sflag:s22] =	ssyncadd.s32 $0xFFFFC000  }
.LBB2_40:
0x2df: {  	[tilespmem:s6], [sflag:$0x2] =	stream.linear.gather [hbm4b:s10+s2], $0x80, $0x38;
	[tilespmem:$0x18000] =	vst v63  }
0x2e0: {  	s10 =	smov.u32 s7;
	s6 =	smov.u32 s8;
	p0 =	sne.s32 s7, $0x1F0  }
.Ltmp19:
0x2e1: {  	s7 =	sadd.s32 $0x10, s7;
	(pc) =	sbr.rel @p0 .LBB2_40-.Ltmp19, $2  }
0x2e2: {  	_ =	sdelay $0x2  }
0x2e3: {  	s8 =	sadd.s32 $0x200, s8;
	s10 =	sadd.s32 s10, s23  }
0x2e4: {  	[tilespmem:s6], [sflag:$0x2] =	stream.linear.gather [hbm4b:s10+s2], $0x80, $0x38;
	[tilespmem:$0x18000] =	vst v63  }
0x2e5: {  	s18 =	simm.s32 $0x4  }
0x2e6: {  	_ =	swait.ge [sflag:s18], $0x1000  }
0x2e7: {  	s7 =	sld [smem:$0x7CE]  }
0x2e8: {  	s20 =	simm.s32 $0x0;
	[sflag:s18] =	ssyncset.done $0x0  }
0x2e9: {  	s8 =	simm.s32 $0xC000;
	s22 =	simm.s32 $0x9;
	[sflag:s18] =	ssyncadd.s32 $0xFFFFF000  }
0x2ea: {  	[hbm4b:s7+s20] =	stream.linear.scatter [tilespmem:s8], [sflag:$0xA], $0x4000, $0x38;
	[tilespmem:$0x18000] =	vst v63  }
0x2eb: {  	_ =	swait.ge [sflag:s22], $0x4000  }
0x2ec: {  	s6 =	simm.s32 $0x8000;
	s10 =	sadd.s32 $0x0, s26;
	[sflag:s22] =	ssyncset.done $0x0  }
0x2ed: {  	s7 =	simm.s32 $0x10;
	s8 =	simm.s32 $0x8200;
	[sflag:s22] =	ssyncadd.s32 $0xFFFFC000  }
.LBB2_42:
0x2ee: {  	[tilespmem:s6], [sflag:$0x3] =	stream.linear.gather [hbm4b:s10+s2], $0x80, $0x38;
	[tilespmem:$0x18000] =	vst v63  }
0x2ef: {  	s10 =	smov.u32 s7;
	s6 =	smov.u32 s8;
	p0 =	sne.s32 s7, $0x1F0  }
.Ltmp20:
0x2f0: {  	s7 =	sadd.s32 $0x10, s7;
	(pc) =	sbr.rel @p0 .LBB2_42-.Ltmp20, $2  }
0x2f1: {  	_ =	sdelay $0x2  }
0x2f2: {  	s8 =	sadd.s32 $0x200, s8;
	s10 =	sadd.s32 s10, s26  }
0x2f3: {  	[tilespmem:s6], [sflag:$0x3] =	stream.linear.gather [hbm4b:s10+s2], $0x80, $0x38;
	[tilespmem:$0x18000] =	vst v63  }
0x2f4: {  	s18 =	simm.s32 $0x5  }
0x2f5: {  	_ =	swait.ge [sflag:s18], $0x1000  }
0x2f6: {  	s7 =	sld [smem:$0x7CF]  }
0x2f7: {  	s20 =	simm.s32 $0x0;
	[sflag:s18] =	ssyncset.done $0x0  }
0x2f8: {  	s8 =	simm.s32 $0x10000;
	s22 =	simm.s32 $0xA;
	[sflag:s18] =	ssyncadd.s32 $0xFFFFF000  }
0x2f9: {  	[hbm4b:s7+s20] =	stream.linear.scatter [tilespmem:s8], [sflag:$0xB], $0x4000, $0x38;
	[tilespmem:$0x18000] =	vst v63  }
0x2fa: {  	_ =	swait.ge [sflag:s22], $0x4000  }
0x2fb: {  	s6 =	simm.s32 $0xC000;
	s10 =	sadd.s32 $0x0, s31;
	[sflag:s22] =	ssyncset.done $0x0  }
0x2fc: {  	s7 =	simm.s32 $0x10;
	s8 =	simm.s32 $0xC200;
	[sflag:s22] =	ssyncadd.s32 $0xFFFFC000  }
.LBB2_44:
0x2fd: {  	[tilespmem:s6], [sflag:$0x4] =	stream.linear.gather [hbm4b:s10+s2], $0x80, $0x38;
	[tilespmem:$0x18000] =	vst v63  }
0x2fe: {  	s10 =	smov.u32 s7;
	s6 =	smov.u32 s8;
	p0 =	sne.s32 s7, $0x1F0  }
.Ltmp21:
0x2ff: {  	s7 =	sadd.s32 $0x10, s7;
	(pc) =	sbr.rel @p0 .LBB2_44-.Ltmp21, $2  }
0x300: {  	_ =	sdelay $0x2  }
0x301: {  	s8 =	sadd.s32 $0x200, s8;
	s10 =	sadd.s32 s10, s31  }
0x302: {  	[tilespmem:s6], [sflag:$0x4] =	stream.linear.gather [hbm4b:s10+s2], $0x80, $0x38;
	[tilespmem:$0x18000] =	vst v63  }
0x303: {  	s18 =	simm.s32 $0x6  }
0x304: {  	_ =	swait.ge [sflag:s18], $0x1000  }
0x305: {  	s7 =	sld [smem:$0x7D0]  }
0x306: {  	s20 =	simm.s32 $0x0;
	[sflag:s18] =	ssyncset.done $0x0  }
0x307: {  	s8 =	simm.s32 $0x14000;
	s22 =	simm.s32 $0xB;
	[sflag:s18] =	ssyncadd.s32 $0xFFFFF000  }
0x308: {  	[hbm4b:s7+s20] =	stream.linear.scatter [tilespmem:s8], [sflag:$0xC], $0x4000, $0x38;
	[tilespmem:$0x18000] =	vst v63  }
0x309: {  	_ =	swait.ge [sflag:s22], $0x4000  }
0x30a: {  	s6 =	simm.s32 $0x10000;
	s10 =	sadd.s32 $0x0, s13;
	[sflag:s22] =	ssyncset.done $0x0  }
0x30b: {  	s7 =	simm.s32 $0x10;
	s8 =	simm.s32 $0x10200;
	[sflag:s22] =	ssyncadd.s32 $0xFFFFC000  }
.LBB2_46:
0x30c: {  	[tilespmem:s6], [sflag:$0x5] =	stream.linear.gather [hbm4b:s10+s2], $0x80, $0x38;
	[tilespmem:$0x18000] =	vst v63  }
0x30d: {  	s10 =	smov.u32 s7;
	s6 =	smov.u32 s8;
	p0 =	sne.s32 s7, $0x1F0  }
.Ltmp22:
0x30e: {  	s7 =	sadd.s32 $0x10, s7;
	(pc) =	sbr.rel @p0 .LBB2_46-.Ltmp22, $2  }
0x30f: {  	_ =	sdelay $0x2  }
0x310: {  	s8 =	sadd.s32 $0x200, s8;
	s10 =	sadd.s32 s10, s13  }
0x311: {  	[tilespmem:s6], [sflag:$0x5] =	stream.linear.gather [hbm4b:s10+s2], $0x80, $0x38;
	[tilespmem:$0x18000] =	vst v63  }
0x312: {  	s18 =	simm.s32 $0x1  }
0x313: {  	_ =	swait.ge [sflag:s18], $0x1000  }
0x314: {  	s7 =	sld [smem:$0x7D1]  }
0x315: {  	[sflag:s18] =	ssyncset.done $0x0  }
0x316: {  	s20 =	simm.s32 $0x0;
	s22 =	simm.s32 $0xC;
	[sflag:s18] =	ssyncadd.s32 $0xFFFFF000  }
0x317: {  	[hbm4b:s7+s20] =	stream.linear.scatter [tilespmem:s20], [sflag:$0x7], $0x4000, $0x38;
	[tilespmem:$0x18000] =	vst v63  }
0x318: {  	_ =	swait.ge [sflag:s22], $0x4000  }
0x319: {  	s6 =	simm.s32 $0x14000;
	s10 =	sadd.s32 $0x0, s21;
	[sflag:s22] =	ssyncset.done $0x0  }
0x31a: {  	s8 =	simm.s32 $0x14200;
	s7 =	simm.s32 $0x10;
	[sflag:s22] =	ssyncadd.s32 $0xFFFFC000  }
.LBB2_48:
0x31b: {  	[tilespmem:s6], [sflag:$0x6] =	stream.linear.gather [hbm4b:s10+s2], $0x80, $0x38;
	[tilespmem:$0x18000] =	vst v63  }
0x31c: {  	s10 =	smov.u32 s7;
	s6 =	smov.u32 s8;
	p0 =	sne.s32 s7, $0x1F0  }
.Ltmp23:
0x31d: {  	s7 =	sadd.s32 $0x10, s7;
	(pc) =	sbr.rel @p0 .LBB2_48-.Ltmp23, $2  }
0x31e: {  	_ =	sdelay $0x2  }
0x31f: {  	s8 =	sadd.s32 $0x200, s8;
	s10 =	sadd.s32 s10, s21  }
0x320: {  	[tilespmem:s6], [sflag:$0x6] =	stream.linear.gather [hbm4b:s10+s2], $0x80, $0x38;
	[tilespmem:$0x18000] =	vst v63  }
0x321: {  	s20 =	simm.s32 $0x2  }
0x322: {  	_ =	swait.ge [sflag:s20], $0x1000  }
0x323: {  	s7 =	sld [smem:$0x7D2]  }
0x324: {  	s6 =	simm.s32 $0x0;
	[sflag:s20] =	ssyncset.done $0x0  }
0x325: {  	s8 =	simm.s32 $0x4000;
	s22 =	simm.s32 $0x7;
	[sflag:s20] =	ssyncadd.s32 $0xFFFFF000  }
0x326: {  	[hbm4b:s7+s6] =	stream.linear.scatter [tilespmem:s8], [sflag:$0x8], $0x4000, $0x38;
	[tilespmem:$0x18000] =	vst v63  }
0x327: {  	_ =	swait.ge [sflag:s22], $0x4000  }
0x328: {  	s10 =	sadd.s32 $0x0, s29;
	[sflag:s22] =	ssyncset.done $0x0  }
0x329: {  	s7 =	simm.s32 $0x10;
	s8 =	simm.s32 $0x200;
	[sflag:s22] =	ssyncadd.s32 $0xFFFFC000  }
.LBB2_50:
0x32a: {  	[tilespmem:s6], [sflag:$0x1] =	stream.linear.gather [hbm4b:s10+s2], $0x80, $0x38;
	[tilespmem:$0x18000] =	vst v63  }
0x32b: {  	s10 =	smov.u32 s7;
	s6 =	smov.u32 s8;
	p0 =	sne.s32 s7, $0x1F0  }
.Ltmp24:
0x32c: {  	s7 =	sadd.s32 $0x10, s7;
	(pc) =	sbr.rel @p0 .LBB2_50-.Ltmp24, $2  }
0x32d: {  	_ =	sdelay $0x2  }
0x32e: {  	s8 =	sadd.s32 $0x200, s8;
	s10 =	sadd.s32 s10, s29  }
0x32f: {  	[tilespmem:s6], [sflag:$0x1] =	stream.linear.gather [hbm4b:s10+s2], $0x80, $0x38;
	[tilespmem:$0x18000] =	vst v63  }
0x330: {  	s18 =	simm.s32 $0x3  }
0x331: {  	_ =	swait.ge [sflag:s18], $0x1000  }
0x332: {  	s7 =	sld [smem:$0x7D3]  }
0x333: {  	s20 =	simm.s32 $0x0;
	[sflag:s18] =	ssyncset.done $0x0  }
0x334: {  	s8 =	simm.s32 $0x8000;
	s22 =	simm.s32 $0x8;
	[sflag:s18] =	ssyncadd.s32 $0xFFFFF000  }
0x335: {  	[hbm4b:s7+s20] =	stream.linear.scatter [tilespmem:s8], [sflag:$0x9], $0x4000, $0x38;
	[tilespmem:$0x18000] =	vst v63  }
0x336: {  	_ =	swait.ge [sflag:s22], $0x4000  }
0x337: {  	s6 =	simm.s32 $0x4000;
	s10 =	sadd.s32 $0x0, s17;
	[sflag:s22] =	ssyncset.done $0x0  }
0x338: {  	s7 =	simm.s32 $0x10;
	s8 =	simm.s32 $0x4200;
	[sflag:s22] =	ssyncadd.s32 $0xFFFFC000  }
.LBB2_52:
0x339: {  	[tilespmem:s6], [sflag:$0x2] =	stream.linear.gather [hbm4b:s10+s2], $0x80, $0x38;
	[tilespmem:$0x18000] =	vst v63  }
0x33a: {  	s10 =	smov.u32 s7;
	s6 =	smov.u32 s8;
	p0 =	sne.s32 s7, $0x1F0  }
.Ltmp25:
0x33b: {  	s7 =	sadd.s32 $0x10, s7;
	(pc) =	sbr.rel @p0 .LBB2_52-.Ltmp25, $2  }
0x33c: {  	_ =	sdelay $0x2  }
0x33d: {  	s8 =	sadd.s32 $0x200, s8;
	s10 =	sadd.s32 s10, s17  }
0x33e: {  	[tilespmem:s6], [sflag:$0x2] =	stream.linear.gather [hbm4b:s10+s2], $0x80, $0x38;
	[tilespmem:$0x18000] =	vst v63  }
0x33f: {  	s18 =	simm.s32 $0x4  }
0x340: {  	_ =	swait.ge [sflag:s18], $0x1000  }
0x341: {  	s7 =	sld [smem:$0x7D4]  }
0x342: {  	s20 =	simm.s32 $0x0;
	[sflag:s18] =	ssyncset.done $0x0  }
0x343: {  	s8 =	simm.s32 $0xC000;
	s22 =	simm.s32 $0x9;
	[sflag:s18] =	ssyncadd.s32 $0xFFFFF000  }
0x344: {  	[hbm4b:s7+s20] =	stream.linear.scatter [tilespmem:s8], [sflag:$0xA], $0x4000, $0x38;
	[tilespmem:$0x18000] =	vst v63  }
0x345: {  	_ =	swait.ge [sflag:s22], $0x4000  }
0x346: {  	s6 =	simm.s32 $0x8000;
	s10 =	sadd.s32 $0x0, s1;
	[sflag:s22] =	ssyncset.done $0x0  }
0x347: {  	s7 =	simm.s32 $0x10;
	s8 =	simm.s32 $0x8200;
	[sflag:s22] =	ssyncadd.s32 $0xFFFFC000  }
.LBB2_54:
0x348: {  	[tilespmem:s6], [sflag:$0x3] =	stream.linear.gather [hbm4b:s10+s2], $0x80, $0x38;
	[tilespmem:$0x18000] =	vst v63  }
0x349: {  	s10 =	smov.u32 s7;
	s6 =	smov.u32 s8;
	p0 =	sne.s32 s7, $0x1F0  }
.Ltmp26:
0x34a: {  	s7 =	sadd.s32 $0x10, s7;
	(pc) =	sbr.rel @p0 .LBB2_54-.Ltmp26, $2  }
0x34b: {  	_ =	sdelay $0x2  }
0x34c: {  	s8 =	sadd.s32 $0x200, s8;
	s10 =	sadd.s32 s10, s1  }
0x34d: {  	[tilespmem:s6], [sflag:$0x3] =	stream.linear.gather [hbm4b:s10+s2], $0x80, $0x38;
	[tilespmem:$0x18000] =	vst v63  }
0x34e: {  	s18 =	simm.s32 $0x5  }
0x34f: {  	_ =	swait.ge [sflag:s18], $0x1000  }
0x350: {  	s7 =	sld [smem:$0x7D5]  }
0x351: {  	s20 =	simm.s32 $0x0;
	[sflag:s18] =	ssyncset.done $0x0  }
0x352: {  	s8 =	simm.s32 $0x10000;
	s22 =	simm.s32 $0xA;
	[sflag:s18] =	ssyncadd.s32 $0xFFFFF000  }
0x353: {  	[hbm4b:s7+s20] =	stream.linear.scatter [tilespmem:s8], [sflag:$0xB], $0x4000, $0x38;
	[tilespmem:$0x18000] =	vst v63  }
0x354: {  	_ =	swait.ge [sflag:s22], $0x4000  }
0x355: {  	s6 =	simm.s32 $0xC000;
	s10 =	sadd.s32 $0x0, s25;
	[sflag:s22] =	ssyncset.done $0x0  }
0x356: {  	s7 =	simm.s32 $0x10;
	s8 =	simm.s32 $0xC200;
	[sflag:s22] =	ssyncadd.s32 $0xFFFFC000  }
.LBB2_56:
0x357: {  	[tilespmem:s6], [sflag:$0x4] =	stream.linear.gather [hbm4b:s10+s2], $0x80, $0x38;
	[tilespmem:$0x18000] =	vst v63  }
0x358: {  	s10 =	smov.u32 s7;
	s6 =	smov.u32 s8;
	p0 =	sne.s32 s7, $0x1F0  }
.Ltmp27:
0x359: {  	s7 =	sadd.s32 $0x10, s7;
	(pc) =	sbr.rel @p0 .LBB2_56-.Ltmp27, $2  }
0x35a: {  	_ =	sdelay $0x2  }
0x35b: {  	s8 =	sadd.s32 $0x200, s8;
	s10 =	sadd.s32 s10, s25  }
0x35c: {  	[tilespmem:s6], [sflag:$0x4] =	stream.linear.gather [hbm4b:s10+s2], $0x80, $0x38;
	[tilespmem:$0x18000] =	vst v63  }
0x35d: {  	s18 =	simm.s32 $0x6  }
0x35e: {  	_ =	swait.ge [sflag:s18], $0x1000  }
0x35f: {  	s7 =	sld [smem:$0x7D6]  }
0x360: {  	s20 =	simm.s32 $0x0;
	[sflag:s18] =	ssyncset.done $0x0  }
0x361: {  	s8 =	simm.s32 $0x14000;
	s22 =	simm.s32 $0xB;
	[sflag:s18] =	ssyncadd.s32 $0xFFFFF000  }
0x362: {  	[hbm4b:s7+s20] =	stream.linear.scatter [tilespmem:s8], [sflag:$0xC], $0x4000, $0x38;
	[tilespmem:$0x18000] =	vst v63  }
0x363: {  	_ =	swait.ge [sflag:s22], $0x4000  }
0x364: {  	s6 =	simm.s32 $0x10000;
	s10 =	sadd.s32 $0x0, s9;
	[sflag:s22] =	ssyncset.done $0x0  }
0x365: {  	s7 =	simm.s32 $0x10;
	s8 =	simm.s32 $0x10200;
	[sflag:s22] =	ssyncadd.s32 $0xFFFFC000  }
.LBB2_58:
0x366: {  	[tilespmem:s6], [sflag:$0x5] =	stream.linear.gather [hbm4b:s10+s2], $0x80, $0x38;
	[tilespmem:$0x18000] =	vst v63  }
0x367: {  	s10 =	smov.u32 s7;
	s6 =	smov.u32 s8;
	p0 =	sne.s32 s7, $0x1F0  }
.Ltmp28:
0x368: {  	s7 =	sadd.s32 $0x10, s7;
	(pc) =	sbr.rel @p0 .LBB2_58-.Ltmp28, $2  }
0x369: {  	_ =	sdelay $0x2  }
0x36a: {  	s8 =	sadd.s32 $0x200, s8;
	s10 =	sadd.s32 s10, s9  }
0x36b: {  	[tilespmem:s6], [sflag:$0x5] =	stream.linear.gather [hbm4b:s10+s2], $0x80, $0x38;
	[tilespmem:$0x18000] =	vst v63  }
0x36c: {  	s18 =	simm.s32 $0x1  }
0x36d: {  	_ =	swait.ge [sflag:s18], $0x1000  }
0x36e: {  	s7 =	sld [smem:$0x7D7]  }
0x36f: {  	[sflag:s18] =	ssyncset.done $0x0  }
0x370: {  	s20 =	simm.s32 $0x0;
	s22 =	simm.s32 $0xC;
	[sflag:s18] =	ssyncadd.s32 $0xFFFFF000  }
0x371: {  	[hbm4b:s7+s20] =	stream.linear.scatter [tilespmem:s20], [sflag:$0x7], $0x4000, $0x38;
	[tilespmem:$0x18000] =	vst v63  }
0x372: {  	_ =	swait.ge [sflag:s22], $0x4000  }
0x373: {  	s6 =	simm.s32 $0x14000;
	s10 =	sadd.s32 $0x0, s3;
	[sflag:s22] =	ssyncset.done $0x0  }
0x374: {  	s8 =	simm.s32 $0x14200;
	s7 =	simm.s32 $0x10;
	[sflag:s22] =	ssyncadd.s32 $0xFFFFC000  }
.LBB2_60:
0x375: {  	[tilespmem:s6], [sflag:$0x6] =	stream.linear.gather [hbm4b:s10+s2], $0x80, $0x38;
	[tilespmem:$0x18000] =	vst v63  }
0x376: {  	s10 =	smov.u32 s7;
	s6 =	smov.u32 s8;
	p0 =	sne.s32 s7, $0x1F0  }
.Ltmp29:
0x377: {  	s7 =	sadd.s32 $0x10, s7;
	(pc) =	sbr.rel @p0 .LBB2_60-.Ltmp29, $2  }
0x378: {  	_ =	sdelay $0x2  }
0x379: {  	s8 =	sadd.s32 $0x200, s8;
	s10 =	sadd.s32 s10, s3  }
0x37a: {  	[tilespmem:s6], [sflag:$0x6] =	stream.linear.gather [hbm4b:s10+s2], $0x80, $0x38;
	[tilespmem:$0x18000] =	vst v63  }
0x37b: {  	s20 =	simm.s32 $0x2  }
0x37c: {  	_ =	swait.ge [sflag:s20], $0x1000  }
0x37d: {  	s7 =	sld [smem:$0x7D8]  }
0x37e: {  	s6 =	simm.s32 $0x0;
	[sflag:s20] =	ssyncset.done $0x0  }
0x37f: {  	s8 =	simm.s32 $0x4000;
	s22 =	simm.s32 $0x7;
	[sflag:s20] =	ssyncadd.s32 $0xFFFFF000  }
0x380: {  	[hbm4b:s7+s6] =	stream.linear.scatter [tilespmem:s8], [sflag:$0x8], $0x4000, $0x38;
	[tilespmem:$0x18000] =	vst v63  }
0x381: {  	_ =	swait.ge [sflag:s22], $0x4000  }
0x382: {  	s10 =	sadd.s32 $0x0, s5;
	[sflag:s22] =	ssyncset.done $0x0  }
0x383: {  	s7 =	simm.s32 $0x10;
	s8 =	simm.s32 $0x200;
	[sflag:s22] =	ssyncadd.s32 $0xFFFFC000  }
.LBB2_62:
0x384: {  	[tilespmem:s6], [sflag:$0x1] =	stream.linear.gather [hbm4b:s10+s2], $0x80, $0x38;
	[tilespmem:$0x18000] =	vst v63  }
0x385: {  	s10 =	smov.u32 s7;
	s6 =	smov.u32 s8;
	p0 =	sne.s32 s7, $0x1F0  }
.Ltmp30:
0x386: {  	s7 =	sadd.s32 $0x10, s7;
	(pc) =	sbr.rel @p0 .LBB2_62-.Ltmp30, $2  }
0x387: {  	_ =	sdelay $0x2  }
0x388: {  	s8 =	sadd.s32 $0x200, s8;
	s10 =	sadd.s32 s10, s5  }
0x389: {  	[tilespmem:s6], [sflag:$0x1] =	stream.linear.gather [hbm4b:s10+s2], $0x80, $0x38;
	[tilespmem:$0x18000] =	vst v63  }
0x38a: {  	s18 =	simm.s32 $0x3  }
0x38b: {  	_ =	swait.ge [sflag:s18], $0x1000  }
0x38c: {  	s7 =	sld [smem:$0x7D9]  }
0x38d: {  	s20 =	simm.s32 $0x0;
	[sflag:s18] =	ssyncset.done $0x0  }
0x38e: {  	s8 =	simm.s32 $0x8000;
	s22 =	simm.s32 $0x8;
	[sflag:s18] =	ssyncadd.s32 $0xFFFFF000  }
0x38f: {  	[hbm4b:s7+s20] =	stream.linear.scatter [tilespmem:s8], [sflag:$0x9], $0x4000, $0x38;
	[tilespmem:$0x18000] =	vst v63  }
0x390: {  	_ =	swait.ge [sflag:s22], $0x4000  }
0x391: {  	s6 =	simm.s32 $0x4000;
	s10 =	sadd.s32 $0x0, s4;
	[sflag:s22] =	ssyncset.done $0x0  }
0x392: {  	s7 =	simm.s32 $0x10;
	s8 =	simm.s32 $0x4200;
	[sflag:s22] =	ssyncadd.s32 $0xFFFFC000  }
.LBB2_64:
0x393: {  	[tilespmem:s6], [sflag:$0x2] =	stream.linear.gather [hbm4b:s10+s2], $0x80, $0x38;
	[tilespmem:$0x18000] =	vst v63  }
0x394: {  	s10 =	smov.u32 s7;
	s6 =	smov.u32 s8;
	p0 =	sne.s32 s7, $0x1F0  }
.Ltmp31:
0x395: {  	s7 =	sadd.s32 $0x10, s7;
	(pc) =	sbr.rel @p0 .LBB2_64-.Ltmp31, $2  }
0x396: {  	_ =	sdelay $0x2  }
0x397: {  	s8 =	sadd.s32 $0x200, s8;
	s10 =	sadd.s32 s10, s4  }
0x398: {  	[tilespmem:s6], [sflag:$0x2] =	stream.linear.gather [hbm4b:s10+s2], $0x80, $0x38;
	[tilespmem:$0x18000] =	vst v63  }
0x399: {  	s20 =	simm.s32 $0x4  }
0x39a: {  	_ =	swait.ge [sflag:s20], $0x1000  }
0x39b: {  	s22 =	sld [smem:$0x7DA]  }
0x39c: {  	[sflag:s20] =	ssyncset.done $0x0  }
0x39d: {  	s7 =	simm.s32 $0xC000;
	[sflag:s20] =	ssyncadd.s32 $0xFFFFF000  }
0x39e: {  	[hbm4b:s22+s2] =	stream.linear.scatter [tilespmem:s7], [sflag:$0xA], $0x4000, $0x38;
	[tilespmem:$0x18000] =	vst v63  }
0x39f: {  	s7 =	simm.s32 $0x5  }
0x3a0: {  	_ =	swait.ge [sflag:s7], $0x1000  }
0x3a1: {  	s8 =	sld [smem:$0x7DB]  }
0x3a2: {  	[sflag:s7] =	ssyncset.done $0x0  }
0x3a3: {  	s10 =	simm.s32 $0x10000;
	s12 =	simm.s32 $0x6;
	[sflag:s7] =	ssyncadd.s32 $0xFFFFF000  }
0x3a4: {  	[hbm4b:s8+s2] =	stream.linear.scatter [tilespmem:s10], [sflag:$0xB], $0x4000, $0x38;
	[tilespmem:$0x18000] =	vst v63  }
0x3a5: {  	_ =	swait.ge [sflag:s12], $0x1000  }
0x3a6: {  	s14 =	sld [smem:$0x7DC]  }
0x3a7: {  	[sflag:s12] =	ssyncset.done $0x0  }
0x3a8: {  	s16 =	simm.s32 $0x14000;
	s18 =	simm.s32 $0x1;
	[sflag:s12] =	ssyncadd.s32 $0xFFFFF000  }
0x3a9: {  	[hbm4b:s14+s2] =	stream.linear.scatter [tilespmem:s16], [sflag:$0xC], $0x4000, $0x38;
	[tilespmem:$0x18000] =	vst v63  }
0x3aa: {  	_ =	swait.ge [sflag:s18], $0x1000  }
0x3ab: {  	s20 =	sld [smem:$0x7DD]  }
0x3ac: {  	[sflag:s18] =	ssyncset.done $0x0  }
0x3ad: {  	s22 =	simm.s32 $0x2;
	[sflag:s18] =	ssyncadd.s32 $0xFFFFF000  }
0x3ae: {  	[hbm4b:s20+s2] =	stream.linear.scatter [tilespmem:s2], [sflag:$0x7], $0x4000, $0x38;
	[tilespmem:$0x18000] =	vst v63  }
0x3af: {  	_ =	swait.ge [sflag:s22], $0x1000  }
0x3b0: {  	s7 =	sld [smem:$0x7DE]  }
0x3b1: {  	[sflag:s22] =	ssyncset.done $0x0  }
0x3b2: {  	s8 =	simm.s32 $0x4000;
	s10 =	simm.s32 $0x9;
	[sflag:s22] =	ssyncadd.s32 $0xFFFFF000  }
0x3b3: {  	[hbm4b:s7+s2] =	stream.linear.scatter [tilespmem:s8], [sflag:$0x8], $0x4000, $0x38;
	[tilespmem:$0x18000] =	vst v63  }
0x3b4: {  	_ =	swait.ge [sflag:s10], $0x4000  }
0x3b5: {  	[sflag:s10] =	ssyncset.done $0x0  }
0x3b6: {  	s12 =	simm.s32 $0xA;
	[sflag:s10] =	ssyncadd.s32 $0xFFFFC000  }
0x3b7: {  	_ =	swait.ge [sflag:s12], $0x4000  }
0x3b8: {  	[sflag:s12] =	ssyncset.done $0x0  }
0x3b9: {  	s14 =	simm.s32 $0xB;
	[sflag:s12] =	ssyncadd.s32 $0xFFFFC000  }
0x3ba: {  	_ =	swait.ge [sflag:s14], $0x4000  }
0x3bb: {  	[sflag:s14] =	ssyncset.done $0x0  }
0x3bc: {  	s16 =	simm.s32 $0xC;
	[sflag:s14] =	ssyncadd.s32 $0xFFFFC000  }
0x3bd: {  	_ =	swait.ge [sflag:s16], $0x4000  }
0x3be: {  	[sflag:s16] =	ssyncset.done $0x0  }
0x3bf: {  	s18 =	simm.s32 $0x7;
	[sflag:s16] =	ssyncadd.s32 $0xFFFFC000  }
0x3c0: {  	_ =	swait.ge [sflag:s18], $0x4000  }
0x3c1: {  	[sflag:s18] =	ssyncset.done $0x0  }
0x3c2: {  	s20 =	simm.s32 $0x8;
	[sflag:s18] =	ssyncadd.s32 $0xFFFFC000  }
0x3c3: {  	_ =	swait.ge [sflag:s20], $0x4000  }
0x3c4: {  	s8 =	sld [smem:$0x7CC];
	_ =	sdelay $0x2  }
0x3c5: {  	s22 =	rddreg [dreg:$0x19];
	s8 =	sadd.s32 $0x1, s8  }
0x3c6: {  	p0 =	sne.s32 s8, s22  }
.Ltmp32:
0x3c7: {  	_ = 	snop;
	(pc) =	sbr.rel @p0 .LBB2_1-.Ltmp32, $3  }
0x3c8: {  	_ =	sdelay $0x1  }
0x3c9: {  	[sflag:s20] =	ssyncset.done $0x0  }
0x3ca: {  	[sflag:s20] =	ssyncadd.s32 $0xFFFFC000  }
0x3cb: {  	_ =	sfence.sel $0x180000  }
0x3cc: {  	[bflag:$0x0] =	sbarrier.arrive $0xFFFF  }
0x3cd: {  	_ =	strace $0x90000047  }
0x3ce: {  	s0 =	stileid.u32;
	[bflag:$0x2] =	sbarrier.arrive $0xFFFF  }
0x3cf: {  	p0 =	sne.s32 s0, $0x0;
	s0 =	rddreg [dreg:$0x3]  }
0x3d0: {  	s0 =	sadd.s32 @!p0 $0x100000, s0  }
0x3d1: {  	[sflag:s0] =	ssyncadd.tile.s32 @!p0 $0x1;
	_ =	shalt  }
.Lfunc_end2:
_tile_overlayer_lowered:
.L_overlay_start_2:
0x3d2: {  	(tag) =	ssettag $0x2  }
0x3d3: {  	s0 =	rddreg [dreg:$0x0];
	s2 =	stileid.u32  }
0x3d4: {  	s1 =	rddreg [dreg:$0x1];
	p0 =	sne.s32 s2, $0x0  }
0x3d5: {  	s3 =	rddreg [dreg:$0x2];
	[bflag:$0x3] =	sbarrier.arrive $0xFFFF;
	s2 =	simm.s32 @!p0 $0x1C0D  }
0x3d6: {  	[timem:s3], [sflag:s2] =	dma.local @!p0 [hbm:s0], s1  }
0x3d7: {  	s0 =	simm.s32 @!p0 $0xD  }
0x3d8: {  	_ =	swait.ge @!p0 [sflag:s0], s1  }
0x3d9: {  	s1 =	ssub.s32 @!p0 $0x0, s1;
	[sflag:s0] =	ssyncset.done @!p0 $0x0  }
0x3da: {  	[sflag:s0] =	ssyncadd.s32 @!p0 s1  }
0x3db: {  	[bflag:$0x3] =	sbarrier.arrive $0xFFFF  }
0x3dc: {  	_ =	shalt  }

</sc_bundles>
